<compile_context>
chip_gen: v7x
topology: tpu7x:2x2x1
jax: 0.10.2.dev20260603
libtpu: 0.0.44.dev20260713+nightly
codegen_flags: <defaults>
</compile_context>

<pallas_src>
import functools

import jax
import jax.numpy as jnp
from jax import lax
from jax.experimental import pallas as pl
from jax.experimental.pallas import tpu as pltpu
from jax.experimental.pallas import tpu_sc as plsc

BATCH = 16384
FIELDS = 26
DIM = 32
NEMB = 1000000
NUM_CORES = 2
NUM_SUBCORES = 16
NW = NUM_CORES * NUM_SUBCORES
NBLK = FIELDS * (BATCH // 128)
BLK_PER_W = NBLK // NW
TB = BATCH // 128
NBUF = 2

FOLD_R = 8192
FOLD_STEPS = -(-NEMB // FOLD_R)

_mesh = plsc.VectorSubcoreMesh(core_axis_name="c", subcore_axis_name="s")


@functools.partial(
    pl.kernel,
    mesh=_mesh,
    out_type=jax.ShapeDtypeStruct((FIELDS, 4, TB, 8, 128), jnp.float32),
    scratch_types=[
        pltpu.VMEM((BLK_PER_W, 128), jnp.int32),
        [pltpu.VMEM((128, DIM), jnp.float32) for _ in range(NBUF)],
        [pltpu.VMEM((DIM, 129), jnp.float32) for _ in range(NBUF)],
        [pltpu.SemaphoreType.DMA for _ in range(NBUF)],
        [pltpu.SemaphoreType.DMA for _ in range(NBUF)],
    ],
    compiler_params=pltpu.CompilerParams(
        use_tc_tiling_on_sc=False, needs_layout_passes=False
    ),
)
def _gather_all(idx_hbm, table_hbm, out_hbm, idx_v, bufs, tbufs, gsems, wsems):
    wid = lax.axis_index("s") * NUM_CORES + lax.axis_index("c")
    base = wid * BLK_PER_W
    pltpu.sync_copy(idx_hbm.at[pl.ds(base, BLK_PER_W)], idx_v)

    col_ids = [lax.iota(jnp.int32, 16) + 16 * h for h in range(2)]

    def fire_gather(k, b):
        pltpu.async_copy(table_hbm.at[idx_v.at[k]], bufs[b], gsems[b])

    def wait_gather(b):
        pltpu.make_async_copy(table_hbm.at[idx_v.at[0]], bufs[b], gsems[b]).wait()

    def transpose_block(b):
        buf, tbuf = bufs[b], tbufs[b]
        for r in range(128):
            row = jnp.full((16,), r, jnp.int32)
            for h in range(2):
                vals = buf[r, pl.ds(16 * h, 16)]
                plsc.store_scatter(tbuf, [col_ids[h], row], vals)

    def fire_writes(k, b):
        blk = base + k
        f = blk // TB
        tb = blk % TB
        for tc in range(4):
            pltpu.async_copy(
                tbufs[b].at[pl.ds(8 * tc, 8), pl.ds(0, 128)],
                out_hbm.at[f, tc, tb],
                wsems[b],
            )

    def wait_writes(b):
        for tc in range(4):
            pltpu.make_async_copy(
                tbufs[b].at[pl.ds(8 * tc, 8), pl.ds(0, 128)],
                out_hbm.at[0, 0, 0],
                wsems[b],
            ).wait()

    for b in range(NBUF):
        fire_gather(b, b)

    def body(k2, carry):
        for b in range(NBUF):
            k = NBUF * k2 + b
            wait_gather(b)

            @pl.when(k2 > 0)
            def _():
                wait_writes(b)

            transpose_block(b)

            @pl.when(k + NBUF < BLK_PER_W)
            def _():
                fire_gather(k + NBUF, b)

            fire_writes(k, b)
        return carry

    lax.fori_loop(0, BLK_PER_W // NBUF, body, 0, unroll=False)
    for b in range(NBUF):
        wait_writes(b)


def _fold_body(x_ref, y_ref):
    xt = x_ref[...].T.reshape(FOLD_R // 4, 4, DIM)
    for u in range(4):
        y_ref[:, DIM * u : DIM * (u + 1)] = xt[:, u, :]


_fold = pl.pallas_call(
    _fold_body,
    grid=(FOLD_STEPS,),
    in_specs=[pl.BlockSpec((DIM, FOLD_R), lambda i: (0, i))],
    out_specs=pl.BlockSpec((FOLD_R // 4, 128), lambda i: (i, 0)),
    out_shape=jax.ShapeDtypeStruct((NEMB // 4, 128), jnp.float32),
)


def kernel(input, embedding):
    idx2d = input.T.reshape(NBLK, 128)
    table_lin = _fold(embedding.T).reshape(NEMB, DIM)
    a5 = _gather_all(idx2d, table_lin)
    return a5.transpose(2, 4, 0, 1, 3).reshape(BATCH, FIELDS, DIM)

# --- scband reference (transcript-rebuilt; emitter-appended) ---
"""Pipeline reference for scband-custom-learnable-embedding-40089224741033 (READ-ONLY COPY).

The authoritative reference and input builder live on the scoring server;
editing this copy changes nothing except your own understanding.
"""

import jax, jax.numpy as jnp
import numpy as np

NUM_EMBEDDINGS = 1000000
EMBEDDING_DIM = 32
BATCH = 16384
FIELDS = 26


def setup_inputs(seed: int = 0) -> dict:
    key = jax.random.key(seed)
    k_idx, k_emb = jax.random.split(key)
    input_idx = jax.random.randint(k_idx, (BATCH, FIELDS), 0, NUM_EMBEDDINGS, dtype=jnp.int64 if jax.config.jax_enable_x64 else jnp.int32)
    embedding = jax.random.normal(k_emb, (NUM_EMBEDDINGS, EMBEDDING_DIM), dtype=jnp.float32)
    return {"input": input_idx, "embedding": embedding}


def reference(input, embedding):
    # embedded = self.embedding[input]
    embedded = jnp.take(embedding, input, axis=0)
    return embedded

if __name__ == "__main__":
    import jax
    _d = setup_inputs()
    print(jax.jit(kernel)(*tuple(_d.values())))

</pallas_src>

<mosaic_0001>
#map = affine_map<(d0, d1) -> (0, 0)>
#map1 = affine_map<(d0, d1) -> (0, 0, 0, 0, 0)>
module attributes {stable_mosaic.version = 14 : i64} {
  func.func @_gather_all(%arg0: i32, %arg1: i32, %arg2: memref<3328x128xi32, #tpu.memory_space<hbm>>, %arg3: memref<1000000x32xf32, #tpu.memory_space<hbm>>, %arg4: memref<26x4x128x8x128xf32, #tpu.memory_space<hbm>>, %arg5: memref<104x128xi32, #tpu.memory_space<vmem>>, %arg6: memref<128x32xf32, #tpu.memory_space<vmem>>, %arg7: memref<128x32xf32, #tpu.memory_space<vmem>>, %arg8: memref<32x129xf32, #tpu.memory_space<vmem>>, %arg9: memref<32x129xf32, #tpu.memory_space<vmem>>, %arg10: memref<!tpu.dma_semaphore, #tpu.memory_space<semaphore_mem>>, %arg11: memref<!tpu.dma_semaphore, #tpu.memory_space<semaphore_mem>>, %arg12: memref<!tpu.dma_semaphore, #tpu.memory_space<semaphore_mem>>, %arg13: memref<!tpu.dma_semaphore, #tpu.memory_space<semaphore_mem>>) attributes {dimension_semantics = [#tpu.dimension_semantics<core_parallel>, #tpu.dimension_semantics<subcore_parallel>], iteration_bounds = array<i64: 2, 16>, scalar_prefetch = 0 : i64, scratch_operands = 9 : i64, tpu.core_type = #tpu.core_type<sc_vector_subcore>, window_params = [{transform_indices = #map}, {transform_indices = #map}, {transform_indices = #map1}]} {
    %mul3A = arith.constant 2 : i32
    %mul3A_0 = arith.muli %arg1, %mul3A : i32
    %add3A = arith.addi %mul3A_0, %arg0 : i32
    %mul3A_1 = arith.constant 104 : i32
    %mul3A_2 = arith.muli %add3A, %mul3A_1 : i32
    "tpu.region"() ({
      %run_scoped3A = tpu.sem_alloc : memref<!tpu.dma_semaphore, #tpu.memory_space<semaphore_mem>>
      %dma_start3A_163 = arith.constant 0 : i32
      %dma_start3A_164 = tpu.memref_slice %arg2[%mul3A_2, %dma_start3A_163] : memref<3328x128xi32, #tpu.memory_space<hbm>> -> memref<104x128xi32, #tpu.memory_space<hbm>>
      %dma_start3A_165 = arith.constant 0 : i32
      %dma_start3A_166 = tpu.memref_slice %arg2[%mul3A_2, %dma_start3A_165] : memref<3328x128xi32, #tpu.memory_space<hbm>> -> memref<104x128xi32, #tpu.memory_space<hbm>>
      tpu.enqueue_dma source(%dma_start3A_166 : memref<104x128xi32, #tpu.memory_space<hbm>>) target(%arg5 : memref<104x128xi32, #tpu.memory_space<vmem>>) target_semaphore(%run_scoped3A : memref<!tpu.dma_semaphore, #tpu.memory_space<semaphore_mem>>)
      %dma_wait3A_167 = arith.constant 0 : i32
      %dma_wait3A_168 = tpu.memref_slice %arg2[%mul3A_2, %dma_wait3A_167] : memref<3328x128xi32, #tpu.memory_space<hbm>> -> memref<104x128xi32, #tpu.memory_space<hbm>>
      %dma_wait3A_169 = arith.constant 0 : i32
      %dma_wait3A_170 = tpu.memref_slice %arg2[%mul3A_2, %dma_wait3A_169] : memref<3328x128xi32, #tpu.memory_space<hbm>> -> memref<104x128xi32, #tpu.memory_space<hbm>>
      tpu.wait_dma2 semaphore(%run_scoped3A : memref<!tpu.dma_semaphore, #tpu.memory_space<semaphore_mem>>) src(%dma_wait3A_170 : memref<104x128xi32, #tpu.memory_space<hbm>>) dst(%arg5 : memref<104x128xi32, #tpu.memory_space<vmem>>)
      tpu.yield
    }) : () -> ()
    %iota3A = tpu.iota {dimensions = array<i32: 0>} : vector<16xi32>
    %add3A_3 = arith.constant 0 : i32
    %add3A_4 = vector.broadcast %add3A_3 : i32 to vector<16xi32>
    %add3A_5 = arith.addi %iota3A, %add3A_4 : vector<16xi32>
    %iota3A_6 = tpu.iota {dimensions = array<i32: 0>} : vector<16xi32>
    %add3A_7 = arith.constant 16 : i32
    %add3A_8 = vector.broadcast %add3A_7 : i32 to vector<16xi32>
    %add3A_9 = arith.addi %iota3A_6, %add3A_8 : vector<16xi32>
    %dma_start3A = arith.constant 0 : i32
    %dma_start3A_10 = arith.constant 0 : i32
    %dma_start3A_11 = tpu.memref_slice %arg5[%dma_start3A, %dma_start3A_10] : memref<104x128xi32, #tpu.memory_space<vmem>> -> memref<1x128xi32, #tpu.memory_space<vmem>>
    %dma_start3A_12 = tpu.memref_squeeze %dma_start3A_11 : memref<1x128xi32, #tpu.memory_space<vmem>> -> memref<128xi32, #tpu.memory_space<vmem>>
    %dma_start3A_13 = arith.constant 0 : i32
    %dma_start3A_14 = arith.constant 0 : i32
    %dma_start3A_15 = tpu.memref_slice %arg3[%dma_start3A_13, %dma_start3A_14] : memref<1000000x32xf32, #tpu.memory_space<hbm>> -> memref<1000000x32xf32, #tpu.memory_space<hbm>>
    tpu.enqueue_indirect_dma source(%dma_start3A_15 : memref<1000000x32xf32, #tpu.memory_space<hbm>>) target(%arg6 : memref<128x32xf32, #tpu.memory_space<vmem>>) offsets(%dma_start3A_12 : memref<128xi32, #tpu.memory_space<vmem>>) semaphore(%arg10 : memref<!tpu.dma_semaphore, #tpu.memory_space<semaphore_mem>>)
    %dma_start3A_16 = arith.constant 1 : i32
    %dma_start3A_17 = arith.constant 0 : i32
    %dma_start3A_18 = tpu.memref_slice %arg5[%dma_start3A_16, %dma_start3A_17] : memref<104x128xi32, #tpu.memory_space<vmem>> -> memref<1x128xi32, #tpu.memory_space<vmem>>
    %dma_start3A_19 = tpu.memref_squeeze %dma_start3A_18 : memref<1x128xi32, #tpu.memory_space<vmem>> -> memref<128xi32, #tpu.memory_space<vmem>>
    %dma_start3A_20 = arith.constant 0 : i32
    %dma_start3A_21 = arith.constant 0 : i32
    %dma_start3A_22 = tpu.memref_slice %arg3[%dma_start3A_20, %dma_start3A_21] : memref<1000000x32xf32, #tpu.memory_space<hbm>> -> memref<1000000x32xf32, #tpu.memory_space<hbm>>
    tpu.enqueue_indirect_dma source(%dma_start3A_22 : memref<1000000x32xf32, #tpu.memory_space<hbm>>) target(%arg7 : memref<128x32xf32, #tpu.memory_space<vmem>>) offsets(%dma_start3A_19 : memref<128xi32, #tpu.memory_space<vmem>>) semaphore(%arg11 : memref<!tpu.dma_semaphore, #tpu.memory_space<semaphore_mem>>)
    %scan3A = arith.constant 0 : i32
    %scan3A_23 = arith.constant 0 : i32
    %scan3A_24 = arith.constant 52 : i32
    %scan3A_25 = arith.addi %scan3A_23, %scan3A_24 : i32
    %scan3A_26 = arith.constant 1 : i32
    scf.for %scan3A_163 = %scan3A_23 to %scan3A_25 step %scan3A_26  : i32 {
      %mul3A_164 = arith.constant 2 : i32
      %mul3A_165 = arith.muli %mul3A_164, %scan3A_163 : i32
      %add3A_166 = arith.constant 0 : i32
      %add3A_167 = arith.addi %mul3A_165, %add3A_166 : i32
      %dma_wait3A_168 = arith.constant 0 : i32
      %dma_wait3A_169 = arith.constant 0 : i32
      %dma_wait3A_170 = tpu.memref_slice %arg5[%dma_wait3A_168, %dma_wait3A_169] : memref<104x128xi32, #tpu.memory_space<vmem>> -> memref<1x128xi32, #tpu.memory_space<vmem>>
      %dma_wait3A_171 = tpu.memref_squeeze %dma_wait3A_170 : memref<1x128xi32, #tpu.memory_space<vmem>> -> memref<128xi32, #tpu.memory_space<vmem>>
      %dma_wait3A_172 = arith.constant 0 : i32
      %dma_wait3A_173 = arith.constant 0 : i32
      %dma_wait3A_174 = tpu.memref_slice %arg3[%dma_wait3A_172, %dma_wait3A_173] : memref<1000000x32xf32, #tpu.memory_space<hbm>> -> memref<1000000x32xf32, #tpu.memory_space<hbm>>
      tpu.wait_indirect_dma semaphore(%arg10 : memref<!tpu.dma_semaphore, #tpu.memory_space<semaphore_mem>>) src(%dma_wait3A_174 : memref<1000000x32xf32, #tpu.memory_space<hbm>>) dst(%arg6 : memref<128x32xf32, #tpu.memory_space<vmem>>)
      %gt3A = arith.constant 0 : i32
      %gt3A_175 = arith.cmpi sgt, %scan3A_163, %gt3A : i32
      %convert_element_type3A = arith.extui %gt3A_175 : i1 to i32
      %cond3A = arith.constant 0 : i32
      %cond3A_176 = arith.cmpi ne, %convert_element_type3A, %cond3A : i32
      scf.if %cond3A_176 {
        %dma_wait3A_2957 = arith.constant 0 : i32
        %dma_wait3A_2958 = arith.constant 0 : i32
        %dma_wait3A_2959 = arith.constant 0 : i32
        %dma_wait3A_2960 = arith.constant 0 : i32
        %dma_wait3A_2961 = arith.constant 0 : i32
        %dma_wait3A_2962 = tpu.memref_slice %arg8[%dma_wait3A_2960, %dma_wait3A_2961] : memref<32x129xf32, #tpu.memory_space<vmem>> -> memref<8x128xf32, #tpu.memory_space<vmem>>
        %dma_wait3A_2963 = arith.constant 0 : i32
        %dma_wait3A_2964 = arith.constant 0 : i32
        %dma_wait3A_2965 = tpu.memref_slice %arg4[%dma_wait3A_2957, %dma_wait3A_2958, %dma_wait3A_2959, %dma_wait3A_2963, %dma_wait3A_2964] : memref<26x4x128x8x128xf32, #tpu.memory_space<hbm>> -> memref<1x1x1x8x128xf32, #tpu.memory_space<hbm>>
        %dma_wait3A_2966 = tpu.memref_squeeze %dma_wait3A_2965 : memref<1x1x1x8x128xf32, #tpu.memory_space<hbm>> -> memref<8x128xf32, #tpu.memory_space<hbm>>
        %dma_wait3A_2967 = arith.constant 0 : i32
        %dma_wait3A_2968 = arith.constant 0 : i32
        %dma_wait3A_2969 = tpu.memref_slice %arg4[%dma_wait3A_2957, %dma_wait3A_2958, %dma_wait3A_2959, %dma_wait3A_2967, %dma_wait3A_2968] : memref<26x4x128x8x128xf32, #tpu.memory_space<hbm>> -> memref<1x1x1x8x128xf32, #tpu.memory_space<hbm>>
        %dma_wait3A_2970 = tpu.memref_squeeze %dma_wait3A_2969 : memref<1x1x1x8x128xf32, #tpu.memory_space<hbm>> -> memref<8x128xf32, #tpu.memory_space<hbm>>
        %dma_wait3A_2971 = arith.constant 0 : i32
        %dma_wait3A_2972 = arith.constant 0 : i32
        %dma_wait3A_2973 = tpu.memref_slice %arg8[%dma_wait3A_2971, %dma_wait3A_2972] : memref<32x129xf32, #tpu.memory_space<vmem>> -> memref<8x128xf32, #tpu.memory_space<vmem>>
        tpu.wait_dma2 semaphore(%arg12 : memref<!tpu.dma_semaphore, #tpu.memory_space<semaphore_mem>>) src(%dma_wait3A_2973 : memref<8x128xf32, #tpu.memory_space<vmem>>) dst(%dma_wait3A_2970 : memref<8x128xf32, #tpu.memory_space<hbm>>)
        %dma_wait3A_2974 = arith.constant 0 : i32
        %dma_wait3A_2975 = arith.constant 0 : i32
        %dma_wait3A_2976 = arith.constant 0 : i32
        %dma_wait3A_2977 = arith.constant 8 : i32
        %dma_wait3A_2978 = arith.constant 0 : i32
        %dma_wait3A_2979 = tpu.memref_slice %arg8[%dma_wait3A_2977, %dma_wait3A_2978] : memref<32x129xf32, #tpu.memory_space<vmem>> -> memref<8x128xf32, #tpu.memory_space<vmem>>
        %dma_wait3A_2980 = arith.constant 0 : i32
        %dma_wait3A_2981 = arith.constant 0 : i32
        %dma_wait3A_2982 = tpu.memref_slice %arg4[%dma_wait3A_2974, %dma_wait3A_2975, %dma_wait3A_2976, %dma_wait3A_2980, %dma_wait3A_2981] : memref<26x4x128x8x128xf32, #tpu.memory_space<hbm>> -> memref<1x1x1x8x128xf32, #tpu.memory_space<hbm>>
        %dma_wait3A_2983 = tpu.memref_squeeze %dma_wait3A_2982 : memref<1x1x1x8x128xf32, #tpu.memory_space<hbm>> -> memref<8x128xf32, #tpu.memory_space<hbm>>
        %dma_wait3A_2984 = arith.constant 0 : i32
        %dma_wait3A_2985 = arith.constant 0 : i32
        %dma_wait3A_2986 = tpu.memref_slice %arg4[%dma_wait3A_2974, %dma_wait3A_2975, %dma_wait3A_2976, %dma_wait3A_2984, %dma_wait3A_2985] : memref<26x4x128x8x128xf32, #tpu.memory_space<hbm>> -> memref<1x1x1x8x128xf32, #tpu.memory_space<hbm>>
        %dma_wait3A_2987 = tpu.memref_squeeze %dma_wait3A_2986 : memref<1x1x1x8x128xf32, #tpu.memory_space<hbm>> -> memref<8x128xf32, #tpu.memory_space<hbm>>
        %dma_wait3A_2988 = arith.constant 8 : i32
        %dma_wait3A_2989 = arith.constant 0 : i32
        %dma_wait3A_2990 = tpu.memref_slice %arg8[%dma_wait3A_2988, %dma_wait3A_2989] : memref<32x129xf32, #tpu.memory_space<vmem>> -> memref<8x128xf32, #tpu.memory_space<vmem>>
        tpu.wait_dma2 semaphore(%arg12 : memref<!tpu.dma_semaphore, #tpu.memory_space<semaphore_mem>>) src(%dma_wait3A_2990 : memref<8x128xf32, #tpu.memory_space<vmem>>) dst(%dma_wait3A_2987 : memref<8x128xf32, #tpu.memory_space<hbm>>)
        %dma_wait3A_2991 = arith.constant 0 : i32
        %dma_wait3A_2992 = arith.constant 0 : i32
        %dma_wait3A_2993 = arith.constant 0 : i32
        %dma_wait3A_2994 = arith.constant 16 : i32
        %dma_wait3A_2995 = arith.constant 0 : i32
        %dma_wait3A_2996 = tpu.memref_slice %arg8[%dma_wait3A_2994, %dma_wait3A_2995] : memref<32x129xf32, #tpu.memory_space<vmem>> -> memref<8x128xf32, #tpu.memory_space<vmem>>
        %dma_wait3A_2997 = arith.constant 0 : i32
        %dma_wait3A_2998 = arith.constant 0 : i32
        %dma_wait3A_2999 = tpu.memref_slice %arg4[%dma_wait3A_2991, %dma_wait3A_2992, %dma_wait3A_2993, %dma_wait3A_2997, %dma_wait3A_2998] : memref<26x4x128x8x128xf32, #tpu.memory_space<hbm>> -> memref<1x1x1x8x128xf32, #tpu.memory_space<hbm>>
        %dma_wait3A_3000 = tpu.memref_squeeze %dma_wait3A_2999 : memref<1x1x1x8x128xf32, #tpu.memory_space<hbm>> -> memref<8x128xf32, #tpu.memory_space<hbm>>
        %dma_wait3A_3001 = arith.constant 0 : i32
        %dma_wait3A_3002 = arith.constant 0 : i32
        %dma_wait3A_3003 = tpu.memref_slice %arg4[%dma_wait3A_2991, %dma_wait3A_2992, %dma_wait3A_2993, %dma_wait3A_3001, %dma_wait3A_3002] : memref<26x4x128x8x128xf32, #tpu.memory_space<hbm>> -> memref<1x1x1x8x128xf32, #tpu.memory_space<hbm>>
        %dma_wait3A_3004 = tpu.memref_squeeze %dma_wait3A_3003 : memref<1x1x1x8x128xf32, #tpu.memory_space<hbm>> -> memref<8x128xf32, #tpu.memory_space<hbm>>
        %dma_wait3A_3005 = arith.constant 16 : i32
        %dma_wait3A_3006 = arith.constant 0 : i32
        %dma_wait3A_3007 = tpu.memref_slice %arg8[%dma_wait3A_3005, %dma_wait3A_3006] : memref<32x129xf32, #tpu.memory_space<vmem>> -> memref<8x128xf32, #tpu.memory_space<vmem>>
        tpu.wait_dma2 semaphore(%arg12 : memref<!tpu.dma_semaphore, #tpu.memory_space<semaphore_mem>>) src(%dma_wait3A_3007 : memref<8x128xf32, #tpu.memory_space<vmem>>) dst(%dma_wait3A_3004 : memref<8x128xf32, #tpu.memory_space<hbm>>)
        %dma_wait3A_3008 = arith.constant 0 : i32
        %dma_wait3A_3009 = arith.constant 0 : i32
        %dma_wait3A_3010 = arith.constant 0 : i32
        %dma_wait3A_3011 = arith.constant 24 : i32
        %dma_wait3A_3012 = arith.constant 0 : i32
        %dma_wait3A_3013 = tpu.memref_slice %arg8[%dma_wait3A_3011, %dma_wait3A_3012] : memref<32x129xf32, #tpu.memory_space<vmem>> -> memref<8x128xf32, #tpu.memory_space<vmem>>
        %dma_wait3A_3014 = arith.constant 0 : i32
        %dma_wait3A_3015 = arith.constant 0 : i32
        %dma_wait3A_3016 = tpu.memref_slice %arg4[%dma_wait3A_3008, %dma_wait3A_3009, %dma_wait3A_3010, %dma_wait3A_3014, %dma_wait3A_3015] : memref<26x4x128x8x128xf32, #tpu.memory_space<hbm>> -> memref<1x1x1x8x128xf32, #tpu.memory_space<hbm>>
        %dma_wait3A_3017 = tpu.memref_squeeze %dma_wait3A_3016 : memref<1x1x1x8x128xf32, #tpu.memory_space<hbm>> -> memref<8x128xf32, #tpu.memory_space<hbm>>
        %dma_wait3A_3018 = arith.constant 0 : i32
        %dma_wait3A_3019 = arith.constant 0 : i32
        %dma_wait3A_3020 = tpu.memref_slice %arg4[%dma_wait3A_3008, %dma_wait3A_3009, %dma_wait3A_3010, %dma_wait3A_3018, %dma_wait3A_3019] : memref<26x4x128x8x128xf32, #tpu.memory_space<hbm>> -> memref<1x1x1x8x128xf32, #tpu.memory_space<hbm>>
        %dma_wait3A_3021 = tpu.memref_squeeze %dma_wait3A_3020 : memref<1x1x1x8x128xf32, #tpu.memory_space<hbm>> -> memref<8x128xf32, #tpu.memory_space<hbm>>
        %dma_wait3A_3022 = arith.constant 24 : i32
        %dma_wait3A_3023 = arith.constant 0 : i32
        %dma_wait3A_3024 = tpu.memref_slice %arg8[%dma_wait3A_3022, %dma_wait3A_3023] : memref<32x129xf32, #tpu.memory_space<vmem>> -> memref<8x128xf32, #tpu.memory_space<vmem>>
        tpu.wait_dma2 semaphore(%arg12 : memref<!tpu.dma_semaphore, #tpu.memory_space<semaphore_mem>>) src(%dma_wait3A_3024 : memref<8x128xf32, #tpu.memory_space<vmem>>) dst(%dma_wait3A_3021 : memref<8x128xf32, #tpu.memory_space<hbm>>)
      } else {
      }
      %broadcast_in_dim3A = arith.constant 0 : i32
      %broadcast_in_dim3A_177 = vector.broadcast %broadcast_in_dim3A : i32 to vector<16xi32>
      %get3A = arith.constant 0 : i32
      %get3A_178 = arith.index_cast %get3A : i32 to index
      %get3A_179 = arith.constant 0 : index
      %get3A_180 = tpu.vector_load %arg6[%get3A_178, %get3A_179] {strides = array<i32>} : memref<128x32xf32, #tpu.memory_space<vmem>>, vector<16xf32>,
      tpu.vector_store_idx %arg8[%add3A_5, %broadcast_in_dim3A_177], %get3A_180 : memref<32x129xf32, #tpu.memory_space<vmem>>[vector<16xi32>, vector<16xi32>], vector<16xf32>,
      %get3A_181 = arith.constant 0 : i32
      %get3A_182 = arith.index_cast %get3A_181 : i32 to index
      %get3A_183 = arith.constant 16 : index
      %get3A_184 = tpu.vector_load %arg6[%get3A_182, %get3A_183] {strides = array<i32>} : memref<128x32xf32, #tpu.memory_space<vmem>>, vector<16xf32>,
      tpu.vector_store_idx %arg8[%add3A_9, %broadcast_in_dim3A_177], %get3A_184 : memref<32x129xf32, #tpu.memory_space<vmem>>[vector<16xi32>, vector<16xi32>], vector<16xf32>,
      %broadcast_in_dim3A_185 = arith.constant 1 : i32
      %broadcast_in_dim3A_186 = vector.broadcast %broadcast_in_dim3A_185 : i32 to vector<16xi32>
      %get3A_187 = arith.constant 1 : i32
      %get3A_188 = arith.index_cast %get3A_187 : i32 to index
      %get3A_189 = arith.constant 0 : index
      %get3A_190 = tpu.vector_load %arg6[%get3A_188, %get3A_189] {strides = array<i32>} : memref<128x32xf32, #tpu.memory_space<vmem>>, vector<16xf32>,
      tpu.vector_store_idx %arg8[%add3A_5, %broadcast_in_dim3A_186], %get3A_190 : memref<32x129xf32, #tpu.memory_space<vmem>>[vector<16xi32>, vector<16xi32>], vector<16xf32>,
      %get3A_191 = arith.constant 1 : i32
      %get3A_192 = arith.index_cast %get3A_191 : i32 to index
      %get3A_193 = arith.constant 16 : index
      %get3A_194 = tpu.vector_load %arg6[%get3A_192, %get3A_193] {strides = array<i32>} : memref<128x32xf32, #tpu.memory_space<vmem>>, vector<16xf32>,
      tpu.vector_store_idx %arg8[%add3A_9, %broadcast_in_dim3A_186], %get3A_194 : memref<32x129xf32, #tpu.memory_space<vmem>>[vector<16xi32>, vector<16xi32>], vector<16xf32>,
      %broadcast_in_dim3A_195 = arith.constant 2 : i32
      %broadcast_in_dim3A_196 = vector.broadcast %broadcast_in_dim3A_195 : i32 to vector<16xi32>
      %get3A_197 = arith.constant 2 : i32
      %get3A_198 = arith.index_cast %get3A_197 : i32 to index
      %get3A_199 = arith.constant 0 : index
      %get3A_200 = tpu.vector_load %arg6[%get3A_198, %get3A_199] {strides = array<i32>} : memref<128x32xf32, #tpu.memory_space<vmem>>, vector<16xf32>,
      tpu.vector_store_idx %arg8[%add3A_5, %broadcast_in_dim3A_196], %get3A_200 : memref<32x129xf32, #tpu.memory_space<vmem>>[vector<16xi32>, vector<16xi32>], vector<16xf32>,
      %get3A_201 = arith.constant 2 : i32
      %get3A_202 = arith.index_cast %get3A_201 : i32 to index
      %get3A_203 = arith.constant 16 : index
      %get3A_204 = tpu.vector_load %arg6[%get3A_202, %get3A_203] {strides = array<i32>} : memref<128x32xf32, #tpu.memory_space<vmem>>, vector<16xf32>,
      tpu.vector_store_idx %arg8[%add3A_9, %broadcast_in_dim3A_196], %get3A_204 : memref<32x129xf32, #tpu.memory_space<vmem>>[vector<16xi32>, vector<16xi32>], vector<16xf32>,
      %broadcast_in_dim3A_205 = arith.constant 3 : i32
      %broadcast_in_dim3A_206 = vector.broadcast %broadcast_in_dim3A_205 : i32 to vector<16xi32>
      %get3A_207 = arith.constant 3 : i32
      %get3A_208 = arith.index_cast %get3A_207 : i32 to index
      %get3A_209 = arith.constant 0 : index
      %get3A_210 = tpu.vector_load %arg6[%get3A_208, %get3A_209] {strides = array<i32>} : memref<128x32xf32, #tpu.memory_space<vmem>>, vector<16xf32>,
      tpu.vector_store_idx %arg8[%add3A_5, %broadcast_in_dim3A_206], %get3A_210 : memref<32x129xf32, #tpu.memory_space<vmem>>[vector<16xi32>, vector<16xi32>], vector<16xf32>,
      %get3A_211 = arith.constant 3 : i32
      %get3A_212 = arith.index_cast %get3A_211 : i32 to index
      %get3A_213 = arith.constant 16 : index
      %get3A_214 = tpu.vector_load %arg6[%get3A_212, %get3A_213] {strides = array<i32>} : memref<128x32xf32, #tpu.memory_space<vmem>>, vector<16xf32>,
      tpu.vector_store_idx %arg8[%add3A_9, %broadcast_in_dim3A_206], %get3A_214 : memref<32x129xf32, #tpu.memory_space<vmem>>[vector<16xi32>, vector<16xi32>], vector<16xf32>,
      %broadcast_in_dim3A_215 = arith.constant 4 : i32
      %broadcast_in_dim3A_216 = vector.broadcast %broadcast_in_dim3A_215 : i32 to vector<16xi32>
      %get3A_217 = arith.constant 4 : i32
      %get3A_218 = arith.index_cast %get3A_217 : i32 to index
      %get3A_219 = arith.constant 0 : index
      %get3A_220 = tpu.vector_load %arg6[%get3A_218, %get3A_219] {strides = array<i32>} : memref<128x32xf32, #tpu.memory_space<vmem>>, vector<16xf32>,
      tpu.vector_store_idx %arg8[%add3A_5, %broadcast_in_dim3A_216], %get3A_220 : memref<32x129xf32, #tpu.memory_space<vmem>>[vector<16xi32>, vector<16xi32>], vector<16xf32>,
      %get3A_221 = arith.constant 4 : i32
      %get3A_222 = arith.index_cast %get3A_221 : i32 to index
      %get3A_223 = arith.constant 16 : index
      %get3A_224 = tpu.vector_load %arg6[%get3A_222, %get3A_223] {strides = array<i32>} : memref<128x32xf32, #tpu.memory_space<vmem>>, vector<16xf32>,
      tpu.vector_store_idx %arg8[%add3A_9, %broadcast_in_dim3A_216], %get3A_224 : memref<32x129xf32, #tpu.memory_space<vmem>>[vector<16xi32>, vector<16xi32>], vector<16xf32>,
      %broadcast_in_dim3A_225 = arith.constant 5 : i32
      %broadcast_in_dim3A_226 = vector.broadcast %broadcast_in_dim3A_225 : i32 to vector<16xi32>
      %get3A_227 = arith.constant 5 : i32
      %get3A_228 = arith.index_cast %get3A_227 : i32 to index
      %get3A_229 = arith.constant 0 : index
      %get3A_230 = tpu.vector_load %arg6[%get3A_228, %get3A_229] {strides = array<i32>} : memref<128x32xf32, #tpu.memory_space<vmem>>, vector<16xf32>,
      tpu.vector_store_idx %arg8[%add3A_5, %broadcast_in_dim3A_226], %get3A_230 : memref<32x129xf32, #tpu.memory_space<vmem>>[vector<16xi32>, vector<16xi32>], vector<16xf32>,
      %get3A_231 = arith.constant 5 : i32
      %get3A_232 = arith.index_cast %get3A_231 : i32 to index
      %get3A_233 = arith.constant 16 : index
      %get3A_234 = tpu.vector_load %arg6[%get3A_232, %get3A_233] {strides = array<i32>} : memref<128x32xf32, #tpu.memory_space<vmem>>, vector<16xf32>,
      tpu.vector_store_idx %arg8[%add3A_9, %broadcast_in_dim3A_226], %get3A_234 : memref<32x129xf32, #tpu.memory_space<vmem>>[vector<16xi32>, vector<16xi32>], vector<16xf32>,
      %broadcast_in_dim3A_235 = arith.constant 6 : i32
      %broadcast_in_dim3A_236 = vector.broadcast %broadcast_in_dim3A_235 : i32 to vector<16xi32>
      %get3A_237 = arith.constant 6 : i32
      %get3A_238 = arith.index_cast %get3A_237 : i32 to index
      %get3A_239 = arith.constant 0 : index
      %get3A_240 = tpu.vector_load %arg6[%get3A_238, %get3A_239] {strides = array<i32>} : memref<128x32xf32, #tpu.memory_space<vmem>>, vector<16xf32>,
      tpu.vector_store_idx %arg8[%add3A_5, %broadcast_in_dim3A_236], %get3A_240 : memref<32x129xf32, #tpu.memory_space<vmem>>[vector<16xi32>, vector<16xi32>], vector<16xf32>,
      %get3A_241 = arith.constant 6 : i32
      %get3A_242 = arith.index_cast %get3A_241 : i32 to index
      %get3A_243 = arith.constant 16 : index
      %get3A_244 = tpu.vector_load %arg6[%get3A_242, %get3A_243] {strides = array<i32>} : memref<128x32xf32, #tpu.memory_space<vmem>>, vector<16xf32>,
      tpu.vector_store_idx %arg8[%add3A_9, %broadcast_in_dim3A_236], %get3A_244 : memref<32x129xf32, #tpu.memory_space<vmem>>[vector<16xi32>, vector<16xi32>], vector<16xf32>,
      %broadcast_in_dim3A_245 = arith.constant 7 : i32
      %broadcast_in_dim3A_246 = vector.broadcast %broadcast_in_dim3A_245 : i32 to vector<16xi32>
      %get3A_247 = arith.constant 7 : i32
      %get3A_248 = arith.index_cast %get3A_247 : i32 to index
      %get3A_249 = arith.constant 0 : index
      %get3A_250 = tpu.vector_load %arg6[%get3A_248, %get3A_249] {strides = array<i32>} : memref<128x32xf32, #tpu.memory_space<vmem>>, vector<16xf32>,
      tpu.vector_store_idx %arg8[%add3A_5, %broadcast_in_dim3A_246], %get3A_250 : memref<32x129xf32, #tpu.memory_space<vmem>>[vector<16xi32>, vector<16xi32>], vector<16xf32>,
      %get3A_251 = arith.constant 7 : i32
      %get3A_252 = arith.index_cast %get3A_251 : i32 to index
      %get3A_253 = arith.constant 16 : index
      %get3A_254 = tpu.vector_load %arg6[%get3A_252, %get3A_253] {strides = array<i32>} : memref<128x32xf32, #tpu.memory_space<vmem>>, vector<16xf32>,
      tpu.vector_store_idx %arg8[%add3A_9, %broadcast_in_dim3A_246], %get3A_254 : memref<32x129xf32, #tpu.memory_space<vmem>>[vector<16xi32>, vector<16xi32>], vector<16xf32>,
      %broadcast_in_dim3A_255 = arith.constant 8 : i32
      %broadcast_in_dim3A_256 = vector.broadcast %broadcast_in_dim3A_255 : i32 to vector<16xi32>
      %get3A_257 = arith.constant 8 : i32
      %get3A_258 = arith.index_cast %get3A_257 : i32 to index
      %get3A_259 = arith.constant 0 : index
      %get3A_260 = tpu.vector_load %arg6[%get3A_258, %get3A_259] {strides = array<i32>} : memref<128x32xf32, #tpu.memory_space<vmem>>, vector<16xf32>,
      tpu.vector_store_idx %arg8[%add3A_5, %broadcast_in_dim3A_256], %get3A_260 : memref<32x129xf32, #tpu.memory_space<vmem>>[vector<16xi32>, vector<16xi32>], vector<16xf32>,
      %get3A_261 = arith.constant 8 : i32
      %get3A_262 = arith.index_cast %get3A_261 : i32 to index
      %get3A_263 = arith.constant 16 : index
      %get3A_264 = tpu.vector_load %arg6[%get3A_262, %get3A_263] {strides = array<i32>} : memref<128x32xf32, #tpu.memory_space<vmem>>, vector<16xf32>,
      tpu.vector_store_idx %arg8[%add3A_9, %broadcast_in_dim3A_256], %get3A_264 : memref<32x129xf32, #tpu.memory_space<vmem>>[vector<16xi32>, vector<16xi32>], vector<16xf32>,
      %broadcast_in_dim3A_265 = arith.constant 9 : i32
      %broadcast_in_dim3A_266 = vector.broadcast %broadcast_in_dim3A_265 : i32 to vector<16xi32>
      %get3A_267 = arith.constant 9 : i32
      %get3A_268 = arith.index_cast %get3A_267 : i32 to index
      %get3A_269 = arith.constant 0 : index
      %get3A_270 = tpu.vector_load %arg6[%get3A_268, %get3A_269] {strides = array<i32>} : memref<128x32xf32, #tpu.memory_space<vmem>>, vector<16xf32>,
      tpu.vector_store_idx %arg8[%add3A_5, %broadcast_in_dim3A_266], %get3A_270 : memref<32x129xf32, #tpu.memory_space<vmem>>[vector<16xi32>, vector<16xi32>], vector<16xf32>,
      %get3A_271 = arith.constant 9 : i32
      %get3A_272 = arith.index_cast %get3A_271 : i32 to index
      %get3A_273 = arith.constant 16 : index
      %get3A_274 = tpu.vector_load %arg6[%get3A_272, %get3A_273] {strides = array<i32>} : memref<128x32xf32, #tpu.memory_space<vmem>>, vector<16xf32>,
      tpu.vector_store_idx %arg8[%add3A_9, %broadcast_in_dim3A_266], %get3A_274 : memref<32x129xf32, #tpu.memory_space<vmem>>[vector<16xi32>, vector<16xi32>], vector<16xf32>,
      %broadcast_in_dim3A_275 = arith.constant 10 : i32
      %broadcast_in_dim3A_276 = vector.broadcast %broadcast_in_dim3A_275 : i32 to vector<16xi32>
      %get3A_277 = arith.constant 10 : i32
      %get3A_278 = arith.index_cast %get3A_277 : i32 to index
      %get3A_279 = arith.constant 0 : index
      %get3A_280 = tpu.vector_load %arg6[%get3A_278, %get3A_279] {strides = array<i32>} : memref<128x32xf32, #tpu.memory_space<vmem>>, vector<16xf32>,
      tpu.vector_store_idx %arg8[%add3A_5, %broadcast_in_dim3A_276], %get3A_280 : memref<32x129xf32, #tpu.memory_space<vmem>>[vector<16xi32>, vector<16xi32>], vector<16xf32>,
      %get3A_281 = arith.constant 10 : i32
      %get3A_282 = arith.index_cast %get3A_281 : i32 to index
      %get3A_283 = arith.constant 16 : index
      %get3A_284 = tpu.vector_load %arg6[%get3A_282, %get3A_283] {strides = array<i32>} : memref<128x32xf32, #tpu.memory_space<vmem>>, vector<16xf32>,
      tpu.vector_store_idx %arg8[%add3A_9, %broadcast_in_dim3A_276], %get3A_284 : memref<32x129xf32, #tpu.memory_space<vmem>>[vector<16xi32>, vector<16xi32>], vector<16xf32>,
      %broadcast_in_dim3A_285 = arith.constant 11 : i32
      %broadcast_in_dim3A_286 = vector.broadcast %broadcast_in_dim3A_285 : i32 to vector<16xi32>
      %get3A_287 = arith.constant 11 : i32
      %get3A_288 = arith.index_cast %get3A_287 : i32 to index
      %get3A_289 = arith.constant 0 : index
      %get3A_290 = tpu.vector_load %arg6[%get3A_288, %get3A_289] {strides = array<i32>} : memref<128x32xf32, #tpu.memory_space<vmem>>, vector<16xf32>,
      tpu.vector_store_idx %arg8[%add3A_5, %broadcast_in_dim3A_286], %get3A_290 : memref<32x129xf32, #tpu.memory_space<vmem>>[vector<16xi32>, vector<16xi32>], vector<16xf32>,
      %get3A_291 = arith.constant 11 : i32
      %get3A_292 = arith.index_cast %get3A_291 : i32 to index
      %get3A_293 = arith.constant 16 : index
      %get3A_294 = tpu.vector_load %arg6[%get3A_292, %get3A_293] {strides = array<i32>} : memref<128x32xf32, #tpu.memory_space<vmem>>, vector<16xf32>,
      tpu.vector_store_idx %arg8[%add3A_9, %broadcast_in_dim3A_286], %get3A_294 : memref<32x129xf32, #tpu.memory_space<vmem>>[vector<16xi32>, vector<16xi32>], vector<16xf32>,
      %broadcast_in_dim3A_295 = arith.constant 12 : i32
      %broadcast_in_dim3A_296 = vector.broadcast %broadcast_in_dim3A_295 : i32 to vector<16xi32>
      %get3A_297 = arith.constant 12 : i32
      %get3A_298 = arith.index_cast %get3A_297 : i32 to index
      %get3A_299 = arith.constant 0 : index
      %get3A_300 = tpu.vector_load %arg6[%get3A_298, %get3A_299] {strides = array<i32>} : memref<128x32xf32, #tpu.memory_space<vmem>>, vector<16xf32>,
      tpu.vector_store_idx %arg8[%add3A_5, %broadcast_in_dim3A_296], %get3A_300 : memref<32x129xf32, #tpu.memory_space<vmem>>[vector<16xi32>, vector<16xi32>], vector<16xf32>,
      %get3A_301 = arith.constant 12 : i32
      %get3A_302 = arith.index_cast %get3A_301 : i32 to index
      %get3A_303 = arith.constant 16 : index
      %get3A_304 = tpu.vector_load %arg6[%get3A_302, %get3A_303] {strides = array<i32>} : memref<128x32xf32, #tpu.memory_space<vmem>>, vector<16xf32>,
      tpu.vector_store_idx %arg8[%add3A_9, %broadcast_in_dim3A_296], %get3A_304 : memref<32x129xf32, #tpu.memory_space<vmem>>[vector<16xi32>, vector<16xi32>], vector<16xf32>,
      %broadcast_in_dim3A_305 = arith.constant 13 : i32
      %broadcast_in_dim3A_306 = vector.broadcast %broadcast_in_dim3A_305 : i32 to vector<16xi32>
      %get3A_307 = arith.constant 13 : i32
      %get3A_308 = arith.index_cast %get3A_307 : i32 to index
      %get3A_309 = arith.constant 0 : index
      %get3A_310 = tpu.vector_load %arg6[%get3A_308, %get3A_309] {strides = array<i32>} : memref<128x32xf32, #tpu.memory_space<vmem>>, vector<16xf32>,
      tpu.vector_store_idx %arg8[%add3A_5, %broadcast_in_dim3A_306], %get3A_310 : memref<32x129xf32, #tpu.memory_space<vmem>>[vector<16xi32>, vector<16xi32>], vector<16xf32>,
      %get3A_311 = arith.constant 13 : i32
      %get3A_312 = arith.index_cast %get3A_311 : i32 to index
      %get3A_313 = arith.constant 16 : index
      %get3A_314 = tpu.vector_load %arg6[%get3A_312, %get3A_313] {strides = array<i32>} : memref<128x32xf32, #tpu.memory_space<vmem>>, vector<16xf32>,
      tpu.vector_store_idx %arg8[%add3A_9, %broadcast_in_dim3A_306], %get3A_314 : memref<32x129xf32, #tpu.memory_space<vmem>>[vector<16xi32>, vector<16xi32>], vector<16xf32>,
      %broadcast_in_dim3A_315 = arith.constant 14 : i32
      %broadcast_in_dim3A_316 = vector.broadcast %broadcast_in_dim3A_315 : i32 to vector<16xi32>
      %get3A_317 = arith.constant 14 : i32
      %get3A_318 = arith.index_cast %get3A_317 : i32 to index
      %get3A_319 = arith.constant 0 : index
      %get3A_320 = tpu.vector_load %arg6[%get3A_318, %get3A_319] {strides = array<i32>} : memref<128x32xf32, #tpu.memory_space<vmem>>, vector<16xf32>,
      tpu.vector_store_idx %arg8[%add3A_5, %broadcast_in_dim3A_316], %get3A_320 : memref<32x129xf32, #tpu.memory_space<vmem>>[vector<16xi32>, vector<16xi32>], vector<16xf32>,
      %get3A_321 = arith.constant 14 : i32
      %get3A_322 = arith.index_cast %get3A_321 : i32 to index
      %get3A_323 = arith.constant 16 : index
      %get3A_324 = tpu.vector_load %arg6[%get3A_322, %get3A_323] {strides = array<i32>} : memref<128x32xf32, #tpu.memory_space<vmem>>, vector<16xf32>,
      tpu.vector_store_idx %arg8[%add3A_9, %broadcast_in_dim3A_316], %get3A_324 : memref<32x129xf32, #tpu.memory_space<vmem>>[vector<16xi32>, vector<16xi32>], vector<16xf32>,
      %broadcast_in_dim3A_325 = arith.constant 15 : i32
      %broadcast_in_dim3A_326 = vector.broadcast %broadcast_in_dim3A_325 : i32 to vector<16xi32>
      %get3A_327 = arith.constant 15 : i32
      %get3A_328 = arith.index_cast %get3A_327 : i32 to index
      %get3A_329 = arith.constant 0 : index
      %get3A_330 = tpu.vector_load %arg6[%get3A_328, %get3A_329] {strides = array<i32>} : memref<128x32xf32, #tpu.memory_space<vmem>>, vector<16xf32>,
      tpu.vector_store_idx %arg8[%add3A_5, %broadcast_in_dim3A_326], %get3A_330 : memref<32x129xf32, #tpu.memory_space<vmem>>[vector<16xi32>, vector<16xi32>], vector<16xf32>,
      %get3A_331 = arith.constant 15 : i32
      %get3A_332 = arith.index_cast %get3A_331 : i32 to index
      %get3A_333 = arith.constant 16 : index
      %get3A_334 = tpu.vector_load %arg6[%get3A_332, %get3A_333] {strides = array<i32>} : memref<128x32xf32, #tpu.memory_space<vmem>>, vector<16xf32>,
      tpu.vector_store_idx %arg8[%add3A_9, %broadcast_in_dim3A_326], %get3A_334 : memref<32x129xf32, #tpu.memory_space<vmem>>[vector<16xi32>, vector<16xi32>], vector<16xf32>,
      %broadcast_in_dim3A_335 = arith.constant 16 : i32
      %broadcast_in_dim3A_336 = vector.broadcast %broadcast_in_dim3A_335 : i32 to vector<16xi32>
      %get3A_337 = arith.constant 16 : i32
      %get3A_338 = arith.index_cast %get3A_337 : i32 to index
      %get3A_339 = arith.constant 0 : index
      %get3A_340 = tpu.vector_load %arg6[%get3A_338, %get3A_339] {strides = array<i32>} : memref<128x32xf32, #tpu.memory_space<vmem>>, vector<16xf32>,
      tpu.vector_store_idx %arg8[%add3A_5, %broadcast_in_dim3A_336], %get3A_340 : memref<32x129xf32, #tpu.memory_space<vmem>>[vector<16xi32>, vector<16xi32>], vector<16xf32>,
      %get3A_341 = arith.constant 16 : i32
      %get3A_342 = arith.index_cast %get3A_341 : i32 to index
      %get3A_343 = arith.constant 16 : index
      %get3A_344 = tpu.vector_load %arg6[%get3A_342, %get3A_343] {strides = array<i32>} : memref<128x32xf32, #tpu.memory_space<vmem>>, vector<16xf32>,
      tpu.vector_store_idx %arg8[%add3A_9, %broadcast_in_dim3A_336], %get3A_344 : memref<32x129xf32, #tpu.memory_space<vmem>>[vector<16xi32>, vector<16xi32>], vector<16xf32>,
      %broadcast_in_dim3A_345 = arith.constant 17 : i32
      %broadcast_in_dim3A_346 = vector.broadcast %broadcast_in_dim3A_345 : i32 to vector<16xi32>
      %get3A_347 = arith.constant 17 : i32
      %get3A_348 = arith.index_cast %get3A_347 : i32 to index
      %get3A_349 = arith.constant 0 : index
      %get3A_350 = tpu.vector_load %arg6[%get3A_348, %get3A_349] {strides = array<i32>} : memref<128x32xf32, #tpu.memory_space<vmem>>, vector<16xf32>,
      tpu.vector_store_idx %arg8[%add3A_5, %broadcast_in_dim3A_346], %get3A_350 : memref<32x129xf32, #tpu.memory_space<vmem>>[vector<16xi32>, vector<16xi32>], vector<16xf32>,
      %get3A_351 = arith.constant 17 : i32
      %get3A_352 = arith.index_cast %get3A_351 : i32 to index
      %get3A_353 = arith.constant 16 : index
      %get3A_354 = tpu.vector_load %arg6[%get3A_352, %get3A_353] {strides = array<i32>} : memref<128x32xf32, #tpu.memory_space<vmem>>, vector<16xf32>,
      tpu.vector_store_idx %arg8[%add3A_9, %broadcast_in_dim3A_346], %get3A_354 : memref<32x129xf32, #tpu.memory_space<vmem>>[vector<16xi32>, vector<16xi32>], vector<16xf32>,
      %broadcast_in_dim3A_355 = arith.constant 18 : i32
      %broadcast_in_dim3A_356 = vector.broadcast %broadcast_in_dim3A_355 : i32 to vector<16xi32>
      %get3A_357 = arith.constant 18 : i32
      %get3A_358 = arith.index_cast %get3A_357 : i32 to index
      %get3A_359 = arith.constant 0 : index
      %get3A_360 = tpu.vector_load %arg6[%get3A_358, %get3A_359] {strides = array<i32>} : memref<128x32xf32, #tpu.memory_space<vmem>>, vector<16xf32>,
      tpu.vector_store_idx %arg8[%add3A_5, %broadcast_in_dim3A_356], %get3A_360 : memref<32x129xf32, #tpu.memory_space<vmem>>[vector<16xi32>, vector<16xi32>], vector<16xf32>,
      %get3A_361 = arith.constant 18 : i32
      %get3A_362 = arith.index_cast %get3A_361 : i32 to index
      %get3A_363 = arith.constant 16 : index
      %get3A_364 = tpu.vector_load %arg6[%get3A_362, %get3A_363] {strides = array<i32>} : memref<128x32xf32, #tpu.memory_space<vmem>>, vector<16xf32>,
      tpu.vector_store_idx %arg8[%add3A_9, %broadcast_in_dim3A_356], %get3A_364 : memref<32x129xf32, #tpu.memory_space<vmem>>[vector<16xi32>, vector<16xi32>], vector<16xf32>,
      %broadcast_in_dim3A_365 = arith.constant 19 : i32
      %broadcast_in_dim3A_366 = vector.broadcast %broadcast_in_dim3A_365 : i32 to vector<16xi32>
      %get3A_367 = arith.constant 19 : i32
      %get3A_368 = arith.index_cast %get3A_367 : i32 to index
      %get3A_369 = arith.constant 0 : index
      %get3A_370 = tpu.vector_load %arg6[%get3A_368, %get3A_369] {strides = array<i32>} : memref<128x32xf32, #tpu.memory_space<vmem>>, vector<16xf32>,
      tpu.vector_store_idx %arg8[%add3A_5, %broadcast_in_dim3A_366], %get3A_370 : memref<32x129xf32, #tpu.memory_space<vmem>>[vector<16xi32>, vector<16xi32>], vector<16xf32>,
      %get3A_371 = arith.constant 19 : i32
      %get3A_372 = arith.index_cast %get3A_371 : i32 to index
      %get3A_373 = arith.constant 16 : index
      %get3A_374 = tpu.vector_load %arg6[%get3A_372, %get3A_373] {strides = array<i32>} : memref<128x32xf32, #tpu.memory_space<vmem>>, vector<16xf32>,
      tpu.vector_store_idx %arg8[%add3A_9, %broadcast_in_dim3A_366], %get3A_374 : memref<32x129xf32, #tpu.memory_space<vmem>>[vector<16xi32>, vector<16xi32>], vector<16xf32>,
      %broadcast_in_dim3A_375 = arith.constant 20 : i32
      %broadcast_in_dim3A_376 = vector.broadcast %broadcast_in_dim3A_375 : i32 to vector<16xi32>
      %get3A_377 = arith.constant 20 : i32
      %get3A_378 = arith.index_cast %get3A_377 : i32 to index
      %get3A_379 = arith.constant 0 : index
      %get3A_380 = tpu.vector_load %arg6[%get3A_378, %get3A_379] {strides = array<i32>} : memref<128x32xf32, #tpu.memory_space<vmem>>, vector<16xf32>,
      tpu.vector_store_idx %arg8[%add3A_5, %broadcast_in_dim3A_376], %get3A_380 : memref<32x129xf32, #tpu.memory_space<vmem>>[vector<16xi32>, vector<16xi32>], vector<16xf32>,
      %get3A_381 = arith.constant 20 : i32
      %get3A_382 = arith.index_cast %get3A_381 : i32 to index
      %get3A_383 = arith.constant 16 : index
      %get3A_384 = tpu.vector_load %arg6[%get3A_382, %get3A_383] {strides = array<i32>} : memref<128x32xf32, #tpu.memory_space<vmem>>, vector<16xf32>,
      tpu.vector_store_idx %arg8[%add3A_9, %broadcast_in_dim3A_376], %get3A_384 : memref<32x129xf32, #tpu.memory_space<vmem>>[vector<16xi32>, vector<16xi32>], vector<16xf32>,
      %broadcast_in_dim3A_385 = arith.constant 21 : i32
      %broadcast_in_dim3A_386 = vector.broadcast %broadcast_in_dim3A_385 : i32 to vector<16xi32>
      %get3A_387 = arith.constant 21 : i32
      %get3A_388 = arith.index_cast %get3A_387 : i32 to index
      %get3A_389 = arith.constant 0 : index
      %get3A_390 = tpu.vector_load %arg6[%get3A_388, %get3A_389] {strides = array<i32>} : memref<128x32xf32, #tpu.memory_space<vmem>>, vector<16xf32>,
      tpu.vector_store_idx %arg8[%add3A_5, %broadcast_in_dim3A_386], %get3A_390 : memref<32x129xf32, #tpu.memory_space<vmem>>[vector<16xi32>, vector<16xi32>], vector<16xf32>,
      %get3A_391 = arith.constant 21 : i32
      %get3A_392 = arith.index_cast %get3A_391 : i32 to index
      %get3A_393 = arith.constant 16 : index
      %get3A_394 = tpu.vector_load %arg6[%get3A_392, %get3A_393] {strides = array<i32>} : memref<128x32xf32, #tpu.memory_space<vmem>>, vector<16xf32>,
      tpu.vector_store_idx %arg8[%add3A_9, %broadcast_in_dim3A_386], %get3A_394 : memref<32x129xf32, #tpu.memory_space<vmem>>[vector<16xi32>, vector<16xi32>], vector<16xf32>,
      %broadcast_in_dim3A_395 = arith.constant 22 : i32
      %broadcast_in_dim3A_396 = vector.broadcast %broadcast_in_dim3A_395 : i32 to vector<16xi32>
      %get3A_397 = arith.constant 22 : i32
      %get3A_398 = arith.index_cast %get3A_397 : i32 to index
      %get3A_399 = arith.constant 0 : index
      %get3A_400 = tpu.vector_load %arg6[%get3A_398, %get3A_399] {strides = array<i32>} : memref<128x32xf32, #tpu.memory_space<vmem>>, vector<16xf32>,
      tpu.vector_store_idx %arg8[%add3A_5, %broadcast_in_dim3A_396], %get3A_400 : memref<32x129xf32, #tpu.memory_space<vmem>>[vector<16xi32>, vector<16xi32>], vector<16xf32>,
      %get3A_401 = arith.constant 22 : i32
      %get3A_402 = arith.index_cast %get3A_401 : i32 to index
      %get3A_403 = arith.constant 16 : index
      %get3A_404 = tpu.vector_load %arg6[%get3A_402, %get3A_403] {strides = array<i32>} : memref<128x32xf32, #tpu.memory_space<vmem>>, vector<16xf32>,
      tpu.vector_store_idx %arg8[%add3A_9, %broadcast_in_dim3A_396], %get3A_404 : memref<32x129xf32, #tpu.memory_space<vmem>>[vector<16xi32>, vector<16xi32>], vector<16xf32>,
      %broadcast_in_dim3A_405 = arith.constant 23 : i32
      %broadcast_in_dim3A_406 = vector.broadcast %broadcast_in_dim3A_405 : i32 to vector<16xi32>
      %get3A_407 = arith.constant 23 : i32
      %get3A_408 = arith.index_cast %get3A_407 : i32 to index
      %get3A_409 = arith.constant 0 : index
      %get3A_410 = tpu.vector_load %arg6[%get3A_408, %get3A_409] {strides = array<i32>} : memref<128x32xf32, #tpu.memory_space<vmem>>, vector<16xf32>,
      tpu.vector_store_idx %arg8[%add3A_5, %broadcast_in_dim3A_406], %get3A_410 : memref<32x129xf32, #tpu.memory_space<vmem>>[vector<16xi32>, vector<16xi32>], vector<16xf32>,
      %get3A_411 = arith.constant 23 : i32
      %get3A_412 = arith.index_cast %get3A_411 : i32 to index
      %get3A_413 = arith.constant 16 : index
      %get3A_414 = tpu.vector_load %arg6[%get3A_412, %get3A_413] {strides = array<i32>} : memref<128x32xf32, #tpu.memory_space<vmem>>, vector<16xf32>,
      tpu.vector_store_idx %arg8[%add3A_9, %broadcast_in_dim3A_406], %get3A_414 : memref<32x129xf32, #tpu.memory_space<vmem>>[vector<16xi32>, vector<16xi32>], vector<16xf32>,
      %broadcast_in_dim3A_415 = arith.constant 24 : i32
      %broadcast_in_dim3A_416 = vector.broadcast %broadcast_in_dim3A_415 : i32 to vector<16xi32>
      %get3A_417 = arith.constant 24 : i32
      %get3A_418 = arith.index_cast %get3A_417 : i32 to index
      %get3A_419 = arith.constant 0 : index
      %get3A_420 = tpu.vector_load %arg6[%get3A_418, %get3A_419] {strides = array<i32>} : memref<128x32xf32, #tpu.memory_space<vmem>>, vector<16xf32>,
      tpu.vector_store_idx %arg8[%add3A_5, %broadcast_in_dim3A_416], %get3A_420 : memref<32x129xf32, #tpu.memory_space<vmem>>[vector<16xi32>, vector<16xi32>], vector<16xf32>,
      %get3A_421 = arith.constant 24 : i32
      %get3A_422 = arith.index_cast %get3A_421 : i32 to index
      %get3A_423 = arith.constant 16 : index
      %get3A_424 = tpu.vector_load %arg6[%get3A_422, %get3A_423] {strides = array<i32>} : memref<128x32xf32, #tpu.memory_space<vmem>>, vector<16xf32>,
      tpu.vector_store_idx %arg8[%add3A_9, %broadcast_in_dim3A_416], %get3A_424 : memref<32x129xf32, #tpu.memory_space<vmem>>[vector<16xi32>, vector<16xi32>], vector<16xf32>,
      %broadcast_in_dim3A_425 = arith.constant 25 : i32
      %broadcast_in_dim3A_426 = vector.broadcast %broadcast_in_dim3A_425 : i32 to vector<16xi32>
      %get3A_427 = arith.constant 25 : i32
      %get3A_428 = arith.index_cast %get3A_427 : i32 to index
      %get3A_429 = arith.constant 0 : index
      %get3A_430 = tpu.vector_load %arg6[%get3A_428, %get3A_429] {strides = array<i32>} : memref<128x32xf32, #tpu.memory_space<vmem>>, vector<16xf32>,
      tpu.vector_store_idx %arg8[%add3A_5, %broadcast_in_dim3A_426], %get3A_430 : memref<32x129xf32, #tpu.memory_space<vmem>>[vector<16xi32>, vector<16xi32>], vector<16xf32>,
      %get3A_431 = arith.constant 25 : i32
      %get3A_432 = arith.index_cast %get3A_431 : i32 to index
      %get3A_433 = arith.constant 16 : index
      %get3A_434 = tpu.vector_load %arg6[%get3A_432, %get3A_433] {strides = array<i32>} : memref<128x32xf32, #tpu.memory_space<vmem>>, vector<16xf32>,
      tpu.vector_store_idx %arg8[%add3A_9, %broadcast_in_dim3A_426], %get3A_434 : memref<32x129xf32, #tpu.memory_space<vmem>>[vector<16xi32>, vector<16xi32>], vector<16xf32>,
      %broadcast_in_dim3A_435 = arith.constant 26 : i32
      %broadcast_in_dim3A_436 = vector.broadcast %broadcast_in_dim3A_435 : i32 to vector<16xi32>
      %get3A_437 = arith.constant 26 : i32
      %get3A_438 = arith.index_cast %get3A_437 : i32 to index
      %get3A_439 = arith.constant 0 : index
      %get3A_440 = tpu.vector_load %arg6[%get3A_438, %get3A_439] {strides = array<i32>} : memref<128x32xf32, #tpu.memory_space<vmem>>, vector<16xf32>,
      tpu.vector_store_idx %arg8[%add3A_5, %broadcast_in_dim3A_436], %get3A_440 : memref<32x129xf32, #tpu.memory_space<vmem>>[vector<16xi32>, vector<16xi32>], vector<16xf32>,
      %get3A_441 = arith.constant 26 : i32
      %get3A_442 = arith.index_cast %get3A_441 : i32 to index
      %get3A_443 = arith.constant 16 : index
      %get3A_444 = tpu.vector_load %arg6[%get3A_442, %get3A_443] {strides = array<i32>} : memref<128x32xf32, #tpu.memory_space<vmem>>, vector<16xf32>,
      tpu.vector_store_idx %arg8[%add3A_9, %broadcast_in_dim3A_436], %get3A_444 : memref<32x129xf32, #tpu.memory_space<vmem>>[vector<16xi32>, vector<16xi32>], vector<16xf32>,
      %broadcast_in_dim3A_445 = arith.constant 27 : i32
      %broadcast_in_dim3A_446 = vector.broadcast %broadcast_in_dim3A_445 : i32 to vector<16xi32>
      %get3A_447 = arith.constant 27 : i32
      %get3A_448 = arith.index_cast %get3A_447 : i32 to index
      %get3A_449 = arith.constant 0 : index
      %get3A_450 = tpu.vector_load %arg6[%get3A_448, %get3A_449] {strides = array<i32>} : memref<128x32xf32, #tpu.memory_space<vmem>>, vector<16xf32>,
      tpu.vector_store_idx %arg8[%add3A_5, %broadcast_in_dim3A_446], %get3A_450 : memref<32x129xf32, #tpu.memory_space<vmem>>[vector<16xi32>, vector<16xi32>], vector<16xf32>,
      %get3A_451 = arith.constant 27 : i32
      %get3A_452 = arith.index_cast %get3A_451 : i32 to index
      %get3A_453 = arith.constant 16 : index
      %get3A_454 = tpu.vector_load %arg6[%get3A_452, %get3A_453] {strides = array<i32>} : memref<128x32xf32, #tpu.memory_space<vmem>>, vector<16xf32>,
      tpu.vector_store_idx %arg8[%add3A_9, %broadcast_in_dim3A_446], %get3A_454 : memref<32x129xf32, #tpu.memory_space<vmem>>[vector<16xi32>, vector<16xi32>], vector<16xf32>,
      %broadcast_in_dim3A_455 = arith.constant 28 : i32
      %broadcast_in_dim3A_456 = vector.broadcast %broadcast_in_dim3A_455 : i32 to vector<16xi32>
      %get3A_457 = arith.constant 28 : i32
      %get3A_458 = arith.index_cast %get3A_457 : i32 to index
      %get3A_459 = arith.constant 0 : index
      %get3A_460 = tpu.vector_load %arg6[%get3A_458, %get3A_459] {strides = array<i32>} : memref<128x32xf32, #tpu.memory_space<vmem>>, vector<16xf32>,
      tpu.vector_store_idx %arg8[%add3A_5, %broadcast_in_dim3A_456], %get3A_460 : memref<32x129xf32, #tpu.memory_space<vmem>>[vector<16xi32>, vector<16xi32>], vector<16xf32>,
      %get3A_461 = arith.constant 28 : i32
      %get3A_462 = arith.index_cast %get3A_461 : i32 to index
      %get3A_463 = arith.constant 16 : index
      %get3A_464 = tpu.vector_load %arg6[%get3A_462, %get3A_463] {strides = array<i32>} : memref<128x32xf32, #tpu.memory_space<vmem>>, vector<16xf32>,
      tpu.vector_store_idx %arg8[%add3A_9, %broadcast_in_dim3A_456], %get3A_464 : memref<32x129xf32, #tpu.memory_space<vmem>>[vector<16xi32>, vector<16xi32>], vector<16xf32>,
      %broadcast_in_dim3A_465 = arith.constant 29 : i32
      %broadcast_in_dim3A_466 = vector.broadcast %broadcast_in_dim3A_465 : i32 to vector<16xi32>
      %get3A_467 = arith.constant 29 : i32
      %get3A_468 = arith.index_cast %get3A_467 : i32 to index
      %get3A_469 = arith.constant 0 : index
      %get3A_470 = tpu.vector_load %arg6[%get3A_468, %get3A_469] {strides = array<i32>} : memref<128x32xf32, #tpu.memory_space<vmem>>, vector<16xf32>,
      tpu.vector_store_idx %arg8[%add3A_5, %broadcast_in_dim3A_466], %get3A_470 : memref<32x129xf32, #tpu.memory_space<vmem>>[vector<16xi32>, vector<16xi32>], vector<16xf32>,
      %get3A_471 = arith.constant 29 : i32
      %get3A_472 = arith.index_cast %get3A_471 : i32 to index
      %get3A_473 = arith.constant 16 : index
      %get3A_474 = tpu.vector_load %arg6[%get3A_472, %get3A_473] {strides = array<i32>} : memref<128x32xf32, #tpu.memory_space<vmem>>, vector<16xf32>,
      tpu.vector_store_idx %arg8[%add3A_9, %broadcast_in_dim3A_466], %get3A_474 : memref<32x129xf32, #tpu.memory_space<vmem>>[vector<16xi32>, vector<16xi32>], vector<16xf32>,
      %broadcast_in_dim3A_475 = arith.constant 30 : i32
      %broadcast_in_dim3A_476 = vector.broadcast %broadcast_in_dim3A_475 : i32 to vector<16xi32>
      %get3A_477 = arith.constant 30 : i32
      %get3A_478 = arith.index_cast %get3A_477 : i32 to index
      %get3A_479 = arith.constant 0 : index
      %get3A_480 = tpu.vector_load %arg6[%get3A_478, %get3A_479] {strides = array<i32>} : memref<128x32xf32, #tpu.memory_space<vmem>>, vector<16xf32>,
      tpu.vector_store_idx %arg8[%add3A_5, %broadcast_in_dim3A_476], %get3A_480 : memref<32x129xf32, #tpu.memory_space<vmem>>[vector<16xi32>, vector<16xi32>], vector<16xf32>,
      %get3A_481 = arith.constant 30 : i32
      %get3A_482 = arith.index_cast %get3A_481 : i32 to index
      %get3A_483 = arith.constant 16 : index
      %get3A_484 = tpu.vector_load %arg6[%get3A_482, %get3A_483] {strides = array<i32>} : memref<128x32xf32, #tpu.memory_space<vmem>>, vector<16xf32>,
      tpu.vector_store_idx %arg8[%add3A_9, %broadcast_in_dim3A_476], %get3A_484 : memref<32x129xf32, #tpu.memory_space<vmem>>[vector<16xi32>, vector<16xi32>], vector<16xf32>,
      %broadcast_in_dim3A_485 = arith.constant 31 : i32
      %broadcast_in_dim3A_486 = vector.broadcast %broadcast_in_dim3A_485 : i32 to vector<16xi32>
      %get3A_487 = arith.constant 31 : i32
      %get3A_488 = arith.index_cast %get3A_487 : i32 to index
      %get3A_489 = arith.constant 0 : index
      %get3A_490 = tpu.vector_load %arg6[%get3A_488, %get3A_489] {strides = array<i32>} : memref<128x32xf32, #tpu.memory_space<vmem>>, vector<16xf32>,
      tpu.vector_store_idx %arg8[%add3A_5, %broadcast_in_dim3A_486], %get3A_490 : memref<32x129xf32, #tpu.memory_space<vmem>>[vector<16xi32>, vector<16xi32>], vector<16xf32>,
      %get3A_491 = arith.constant 31 : i32
      %get3A_492 = arith.index_cast %get3A_491 : i32 to index
      %get3A_493 = arith.constant 16 : index
      %get3A_494 = tpu.vector_load %arg6[%get3A_492, %get3A_493] {strides = array<i32>} : memref<128x32xf32, #tpu.memory_space<vmem>>, vector<16xf32>,
      tpu.vector_store_idx %arg8[%add3A_9, %broadcast_in_dim3A_486], %get3A_494 : memref<32x129xf32, #tpu.memory_space<vmem>>[vector<16xi32>, vector<16xi32>], vector<16xf32>,
      %broadcast_in_dim3A_495 = arith.constant 32 : i32
      %broadcast_in_dim3A_496 = vector.broadcast %broadcast_in_dim3A_495 : i32 to vector<16xi32>
      %get3A_497 = arith.constant 32 : i32
      %get3A_498 = arith.index_cast %get3A_497 : i32 to index
      %get3A_499 = arith.constant 0 : index
      %get3A_500 = tpu.vector_load %arg6[%get3A_498, %get3A_499] {strides = array<i32>} : memref<128x32xf32, #tpu.memory_space<vmem>>, vector<16xf32>,
      tpu.vector_store_idx %arg8[%add3A_5, %broadcast_in_dim3A_496], %get3A_500 : memref<32x129xf32, #tpu.memory_space<vmem>>[vector<16xi32>, vector<16xi32>], vector<16xf32>,
      %get3A_501 = arith.constant 32 : i32
      %get3A_502 = arith.index_cast %get3A_501 : i32 to index
      %get3A_503 = arith.constant 16 : index
      %get3A_504 = tpu.vector_load %arg6[%get3A_502, %get3A_503] {strides = array<i32>} : memref<128x32xf32, #tpu.memory_space<vmem>>, vector<16xf32>,
      tpu.vector_store_idx %arg8[%add3A_9, %broadcast_in_dim3A_496], %get3A_504 : memref<32x129xf32, #tpu.memory_space<vmem>>[vector<16xi32>, vector<16xi32>], vector<16xf32>,
      %broadcast_in_dim3A_505 = arith.constant 33 : i32
      %broadcast_in_dim3A_506 = vector.broadcast %broadcast_in_dim3A_505 : i32 to vector<16xi32>
      %get3A_507 = arith.constant 33 : i32
      %get3A_508 = arith.index_cast %get3A_507 : i32 to index
      %get3A_509 = arith.constant 0 : index
      %get3A_510 = tpu.vector_load %arg6[%get3A_508, %get3A_509] {strides = array<i32>} : memref<128x32xf32, #tpu.memory_space<vmem>>, vector<16xf32>,
      tpu.vector_store_idx %arg8[%add3A_5, %broadcast_in_dim3A_506], %get3A_510 : memref<32x129xf32, #tpu.memory_space<vmem>>[vector<16xi32>, vector<16xi32>], vector<16xf32>,
      %get3A_511 = arith.constant 33 : i32
      %get3A_512 = arith.index_cast %get3A_511 : i32 to index
      %get3A_513 = arith.constant 16 : index
      %get3A_514 = tpu.vector_load %arg6[%get3A_512, %get3A_513] {strides = array<i32>} : memref<128x32xf32, #tpu.memory_space<vmem>>, vector<16xf32>,
      tpu.vector_store_idx %arg8[%add3A_9, %broadcast_in_dim3A_506], %get3A_514 : memref<32x129xf32, #tpu.memory_space<vmem>>[vector<16xi32>, vector<16xi32>], vector<16xf32>,
      %broadcast_in_dim3A_515 = arith.constant 34 : i32
      %broadcast_in_dim3A_516 = vector.broadcast %broadcast_in_dim3A_515 : i32 to vector<16xi32>
      %get3A_517 = arith.constant 34 : i32
      %get3A_518 = arith.index_cast %get3A_517 : i32 to index
      %get3A_519 = arith.constant 0 : index
      %get3A_520 = tpu.vector_load %arg6[%get3A_518, %get3A_519] {strides = array<i32>} : memref<128x32xf32, #tpu.memory_space<vmem>>, vector<16xf32>,
      tpu.vector_store_idx %arg8[%add3A_5, %broadcast_in_dim3A_516], %get3A_520 : memref<32x129xf32, #tpu.memory_space<vmem>>[vector<16xi32>, vector<16xi32>], vector<16xf32>,
      %get3A_521 = arith.constant 34 : i32
      %get3A_522 = arith.index_cast %get3A_521 : i32 to index
      %get3A_523 = arith.constant 16 : index
      %get3A_524 = tpu.vector_load %arg6[%get3A_522, %get3A_523] {strides = array<i32>} : memref<128x32xf32, #tpu.memory_space<vmem>>, vector<16xf32>,
      tpu.vector_store_idx %arg8[%add3A_9, %broadcast_in_dim3A_516], %get3A_524 : memref<32x129xf32, #tpu.memory_space<vmem>>[vector<16xi32>, vector<16xi32>], vector<16xf32>,
      %broadcast_in_dim3A_525 = arith.constant 35 : i32
      %broadcast_in_dim3A_526 = vector.broadcast %broadcast_in_dim3A_525 : i32 to vector<16xi32>
      %get3A_527 = arith.constant 35 : i32
      %get3A_528 = arith.index_cast %get3A_527 : i32 to index
      %get3A_529 = arith.constant 0 : index
      %get3A_530 = tpu.vector_load %arg6[%get3A_528, %get3A_529] {strides = array<i32>} : memref<128x32xf32, #tpu.memory_space<vmem>>, vector<16xf32>,
      tpu.vector_store_idx %arg8[%add3A_5, %broadcast_in_dim3A_526], %get3A_530 : memref<32x129xf32, #tpu.memory_space<vmem>>[vector<16xi32>, vector<16xi32>], vector<16xf32>,
      %get3A_531 = arith.constant 35 : i32
      %get3A_532 = arith.index_cast %get3A_531 : i32 to index
      %get3A_533 = arith.constant 16 : index
      %get3A_534 = tpu.vector_load %arg6[%get3A_532, %get3A_533] {strides = array<i32>} : memref<128x32xf32, #tpu.memory_space<vmem>>, vector<16xf32>,
      tpu.vector_store_idx %arg8[%add3A_9, %broadcast_in_dim3A_526], %get3A_534 : memref<32x129xf32, #tpu.memory_space<vmem>>[vector<16xi32>, vector<16xi32>], vector<16xf32>,
      %broadcast_in_dim3A_535 = arith.constant 36 : i32
      %broadcast_in_dim3A_536 = vector.broadcast %broadcast_in_dim3A_535 : i32 to vector<16xi32>
      %get3A_537 = arith.constant 36 : i32
      %get3A_538 = arith.index_cast %get3A_537 : i32 to index
      %get3A_539 = arith.constant 0 : index
      %get3A_540 = tpu.vector_load %arg6[%get3A_538, %get3A_539] {strides = array<i32>} : memref<128x32xf32, #tpu.memory_space<vmem>>, vector<16xf32>,
      tpu.vector_store_idx %arg8[%add3A_5, %broadcast_in_dim3A_536], %get3A_540 : memref<32x129xf32, #tpu.memory_space<vmem>>[vector<16xi32>, vector<16xi32>], vector<16xf32>,
      %get3A_541 = arith.constant 36 : i32
      %get3A_542 = arith.index_cast %get3A_541 : i32 to index
      %get3A_543 = arith.constant 16 : index
      %get3A_544 = tpu.vector_load %arg6[%get3A_542, %get3A_543] {strides = array<i32>} : memref<128x32xf32, #tpu.memory_space<vmem>>, vector<16xf32>,
      tpu.vector_store_idx %arg8[%add3A_9, %broadcast_in_dim3A_536], %get3A_544 : memref<32x129xf32, #tpu.memory_space<vmem>>[vector<16xi32>, vector<16xi32>], vector<16xf32>,
      %broadcast_in_dim3A_545 = arith.constant 37 : i32
      %broadcast_in_dim3A_546 = vector.broadcast %broadcast_in_dim3A_545 : i32 to vector<16xi32>
      %get3A_547 = arith.constant 37 : i32
      %get3A_548 = arith.index_cast %get3A_547 : i32 to index
      %get3A_549 = arith.constant 0 : index
      %get3A_550 = tpu.vector_load %arg6[%get3A_548, %get3A_549] {strides = array<i32>} : memref<128x32xf32, #tpu.memory_space<vmem>>, vector<16xf32>,
      tpu.vector_store_idx %arg8[%add3A_5, %broadcast_in_dim3A_546], %get3A_550 : memref<32x129xf32, #tpu.memory_space<vmem>>[vector<16xi32>, vector<16xi32>], vector<16xf32>,
      %get3A_551 = arith.constant 37 : i32
      %get3A_552 = arith.index_cast %get3A_551 : i32 to index
      %get3A_553 = arith.constant 16 : index
      %get3A_554 = tpu.vector_load %arg6[%get3A_552, %get3A_553] {strides = array<i32>} : memref<128x32xf32, #tpu.memory_space<vmem>>, vector<16xf32>,
      tpu.vector_store_idx %arg8[%add3A_9, %broadcast_in_dim3A_546], %get3A_554 : memref<32x129xf32, #tpu.memory_space<vmem>>[vector<16xi32>, vector<16xi32>], vector<16xf32>,
      %broadcast_in_dim3A_555 = arith.constant 38 : i32
      %broadcast_in_dim3A_556 = vector.broadcast %broadcast_in_dim3A_555 : i32 to vector<16xi32>
      %get3A_557 = arith.constant 38 : i32
      %get3A_558 = arith.index_cast %get3A_557 : i32 to index
      %get3A_559 = arith.constant 0 : index
      %get3A_560 = tpu.vector_load %arg6[%get3A_558, %get3A_559] {strides = array<i32>} : memref<128x32xf32, #tpu.memory_space<vmem>>, vector<16xf32>,
      tpu.vector_store_idx %arg8[%add3A_5, %broadcast_in_dim3A_556], %get3A_560 : memref<32x129xf32, #tpu.memory_space<vmem>>[vector<16xi32>, vector<16xi32>], vector<16xf32>,
      %get3A_561 = arith.constant 38 : i32
      %get3A_562 = arith.index_cast %get3A_561 : i32 to index
      %get3A_563 = arith.constant 16 : index
      %get3A_564 = tpu.vector_load %arg6[%get3A_562, %get3A_563] {strides = array<i32>} : memref<128x32xf32, #tpu.memory_space<vmem>>, vector<16xf32>,
      tpu.vector_store_idx %arg8[%add3A_9, %broadcast_in_dim3A_556], %get3A_564 : memref<32x129xf32, #tpu.memory_space<vmem>>[vector<16xi32>, vector<16xi32>], vector<16xf32>,
      %broadcast_in_dim3A_565 = arith.constant 39 : i32
      %broadcast_in_dim3A_566 = vector.broadcast %broadcast_in_dim3A_565 : i32 to vector<16xi32>
      %get3A_567 = arith.constant 39 : i32
      %get3A_568 = arith.index_cast %get3A_567 : i32 to index
      %get3A_569 = arith.constant 0 : index
      %get3A_570 = tpu.vector_load %arg6[%get3A_568, %get3A_569] {strides = array<i32>} : memref<128x32xf32, #tpu.memory_space<vmem>>, vector<16xf32>,
      tpu.vector_store_idx %arg8[%add3A_5, %broadcast_in_dim3A_566], %get3A_570 : memref<32x129xf32, #tpu.memory_space<vmem>>[vector<16xi32>, vector<16xi32>], vector<16xf32>,
      %get3A_571 = arith.constant 39 : i32
      %get3A_572 = arith.index_cast %get3A_571 : i32 to index
      %get3A_573 = arith.constant 16 : index
      %get3A_574 = tpu.vector_load %arg6[%get3A_572, %get3A_573] {strides = array<i32>} : memref<128x32xf32, #tpu.memory_space<vmem>>, vector<16xf32>,
      tpu.vector_store_idx %arg8[%add3A_9, %broadcast_in_dim3A_566], %get3A_574 : memref<32x129xf32, #tpu.memory_space<vmem>>[vector<16xi32>, vector<16xi32>], vector<16xf32>,
      %broadcast_in_dim3A_575 = arith.constant 40 : i32
      %broadcast_in_dim3A_576 = vector.broadcast %broadcast_in_dim3A_575 : i32 to vector<16xi32>
      %get3A_577 = arith.constant 40 : i32
      %get3A_578 = arith.index_cast %get3A_577 : i32 to index
      %get3A_579 = arith.constant 0 : index
      %get3A_580 = tpu.vector_load %arg6[%get3A_578, %get3A_579] {strides = array<i32>} : memref<128x32xf32, #tpu.memory_space<vmem>>, vector<16xf32>,
      tpu.vector_store_idx %arg8[%add3A_5, %broadcast_in_dim3A_576], %get3A_580 : memref<32x129xf32, #tpu.memory_space<vmem>>[vector<16xi32>, vector<16xi32>], vector<16xf32>,
      %get3A_581 = arith.constant 40 : i32
      %get3A_582 = arith.index_cast %get3A_581 : i32 to index
      %get3A_583 = arith.constant 16 : index
      %get3A_584 = tpu.vector_load %arg6[%get3A_582, %get3A_583] {strides = array<i32>} : memref<128x32xf32, #tpu.memory_space<vmem>>, vector<16xf32>,
      tpu.vector_store_idx %arg8[%add3A_9, %broadcast_in_dim3A_576], %get3A_584 : memref<32x129xf32, #tpu.memory_space<vmem>>[vector<16xi32>, vector<16xi32>], vector<16xf32>,
      %broadcast_in_dim3A_585 = arith.constant 41 : i32
      %broadcast_in_dim3A_586 = vector.broadcast %broadcast_in_dim3A_585 : i32 to vector<16xi32>
      %get3A_587 = arith.constant 41 : i32
      %get3A_588 = arith.index_cast %get3A_587 : i32 to index
      %get3A_589 = arith.constant 0 : index
      %get3A_590 = tpu.vector_load %arg6[%get3A_588, %get3A_589] {strides = array<i32>} : memref<128x32xf32, #tpu.memory_space<vmem>>, vector<16xf32>,
      tpu.vector_store_idx %arg8[%add3A_5, %broadcast_in_dim3A_586], %get3A_590 : memref<32x129xf32, #tpu.memory_space<vmem>>[vector<16xi32>, vector<16xi32>], vector<16xf32>,
      %get3A_591 = arith.constant 41 : i32
      %get3A_592 = arith.index_cast %get3A_591 : i32 to index
      %get3A_593 = arith.constant 16 : index
      %get3A_594 = tpu.vector_load %arg6[%get3A_592, %get3A_593] {strides = array<i32>} : memref<128x32xf32, #tpu.memory_space<vmem>>, vector<16xf32>,
      tpu.vector_store_idx %arg8[%add3A_9, %broadcast_in_dim3A_586], %get3A_594 : memref<32x129xf32, #tpu.memory_space<vmem>>[vector<16xi32>, vector<16xi32>], vector<16xf32>,
      %broadcast_in_dim3A_595 = arith.constant 42 : i32
      %broadcast_in_dim3A_596 = vector.broadcast %broadcast_in_dim3A_595 : i32 to vector<16xi32>
      %get3A_597 = arith.constant 42 : i32
      %get3A_598 = arith.index_cast %get3A_597 : i32 to index
      %get3A_599 = arith.constant 0 : index
      %get3A_600 = tpu.vector_load %arg6[%get3A_598, %get3A_599] {strides = array<i32>} : memref<128x32xf32, #tpu.memory_space<vmem>>, vector<16xf32>,
      tpu.vector_store_idx %arg8[%add3A_5, %broadcast_in_dim3A_596], %get3A_600 : memref<32x129xf32, #tpu.memory_space<vmem>>[vector<16xi32>, vector<16xi32>], vector<16xf32>,
      %get3A_601 = arith.constant 42 : i32
      %get3A_602 = arith.index_cast %get3A_601 : i32 to index
      %get3A_603 = arith.constant 16 : index
      %get3A_604 = tpu.vector_load %arg6[%get3A_602, %get3A_603] {strides = array<i32>} : memref<128x32xf32, #tpu.memory_space<vmem>>, vector<16xf32>,
      tpu.vector_store_idx %arg8[%add3A_9, %broadcast_in_dim3A_596], %get3A_604 : memref<32x129xf32, #tpu.memory_space<vmem>>[vector<16xi32>, vector<16xi32>], vector<16xf32>,
      %broadcast_in_dim3A_605 = arith.constant 43 : i32
      %broadcast_in_dim3A_606 = vector.broadcast %broadcast_in_dim3A_605 : i32 to vector<16xi32>
      %get3A_607 = arith.constant 43 : i32
      %get3A_608 = arith.index_cast %get3A_607 : i32 to index
      %get3A_609 = arith.constant 0 : index
      %get3A_610 = tpu.vector_load %arg6[%get3A_608, %get3A_609] {strides = array<i32>} : memref<128x32xf32, #tpu.memory_space<vmem>>, vector<16xf32>,
      tpu.vector_store_idx %arg8[%add3A_5, %broadcast_in_dim3A_606], %get3A_610 : memref<32x129xf32, #tpu.memory_space<vmem>>[vector<16xi32>, vector<16xi32>], vector<16xf32>,
      %get3A_611 = arith.constant 43 : i32
      %get3A_612 = arith.index_cast %get3A_611 : i32 to index
      %get3A_613 = arith.constant 16 : index
      %get3A_614 = tpu.vector_load %arg6[%get3A_612, %get3A_613] {strides = array<i32>} : memref<128x32xf32, #tpu.memory_space<vmem>>, vector<16xf32>,
      tpu.vector_store_idx %arg8[%add3A_9, %broadcast_in_dim3A_606], %get3A_614 : memref<32x129xf32, #tpu.memory_space<vmem>>[vector<16xi32>, vector<16xi32>], vector<16xf32>,
      %broadcast_in_dim3A_615 = arith.constant 44 : i32
      %broadcast_in_dim3A_616 = vector.broadcast %broadcast_in_dim3A_615 : i32 to vector<16xi32>
      %get3A_617 = arith.constant 44 : i32
      %get3A_618 = arith.index_cast %get3A_617 : i32 to index
      %get3A_619 = arith.constant 0 : index
      %get3A_620 = tpu.vector_load %arg6[%get3A_618, %get3A_619] {strides = array<i32>} : memref<128x32xf32, #tpu.memory_space<vmem>>, vector<16xf32>,
      tpu.vector_store_idx %arg8[%add3A_5, %broadcast_in_dim3A_616], %get3A_620 : memref<32x129xf32, #tpu.memory_space<vmem>>[vector<16xi32>, vector<16xi32>], vector<16xf32>,
      %get3A_621 = arith.constant 44 : i32
      %get3A_622 = arith.index_cast %get3A_621 : i32 to index
      %get3A_623 = arith.constant 16 : index
      %get3A_624 = tpu.vector_load %arg6[%get3A_622, %get3A_623] {strides = array<i32>} : memref<128x32xf32, #tpu.memory_space<vmem>>, vector<16xf32>,
      tpu.vector_store_idx %arg8[%add3A_9, %broadcast_in_dim3A_616], %get3A_624 : memref<32x129xf32, #tpu.memory_space<vmem>>[vector<16xi32>, vector<16xi32>], vector<16xf32>,
      %broadcast_in_dim3A_625 = arith.constant 45 : i32
      %broadcast_in_dim3A_626 = vector.broadcast %broadcast_in_dim3A_625 : i32 to vector<16xi32>
      %get3A_627 = arith.constant 45 : i32
      %get3A_628 = arith.index_cast %get3A_627 : i32 to index
      %get3A_629 = arith.constant 0 : index
      %get3A_630 = tpu.vector_load %arg6[%get3A_628, %get3A_629] {strides = array<i32>} : memref<128x32xf32, #tpu.memory_space<vmem>>, vector<16xf32>,
      tpu.vector_store_idx %arg8[%add3A_5, %broadcast_in_dim3A_626], %get3A_630 : memref<32x129xf32, #tpu.memory_space<vmem>>[vector<16xi32>, vector<16xi32>], vector<16xf32>,
      %get3A_631 = arith.constant 45 : i32
      %get3A_632 = arith.index_cast %get3A_631 : i32 to index
      %get3A_633 = arith.constant 16 : index
      %get3A_634 = tpu.vector_load %arg6[%get3A_632, %get3A_633] {strides = array<i32>} : memref<128x32xf32, #tpu.memory_space<vmem>>, vector<16xf32>,
      tpu.vector_store_idx %arg8[%add3A_9, %broadcast_in_dim3A_626], %get3A_634 : memref<32x129xf32, #tpu.memory_space<vmem>>[vector<16xi32>, vector<16xi32>], vector<16xf32>,
      %broadcast_in_dim3A_635 = arith.constant 46 : i32
      %broadcast_in_dim3A_636 = vector.broadcast %broadcast_in_dim3A_635 : i32 to vector<16xi32>
      %get3A_637 = arith.constant 46 : i32
      %get3A_638 = arith.index_cast %get3A_637 : i32 to index
      %get3A_639 = arith.constant 0 : index
      %get3A_640 = tpu.vector_load %arg6[%get3A_638, %get3A_639] {strides = array<i32>} : memref<128x32xf32, #tpu.memory_space<vmem>>, vector<16xf32>,
      tpu.vector_store_idx %arg8[%add3A_5, %broadcast_in_dim3A_636], %get3A_640 : memref<32x129xf32, #tpu.memory_space<vmem>>[vector<16xi32>, vector<16xi32>], vector<16xf32>,
      %get3A_641 = arith.constant 46 : i32
      %get3A_642 = arith.index_cast %get3A_641 : i32 to index
      %get3A_643 = arith.constant 16 : index
      %get3A_644 = tpu.vector_load %arg6[%get3A_642, %get3A_643] {strides = array<i32>} : memref<128x32xf32, #tpu.memory_space<vmem>>, vector<16xf32>,
      tpu.vector_store_idx %arg8[%add3A_9, %broadcast_in_dim3A_636], %get3A_644 : memref<32x129xf32, #tpu.memory_space<vmem>>[vector<16xi32>, vector<16xi32>], vector<16xf32>,
      %broadcast_in_dim3A_645 = arith.constant 47 : i32
      %broadcast_in_dim3A_646 = vector.broadcast %broadcast_in_dim3A_645 : i32 to vector<16xi32>
      %get3A_647 = arith.constant 47 : i32
      %get3A_648 = arith.index_cast %get3A_647 : i32 to index
      %get3A_649 = arith.constant 0 : index
      %get3A_650 = tpu.vector_load %arg6[%get3A_648, %get3A_649] {strides = array<i32>} : memref<128x32xf32, #tpu.memory_space<vmem>>, vector<16xf32>,
      tpu.vector_store_idx %arg8[%add3A_5, %broadcast_in_dim3A_646], %get3A_650 : memref<32x129xf32, #tpu.memory_space<vmem>>[vector<16xi32>, vector<16xi32>], vector<16xf32>,
      %get3A_651 = arith.constant 47 : i32
      %get3A_652 = arith.index_cast %get3A_651 : i32 to index
      %get3A_653 = arith.constant 16 : index
      %get3A_654 = tpu.vector_load %arg6[%get3A_652, %get3A_653] {strides = array<i32>} : memref<128x32xf32, #tpu.memory_space<vmem>>, vector<16xf32>,
      tpu.vector_store_idx %arg8[%add3A_9, %broadcast_in_dim3A_646], %get3A_654 : memref<32x129xf32, #tpu.memory_space<vmem>>[vector<16xi32>, vector<16xi32>], vector<16xf32>,
      %broadcast_in_dim3A_655 = arith.constant 48 : i32
      %broadcast_in_dim3A_656 = vector.broadcast %broadcast_in_dim3A_655 : i32 to vector<16xi32>
      %get3A_657 = arith.constant 48 : i32
      %get3A_658 = arith.index_cast %get3A_657 : i32 to index
      %get3A_659 = arith.constant 0 : index
      %get3A_660 = tpu.vector_load %arg6[%get3A_658, %get3A_659] {strides = array<i32>} : memref<128x32xf32, #tpu.memory_space<vmem>>, vector<16xf32>,
      tpu.vector_store_idx %arg8[%add3A_5, %broadcast_in_dim3A_656], %get3A_660 : memref<32x129xf32, #tpu.memory_space<vmem>>[vector<16xi32>, vector<16xi32>], vector<16xf32>,
      %get3A_661 = arith.constant 48 : i32
      %get3A_662 = arith.index_cast %get3A_661 : i32 to index
      %get3A_663 = arith.constant 16 : index
      %get3A_664 = tpu.vector_load %arg6[%get3A_662, %get3A_663] {strides = array<i32>} : memref<128x32xf32, #tpu.memory_space<vmem>>, vector<16xf32>,
      tpu.vector_store_idx %arg8[%add3A_9, %broadcast_in_dim3A_656], %get3A_664 : memref<32x129xf32, #tpu.memory_space<vmem>>[vector<16xi32>, vector<16xi32>], vector<16xf32>,
      %broadcast_in_dim3A_665 = arith.constant 49 : i32
      %broadcast_in_dim3A_666 = vector.broadcast %broadcast_in_dim3A_665 : i32 to vector<16xi32>
      %get3A_667 = arith.constant 49 : i32
      %get3A_668 = arith.index_cast %get3A_667 : i32 to index
      %get3A_669 = arith.constant 0 : index
      %get3A_670 = tpu.vector_load %arg6[%get3A_668, %get3A_669] {strides = array<i32>} : memref<128x32xf32, #tpu.memory_space<vmem>>, vector<16xf32>,
      tpu.vector_store_idx %arg8[%add3A_5, %broadcast_in_dim3A_666], %get3A_670 : memref<32x129xf32, #tpu.memory_space<vmem>>[vector<16xi32>, vector<16xi32>], vector<16xf32>,
      %get3A_671 = arith.constant 49 : i32
      %get3A_672 = arith.index_cast %get3A_671 : i32 to index
      %get3A_673 = arith.constant 16 : index
      %get3A_674 = tpu.vector_load %arg6[%get3A_672, %get3A_673] {strides = array<i32>} : memref<128x32xf32, #tpu.memory_space<vmem>>, vector<16xf32>,
      tpu.vector_store_idx %arg8[%add3A_9, %broadcast_in_dim3A_666], %get3A_674 : memref<32x129xf32, #tpu.memory_space<vmem>>[vector<16xi32>, vector<16xi32>], vector<16xf32>,
      %broadcast_in_dim3A_675 = arith.constant 50 : i32
      %broadcast_in_dim3A_676 = vector.broadcast %broadcast_in_dim3A_675 : i32 to vector<16xi32>
      %get3A_677 = arith.constant 50 : i32
      %get3A_678 = arith.index_cast %get3A_677 : i32 to index
      %get3A_679 = arith.constant 0 : index
      %get3A_680 = tpu.vector_load %arg6[%get3A_678, %get3A_679] {strides = array<i32>} : memref<128x32xf32, #tpu.memory_space<vmem>>, vector<16xf32>,
      tpu.vector_store_idx %arg8[%add3A_5, %broadcast_in_dim3A_676], %get3A_680 : memref<32x129xf32, #tpu.memory_space<vmem>>[vector<16xi32>, vector<16xi32>], vector<16xf32>,
      %get3A_681 = arith.constant 50 : i32
      %get3A_682 = arith.index_cast %get3A_681 : i32 to index
      %get3A_683 = arith.constant 16 : index
      %get3A_684 = tpu.vector_load %arg6[%get3A_682, %get3A_683] {strides = array<i32>} : memref<128x32xf32, #tpu.memory_space<vmem>>, vector<16xf32>,
      tpu.vector_store_idx %arg8[%add3A_9, %broadcast_in_dim3A_676], %get3A_684 : memref<32x129xf32, #tpu.memory_space<vmem>>[vector<16xi32>, vector<16xi32>], vector<16xf32>,
      %broadcast_in_dim3A_685 = arith.constant 51 : i32
      %broadcast_in_dim3A_686 = vector.broadcast %broadcast_in_dim3A_685 : i32 to vector<16xi32>
      %get3A_687 = arith.constant 51 : i32
      %get3A_688 = arith.index_cast %get3A_687 : i32 to index
      %get3A_689 = arith.constant 0 : index
      %get3A_690 = tpu.vector_load %arg6[%get3A_688, %get3A_689] {strides = array<i32>} : memref<128x32xf32, #tpu.memory_space<vmem>>, vector<16xf32>,
      tpu.vector_store_idx %arg8[%add3A_5, %broadcast_in_dim3A_686], %get3A_690 : memref<32x129xf32, #tpu.memory_space<vmem>>[vector<16xi32>, vector<16xi32>], vector<16xf32>,
      %get3A_691 = arith.constant 51 : i32
      %get3A_692 = arith.index_cast %get3A_691 : i32 to index
      %get3A_693 = arith.constant 16 : index
      %get3A_694 = tpu.vector_load %arg6[%get3A_692, %get3A_693] {strides = array<i32>} : memref<128x32xf32, #tpu.memory_space<vmem>>, vector<16xf32>,
      tpu.vector_store_idx %arg8[%add3A_9, %broadcast_in_dim3A_686], %get3A_694 : memref<32x129xf32, #tpu.memory_space<vmem>>[vector<16xi32>, vector<16xi32>], vector<16xf32>,
      %broadcast_in_dim3A_695 = arith.constant 52 : i32
      %broadcast_in_dim3A_696 = vector.broadcast %broadcast_in_dim3A_695 : i32 to vector<16xi32>
      %get3A_697 = arith.constant 52 : i32
      %get3A_698 = arith.index_cast %get3A_697 : i32 to index
      %get3A_699 = arith.constant 0 : index
      %get3A_700 = tpu.vector_load %arg6[%get3A_698, %get3A_699] {strides = array<i32>} : memref<128x32xf32, #tpu.memory_space<vmem>>, vector<16xf32>,
      tpu.vector_store_idx %arg8[%add3A_5, %broadcast_in_dim3A_696], %get3A_700 : memref<32x129xf32, #tpu.memory_space<vmem>>[vector<16xi32>, vector<16xi32>], vector<16xf32>,
      %get3A_701 = arith.constant 52 : i32
      %get3A_702 = arith.index_cast %get3A_701 : i32 to index
      %get3A_703 = arith.constant 16 : index
      %get3A_704 = tpu.vector_load %arg6[%get3A_702, %get3A_703] {strides = array<i32>} : memref<128x32xf32, #tpu.memory_space<vmem>>, vector<16xf32>,
      tpu.vector_store_idx %arg8[%add3A_9, %broadcast_in_dim3A_696], %get3A_704 : memref<32x129xf32, #tpu.memory_space<vmem>>[vector<16xi32>, vector<16xi32>], vector<16xf32>,
      %broadcast_in_dim3A_705 = arith.constant 53 : i32
      %broadcast_in_dim3A_706 = vector.broadcast %broadcast_in_dim3A_705 : i32 to vector<16xi32>
      %get3A_707 = arith.constant 53 : i32
      %get3A_708 = arith.index_cast %get3A_707 : i32 to index
      %get3A_709 = arith.constant 0 : index
      %get3A_710 = tpu.vector_load %arg6[%get3A_708, %get3A_709] {strides = array<i32>} : memref<128x32xf32, #tpu.memory_space<vmem>>, vector<16xf32>,
      tpu.vector_store_idx %arg8[%add3A_5, %broadcast_in_dim3A_706], %get3A_710 : memref<32x129xf32, #tpu.memory_space<vmem>>[vector<16xi32>, vector<16xi32>], vector<16xf32>,
      %get3A_711 = arith.constant 53 : i32
      %get3A_712 = arith.index_cast %get3A_711 : i32 to index
      %get3A_713 = arith.constant 16 : index
      %get3A_714 = tpu.vector_load %arg6[%get3A_712, %get3A_713] {strides = array<i32>} : memref<128x32xf32, #tpu.memory_space<vmem>>, vector<16xf32>,
      tpu.vector_store_idx %arg8[%add3A_9, %broadcast_in_dim3A_706], %get3A_714 : memref<32x129xf32, #tpu.memory_space<vmem>>[vector<16xi32>, vector<16xi32>], vector<16xf32>,
      %broadcast_in_dim3A_715 = arith.constant 54 : i32
      %broadcast_in_dim3A_716 = vector.broadcast %broadcast_in_dim3A_715 : i32 to vector<16xi32>
      %get3A_717 = arith.constant 54 : i32
      %get3A_718 = arith.index_cast %get3A_717 : i32 to index
      %get3A_719 = arith.constant 0 : index
      %get3A_720 = tpu.vector_load %arg6[%get3A_718, %get3A_719] {strides = array<i32>} : memref<128x32xf32, #tpu.memory_space<vmem>>, vector<16xf32>,
      tpu.vector_store_idx %arg8[%add3A_5, %broadcast_in_dim3A_716], %get3A_720 : memref<32x129xf32, #tpu.memory_space<vmem>>[vector<16xi32>, vector<16xi32>], vector<16xf32>,
      %get3A_721 = arith.constant 54 : i32
      %get3A_722 = arith.index_cast %get3A_721 : i32 to index
      %get3A_723 = arith.constant 16 : index
      %get3A_724 = tpu.vector_load %arg6[%get3A_722, %get3A_723] {strides = array<i32>} : memref<128x32xf32, #tpu.memory_space<vmem>>, vector<16xf32>,
      tpu.vector_store_idx %arg8[%add3A_9, %broadcast_in_dim3A_716], %get3A_724 : memref<32x129xf32, #tpu.memory_space<vmem>>[vector<16xi32>, vector<16xi32>], vector<16xf32>,
      %broadcast_in_dim3A_725 = arith.constant 55 : i32
      %broadcast_in_dim3A_726 = vector.broadcast %broadcast_in_dim3A_725 : i32 to vector<16xi32>
      %get3A_727 = arith.constant 55 : i32
      %get3A_728 = arith.index_cast %get3A_727 : i32 to index
      %get3A_729 = arith.constant 0 : index
      %get3A_730 = tpu.vector_load %arg6[%get3A_728, %get3A_729] {strides = array<i32>} : memref<128x32xf32, #tpu.memory_space<vmem>>, vector<16xf32>,
      tpu.vector_store_idx %arg8[%add3A_5, %broadcast_in_dim3A_726], %get3A_730 : memref<32x129xf32, #tpu.memory_space<vmem>>[vector<16xi32>, vector<16xi32>], vector<16xf32>,
      %get3A_731 = arith.constant 55 : i32
      %get3A_732 = arith.index_cast %get3A_731 : i32 to index
      %get3A_733 = arith.constant 16 : index
      %get3A_734 = tpu.vector_load %arg6[%get3A_732, %get3A_733] {strides = array<i32>} : memref<128x32xf32, #tpu.memory_space<vmem>>, vector<16xf32>,
      tpu.vector_store_idx %arg8[%add3A_9, %broadcast_in_dim3A_726], %get3A_734 : memref<32x129xf32, #tpu.memory_space<vmem>>[vector<16xi32>, vector<16xi32>], vector<16xf32>,
      %broadcast_in_dim3A_735 = arith.constant 56 : i32
      %broadcast_in_dim3A_736 = vector.broadcast %broadcast_in_dim3A_735 : i32 to vector<16xi32>
      %get3A_737 = arith.constant 56 : i32
      %get3A_738 = arith.index_cast %get3A_737 : i32 to index
      %get3A_739 = arith.constant 0 : index
      %get3A_740 = tpu.vector_load %arg6[%get3A_738, %get3A_739] {strides = array<i32>} : memref<128x32xf32, #tpu.memory_space<vmem>>, vector<16xf32>,
      tpu.vector_store_idx %arg8[%add3A_5, %broadcast_in_dim3A_736], %get3A_740 : memref<32x129xf32, #tpu.memory_space<vmem>>[vector<16xi32>, vector<16xi32>], vector<16xf32>,
      %get3A_741 = arith.constant 56 : i32
      %get3A_742 = arith.index_cast %get3A_741 : i32 to index
      %get3A_743 = arith.constant 16 : index
      %get3A_744 = tpu.vector_load %arg6[%get3A_742, %get3A_743] {strides = array<i32>} : memref<128x32xf32, #tpu.memory_space<vmem>>, vector<16xf32>,
      tpu.vector_store_idx %arg8[%add3A_9, %broadcast_in_dim3A_736], %get3A_744 : memref<32x129xf32, #tpu.memory_space<vmem>>[vector<16xi32>, vector<16xi32>], vector<16xf32>,
      %broadcast_in_dim3A_745 = arith.constant 57 : i32
      %broadcast_in_dim3A_746 = vector.broadcast %broadcast_in_dim3A_745 : i32 to vector<16xi32>
      %get3A_747 = arith.constant 57 : i32
      %get3A_748 = arith.index_cast %get3A_747 : i32 to index
      %get3A_749 = arith.constant 0 : index
      %get3A_750 = tpu.vector_load %arg6[%get3A_748, %get3A_749] {strides = array<i32>} : memref<128x32xf32, #tpu.memory_space<vmem>>, vector<16xf32>,
      tpu.vector_store_idx %arg8[%add3A_5, %broadcast_in_dim3A_746], %get3A_750 : memref<32x129xf32, #tpu.memory_space<vmem>>[vector<16xi32>, vector<16xi32>], vector<16xf32>,
      %get3A_751 = arith.constant 57 : i32
      %get3A_752 = arith.index_cast %get3A_751 : i32 to index
      %get3A_753 = arith.constant 16 : index
      %get3A_754 = tpu.vector_load %arg6[%get3A_752, %get3A_753] {strides = array<i32>} : memref<128x32xf32, #tpu.memory_space<vmem>>, vector<16xf32>,
      tpu.vector_store_idx %arg8[%add3A_9, %broadcast_in_dim3A_746], %get3A_754 : memref<32x129xf32, #tpu.memory_space<vmem>>[vector<16xi32>, vector<16xi32>], vector<16xf32>,
      %broadcast_in_dim3A_755 = arith.constant 58 : i32
      %broadcast_in_dim3A_756 = vector.broadcast %broadcast_in_dim3A_755 : i32 to vector<16xi32>
      %get3A_757 = arith.constant 58 : i32
      %get3A_758 = arith.index_cast %get3A_757 : i32 to index
      %get3A_759 = arith.constant 0 : index
      %get3A_760 = tpu.vector_load %arg6[%get3A_758, %get3A_759] {strides = array<i32>} : memref<128x32xf32, #tpu.memory_space<vmem>>, vector<16xf32>,
      tpu.vector_store_idx %arg8[%add3A_5, %broadcast_in_dim3A_756], %get3A_760 : memref<32x129xf32, #tpu.memory_space<vmem>>[vector<16xi32>, vector<16xi32>], vector<16xf32>,
      %get3A_761 = arith.constant 58 : i32
      %get3A_762 = arith.index_cast %get3A_761 : i32 to index
      %get3A_763 = arith.constant 16 : index
      %get3A_764 = tpu.vector_load %arg6[%get3A_762, %get3A_763] {strides = array<i32>} : memref<128x32xf32, #tpu.memory_space<vmem>>, vector<16xf32>,
      tpu.vector_store_idx %arg8[%add3A_9, %broadcast_in_dim3A_756], %get3A_764 : memref<32x129xf32, #tpu.memory_space<vmem>>[vector<16xi32>, vector<16xi32>], vector<16xf32>,
      %broadcast_in_dim3A_765 = arith.constant 59 : i32
      %broadcast_in_dim3A_766 = vector.broadcast %broadcast_in_dim3A_765 : i32 to vector<16xi32>
      %get3A_767 = arith.constant 59 : i32
      %get3A_768 = arith.index_cast %get3A_767 : i32 to index
      %get3A_769 = arith.constant 0 : index
      %get3A_770 = tpu.vector_load %arg6[%get3A_768, %get3A_769] {strides = array<i32>} : memref<128x32xf32, #tpu.memory_space<vmem>>, vector<16xf32>,
      tpu.vector_store_idx %arg8[%add3A_5, %broadcast_in_dim3A_766], %get3A_770 : memref<32x129xf32, #tpu.memory_space<vmem>>[vector<16xi32>, vector<16xi32>], vector<16xf32>,
      %get3A_771 = arith.constant 59 : i32
      %get3A_772 = arith.index_cast %get3A_771 : i32 to index
      %get3A_773 = arith.constant 16 : index
      %get3A_774 = tpu.vector_load %arg6[%get3A_772, %get3A_773] {strides = array<i32>} : memref<128x32xf32, #tpu.memory_space<vmem>>, vector<16xf32>,
      tpu.vector_store_idx %arg8[%add3A_9, %broadcast_in_dim3A_766], %get3A_774 : memref<32x129xf32, #tpu.memory_space<vmem>>[vector<16xi32>, vector<16xi32>], vector<16xf32>,
      %broadcast_in_dim3A_775 = arith.constant 60 : i32
      %broadcast_in_dim3A_776 = vector.broadcast %broadcast_in_dim3A_775 : i32 to vector<16xi32>
      %get3A_777 = arith.constant 60 : i32
      %get3A_778 = arith.index_cast %get3A_777 : i32 to index
      %get3A_779 = arith.constant 0 : index
      %get3A_780 = tpu.vector_load %arg6[%get3A_778, %get3A_779] {strides = array<i32>} : memref<128x32xf32, #tpu.memory_space<vmem>>, vector<16xf32>,
      tpu.vector_store_idx %arg8[%add3A_5, %broadcast_in_dim3A_776], %get3A_780 : memref<32x129xf32, #tpu.memory_space<vmem>>[vector<16xi32>, vector<16xi32>], vector<16xf32>,
      %get3A_781 = arith.constant 60 : i32
      %get3A_782 = arith.index_cast %get3A_781 : i32 to index
      %get3A_783 = arith.constant 16 : index
      %get3A_784 = tpu.vector_load %arg6[%get3A_782, %get3A_783] {strides = array<i32>} : memref<128x32xf32, #tpu.memory_space<vmem>>, vector<16xf32>,
      tpu.vector_store_idx %arg8[%add3A_9, %broadcast_in_dim3A_776], %get3A_784 : memref<32x129xf32, #tpu.memory_space<vmem>>[vector<16xi32>, vector<16xi32>], vector<16xf32>,
      %broadcast_in_dim3A_785 = arith.constant 61 : i32
      %broadcast_in_dim3A_786 = vector.broadcast %broadcast_in_dim3A_785 : i32 to vector<16xi32>
      %get3A_787 = arith.constant 61 : i32
      %get3A_788 = arith.index_cast %get3A_787 : i32 to index
      %get3A_789 = arith.constant 0 : index
      %get3A_790 = tpu.vector_load %arg6[%get3A_788, %get3A_789] {strides = array<i32>} : memref<128x32xf32, #tpu.memory_space<vmem>>, vector<16xf32>,
      tpu.vector_store_idx %arg8[%add3A_5, %broadcast_in_dim3A_786], %get3A_790 : memref<32x129xf32, #tpu.memory_space<vmem>>[vector<16xi32>, vector<16xi32>], vector<16xf32>,
      %get3A_791 = arith.constant 61 : i32
      %get3A_792 = arith.index_cast %get3A_791 : i32 to index
      %get3A_793 = arith.constant 16 : index
      %get3A_794 = tpu.vector_load %arg6[%get3A_792, %get3A_793] {strides = array<i32>} : memref<128x32xf32, #tpu.memory_space<vmem>>, vector<16xf32>,
      tpu.vector_store_idx %arg8[%add3A_9, %broadcast_in_dim3A_786], %get3A_794 : memref<32x129xf32, #tpu.memory_space<vmem>>[vector<16xi32>, vector<16xi32>], vector<16xf32>,
      %broadcast_in_dim3A_795 = arith.constant 62 : i32
      %broadcast_in_dim3A_796 = vector.broadcast %broadcast_in_dim3A_795 : i32 to vector<16xi32>
      %get3A_797 = arith.constant 62 : i32
      %get3A_798 = arith.index_cast %get3A_797 : i32 to index
      %get3A_799 = arith.constant 0 : index
      %get3A_800 = tpu.vector_load %arg6[%get3A_798, %get3A_799] {strides = array<i32>} : memref<128x32xf32, #tpu.memory_space<vmem>>, vector<16xf32>,
      tpu.vector_store_idx %arg8[%add3A_5, %broadcast_in_dim3A_796], %get3A_800 : memref<32x129xf32, #tpu.memory_space<vmem>>[vector<16xi32>, vector<16xi32>], vector<16xf32>,
      %get3A_801 = arith.constant 62 : i32
      %get3A_802 = arith.index_cast %get3A_801 : i32 to index
      %get3A_803 = arith.constant 16 : index
      %get3A_804 = tpu.vector_load %arg6[%get3A_802, %get3A_803] {strides = array<i32>} : memref<128x32xf32, #tpu.memory_space<vmem>>, vector<16xf32>,
      tpu.vector_store_idx %arg8[%add3A_9, %broadcast_in_dim3A_796], %get3A_804 : memref<32x129xf32, #tpu.memory_space<vmem>>[vector<16xi32>, vector<16xi32>], vector<16xf32>,
      %broadcast_in_dim3A_805 = arith.constant 63 : i32
      %broadcast_in_dim3A_806 = vector.broadcast %broadcast_in_dim3A_805 : i32 to vector<16xi32>
      %get3A_807 = arith.constant 63 : i32
      %get3A_808 = arith.index_cast %get3A_807 : i32 to index
      %get3A_809 = arith.constant 0 : index
      %get3A_810 = tpu.vector_load %arg6[%get3A_808, %get3A_809] {strides = array<i32>} : memref<128x32xf32, #tpu.memory_space<vmem>>, vector<16xf32>,
      tpu.vector_store_idx %arg8[%add3A_5, %broadcast_in_dim3A_806], %get3A_810 : memref<32x129xf32, #tpu.memory_space<vmem>>[vector<16xi32>, vector<16xi32>], vector<16xf32>,
      %get3A_811 = arith.constant 63 : i32
      %get3A_812 = arith.index_cast %get3A_811 : i32 to index
      %get3A_813 = arith.constant 16 : index
      %get3A_814 = tpu.vector_load %arg6[%get3A_812, %get3A_813] {strides = array<i32>} : memref<128x32xf32, #tpu.memory_space<vmem>>, vector<16xf32>,
      tpu.vector_store_idx %arg8[%add3A_9, %broadcast_in_dim3A_806], %get3A_814 : memref<32x129xf32, #tpu.memory_space<vmem>>[vector<16xi32>, vector<16xi32>], vector<16xf32>,
      %broadcast_in_dim3A_815 = arith.constant 64 : i32
      %broadcast_in_dim3A_816 = vector.broadcast %broadcast_in_dim3A_815 : i32 to vector<16xi32>
      %get3A_817 = arith.constant 64 : i32
      %get3A_818 = arith.index_cast %get3A_817 : i32 to index
      %get3A_819 = arith.constant 0 : index
      %get3A_820 = tpu.vector_load %arg6[%get3A_818, %get3A_819] {strides = array<i32>} : memref<128x32xf32, #tpu.memory_space<vmem>>, vector<16xf32>,
      tpu.vector_store_idx %arg8[%add3A_5, %broadcast_in_dim3A_816], %get3A_820 : memref<32x129xf32, #tpu.memory_space<vmem>>[vector<16xi32>, vector<16xi32>], vector<16xf32>,
      %get3A_821 = arith.constant 64 : i32
      %get3A_822 = arith.index_cast %get3A_821 : i32 to index
      %get3A_823 = arith.constant 16 : index
      %get3A_824 = tpu.vector_load %arg6[%get3A_822, %get3A_823] {strides = array<i32>} : memref<128x32xf32, #tpu.memory_space<vmem>>, vector<16xf32>,
      tpu.vector_store_idx %arg8[%add3A_9, %broadcast_in_dim3A_816], %get3A_824 : memref<32x129xf32, #tpu.memory_space<vmem>>[vector<16xi32>, vector<16xi32>], vector<16xf32>,
      %broadcast_in_dim3A_825 = arith.constant 65 : i32
      %broadcast_in_dim3A_826 = vector.broadcast %broadcast_in_dim3A_825 : i32 to vector<16xi32>
      %get3A_827 = arith.constant 65 : i32
      %get3A_828 = arith.index_cast %get3A_827 : i32 to index
      %get3A_829 = arith.constant 0 : index
      %get3A_830 = tpu.vector_load %arg6[%get3A_828, %get3A_829] {strides = array<i32>} : memref<128x32xf32, #tpu.memory_space<vmem>>, vector<16xf32>,
      tpu.vector_store_idx %arg8[%add3A_5, %broadcast_in_dim3A_826], %get3A_830 : memref<32x129xf32, #tpu.memory_space<vmem>>[vector<16xi32>, vector<16xi32>], vector<16xf32>,
      %get3A_831 = arith.constant 65 : i32
      %get3A_832 = arith.index_cast %get3A_831 : i32 to index
      %get3A_833 = arith.constant 16 : index
      %get3A_834 = tpu.vector_load %arg6[%get3A_832, %get3A_833] {strides = array<i32>} : memref<128x32xf32, #tpu.memory_space<vmem>>, vector<16xf32>,
      tpu.vector_store_idx %arg8[%add3A_9, %broadcast_in_dim3A_826], %get3A_834 : memref<32x129xf32, #tpu.memory_space<vmem>>[vector<16xi32>, vector<16xi32>], vector<16xf32>,
      %broadcast_in_dim3A_835 = arith.constant 66 : i32
      %broadcast_in_dim3A_836 = vector.broadcast %broadcast_in_dim3A_835 : i32 to vector<16xi32>
      %get3A_837 = arith.constant 66 : i32
      %get3A_838 = arith.index_cast %get3A_837 : i32 to index
      %get3A_839 = arith.constant 0 : index
      %get3A_840 = tpu.vector_load %arg6[%get3A_838, %get3A_839] {strides = array<i32>} : memref<128x32xf32, #tpu.memory_space<vmem>>, vector<16xf32>,
      tpu.vector_store_idx %arg8[%add3A_5, %broadcast_in_dim3A_836], %get3A_840 : memref<32x129xf32, #tpu.memory_space<vmem>>[vector<16xi32>, vector<16xi32>], vector<16xf32>,
      %get3A_841 = arith.constant 66 : i32
      %get3A_842 = arith.index_cast %get3A_841 : i32 to index
      %get3A_843 = arith.constant 16 : index
      %get3A_844 = tpu.vector_load %arg6[%get3A_842, %get3A_843] {strides = array<i32>} : memref<128x32xf32, #tpu.memory_space<vmem>>, vector<16xf32>,
      tpu.vector_store_idx %arg8[%add3A_9, %broadcast_in_dim3A_836], %get3A_844 : memref<32x129xf32, #tpu.memory_space<vmem>>[vector<16xi32>, vector<16xi32>], vector<16xf32>,
      %broadcast_in_dim3A_845 = arith.constant 67 : i32
      %broadcast_in_dim3A_846 = vector.broadcast %broadcast_in_dim3A_845 : i32 to vector<16xi32>
      %get3A_847 = arith.constant 67 : i32
      %get3A_848 = arith.index_cast %get3A_847 : i32 to index
      %get3A_849 = arith.constant 0 : index
      %get3A_850 = tpu.vector_load %arg6[%get3A_848, %get3A_849] {strides = array<i32>} : memref<128x32xf32, #tpu.memory_space<vmem>>, vector<16xf32>,
      tpu.vector_store_idx %arg8[%add3A_5, %broadcast_in_dim3A_846], %get3A_850 : memref<32x129xf32, #tpu.memory_space<vmem>>[vector<16xi32>, vector<16xi32>], vector<16xf32>,
      %get3A_851 = arith.constant 67 : i32
      %get3A_852 = arith.index_cast %get3A_851 : i32 to index
      %get3A_853 = arith.constant 16 : index
      %get3A_854 = tpu.vector_load %arg6[%get3A_852, %get3A_853] {strides = array<i32>} : memref<128x32xf32, #tpu.memory_space<vmem>>, vector<16xf32>,
      tpu.vector_store_idx %arg8[%add3A_9, %broadcast_in_dim3A_846], %get3A_854 : memref<32x129xf32, #tpu.memory_space<vmem>>[vector<16xi32>, vector<16xi32>], vector<16xf32>,
      %broadcast_in_dim3A_855 = arith.constant 68 : i32
      %broadcast_in_dim3A_856 = vector.broadcast %broadcast_in_dim3A_855 : i32 to vector<16xi32>
      %get3A_857 = arith.constant 68 : i32
      %get3A_858 = arith.index_cast %get3A_857 : i32 to index
      %get3A_859 = arith.constant 0 : index
      %get3A_860 = tpu.vector_load %arg6[%get3A_858, %get3A_859] {strides = array<i32>} : memref<128x32xf32, #tpu.memory_space<vmem>>, vector<16xf32>,
      tpu.vector_store_idx %arg8[%add3A_5, %broadcast_in_dim3A_856], %get3A_860 : memref<32x129xf32, #tpu.memory_space<vmem>>[vector<16xi32>, vector<16xi32>], vector<16xf32>,
      %get3A_861 = arith.constant 68 : i32
      %get3A_862 = arith.index_cast %get3A_861 : i32 to index
      %get3A_863 = arith.constant 16 : index
      %get3A_864 = tpu.vector_load %arg6[%get3A_862, %get3A_863] {strides = array<i32>} : memref<128x32xf32, #tpu.memory_space<vmem>>, vector<16xf32>,
      tpu.vector_store_idx %arg8[%add3A_9, %broadcast_in_dim3A_856], %get3A_864 : memref<32x129xf32, #tpu.memory_space<vmem>>[vector<16xi32>, vector<16xi32>], vector<16xf32>,
      %broadcast_in_dim3A_865 = arith.constant 69 : i32
      %broadcast_in_dim3A_866 = vector.broadcast %broadcast_in_dim3A_865 : i32 to vector<16xi32>
      %get3A_867 = arith.constant 69 : i32
      %get3A_868 = arith.index_cast %get3A_867 : i32 to index
      %get3A_869 = arith.constant 0 : index
      %get3A_870 = tpu.vector_load %arg6[%get3A_868, %get3A_869] {strides = array<i32>} : memref<128x32xf32, #tpu.memory_space<vmem>>, vector<16xf32>,
      tpu.vector_store_idx %arg8[%add3A_5, %broadcast_in_dim3A_866], %get3A_870 : memref<32x129xf32, #tpu.memory_space<vmem>>[vector<16xi32>, vector<16xi32>], vector<16xf32>,
      %get3A_871 = arith.constant 69 : i32
      %get3A_872 = arith.index_cast %get3A_871 : i32 to index
      %get3A_873 = arith.constant 16 : index
      %get3A_874 = tpu.vector_load %arg6[%get3A_872, %get3A_873] {strides = array<i32>} : memref<128x32xf32, #tpu.memory_space<vmem>>, vector<16xf32>,
      tpu.vector_store_idx %arg8[%add3A_9, %broadcast_in_dim3A_866], %get3A_874 : memref<32x129xf32, #tpu.memory_space<vmem>>[vector<16xi32>, vector<16xi32>], vector<16xf32>,
      %broadcast_in_dim3A_875 = arith.constant 70 : i32
      %broadcast_in_dim3A_876 = vector.broadcast %broadcast_in_dim3A_875 : i32 to vector<16xi32>
      %get3A_877 = arith.constant 70 : i32
      %get3A_878 = arith.index_cast %get3A_877 : i32 to index
      %get3A_879 = arith.constant 0 : index
      %get3A_880 = tpu.vector_load %arg6[%get3A_878, %get3A_879] {strides = array<i32>} : memref<128x32xf32, #tpu.memory_space<vmem>>, vector<16xf32>,
      tpu.vector_store_idx %arg8[%add3A_5, %broadcast_in_dim3A_876], %get3A_880 : memref<32x129xf32, #tpu.memory_space<vmem>>[vector<16xi32>, vector<16xi32>], vector<16xf32>,
      %get3A_881 = arith.constant 70 : i32
      %get3A_882 = arith.index_cast %get3A_881 : i32 to index
      %get3A_883 = arith.constant 16 : index
      %get3A_884 = tpu.vector_load %arg6[%get3A_882, %get3A_883] {strides = array<i32>} : memref<128x32xf32, #tpu.memory_space<vmem>>, vector<16xf32>,
      tpu.vector_store_idx %arg8[%add3A_9, %broadcast_in_dim3A_876], %get3A_884 : memref<32x129xf32, #tpu.memory_space<vmem>>[vector<16xi32>, vector<16xi32>], vector<16xf32>,
      %broadcast_in_dim3A_885 = arith.constant 71 : i32
      %broadcast_in_dim3A_886 = vector.broadcast %broadcast_in_dim3A_885 : i32 to vector<16xi32>
      %get3A_887 = arith.constant 71 : i32
      %get3A_888 = arith.index_cast %get3A_887 : i32 to index
      %get3A_889 = arith.constant 0 : index
      %get3A_890 = tpu.vector_load %arg6[%get3A_888, %get3A_889] {strides = array<i32>} : memref<128x32xf32, #tpu.memory_space<vmem>>, vector<16xf32>,
      tpu.vector_store_idx %arg8[%add3A_5, %broadcast_in_dim3A_886], %get3A_890 : memref<32x129xf32, #tpu.memory_space<vmem>>[vector<16xi32>, vector<16xi32>], vector<16xf32>,
      %get3A_891 = arith.constant 71 : i32
      %get3A_892 = arith.index_cast %get3A_891 : i32 to index
      %get3A_893 = arith.constant 16 : index
      %get3A_894 = tpu.vector_load %arg6[%get3A_892, %get3A_893] {strides = array<i32>} : memref<128x32xf32, #tpu.memory_space<vmem>>, vector<16xf32>,
      tpu.vector_store_idx %arg8[%add3A_9, %broadcast_in_dim3A_886], %get3A_894 : memref<32x129xf32, #tpu.memory_space<vmem>>[vector<16xi32>, vector<16xi32>], vector<16xf32>,
      %broadcast_in_dim3A_895 = arith.constant 72 : i32
      %broadcast_in_dim3A_896 = vector.broadcast %broadcast_in_dim3A_895 : i32 to vector<16xi32>
      %get3A_897 = arith.constant 72 : i32
      %get3A_898 = arith.index_cast %get3A_897 : i32 to index
      %get3A_899 = arith.constant 0 : index
      %get3A_900 = tpu.vector_load %arg6[%get3A_898, %get3A_899] {strides = array<i32>} : memref<128x32xf32, #tpu.memory_space<vmem>>, vector<16xf32>,
      tpu.vector_store_idx %arg8[%add3A_5, %broadcast_in_dim3A_896], %get3A_900 : memref<32x129xf32, #tpu.memory_space<vmem>>[vector<16xi32>, vector<16xi32>], vector<16xf32>,
      %get3A_901 = arith.constant 72 : i32
      %get3A_902 = arith.index_cast %get3A_901 : i32 to index
      %get3A_903 = arith.constant 16 : index
      %get3A_904 = tpu.vector_load %arg6[%get3A_902, %get3A_903] {strides = array<i32>} : memref<128x32xf32, #tpu.memory_space<vmem>>, vector<16xf32>,
      tpu.vector_store_idx %arg8[%add3A_9, %broadcast_in_dim3A_896], %get3A_904 : memref<32x129xf32, #tpu.memory_space<vmem>>[vector<16xi32>, vector<16xi32>], vector<16xf32>,
      %broadcast_in_dim3A_905 = arith.constant 73 : i32
      %broadcast_in_dim3A_906 = vector.broadcast %broadcast_in_dim3A_905 : i32 to vector<16xi32>
      %get3A_907 = arith.constant 73 : i32
      %get3A_908 = arith.index_cast %get3A_907 : i32 to index
      %get3A_909 = arith.constant 0 : index
      %get3A_910 = tpu.vector_load %arg6[%get3A_908, %get3A_909] {strides = array<i32>} : memref<128x32xf32, #tpu.memory_space<vmem>>, vector<16xf32>,
      tpu.vector_store_idx %arg8[%add3A_5, %broadcast_in_dim3A_906], %get3A_910 : memref<32x129xf32, #tpu.memory_space<vmem>>[vector<16xi32>, vector<16xi32>], vector<16xf32>,
      %get3A_911 = arith.constant 73 : i32
      %get3A_912 = arith.index_cast %get3A_911 : i32 to index
      %get3A_913 = arith.constant 16 : index
      %get3A_914 = tpu.vector_load %arg6[%get3A_912, %get3A_913] {strides = array<i32>} : memref<128x32xf32, #tpu.memory_space<vmem>>, vector<16xf32>,
      tpu.vector_store_idx %arg8[%add3A_9, %broadcast_in_dim3A_906], %get3A_914 : memref<32x129xf32, #tpu.memory_space<vmem>>[vector<16xi32>, vector<16xi32>], vector<16xf32>,
      %broadcast_in_dim3A_915 = arith.constant 74 : i32
      %broadcast_in_dim3A_916 = vector.broadcast %broadcast_in_dim3A_915 : i32 to vector<16xi32>
      %get3A_917 = arith.constant 74 : i32
      %get3A_918 = arith.index_cast %get3A_917 : i32 to index
      %get3A_919 = arith.constant 0 : index
      %get3A_920 = tpu.vector_load %arg6[%get3A_918, %get3A_919] {strides = array<i32>} : memref<128x32xf32, #tpu.memory_space<vmem>>, vector<16xf32>,
      tpu.vector_store_idx %arg8[%add3A_5, %broadcast_in_dim3A_916], %get3A_920 : memref<32x129xf32, #tpu.memory_space<vmem>>[vector<16xi32>, vector<16xi32>], vector<16xf32>,
      %get3A_921 = arith.constant 74 : i32
      %get3A_922 = arith.index_cast %get3A_921 : i32 to index
      %get3A_923 = arith.constant 16 : index
      %get3A_924 = tpu.vector_load %arg6[%get3A_922, %get3A_923] {strides = array<i32>} : memref<128x32xf32, #tpu.memory_space<vmem>>, vector<16xf32>,
      tpu.vector_store_idx %arg8[%add3A_9, %broadcast_in_dim3A_916], %get3A_924 : memref<32x129xf32, #tpu.memory_space<vmem>>[vector<16xi32>, vector<16xi32>], vector<16xf32>,
      %broadcast_in_dim3A_925 = arith.constant 75 : i32
      %broadcast_in_dim3A_926 = vector.broadcast %broadcast_in_dim3A_925 : i32 to vector<16xi32>
      %get3A_927 = arith.constant 75 : i32
      %get3A_928 = arith.index_cast %get3A_927 : i32 to index
      %get3A_929 = arith.constant 0 : index
      %get3A_930 = tpu.vector_load %arg6[%get3A_928, %get3A_929] {strides = array<i32>} : memref<128x32xf32, #tpu.memory_space<vmem>>, vector<16xf32>,
      tpu.vector_store_idx %arg8[%add3A_5, %broadcast_in_dim3A_926], %get3A_930 : memref<32x129xf32, #tpu.memory_space<vmem>>[vector<16xi32>, vector<16xi32>], vector<16xf32>,
      %get3A_931 = arith.constant 75 : i32
      %get3A_932 = arith.index_cast %get3A_931 : i32 to index
      %get3A_933 = arith.constant 16 : index
      %get3A_934 = tpu.vector_load %arg6[%get3A_932, %get3A_933] {strides = array<i32>} : memref<128x32xf32, #tpu.memory_space<vmem>>, vector<16xf32>,
      tpu.vector_store_idx %arg8[%add3A_9, %broadcast_in_dim3A_926], %get3A_934 : memref<32x129xf32, #tpu.memory_space<vmem>>[vector<16xi32>, vector<16xi32>], vector<16xf32>,
      %broadcast_in_dim3A_935 = arith.constant 76 : i32
      %broadcast_in_dim3A_936 = vector.broadcast %broadcast_in_dim3A_935 : i32 to vector<16xi32>
      %get3A_937 = arith.constant 76 : i32
      %get3A_938 = arith.index_cast %get3A_937 : i32 to index
      %get3A_939 = arith.constant 0 : index
      %get3A_940 = tpu.vector_load %arg6[%get3A_938, %get3A_939] {strides = array<i32>} : memref<128x32xf32, #tpu.memory_space<vmem>>, vector<16xf32>,
      tpu.vector_store_idx %arg8[%add3A_5, %broadcast_in_dim3A_936], %get3A_940 : memref<32x129xf32, #tpu.memory_space<vmem>>[vector<16xi32>, vector<16xi32>], vector<16xf32>,
      %get3A_941 = arith.constant 76 : i32
      %get3A_942 = arith.index_cast %get3A_941 : i32 to index
      %get3A_943 = arith.constant 16 : index
      %get3A_944 = tpu.vector_load %arg6[%get3A_942, %get3A_943] {strides = array<i32>} : memref<128x32xf32, #tpu.memory_space<vmem>>, vector<16xf32>,
      tpu.vector_store_idx %arg8[%add3A_9, %broadcast_in_dim3A_936], %get3A_944 : memref<32x129xf32, #tpu.memory_space<vmem>>[vector<16xi32>, vector<16xi32>], vector<16xf32>,
      %broadcast_in_dim3A_945 = arith.constant 77 : i32
      %broadcast_in_dim3A_946 = vector.broadcast %broadcast_in_dim3A_945 : i32 to vector<16xi32>
      %get3A_947 = arith.constant 77 : i32
      %get3A_948 = arith.index_cast %get3A_947 : i32 to index
      %get3A_949 = arith.constant 0 : index
      %get3A_950 = tpu.vector_load %arg6[%get3A_948, %get3A_949] {strides = array<i32>} : memref<128x32xf32, #tpu.memory_space<vmem>>, vector<16xf32>,
      tpu.vector_store_idx %arg8[%add3A_5, %broadcast_in_dim3A_946], %get3A_950 : memref<32x129xf32, #tpu.memory_space<vmem>>[vector<16xi32>, vector<16xi32>], vector<16xf32>,
      %get3A_951 = arith.constant 77 : i32
      %get3A_952 = arith.index_cast %get3A_951 : i32 to index
      %get3A_953 = arith.constant 16 : index
      %get3A_954 = tpu.vector_load %arg6[%get3A_952, %get3A_953] {strides = array<i32>} : memref<128x32xf32, #tpu.memory_space<vmem>>, vector<16xf32>,
      tpu.vector_store_idx %arg8[%add3A_9, %broadcast_in_dim3A_946], %get3A_954 : memref<32x129xf32, #tpu.memory_space<vmem>>[vector<16xi32>, vector<16xi32>], vector<16xf32>,
      %broadcast_in_dim3A_955 = arith.constant 78 : i32
      %broadcast_in_dim3A_956 = vector.broadcast %broadcast_in_dim3A_955 : i32 to vector<16xi32>
      %get3A_957 = arith.constant 78 : i32
      %get3A_958 = arith.index_cast %get3A_957 : i32 to index
      %get3A_959 = arith.constant 0 : index
      %get3A_960 = tpu.vector_load %arg6[%get3A_958, %get3A_959] {strides = array<i32>} : memref<128x32xf32, #tpu.memory_space<vmem>>, vector<16xf32>,
      tpu.vector_store_idx %arg8[%add3A_5, %broadcast_in_dim3A_956], %get3A_960 : memref<32x129xf32, #tpu.memory_space<vmem>>[vector<16xi32>, vector<16xi32>], vector<16xf32>,
      %get3A_961 = arith.constant 78 : i32
      %get3A_962 = arith.index_cast %get3A_961 : i32 to index
      %get3A_963 = arith.constant 16 : index
      %get3A_964 = tpu.vector_load %arg6[%get3A_962, %get3A_963] {strides = array<i32>} : memref<128x32xf32, #tpu.memory_space<vmem>>, vector<16xf32>,
      tpu.vector_store_idx %arg8[%add3A_9, %broadcast_in_dim3A_956], %get3A_964 : memref<32x129xf32, #tpu.memory_space<vmem>>[vector<16xi32>, vector<16xi32>], vector<16xf32>,
      %broadcast_in_dim3A_965 = arith.constant 79 : i32
      %broadcast_in_dim3A_966 = vector.broadcast %broadcast_in_dim3A_965 : i32 to vector<16xi32>
      %get3A_967 = arith.constant 79 : i32
      %get3A_968 = arith.index_cast %get3A_967 : i32 to index
      %get3A_969 = arith.constant 0 : index
      %get3A_970 = tpu.vector_load %arg6[%get3A_968, %get3A_969] {strides = array<i32>} : memref<128x32xf32, #tpu.memory_space<vmem>>, vector<16xf32>,
      tpu.vector_store_idx %arg8[%add3A_5, %broadcast_in_dim3A_966], %get3A_970 : memref<32x129xf32, #tpu.memory_space<vmem>>[vector<16xi32>, vector<16xi32>], vector<16xf32>,
      %get3A_971 = arith.constant 79 : i32
      %get3A_972 = arith.index_cast %get3A_971 : i32 to index
      %get3A_973 = arith.constant 16 : index
      %get3A_974 = tpu.vector_load %arg6[%get3A_972, %get3A_973] {strides = array<i32>} : memref<128x32xf32, #tpu.memory_space<vmem>>, vector<16xf32>,
      tpu.vector_store_idx %arg8[%add3A_9, %broadcast_in_dim3A_966], %get3A_974 : memref<32x129xf32, #tpu.memory_space<vmem>>[vector<16xi32>, vector<16xi32>], vector<16xf32>,
      %broadcast_in_dim3A_975 = arith.constant 80 : i32
      %broadcast_in_dim3A_976 = vector.broadcast %broadcast_in_dim3A_975 : i32 to vector<16xi32>
      %get3A_977 = arith.constant 80 : i32
      %get3A_978 = arith.index_cast %get3A_977 : i32 to index
      %get3A_979 = arith.constant 0 : index
      %get3A_980 = tpu.vector_load %arg6[%get3A_978, %get3A_979] {strides = array<i32>} : memref<128x32xf32, #tpu.memory_space<vmem>>, vector<16xf32>,
      tpu.vector_store_idx %arg8[%add3A_5, %broadcast_in_dim3A_976], %get3A_980 : memref<32x129xf32, #tpu.memory_space<vmem>>[vector<16xi32>, vector<16xi32>], vector<16xf32>,
      %get3A_981 = arith.constant 80 : i32
      %get3A_982 = arith.index_cast %get3A_981 : i32 to index
      %get3A_983 = arith.constant 16 : index
      %get3A_984 = tpu.vector_load %arg6[%get3A_982, %get3A_983] {strides = array<i32>} : memref<128x32xf32, #tpu.memory_space<vmem>>, vector<16xf32>,
      tpu.vector_store_idx %arg8[%add3A_9, %broadcast_in_dim3A_976], %get3A_984 : memref<32x129xf32, #tpu.memory_space<vmem>>[vector<16xi32>, vector<16xi32>], vector<16xf32>,
      %broadcast_in_dim3A_985 = arith.constant 81 : i32
      %broadcast_in_dim3A_986 = vector.broadcast %broadcast_in_dim3A_985 : i32 to vector<16xi32>
      %get3A_987 = arith.constant 81 : i32
      %get3A_988 = arith.index_cast %get3A_987 : i32 to index
      %get3A_989 = arith.constant 0 : index
      %get3A_990 = tpu.vector_load %arg6[%get3A_988, %get3A_989] {strides = array<i32>} : memref<128x32xf32, #tpu.memory_space<vmem>>, vector<16xf32>,
      tpu.vector_store_idx %arg8[%add3A_5, %broadcast_in_dim3A_986], %get3A_990 : memref<32x129xf32, #tpu.memory_space<vmem>>[vector<16xi32>, vector<16xi32>], vector<16xf32>,
      %get3A_991 = arith.constant 81 : i32
      %get3A_992 = arith.index_cast %get3A_991 : i32 to index
      %get3A_993 = arith.constant 16 : index
      %get3A_994 = tpu.vector_load %arg6[%get3A_992, %get3A_993] {strides = array<i32>} : memref<128x32xf32, #tpu.memory_space<vmem>>, vector<16xf32>,
      tpu.vector_store_idx %arg8[%add3A_9, %broadcast_in_dim3A_986], %get3A_994 : memref<32x129xf32, #tpu.memory_space<vmem>>[vector<16xi32>, vector<16xi32>], vector<16xf32>,
      %broadcast_in_dim3A_995 = arith.constant 82 : i32
      %broadcast_in_dim3A_996 = vector.broadcast %broadcast_in_dim3A_995 : i32 to vector<16xi32>
      %get3A_997 = arith.constant 82 : i32
      %get3A_998 = arith.index_cast %get3A_997 : i32 to index
      %get3A_999 = arith.constant 0 : index
      %get3A_1000 = tpu.vector_load %arg6[%get3A_998, %get3A_999] {strides = array<i32>} : memref<128x32xf32, #tpu.memory_space<vmem>>, vector<16xf32>,
      tpu.vector_store_idx %arg8[%add3A_5, %broadcast_in_dim3A_996], %get3A_1000 : memref<32x129xf32, #tpu.memory_space<vmem>>[vector<16xi32>, vector<16xi32>], vector<16xf32>,
      %get3A_1001 = arith.constant 82 : i32
      %get3A_1002 = arith.index_cast %get3A_1001 : i32 to index
      %get3A_1003 = arith.constant 16 : index
      %get3A_1004 = tpu.vector_load %arg6[%get3A_1002, %get3A_1003] {strides = array<i32>} : memref<128x32xf32, #tpu.memory_space<vmem>>, vector<16xf32>,
      tpu.vector_store_idx %arg8[%add3A_9, %broadcast_in_dim3A_996], %get3A_1004 : memref<32x129xf32, #tpu.memory_space<vmem>>[vector<16xi32>, vector<16xi32>], vector<16xf32>,
      %broadcast_in_dim3A_1005 = arith.constant 83 : i32
      %broadcast_in_dim3A_1006 = vector.broadcast %broadcast_in_dim3A_1005 : i32 to vector<16xi32>
      %get3A_1007 = arith.constant 83 : i32
      %get3A_1008 = arith.index_cast %get3A_1007 : i32 to index
      %get3A_1009 = arith.constant 0 : index
      %get3A_1010 = tpu.vector_load %arg6[%get3A_1008, %get3A_1009] {strides = array<i32>} : memref<128x32xf32, #tpu.memory_space<vmem>>, vector<16xf32>,
      tpu.vector_store_idx %arg8[%add3A_5, %broadcast_in_dim3A_1006], %get3A_1010 : memref<32x129xf32, #tpu.memory_space<vmem>>[vector<16xi32>, vector<16xi32>], vector<16xf32>,
      %get3A_1011 = arith.constant 83 : i32
      %get3A_1012 = arith.index_cast %get3A_1011 : i32 to index
      %get3A_1013 = arith.constant 16 : index
      %get3A_1014 = tpu.vector_load %arg6[%get3A_1012, %get3A_1013] {strides = array<i32>} : memref<128x32xf32, #tpu.memory_space<vmem>>, vector<16xf32>,
      tpu.vector_store_idx %arg8[%add3A_9, %broadcast_in_dim3A_1006], %get3A_1014 : memref<32x129xf32, #tpu.memory_space<vmem>>[vector<16xi32>, vector<16xi32>], vector<16xf32>,
      %broadcast_in_dim3A_1015 = arith.constant 84 : i32
      %broadcast_in_dim3A_1016 = vector.broadcast %broadcast_in_dim3A_1015 : i32 to vector<16xi32>
      %get3A_1017 = arith.constant 84 : i32
      %get3A_1018 = arith.index_cast %get3A_1017 : i32 to index
      %get3A_1019 = arith.constant 0 : index
      %get3A_1020 = tpu.vector_load %arg6[%get3A_1018, %get3A_1019] {strides = array<i32>} : memref<128x32xf32, #tpu.memory_space<vmem>>, vector<16xf32>,
      tpu.vector_store_idx %arg8[%add3A_5, %broadcast_in_dim3A_1016], %get3A_1020 : memref<32x129xf32, #tpu.memory_space<vmem>>[vector<16xi32>, vector<16xi32>], vector<16xf32>,
      %get3A_1021 = arith.constant 84 : i32
      %get3A_1022 = arith.index_cast %get3A_1021 : i32 to index
      %get3A_1023 = arith.constant 16 : index
      %get3A_1024 = tpu.vector_load %arg6[%get3A_1022, %get3A_1023] {strides = array<i32>} : memref<128x32xf32, #tpu.memory_space<vmem>>, vector<16xf32>,
      tpu.vector_store_idx %arg8[%add3A_9, %broadcast_in_dim3A_1016], %get3A_1024 : memref<32x129xf32, #tpu.memory_space<vmem>>[vector<16xi32>, vector<16xi32>], vector<16xf32>,
      %broadcast_in_dim3A_1025 = arith.constant 85 : i32
      %broadcast_in_dim3A_1026 = vector.broadcast %broadcast_in_dim3A_1025 : i32 to vector<16xi32>
      %get3A_1027 = arith.constant 85 : i32
      %get3A_1028 = arith.index_cast %get3A_1027 : i32 to index
      %get3A_1029 = arith.constant 0 : index
      %get3A_1030 = tpu.vector_load %arg6[%get3A_1028, %get3A_1029] {strides = array<i32>} : memref<128x32xf32, #tpu.memory_space<vmem>>, vector<16xf32>,
      tpu.vector_store_idx %arg8[%add3A_5, %broadcast_in_dim3A_1026], %get3A_1030 : memref<32x129xf32, #tpu.memory_space<vmem>>[vector<16xi32>, vector<16xi32>], vector<16xf32>,
      %get3A_1031 = arith.constant 85 : i32
      %get3A_1032 = arith.index_cast %get3A_1031 : i32 to index
      %get3A_1033 = arith.constant 16 : index
      %get3A_1034 = tpu.vector_load %arg6[%get3A_1032, %get3A_1033] {strides = array<i32>} : memref<128x32xf32, #tpu.memory_space<vmem>>, vector<16xf32>,
      tpu.vector_store_idx %arg8[%add3A_9, %broadcast_in_dim3A_1026], %get3A_1034 : memref<32x129xf32, #tpu.memory_space<vmem>>[vector<16xi32>, vector<16xi32>], vector<16xf32>,
      %broadcast_in_dim3A_1035 = arith.constant 86 : i32
      %broadcast_in_dim3A_1036 = vector.broadcast %broadcast_in_dim3A_1035 : i32 to vector<16xi32>
      %get3A_1037 = arith.constant 86 : i32
      %get3A_1038 = arith.index_cast %get3A_1037 : i32 to index
      %get3A_1039 = arith.constant 0 : index
      %get3A_1040 = tpu.vector_load %arg6[%get3A_1038, %get3A_1039] {strides = array<i32>} : memref<128x32xf32, #tpu.memory_space<vmem>>, vector<16xf32>,
      tpu.vector_store_idx %arg8[%add3A_5, %broadcast_in_dim3A_1036], %get3A_1040 : memref<32x129xf32, #tpu.memory_space<vmem>>[vector<16xi32>, vector<16xi32>], vector<16xf32>,
      %get3A_1041 = arith.constant 86 : i32
      %get3A_1042 = arith.index_cast %get3A_1041 : i32 to index
      %get3A_1043 = arith.constant 16 : index
      %get3A_1044 = tpu.vector_load %arg6[%get3A_1042, %get3A_1043] {strides = array<i32>} : memref<128x32xf32, #tpu.memory_space<vmem>>, vector<16xf32>,
      tpu.vector_store_idx %arg8[%add3A_9, %broadcast_in_dim3A_1036], %get3A_1044 : memref<32x129xf32, #tpu.memory_space<vmem>>[vector<16xi32>, vector<16xi32>], vector<16xf32>,
      %broadcast_in_dim3A_1045 = arith.constant 87 : i32
      %broadcast_in_dim3A_1046 = vector.broadcast %broadcast_in_dim3A_1045 : i32 to vector<16xi32>
      %get3A_1047 = arith.constant 87 : i32
      %get3A_1048 = arith.index_cast %get3A_1047 : i32 to index
      %get3A_1049 = arith.constant 0 : index
      %get3A_1050 = tpu.vector_load %arg6[%get3A_1048, %get3A_1049] {strides = array<i32>} : memref<128x32xf32, #tpu.memory_space<vmem>>, vector<16xf32>,
      tpu.vector_store_idx %arg8[%add3A_5, %broadcast_in_dim3A_1046], %get3A_1050 : memref<32x129xf32, #tpu.memory_space<vmem>>[vector<16xi32>, vector<16xi32>], vector<16xf32>,
      %get3A_1051 = arith.constant 87 : i32
      %get3A_1052 = arith.index_cast %get3A_1051 : i32 to index
      %get3A_1053 = arith.constant 16 : index
      %get3A_1054 = tpu.vector_load %arg6[%get3A_1052, %get3A_1053] {strides = array<i32>} : memref<128x32xf32, #tpu.memory_space<vmem>>, vector<16xf32>,
      tpu.vector_store_idx %arg8[%add3A_9, %broadcast_in_dim3A_1046], %get3A_1054 : memref<32x129xf32, #tpu.memory_space<vmem>>[vector<16xi32>, vector<16xi32>], vector<16xf32>,
      %broadcast_in_dim3A_1055 = arith.constant 88 : i32
      %broadcast_in_dim3A_1056 = vector.broadcast %broadcast_in_dim3A_1055 : i32 to vector<16xi32>
      %get3A_1057 = arith.constant 88 : i32
      %get3A_1058 = arith.index_cast %get3A_1057 : i32 to index
      %get3A_1059 = arith.constant 0 : index
      %get3A_1060 = tpu.vector_load %arg6[%get3A_1058, %get3A_1059] {strides = array<i32>} : memref<128x32xf32, #tpu.memory_space<vmem>>, vector<16xf32>,
      tpu.vector_store_idx %arg8[%add3A_5, %broadcast_in_dim3A_1056], %get3A_1060 : memref<32x129xf32, #tpu.memory_space<vmem>>[vector<16xi32>, vector<16xi32>], vector<16xf32>,
      %get3A_1061 = arith.constant 88 : i32
      %get3A_1062 = arith.index_cast %get3A_1061 : i32 to index
      %get3A_1063 = arith.constant 16 : index
      %get3A_1064 = tpu.vector_load %arg6[%get3A_1062, %get3A_1063] {strides = array<i32>} : memref<128x32xf32, #tpu.memory_space<vmem>>, vector<16xf32>,
      tpu.vector_store_idx %arg8[%add3A_9, %broadcast_in_dim3A_1056], %get3A_1064 : memref<32x129xf32, #tpu.memory_space<vmem>>[vector<16xi32>, vector<16xi32>], vector<16xf32>,
      %broadcast_in_dim3A_1065 = arith.constant 89 : i32
      %broadcast_in_dim3A_1066 = vector.broadcast %broadcast_in_dim3A_1065 : i32 to vector<16xi32>
      %get3A_1067 = arith.constant 89 : i32
      %get3A_1068 = arith.index_cast %get3A_1067 : i32 to index
      %get3A_1069 = arith.constant 0 : index
      %get3A_1070 = tpu.vector_load %arg6[%get3A_1068, %get3A_1069] {strides = array<i32>} : memref<128x32xf32, #tpu.memory_space<vmem>>, vector<16xf32>,
      tpu.vector_store_idx %arg8[%add3A_5, %broadcast_in_dim3A_1066], %get3A_1070 : memref<32x129xf32, #tpu.memory_space<vmem>>[vector<16xi32>, vector<16xi32>], vector<16xf32>,
      %get3A_1071 = arith.constant 89 : i32
      %get3A_1072 = arith.index_cast %get3A_1071 : i32 to index
      %get3A_1073 = arith.constant 16 : index
      %get3A_1074 = tpu.vector_load %arg6[%get3A_1072, %get3A_1073] {strides = array<i32>} : memref<128x32xf32, #tpu.memory_space<vmem>>, vector<16xf32>,
      tpu.vector_store_idx %arg8[%add3A_9, %broadcast_in_dim3A_1066], %get3A_1074 : memref<32x129xf32, #tpu.memory_space<vmem>>[vector<16xi32>, vector<16xi32>], vector<16xf32>,
      %broadcast_in_dim3A_1075 = arith.constant 90 : i32
      %broadcast_in_dim3A_1076 = vector.broadcast %broadcast_in_dim3A_1075 : i32 to vector<16xi32>
      %get3A_1077 = arith.constant 90 : i32
      %get3A_1078 = arith.index_cast %get3A_1077 : i32 to index
      %get3A_1079 = arith.constant 0 : index
      %get3A_1080 = tpu.vector_load %arg6[%get3A_1078, %get3A_1079] {strides = array<i32>} : memref<128x32xf32, #tpu.memory_space<vmem>>, vector<16xf32>,
      tpu.vector_store_idx %arg8[%add3A_5, %broadcast_in_dim3A_1076], %get3A_1080 : memref<32x129xf32, #tpu.memory_space<vmem>>[vector<16xi32>, vector<16xi32>], vector<16xf32>,
      %get3A_1081 = arith.constant 90 : i32
      %get3A_1082 = arith.index_cast %get3A_1081 : i32 to index
      %get3A_1083 = arith.constant 16 : index
      %get3A_1084 = tpu.vector_load %arg6[%get3A_1082, %get3A_1083] {strides = array<i32>} : memref<128x32xf32, #tpu.memory_space<vmem>>, vector<16xf32>,
      tpu.vector_store_idx %arg8[%add3A_9, %broadcast_in_dim3A_1076], %get3A_1084 : memref<32x129xf32, #tpu.memory_space<vmem>>[vector<16xi32>, vector<16xi32>], vector<16xf32>,
      %broadcast_in_dim3A_1085 = arith.constant 91 : i32
      %broadcast_in_dim3A_1086 = vector.broadcast %broadcast_in_dim3A_1085 : i32 to vector<16xi32>
      %get3A_1087 = arith.constant 91 : i32
      %get3A_1088 = arith.index_cast %get3A_1087 : i32 to index
      %get3A_1089 = arith.constant 0 : index
      %get3A_1090 = tpu.vector_load %arg6[%get3A_1088, %get3A_1089] {strides = array<i32>} : memref<128x32xf32, #tpu.memory_space<vmem>>, vector<16xf32>,
      tpu.vector_store_idx %arg8[%add3A_5, %broadcast_in_dim3A_1086], %get3A_1090 : memref<32x129xf32, #tpu.memory_space<vmem>>[vector<16xi32>, vector<16xi32>], vector<16xf32>,
      %get3A_1091 = arith.constant 91 : i32
      %get3A_1092 = arith.index_cast %get3A_1091 : i32 to index
      %get3A_1093 = arith.constant 16 : index
      %get3A_1094 = tpu.vector_load %arg6[%get3A_1092, %get3A_1093] {strides = array<i32>} : memref<128x32xf32, #tpu.memory_space<vmem>>, vector<16xf32>,
      tpu.vector_store_idx %arg8[%add3A_9, %broadcast_in_dim3A_1086], %get3A_1094 : memref<32x129xf32, #tpu.memory_space<vmem>>[vector<16xi32>, vector<16xi32>], vector<16xf32>,
      %broadcast_in_dim3A_1095 = arith.constant 92 : i32
      %broadcast_in_dim3A_1096 = vector.broadcast %broadcast_in_dim3A_1095 : i32 to vector<16xi32>
      %get3A_1097 = arith.constant 92 : i32
      %get3A_1098 = arith.index_cast %get3A_1097 : i32 to index
      %get3A_1099 = arith.constant 0 : index
      %get3A_1100 = tpu.vector_load %arg6[%get3A_1098, %get3A_1099] {strides = array<i32>} : memref<128x32xf32, #tpu.memory_space<vmem>>, vector<16xf32>,
      tpu.vector_store_idx %arg8[%add3A_5, %broadcast_in_dim3A_1096], %get3A_1100 : memref<32x129xf32, #tpu.memory_space<vmem>>[vector<16xi32>, vector<16xi32>], vector<16xf32>,
      %get3A_1101 = arith.constant 92 : i32
      %get3A_1102 = arith.index_cast %get3A_1101 : i32 to index
      %get3A_1103 = arith.constant 16 : index
      %get3A_1104 = tpu.vector_load %arg6[%get3A_1102, %get3A_1103] {strides = array<i32>} : memref<128x32xf32, #tpu.memory_space<vmem>>, vector<16xf32>,
      tpu.vector_store_idx %arg8[%add3A_9, %broadcast_in_dim3A_1096], %get3A_1104 : memref<32x129xf32, #tpu.memory_space<vmem>>[vector<16xi32>, vector<16xi32>], vector<16xf32>,
      %broadcast_in_dim3A_1105 = arith.constant 93 : i32
      %broadcast_in_dim3A_1106 = vector.broadcast %broadcast_in_dim3A_1105 : i32 to vector<16xi32>
      %get3A_1107 = arith.constant 93 : i32
      %get3A_1108 = arith.index_cast %get3A_1107 : i32 to index
      %get3A_1109 = arith.constant 0 : index
      %get3A_1110 = tpu.vector_load %arg6[%get3A_1108, %get3A_1109] {strides = array<i32>} : memref<128x32xf32, #tpu.memory_space<vmem>>, vector<16xf32>,
      tpu.vector_store_idx %arg8[%add3A_5, %broadcast_in_dim3A_1106], %get3A_1110 : memref<32x129xf32, #tpu.memory_space<vmem>>[vector<16xi32>, vector<16xi32>], vector<16xf32>,
      %get3A_1111 = arith.constant 93 : i32
      %get3A_1112 = arith.index_cast %get3A_1111 : i32 to index
      %get3A_1113 = arith.constant 16 : index
      %get3A_1114 = tpu.vector_load %arg6[%get3A_1112, %get3A_1113] {strides = array<i32>} : memref<128x32xf32, #tpu.memory_space<vmem>>, vector<16xf32>,
      tpu.vector_store_idx %arg8[%add3A_9, %broadcast_in_dim3A_1106], %get3A_1114 : memref<32x129xf32, #tpu.memory_space<vmem>>[vector<16xi32>, vector<16xi32>], vector<16xf32>,
      %broadcast_in_dim3A_1115 = arith.constant 94 : i32
      %broadcast_in_dim3A_1116 = vector.broadcast %broadcast_in_dim3A_1115 : i32 to vector<16xi32>
      %get3A_1117 = arith.constant 94 : i32
      %get3A_1118 = arith.index_cast %get3A_1117 : i32 to index
      %get3A_1119 = arith.constant 0 : index
      %get3A_1120 = tpu.vector_load %arg6[%get3A_1118, %get3A_1119] {strides = array<i32>} : memref<128x32xf32, #tpu.memory_space<vmem>>, vector<16xf32>,
      tpu.vector_store_idx %arg8[%add3A_5, %broadcast_in_dim3A_1116], %get3A_1120 : memref<32x129xf32, #tpu.memory_space<vmem>>[vector<16xi32>, vector<16xi32>], vector<16xf32>,
      %get3A_1121 = arith.constant 94 : i32
      %get3A_1122 = arith.index_cast %get3A_1121 : i32 to index
      %get3A_1123 = arith.constant 16 : index
      %get3A_1124 = tpu.vector_load %arg6[%get3A_1122, %get3A_1123] {strides = array<i32>} : memref<128x32xf32, #tpu.memory_space<vmem>>, vector<16xf32>,
      tpu.vector_store_idx %arg8[%add3A_9, %broadcast_in_dim3A_1116], %get3A_1124 : memref<32x129xf32, #tpu.memory_space<vmem>>[vector<16xi32>, vector<16xi32>], vector<16xf32>,
      %broadcast_in_dim3A_1125 = arith.constant 95 : i32
      %broadcast_in_dim3A_1126 = vector.broadcast %broadcast_in_dim3A_1125 : i32 to vector<16xi32>
      %get3A_1127 = arith.constant 95 : i32
      %get3A_1128 = arith.index_cast %get3A_1127 : i32 to index
      %get3A_1129 = arith.constant 0 : index
      %get3A_1130 = tpu.vector_load %arg6[%get3A_1128, %get3A_1129] {strides = array<i32>} : memref<128x32xf32, #tpu.memory_space<vmem>>, vector<16xf32>,
      tpu.vector_store_idx %arg8[%add3A_5, %broadcast_in_dim3A_1126], %get3A_1130 : memref<32x129xf32, #tpu.memory_space<vmem>>[vector<16xi32>, vector<16xi32>], vector<16xf32>,
      %get3A_1131 = arith.constant 95 : i32
      %get3A_1132 = arith.index_cast %get3A_1131 : i32 to index
      %get3A_1133 = arith.constant 16 : index
      %get3A_1134 = tpu.vector_load %arg6[%get3A_1132, %get3A_1133] {strides = array<i32>} : memref<128x32xf32, #tpu.memory_space<vmem>>, vector<16xf32>,
      tpu.vector_store_idx %arg8[%add3A_9, %broadcast_in_dim3A_1126], %get3A_1134 : memref<32x129xf32, #tpu.memory_space<vmem>>[vector<16xi32>, vector<16xi32>], vector<16xf32>,
      %broadcast_in_dim3A_1135 = arith.constant 96 : i32
      %broadcast_in_dim3A_1136 = vector.broadcast %broadcast_in_dim3A_1135 : i32 to vector<16xi32>
      %get3A_1137 = arith.constant 96 : i32
      %get3A_1138 = arith.index_cast %get3A_1137 : i32 to index
      %get3A_1139 = arith.constant 0 : index
      %get3A_1140 = tpu.vector_load %arg6[%get3A_1138, %get3A_1139] {strides = array<i32>} : memref<128x32xf32, #tpu.memory_space<vmem>>, vector<16xf32>,
      tpu.vector_store_idx %arg8[%add3A_5, %broadcast_in_dim3A_1136], %get3A_1140 : memref<32x129xf32, #tpu.memory_space<vmem>>[vector<16xi32>, vector<16xi32>], vector<16xf32>,
      %get3A_1141 = arith.constant 96 : i32
      %get3A_1142 = arith.index_cast %get3A_1141 : i32 to index
      %get3A_1143 = arith.constant 16 : index
      %get3A_1144 = tpu.vector_load %arg6[%get3A_1142, %get3A_1143] {strides = array<i32>} : memref<128x32xf32, #tpu.memory_space<vmem>>, vector<16xf32>,
      tpu.vector_store_idx %arg8[%add3A_9, %broadcast_in_dim3A_1136], %get3A_1144 : memref<32x129xf32, #tpu.memory_space<vmem>>[vector<16xi32>, vector<16xi32>], vector<16xf32>,
      %broadcast_in_dim3A_1145 = arith.constant 97 : i32
      %broadcast_in_dim3A_1146 = vector.broadcast %broadcast_in_dim3A_1145 : i32 to vector<16xi32>
      %get3A_1147 = arith.constant 97 : i32
      %get3A_1148 = arith.index_cast %get3A_1147 : i32 to index
      %get3A_1149 = arith.constant 0 : index
      %get3A_1150 = tpu.vector_load %arg6[%get3A_1148, %get3A_1149] {strides = array<i32>} : memref<128x32xf32, #tpu.memory_space<vmem>>, vector<16xf32>,
      tpu.vector_store_idx %arg8[%add3A_5, %broadcast_in_dim3A_1146], %get3A_1150 : memref<32x129xf32, #tpu.memory_space<vmem>>[vector<16xi32>, vector<16xi32>], vector<16xf32>,
      %get3A_1151 = arith.constant 97 : i32
      %get3A_1152 = arith.index_cast %get3A_1151 : i32 to index
      %get3A_1153 = arith.constant 16 : index
      %get3A_1154 = tpu.vector_load %arg6[%get3A_1152, %get3A_1153] {strides = array<i32>} : memref<128x32xf32, #tpu.memory_space<vmem>>, vector<16xf32>,
      tpu.vector_store_idx %arg8[%add3A_9, %broadcast_in_dim3A_1146], %get3A_1154 : memref<32x129xf32, #tpu.memory_space<vmem>>[vector<16xi32>, vector<16xi32>], vector<16xf32>,
      %broadcast_in_dim3A_1155 = arith.constant 98 : i32
      %broadcast_in_dim3A_1156 = vector.broadcast %broadcast_in_dim3A_1155 : i32 to vector<16xi32>
      %get3A_1157 = arith.constant 98 : i32
      %get3A_1158 = arith.index_cast %get3A_1157 : i32 to index
      %get3A_1159 = arith.constant 0 : index
      %get3A_1160 = tpu.vector_load %arg6[%get3A_1158, %get3A_1159] {strides = array<i32>} : memref<128x32xf32, #tpu.memory_space<vmem>>, vector<16xf32>,
      tpu.vector_store_idx %arg8[%add3A_5, %broadcast_in_dim3A_1156], %get3A_1160 : memref<32x129xf32, #tpu.memory_space<vmem>>[vector<16xi32>, vector<16xi32>], vector<16xf32>,
      %get3A_1161 = arith.constant 98 : i32
      %get3A_1162 = arith.index_cast %get3A_1161 : i32 to index
      %get3A_1163 = arith.constant 16 : index
      %get3A_1164 = tpu.vector_load %arg6[%get3A_1162, %get3A_1163] {strides = array<i32>} : memref<128x32xf32, #tpu.memory_space<vmem>>, vector<16xf32>,
      tpu.vector_store_idx %arg8[%add3A_9, %broadcast_in_dim3A_1156], %get3A_1164 : memref<32x129xf32, #tpu.memory_space<vmem>>[vector<16xi32>, vector<16xi32>], vector<16xf32>,
      %broadcast_in_dim3A_1165 = arith.constant 99 : i32
      %broadcast_in_dim3A_1166 = vector.broadcast %broadcast_in_dim3A_1165 : i32 to vector<16xi32>
      %get3A_1167 = arith.constant 99 : i32
      %get3A_1168 = arith.index_cast %get3A_1167 : i32 to index
      %get3A_1169 = arith.constant 0 : index
      %get3A_1170 = tpu.vector_load %arg6[%get3A_1168, %get3A_1169] {strides = array<i32>} : memref<128x32xf32, #tpu.memory_space<vmem>>, vector<16xf32>,
      tpu.vector_store_idx %arg8[%add3A_5, %broadcast_in_dim3A_1166], %get3A_1170 : memref<32x129xf32, #tpu.memory_space<vmem>>[vector<16xi32>, vector<16xi32>], vector<16xf32>,
      %get3A_1171 = arith.constant 99 : i32
      %get3A_1172 = arith.index_cast %get3A_1171 : i32 to index
      %get3A_1173 = arith.constant 16 : index
      %get3A_1174 = tpu.vector_load %arg6[%get3A_1172, %get3A_1173] {strides = array<i32>} : memref<128x32xf32, #tpu.memory_space<vmem>>, vector<16xf32>,
      tpu.vector_store_idx %arg8[%add3A_9, %broadcast_in_dim3A_1166], %get3A_1174 : memref<32x129xf32, #tpu.memory_space<vmem>>[vector<16xi32>, vector<16xi32>], vector<16xf32>,
      %broadcast_in_dim3A_1175 = arith.constant 100 : i32
      %broadcast_in_dim3A_1176 = vector.broadcast %broadcast_in_dim3A_1175 : i32 to vector<16xi32>
      %get3A_1177 = arith.constant 100 : i32
      %get3A_1178 = arith.index_cast %get3A_1177 : i32 to index
      %get3A_1179 = arith.constant 0 : index
      %get3A_1180 = tpu.vector_load %arg6[%get3A_1178, %get3A_1179] {strides = array<i32>} : memref<128x32xf32, #tpu.memory_space<vmem>>, vector<16xf32>,
      tpu.vector_store_idx %arg8[%add3A_5, %broadcast_in_dim3A_1176], %get3A_1180 : memref<32x129xf32, #tpu.memory_space<vmem>>[vector<16xi32>, vector<16xi32>], vector<16xf32>,
      %get3A_1181 = arith.constant 100 : i32
      %get3A_1182 = arith.index_cast %get3A_1181 : i32 to index
      %get3A_1183 = arith.constant 16 : index
      %get3A_1184 = tpu.vector_load %arg6[%get3A_1182, %get3A_1183] {strides = array<i32>} : memref<128x32xf32, #tpu.memory_space<vmem>>, vector<16xf32>,
      tpu.vector_store_idx %arg8[%add3A_9, %broadcast_in_dim3A_1176], %get3A_1184 : memref<32x129xf32, #tpu.memory_space<vmem>>[vector<16xi32>, vector<16xi32>], vector<16xf32>,
      %broadcast_in_dim3A_1185 = arith.constant 101 : i32
      %broadcast_in_dim3A_1186 = vector.broadcast %broadcast_in_dim3A_1185 : i32 to vector<16xi32>
      %get3A_1187 = arith.constant 101 : i32
      %get3A_1188 = arith.index_cast %get3A_1187 : i32 to index
      %get3A_1189 = arith.constant 0 : index
      %get3A_1190 = tpu.vector_load %arg6[%get3A_1188, %get3A_1189] {strides = array<i32>} : memref<128x32xf32, #tpu.memory_space<vmem>>, vector<16xf32>,
      tpu.vector_store_idx %arg8[%add3A_5, %broadcast_in_dim3A_1186], %get3A_1190 : memref<32x129xf32, #tpu.memory_space<vmem>>[vector<16xi32>, vector<16xi32>], vector<16xf32>,
      %get3A_1191 = arith.constant 101 : i32
      %get3A_1192 = arith.index_cast %get3A_1191 : i32 to index
      %get3A_1193 = arith.constant 16 : index
      %get3A_1194 = tpu.vector_load %arg6[%get3A_1192, %get3A_1193] {strides = array<i32>} : memref<128x32xf32, #tpu.memory_space<vmem>>, vector<16xf32>,
      tpu.vector_store_idx %arg8[%add3A_9, %broadcast_in_dim3A_1186], %get3A_1194 : memref<32x129xf32, #tpu.memory_space<vmem>>[vector<16xi32>, vector<16xi32>], vector<16xf32>,
      %broadcast_in_dim3A_1195 = arith.constant 102 : i32
      %broadcast_in_dim3A_1196 = vector.broadcast %broadcast_in_dim3A_1195 : i32 to vector<16xi32>
      %get3A_1197 = arith.constant 102 : i32
      %get3A_1198 = arith.index_cast %get3A_1197 : i32 to index
      %get3A_1199 = arith.constant 0 : index
      %get3A_1200 = tpu.vector_load %arg6[%get3A_1198, %get3A_1199] {strides = array<i32>} : memref<128x32xf32, #tpu.memory_space<vmem>>, vector<16xf32>,
      tpu.vector_store_idx %arg8[%add3A_5, %broadcast_in_dim3A_1196], %get3A_1200 : memref<32x129xf32, #tpu.memory_space<vmem>>[vector<16xi32>, vector<16xi32>], vector<16xf32>,
      %get3A_1201 = arith.constant 102 : i32
      %get3A_1202 = arith.index_cast %get3A_1201 : i32 to index
      %get3A_1203 = arith.constant 16 : index
      %get3A_1204 = tpu.vector_load %arg6[%get3A_1202, %get3A_1203] {strides = array<i32>} : memref<128x32xf32, #tpu.memory_space<vmem>>, vector<16xf32>,
      tpu.vector_store_idx %arg8[%add3A_9, %broadcast_in_dim3A_1196], %get3A_1204 : memref<32x129xf32, #tpu.memory_space<vmem>>[vector<16xi32>, vector<16xi32>], vector<16xf32>,
      %broadcast_in_dim3A_1205 = arith.constant 103 : i32
      %broadcast_in_dim3A_1206 = vector.broadcast %broadcast_in_dim3A_1205 : i32 to vector<16xi32>
      %get3A_1207 = arith.constant 103 : i32
      %get3A_1208 = arith.index_cast %get3A_1207 : i32 to index
      %get3A_1209 = arith.constant 0 : index
      %get3A_1210 = tpu.vector_load %arg6[%get3A_1208, %get3A_1209] {strides = array<i32>} : memref<128x32xf32, #tpu.memory_space<vmem>>, vector<16xf32>,
      tpu.vector_store_idx %arg8[%add3A_5, %broadcast_in_dim3A_1206], %get3A_1210 : memref<32x129xf32, #tpu.memory_space<vmem>>[vector<16xi32>, vector<16xi32>], vector<16xf32>,
      %get3A_1211 = arith.constant 103 : i32
      %get3A_1212 = arith.index_cast %get3A_1211 : i32 to index
      %get3A_1213 = arith.constant 16 : index
      %get3A_1214 = tpu.vector_load %arg6[%get3A_1212, %get3A_1213] {strides = array<i32>} : memref<128x32xf32, #tpu.memory_space<vmem>>, vector<16xf32>,
      tpu.vector_store_idx %arg8[%add3A_9, %broadcast_in_dim3A_1206], %get3A_1214 : memref<32x129xf32, #tpu.memory_space<vmem>>[vector<16xi32>, vector<16xi32>], vector<16xf32>,
      %broadcast_in_dim3A_1215 = arith.constant 104 : i32
      %broadcast_in_dim3A_1216 = vector.broadcast %broadcast_in_dim3A_1215 : i32 to vector<16xi32>
      %get3A_1217 = arith.constant 104 : i32
      %get3A_1218 = arith.index_cast %get3A_1217 : i32 to index
      %get3A_1219 = arith.constant 0 : index
      %get3A_1220 = tpu.vector_load %arg6[%get3A_1218, %get3A_1219] {strides = array<i32>} : memref<128x32xf32, #tpu.memory_space<vmem>>, vector<16xf32>,
      tpu.vector_store_idx %arg8[%add3A_5, %broadcast_in_dim3A_1216], %get3A_1220 : memref<32x129xf32, #tpu.memory_space<vmem>>[vector<16xi32>, vector<16xi32>], vector<16xf32>,
      %get3A_1221 = arith.constant 104 : i32
      %get3A_1222 = arith.index_cast %get3A_1221 : i32 to index
      %get3A_1223 = arith.constant 16 : index
      %get3A_1224 = tpu.vector_load %arg6[%get3A_1222, %get3A_1223] {strides = array<i32>} : memref<128x32xf32, #tpu.memory_space<vmem>>, vector<16xf32>,
      tpu.vector_store_idx %arg8[%add3A_9, %broadcast_in_dim3A_1216], %get3A_1224 : memref<32x129xf32, #tpu.memory_space<vmem>>[vector<16xi32>, vector<16xi32>], vector<16xf32>,
      %broadcast_in_dim3A_1225 = arith.constant 105 : i32
      %broadcast_in_dim3A_1226 = vector.broadcast %broadcast_in_dim3A_1225 : i32 to vector<16xi32>
      %get3A_1227 = arith.constant 105 : i32
      %get3A_1228 = arith.index_cast %get3A_1227 : i32 to index
      %get3A_1229 = arith.constant 0 : index
      %get3A_1230 = tpu.vector_load %arg6[%get3A_1228, %get3A_1229] {strides = array<i32>} : memref<128x32xf32, #tpu.memory_space<vmem>>, vector<16xf32>,
      tpu.vector_store_idx %arg8[%add3A_5, %broadcast_in_dim3A_1226], %get3A_1230 : memref<32x129xf32, #tpu.memory_space<vmem>>[vector<16xi32>, vector<16xi32>], vector<16xf32>,
      %get3A_1231 = arith.constant 105 : i32
      %get3A_1232 = arith.index_cast %get3A_1231 : i32 to index
      %get3A_1233 = arith.constant 16 : index
      %get3A_1234 = tpu.vector_load %arg6[%get3A_1232, %get3A_1233] {strides = array<i32>} : memref<128x32xf32, #tpu.memory_space<vmem>>, vector<16xf32>,
      tpu.vector_store_idx %arg8[%add3A_9, %broadcast_in_dim3A_1226], %get3A_1234 : memref<32x129xf32, #tpu.memory_space<vmem>>[vector<16xi32>, vector<16xi32>], vector<16xf32>,
      %broadcast_in_dim3A_1235 = arith.constant 106 : i32
      %broadcast_in_dim3A_1236 = vector.broadcast %broadcast_in_dim3A_1235 : i32 to vector<16xi32>
      %get3A_1237 = arith.constant 106 : i32
      %get3A_1238 = arith.index_cast %get3A_1237 : i32 to index
      %get3A_1239 = arith.constant 0 : index
      %get3A_1240 = tpu.vector_load %arg6[%get3A_1238, %get3A_1239] {strides = array<i32>} : memref<128x32xf32, #tpu.memory_space<vmem>>, vector<16xf32>,
      tpu.vector_store_idx %arg8[%add3A_5, %broadcast_in_dim3A_1236], %get3A_1240 : memref<32x129xf32, #tpu.memory_space<vmem>>[vector<16xi32>, vector<16xi32>], vector<16xf32>,
      %get3A_1241 = arith.constant 106 : i32
      %get3A_1242 = arith.index_cast %get3A_1241 : i32 to index
      %get3A_1243 = arith.constant 16 : index
      %get3A_1244 = tpu.vector_load %arg6[%get3A_1242, %get3A_1243] {strides = array<i32>} : memref<128x32xf32, #tpu.memory_space<vmem>>, vector<16xf32>,
      tpu.vector_store_idx %arg8[%add3A_9, %broadcast_in_dim3A_1236], %get3A_1244 : memref<32x129xf32, #tpu.memory_space<vmem>>[vector<16xi32>, vector<16xi32>], vector<16xf32>,
      %broadcast_in_dim3A_1245 = arith.constant 107 : i32
      %broadcast_in_dim3A_1246 = vector.broadcast %broadcast_in_dim3A_1245 : i32 to vector<16xi32>
      %get3A_1247 = arith.constant 107 : i32
      %get3A_1248 = arith.index_cast %get3A_1247 : i32 to index
      %get3A_1249 = arith.constant 0 : index
      %get3A_1250 = tpu.vector_load %arg6[%get3A_1248, %get3A_1249] {strides = array<i32>} : memref<128x32xf32, #tpu.memory_space<vmem>>, vector<16xf32>,
      tpu.vector_store_idx %arg8[%add3A_5, %broadcast_in_dim3A_1246], %get3A_1250 : memref<32x129xf32, #tpu.memory_space<vmem>>[vector<16xi32>, vector<16xi32>], vector<16xf32>,
      %get3A_1251 = arith.constant 107 : i32
      %get3A_1252 = arith.index_cast %get3A_1251 : i32 to index
      %get3A_1253 = arith.constant 16 : index
      %get3A_1254 = tpu.vector_load %arg6[%get3A_1252, %get3A_1253] {strides = array<i32>} : memref<128x32xf32, #tpu.memory_space<vmem>>, vector<16xf32>,
      tpu.vector_store_idx %arg8[%add3A_9, %broadcast_in_dim3A_1246], %get3A_1254 : memref<32x129xf32, #tpu.memory_space<vmem>>[vector<16xi32>, vector<16xi32>], vector<16xf32>,
      %broadcast_in_dim3A_1255 = arith.constant 108 : i32
      %broadcast_in_dim3A_1256 = vector.broadcast %broadcast_in_dim3A_1255 : i32 to vector<16xi32>
      %get3A_1257 = arith.constant 108 : i32
      %get3A_1258 = arith.index_cast %get3A_1257 : i32 to index
      %get3A_1259 = arith.constant 0 : index
      %get3A_1260 = tpu.vector_load %arg6[%get3A_1258, %get3A_1259] {strides = array<i32>} : memref<128x32xf32, #tpu.memory_space<vmem>>, vector<16xf32>,
      tpu.vector_store_idx %arg8[%add3A_5, %broadcast_in_dim3A_1256], %get3A_1260 : memref<32x129xf32, #tpu.memory_space<vmem>>[vector<16xi32>, vector<16xi32>], vector<16xf32>,
      %get3A_1261 = arith.constant 108 : i32
      %get3A_1262 = arith.index_cast %get3A_1261 : i32 to index
      %get3A_1263 = arith.constant 16 : index
      %get3A_1264 = tpu.vector_load %arg6[%get3A_1262, %get3A_1263] {strides = array<i32>} : memref<128x32xf32, #tpu.memory_space<vmem>>, vector<16xf32>,
      tpu.vector_store_idx %arg8[%add3A_9, %broadcast_in_dim3A_1256], %get3A_1264 : memref<32x129xf32, #tpu.memory_space<vmem>>[vector<16xi32>, vector<16xi32>], vector<16xf32>,
      %broadcast_in_dim3A_1265 = arith.constant 109 : i32
      %broadcast_in_dim3A_1266 = vector.broadcast %broadcast_in_dim3A_1265 : i32 to vector<16xi32>
      %get3A_1267 = arith.constant 109 : i32
      %get3A_1268 = arith.index_cast %get3A_1267 : i32 to index
      %get3A_1269 = arith.constant 0 : index
      %get3A_1270 = tpu.vector_load %arg6[%get3A_1268, %get3A_1269] {strides = array<i32>} : memref<128x32xf32, #tpu.memory_space<vmem>>, vector<16xf32>,
      tpu.vector_store_idx %arg8[%add3A_5, %broadcast_in_dim3A_1266], %get3A_1270 : memref<32x129xf32, #tpu.memory_space<vmem>>[vector<16xi32>, vector<16xi32>], vector<16xf32>,
      %get3A_1271 = arith.constant 109 : i32
      %get3A_1272 = arith.index_cast %get3A_1271 : i32 to index
      %get3A_1273 = arith.constant 16 : index
      %get3A_1274 = tpu.vector_load %arg6[%get3A_1272, %get3A_1273] {strides = array<i32>} : memref<128x32xf32, #tpu.memory_space<vmem>>, vector<16xf32>,
      tpu.vector_store_idx %arg8[%add3A_9, %broadcast_in_dim3A_1266], %get3A_1274 : memref<32x129xf32, #tpu.memory_space<vmem>>[vector<16xi32>, vector<16xi32>], vector<16xf32>,
      %broadcast_in_dim3A_1275 = arith.constant 110 : i32
      %broadcast_in_dim3A_1276 = vector.broadcast %broadcast_in_dim3A_1275 : i32 to vector<16xi32>
      %get3A_1277 = arith.constant 110 : i32
      %get3A_1278 = arith.index_cast %get3A_1277 : i32 to index
      %get3A_1279 = arith.constant 0 : index
      %get3A_1280 = tpu.vector_load %arg6[%get3A_1278, %get3A_1279] {strides = array<i32>} : memref<128x32xf32, #tpu.memory_space<vmem>>, vector<16xf32>,
      tpu.vector_store_idx %arg8[%add3A_5, %broadcast_in_dim3A_1276], %get3A_1280 : memref<32x129xf32, #tpu.memory_space<vmem>>[vector<16xi32>, vector<16xi32>], vector<16xf32>,
      %get3A_1281 = arith.constant 110 : i32
      %get3A_1282 = arith.index_cast %get3A_1281 : i32 to index
      %get3A_1283 = arith.constant 16 : index
      %get3A_1284 = tpu.vector_load %arg6[%get3A_1282, %get3A_1283] {strides = array<i32>} : memref<128x32xf32, #tpu.memory_space<vmem>>, vector<16xf32>,
      tpu.vector_store_idx %arg8[%add3A_9, %broadcast_in_dim3A_1276], %get3A_1284 : memref<32x129xf32, #tpu.memory_space<vmem>>[vector<16xi32>, vector<16xi32>], vector<16xf32>,
      %broadcast_in_dim3A_1285 = arith.constant 111 : i32
      %broadcast_in_dim3A_1286 = vector.broadcast %broadcast_in_dim3A_1285 : i32 to vector<16xi32>
      %get3A_1287 = arith.constant 111 : i32
      %get3A_1288 = arith.index_cast %get3A_1287 : i32 to index
      %get3A_1289 = arith.constant 0 : index
      %get3A_1290 = tpu.vector_load %arg6[%get3A_1288, %get3A_1289] {strides = array<i32>} : memref<128x32xf32, #tpu.memory_space<vmem>>, vector<16xf32>,
      tpu.vector_store_idx %arg8[%add3A_5, %broadcast_in_dim3A_1286], %get3A_1290 : memref<32x129xf32, #tpu.memory_space<vmem>>[vector<16xi32>, vector<16xi32>], vector<16xf32>,
      %get3A_1291 = arith.constant 111 : i32
      %get3A_1292 = arith.index_cast %get3A_1291 : i32 to index
      %get3A_1293 = arith.constant 16 : index
      %get3A_1294 = tpu.vector_load %arg6[%get3A_1292, %get3A_1293] {strides = array<i32>} : memref<128x32xf32, #tpu.memory_space<vmem>>, vector<16xf32>,
      tpu.vector_store_idx %arg8[%add3A_9, %broadcast_in_dim3A_1286], %get3A_1294 : memref<32x129xf32, #tpu.memory_space<vmem>>[vector<16xi32>, vector<16xi32>], vector<16xf32>,
      %broadcast_in_dim3A_1295 = arith.constant 112 : i32
      %broadcast_in_dim3A_1296 = vector.broadcast %broadcast_in_dim3A_1295 : i32 to vector<16xi32>
      %get3A_1297 = arith.constant 112 : i32
      %get3A_1298 = arith.index_cast %get3A_1297 : i32 to index
      %get3A_1299 = arith.constant 0 : index
      %get3A_1300 = tpu.vector_load %arg6[%get3A_1298, %get3A_1299] {strides = array<i32>} : memref<128x32xf32, #tpu.memory_space<vmem>>, vector<16xf32>,
      tpu.vector_store_idx %arg8[%add3A_5, %broadcast_in_dim3A_1296], %get3A_1300 : memref<32x129xf32, #tpu.memory_space<vmem>>[vector<16xi32>, vector<16xi32>], vector<16xf32>,
      %get3A_1301 = arith.constant 112 : i32
      %get3A_1302 = arith.index_cast %get3A_1301 : i32 to index
      %get3A_1303 = arith.constant 16 : index
      %get3A_1304 = tpu.vector_load %arg6[%get3A_1302, %get3A_1303] {strides = array<i32>} : memref<128x32xf32, #tpu.memory_space<vmem>>, vector<16xf32>,
      tpu.vector_store_idx %arg8[%add3A_9, %broadcast_in_dim3A_1296], %get3A_1304 : memref<32x129xf32, #tpu.memory_space<vmem>>[vector<16xi32>, vector<16xi32>], vector<16xf32>,
      %broadcast_in_dim3A_1305 = arith.constant 113 : i32
      %broadcast_in_dim3A_1306 = vector.broadcast %broadcast_in_dim3A_1305 : i32 to vector<16xi32>
      %get3A_1307 = arith.constant 113 : i32
      %get3A_1308 = arith.index_cast %get3A_1307 : i32 to index
      %get3A_1309 = arith.constant 0 : index
      %get3A_1310 = tpu.vector_load %arg6[%get3A_1308, %get3A_1309] {strides = array<i32>} : memref<128x32xf32, #tpu.memory_space<vmem>>, vector<16xf32>,
      tpu.vector_store_idx %arg8[%add3A_5, %broadcast_in_dim3A_1306], %get3A_1310 : memref<32x129xf32, #tpu.memory_space<vmem>>[vector<16xi32>, vector<16xi32>], vector<16xf32>,
      %get3A_1311 = arith.constant 113 : i32
      %get3A_1312 = arith.index_cast %get3A_1311 : i32 to index
      %get3A_1313 = arith.constant 16 : index
      %get3A_1314 = tpu.vector_load %arg6[%get3A_1312, %get3A_1313] {strides = array<i32>} : memref<128x32xf32, #tpu.memory_space<vmem>>, vector<16xf32>,
      tpu.vector_store_idx %arg8[%add3A_9, %broadcast_in_dim3A_1306], %get3A_1314 : memref<32x129xf32, #tpu.memory_space<vmem>>[vector<16xi32>, vector<16xi32>], vector<16xf32>,
      %broadcast_in_dim3A_1315 = arith.constant 114 : i32
      %broadcast_in_dim3A_1316 = vector.broadcast %broadcast_in_dim3A_1315 : i32 to vector<16xi32>
      %get3A_1317 = arith.constant 114 : i32
      %get3A_1318 = arith.index_cast %get3A_1317 : i32 to index
      %get3A_1319 = arith.constant 0 : index
      %get3A_1320 = tpu.vector_load %arg6[%get3A_1318, %get3A_1319] {strides = array<i32>} : memref<128x32xf32, #tpu.memory_space<vmem>>, vector<16xf32>,
      tpu.vector_store_idx %arg8[%add3A_5, %broadcast_in_dim3A_1316], %get3A_1320 : memref<32x129xf32, #tpu.memory_space<vmem>>[vector<16xi32>, vector<16xi32>], vector<16xf32>,
      %get3A_1321 = arith.constant 114 : i32
      %get3A_1322 = arith.index_cast %get3A_1321 : i32 to index
      %get3A_1323 = arith.constant 16 : index
      %get3A_1324 = tpu.vector_load %arg6[%get3A_1322, %get3A_1323] {strides = array<i32>} : memref<128x32xf32, #tpu.memory_space<vmem>>, vector<16xf32>,
      tpu.vector_store_idx %arg8[%add3A_9, %broadcast_in_dim3A_1316], %get3A_1324 : memref<32x129xf32, #tpu.memory_space<vmem>>[vector<16xi32>, vector<16xi32>], vector<16xf32>,
      %broadcast_in_dim3A_1325 = arith.constant 115 : i32
      %broadcast_in_dim3A_1326 = vector.broadcast %broadcast_in_dim3A_1325 : i32 to vector<16xi32>
      %get3A_1327 = arith.constant 115 : i32
      %get3A_1328 = arith.index_cast %get3A_1327 : i32 to index
      %get3A_1329 = arith.constant 0 : index
      %get3A_1330 = tpu.vector_load %arg6[%get3A_1328, %get3A_1329] {strides = array<i32>} : memref<128x32xf32, #tpu.memory_space<vmem>>, vector<16xf32>,
      tpu.vector_store_idx %arg8[%add3A_5, %broadcast_in_dim3A_1326], %get3A_1330 : memref<32x129xf32, #tpu.memory_space<vmem>>[vector<16xi32>, vector<16xi32>], vector<16xf32>,
      %get3A_1331 = arith.constant 115 : i32
      %get3A_1332 = arith.index_cast %get3A_1331 : i32 to index
      %get3A_1333 = arith.constant 16 : index
      %get3A_1334 = tpu.vector_load %arg6[%get3A_1332, %get3A_1333] {strides = array<i32>} : memref<128x32xf32, #tpu.memory_space<vmem>>, vector<16xf32>,
      tpu.vector_store_idx %arg8[%add3A_9, %broadcast_in_dim3A_1326], %get3A_1334 : memref<32x129xf32, #tpu.memory_space<vmem>>[vector<16xi32>, vector<16xi32>], vector<16xf32>,
      %broadcast_in_dim3A_1335 = arith.constant 116 : i32
      %broadcast_in_dim3A_1336 = vector.broadcast %broadcast_in_dim3A_1335 : i32 to vector<16xi32>
      %get3A_1337 = arith.constant 116 : i32
      %get3A_1338 = arith.index_cast %get3A_1337 : i32 to index
      %get3A_1339 = arith.constant 0 : index
      %get3A_1340 = tpu.vector_load %arg6[%get3A_1338, %get3A_1339] {strides = array<i32>} : memref<128x32xf32, #tpu.memory_space<vmem>>, vector<16xf32>,
      tpu.vector_store_idx %arg8[%add3A_5, %broadcast_in_dim3A_1336], %get3A_1340 : memref<32x129xf32, #tpu.memory_space<vmem>>[vector<16xi32>, vector<16xi32>], vector<16xf32>,
      %get3A_1341 = arith.constant 116 : i32
      %get3A_1342 = arith.index_cast %get3A_1341 : i32 to index
      %get3A_1343 = arith.constant 16 : index
      %get3A_1344 = tpu.vector_load %arg6[%get3A_1342, %get3A_1343] {strides = array<i32>} : memref<128x32xf32, #tpu.memory_space<vmem>>, vector<16xf32>,
      tpu.vector_store_idx %arg8[%add3A_9, %broadcast_in_dim3A_1336], %get3A_1344 : memref<32x129xf32, #tpu.memory_space<vmem>>[vector<16xi32>, vector<16xi32>], vector<16xf32>,
      %broadcast_in_dim3A_1345 = arith.constant 117 : i32
      %broadcast_in_dim3A_1346 = vector.broadcast %broadcast_in_dim3A_1345 : i32 to vector<16xi32>
      %get3A_1347 = arith.constant 117 : i32
      %get3A_1348 = arith.index_cast %get3A_1347 : i32 to index
      %get3A_1349 = arith.constant 0 : index
      %get3A_1350 = tpu.vector_load %arg6[%get3A_1348, %get3A_1349] {strides = array<i32>} : memref<128x32xf32, #tpu.memory_space<vmem>>, vector<16xf32>,
      tpu.vector_store_idx %arg8[%add3A_5, %broadcast_in_dim3A_1346], %get3A_1350 : memref<32x129xf32, #tpu.memory_space<vmem>>[vector<16xi32>, vector<16xi32>], vector<16xf32>,
      %get3A_1351 = arith.constant 117 : i32
      %get3A_1352 = arith.index_cast %get3A_1351 : i32 to index
      %get3A_1353 = arith.constant 16 : index
      %get3A_1354 = tpu.vector_load %arg6[%get3A_1352, %get3A_1353] {strides = array<i32>} : memref<128x32xf32, #tpu.memory_space<vmem>>, vector<16xf32>,
      tpu.vector_store_idx %arg8[%add3A_9, %broadcast_in_dim3A_1346], %get3A_1354 : memref<32x129xf32, #tpu.memory_space<vmem>>[vector<16xi32>, vector<16xi32>], vector<16xf32>,
      %broadcast_in_dim3A_1355 = arith.constant 118 : i32
      %broadcast_in_dim3A_1356 = vector.broadcast %broadcast_in_dim3A_1355 : i32 to vector<16xi32>
      %get3A_1357 = arith.constant 118 : i32
      %get3A_1358 = arith.index_cast %get3A_1357 : i32 to index
      %get3A_1359 = arith.constant 0 : index
      %get3A_1360 = tpu.vector_load %arg6[%get3A_1358, %get3A_1359] {strides = array<i32>} : memref<128x32xf32, #tpu.memory_space<vmem>>, vector<16xf32>,
      tpu.vector_store_idx %arg8[%add3A_5, %broadcast_in_dim3A_1356], %get3A_1360 : memref<32x129xf32, #tpu.memory_space<vmem>>[vector<16xi32>, vector<16xi32>], vector<16xf32>,
      %get3A_1361 = arith.constant 118 : i32
      %get3A_1362 = arith.index_cast %get3A_1361 : i32 to index
      %get3A_1363 = arith.constant 16 : index
      %get3A_1364 = tpu.vector_load %arg6[%get3A_1362, %get3A_1363] {strides = array<i32>} : memref<128x32xf32, #tpu.memory_space<vmem>>, vector<16xf32>,
      tpu.vector_store_idx %arg8[%add3A_9, %broadcast_in_dim3A_1356], %get3A_1364 : memref<32x129xf32, #tpu.memory_space<vmem>>[vector<16xi32>, vector<16xi32>], vector<16xf32>,
      %broadcast_in_dim3A_1365 = arith.constant 119 : i32
      %broadcast_in_dim3A_1366 = vector.broadcast %broadcast_in_dim3A_1365 : i32 to vector<16xi32>
      %get3A_1367 = arith.constant 119 : i32
      %get3A_1368 = arith.index_cast %get3A_1367 : i32 to index
      %get3A_1369 = arith.constant 0 : index
      %get3A_1370 = tpu.vector_load %arg6[%get3A_1368, %get3A_1369] {strides = array<i32>} : memref<128x32xf32, #tpu.memory_space<vmem>>, vector<16xf32>,
      tpu.vector_store_idx %arg8[%add3A_5, %broadcast_in_dim3A_1366], %get3A_1370 : memref<32x129xf32, #tpu.memory_space<vmem>>[vector<16xi32>, vector<16xi32>], vector<16xf32>,
      %get3A_1371 = arith.constant 119 : i32
      %get3A_1372 = arith.index_cast %get3A_1371 : i32 to index
      %get3A_1373 = arith.constant 16 : index
      %get3A_1374 = tpu.vector_load %arg6[%get3A_1372, %get3A_1373] {strides = array<i32>} : memref<128x32xf32, #tpu.memory_space<vmem>>, vector<16xf32>,
      tpu.vector_store_idx %arg8[%add3A_9, %broadcast_in_dim3A_1366], %get3A_1374 : memref<32x129xf32, #tpu.memory_space<vmem>>[vector<16xi32>, vector<16xi32>], vector<16xf32>,
      %broadcast_in_dim3A_1375 = arith.constant 120 : i32
      %broadcast_in_dim3A_1376 = vector.broadcast %broadcast_in_dim3A_1375 : i32 to vector<16xi32>
      %get3A_1377 = arith.constant 120 : i32
      %get3A_1378 = arith.index_cast %get3A_1377 : i32 to index
      %get3A_1379 = arith.constant 0 : index
      %get3A_1380 = tpu.vector_load %arg6[%get3A_1378, %get3A_1379] {strides = array<i32>} : memref<128x32xf32, #tpu.memory_space<vmem>>, vector<16xf32>,
      tpu.vector_store_idx %arg8[%add3A_5, %broadcast_in_dim3A_1376], %get3A_1380 : memref<32x129xf32, #tpu.memory_space<vmem>>[vector<16xi32>, vector<16xi32>], vector<16xf32>,
      %get3A_1381 = arith.constant 120 : i32
      %get3A_1382 = arith.index_cast %get3A_1381 : i32 to index
      %get3A_1383 = arith.constant 16 : index
      %get3A_1384 = tpu.vector_load %arg6[%get3A_1382, %get3A_1383] {strides = array<i32>} : memref<128x32xf32, #tpu.memory_space<vmem>>, vector<16xf32>,
      tpu.vector_store_idx %arg8[%add3A_9, %broadcast_in_dim3A_1376], %get3A_1384 : memref<32x129xf32, #tpu.memory_space<vmem>>[vector<16xi32>, vector<16xi32>], vector<16xf32>,
      %broadcast_in_dim3A_1385 = arith.constant 121 : i32
      %broadcast_in_dim3A_1386 = vector.broadcast %broadcast_in_dim3A_1385 : i32 to vector<16xi32>
      %get3A_1387 = arith.constant 121 : i32
      %get3A_1388 = arith.index_cast %get3A_1387 : i32 to index
      %get3A_1389 = arith.constant 0 : index
      %get3A_1390 = tpu.vector_load %arg6[%get3A_1388, %get3A_1389] {strides = array<i32>} : memref<128x32xf32, #tpu.memory_space<vmem>>, vector<16xf32>,
      tpu.vector_store_idx %arg8[%add3A_5, %broadcast_in_dim3A_1386], %get3A_1390 : memref<32x129xf32, #tpu.memory_space<vmem>>[vector<16xi32>, vector<16xi32>], vector<16xf32>,
      %get3A_1391 = arith.constant 121 : i32
      %get3A_1392 = arith.index_cast %get3A_1391 : i32 to index
      %get3A_1393 = arith.constant 16 : index
      %get3A_1394 = tpu.vector_load %arg6[%get3A_1392, %get3A_1393] {strides = array<i32>} : memref<128x32xf32, #tpu.memory_space<vmem>>, vector<16xf32>,
      tpu.vector_store_idx %arg8[%add3A_9, %broadcast_in_dim3A_1386], %get3A_1394 : memref<32x129xf32, #tpu.memory_space<vmem>>[vector<16xi32>, vector<16xi32>], vector<16xf32>,
      %broadcast_in_dim3A_1395 = arith.constant 122 : i32
      %broadcast_in_dim3A_1396 = vector.broadcast %broadcast_in_dim3A_1395 : i32 to vector<16xi32>
      %get3A_1397 = arith.constant 122 : i32
      %get3A_1398 = arith.index_cast %get3A_1397 : i32 to index
      %get3A_1399 = arith.constant 0 : index
      %get3A_1400 = tpu.vector_load %arg6[%get3A_1398, %get3A_1399] {strides = array<i32>} : memref<128x32xf32, #tpu.memory_space<vmem>>, vector<16xf32>,
      tpu.vector_store_idx %arg8[%add3A_5, %broadcast_in_dim3A_1396], %get3A_1400 : memref<32x129xf32, #tpu.memory_space<vmem>>[vector<16xi32>, vector<16xi32>], vector<16xf32>,
      %get3A_1401 = arith.constant 122 : i32
      %get3A_1402 = arith.index_cast %get3A_1401 : i32 to index
      %get3A_1403 = arith.constant 16 : index
      %get3A_1404 = tpu.vector_load %arg6[%get3A_1402, %get3A_1403] {strides = array<i32>} : memref<128x32xf32, #tpu.memory_space<vmem>>, vector<16xf32>,
      tpu.vector_store_idx %arg8[%add3A_9, %broadcast_in_dim3A_1396], %get3A_1404 : memref<32x129xf32, #tpu.memory_space<vmem>>[vector<16xi32>, vector<16xi32>], vector<16xf32>,
      %broadcast_in_dim3A_1405 = arith.constant 123 : i32
      %broadcast_in_dim3A_1406 = vector.broadcast %broadcast_in_dim3A_1405 : i32 to vector<16xi32>
      %get3A_1407 = arith.constant 123 : i32
      %get3A_1408 = arith.index_cast %get3A_1407 : i32 to index
      %get3A_1409 = arith.constant 0 : index
      %get3A_1410 = tpu.vector_load %arg6[%get3A_1408, %get3A_1409] {strides = array<i32>} : memref<128x32xf32, #tpu.memory_space<vmem>>, vector<16xf32>,
      tpu.vector_store_idx %arg8[%add3A_5, %broadcast_in_dim3A_1406], %get3A_1410 : memref<32x129xf32, #tpu.memory_space<vmem>>[vector<16xi32>, vector<16xi32>], vector<16xf32>,
      %get3A_1411 = arith.constant 123 : i32
      %get3A_1412 = arith.index_cast %get3A_1411 : i32 to index
      %get3A_1413 = arith.constant 16 : index
      %get3A_1414 = tpu.vector_load %arg6[%get3A_1412, %get3A_1413] {strides = array<i32>} : memref<128x32xf32, #tpu.memory_space<vmem>>, vector<16xf32>,
      tpu.vector_store_idx %arg8[%add3A_9, %broadcast_in_dim3A_1406], %get3A_1414 : memref<32x129xf32, #tpu.memory_space<vmem>>[vector<16xi32>, vector<16xi32>], vector<16xf32>,
      %broadcast_in_dim3A_1415 = arith.constant 124 : i32
      %broadcast_in_dim3A_1416 = vector.broadcast %broadcast_in_dim3A_1415 : i32 to vector<16xi32>
      %get3A_1417 = arith.constant 124 : i32
      %get3A_1418 = arith.index_cast %get3A_1417 : i32 to index
      %get3A_1419 = arith.constant 0 : index
      %get3A_1420 = tpu.vector_load %arg6[%get3A_1418, %get3A_1419] {strides = array<i32>} : memref<128x32xf32, #tpu.memory_space<vmem>>, vector<16xf32>,
      tpu.vector_store_idx %arg8[%add3A_5, %broadcast_in_dim3A_1416], %get3A_1420 : memref<32x129xf32, #tpu.memory_space<vmem>>[vector<16xi32>, vector<16xi32>], vector<16xf32>,
      %get3A_1421 = arith.constant 124 : i32
      %get3A_1422 = arith.index_cast %get3A_1421 : i32 to index
      %get3A_1423 = arith.constant 16 : index
      %get3A_1424 = tpu.vector_load %arg6[%get3A_1422, %get3A_1423] {strides = array<i32>} : memref<128x32xf32, #tpu.memory_space<vmem>>, vector<16xf32>,
      tpu.vector_store_idx %arg8[%add3A_9, %broadcast_in_dim3A_1416], %get3A_1424 : memref<32x129xf32, #tpu.memory_space<vmem>>[vector<16xi32>, vector<16xi32>], vector<16xf32>,
      %broadcast_in_dim3A_1425 = arith.constant 125 : i32
      %broadcast_in_dim3A_1426 = vector.broadcast %broadcast_in_dim3A_1425 : i32 to vector<16xi32>
      %get3A_1427 = arith.constant 125 : i32
      %get3A_1428 = arith.index_cast %get3A_1427 : i32 to index
      %get3A_1429 = arith.constant 0 : index
      %get3A_1430 = tpu.vector_load %arg6[%get3A_1428, %get3A_1429] {strides = array<i32>} : memref<128x32xf32, #tpu.memory_space<vmem>>, vector<16xf32>,
      tpu.vector_store_idx %arg8[%add3A_5, %broadcast_in_dim3A_1426], %get3A_1430 : memref<32x129xf32, #tpu.memory_space<vmem>>[vector<16xi32>, vector<16xi32>], vector<16xf32>,
      %get3A_1431 = arith.constant 125 : i32
      %get3A_1432 = arith.index_cast %get3A_1431 : i32 to index
      %get3A_1433 = arith.constant 16 : index
      %get3A_1434 = tpu.vector_load %arg6[%get3A_1432, %get3A_1433] {strides = array<i32>} : memref<128x32xf32, #tpu.memory_space<vmem>>, vector<16xf32>,
      tpu.vector_store_idx %arg8[%add3A_9, %broadcast_in_dim3A_1426], %get3A_1434 : memref<32x129xf32, #tpu.memory_space<vmem>>[vector<16xi32>, vector<16xi32>], vector<16xf32>,
      %broadcast_in_dim3A_1435 = arith.constant 126 : i32
      %broadcast_in_dim3A_1436 = vector.broadcast %broadcast_in_dim3A_1435 : i32 to vector<16xi32>
      %get3A_1437 = arith.constant 126 : i32
      %get3A_1438 = arith.index_cast %get3A_1437 : i32 to index
      %get3A_1439 = arith.constant 0 : index
      %get3A_1440 = tpu.vector_load %arg6[%get3A_1438, %get3A_1439] {strides = array<i32>} : memref<128x32xf32, #tpu.memory_space<vmem>>, vector<16xf32>,
      tpu.vector_store_idx %arg8[%add3A_5, %broadcast_in_dim3A_1436], %get3A_1440 : memref<32x129xf32, #tpu.memory_space<vmem>>[vector<16xi32>, vector<16xi32>], vector<16xf32>,
      %get3A_1441 = arith.constant 126 : i32
      %get3A_1442 = arith.index_cast %get3A_1441 : i32 to index
      %get3A_1443 = arith.constant 16 : index
      %get3A_1444 = tpu.vector_load %arg6[%get3A_1442, %get3A_1443] {strides = array<i32>} : memref<128x32xf32, #tpu.memory_space<vmem>>, vector<16xf32>,
      tpu.vector_store_idx %arg8[%add3A_9, %broadcast_in_dim3A_1436], %get3A_1444 : memref<32x129xf32, #tpu.memory_space<vmem>>[vector<16xi32>, vector<16xi32>], vector<16xf32>,
      %broadcast_in_dim3A_1445 = arith.constant 127 : i32
      %broadcast_in_dim3A_1446 = vector.broadcast %broadcast_in_dim3A_1445 : i32 to vector<16xi32>
      %get3A_1447 = arith.constant 127 : i32
      %get3A_1448 = arith.index_cast %get3A_1447 : i32 to index
      %get3A_1449 = arith.constant 0 : index
      %get3A_1450 = tpu.vector_load %arg6[%get3A_1448, %get3A_1449] {strides = array<i32>} : memref<128x32xf32, #tpu.memory_space<vmem>>, vector<16xf32>,
      tpu.vector_store_idx %arg8[%add3A_5, %broadcast_in_dim3A_1446], %get3A_1450 : memref<32x129xf32, #tpu.memory_space<vmem>>[vector<16xi32>, vector<16xi32>], vector<16xf32>,
      %get3A_1451 = arith.constant 127 : i32
      %get3A_1452 = arith.index_cast %get3A_1451 : i32 to index
      %get3A_1453 = arith.constant 16 : index
      %get3A_1454 = tpu.vector_load %arg6[%get3A_1452, %get3A_1453] {strides = array<i32>} : memref<128x32xf32, #tpu.memory_space<vmem>>, vector<16xf32>,
      tpu.vector_store_idx %arg8[%add3A_9, %broadcast_in_dim3A_1446], %get3A_1454 : memref<32x129xf32, #tpu.memory_space<vmem>>[vector<16xi32>, vector<16xi32>], vector<16xf32>,
      %add3A_1455 = arith.constant 2 : i32
      %add3A_1456 = arith.addi %add3A_167, %add3A_1455 : i32
      %lt3A = arith.constant 104 : i32
      %lt3A_1457 = arith.cmpi slt, %add3A_1456, %lt3A : i32
      %convert_element_type3A_1458 = arith.extui %lt3A_1457 : i1 to i32
      %cond3A_1459 = arith.constant 0 : i32
      %cond3A_1460 = arith.cmpi ne, %convert_element_type3A_1458, %cond3A_1459 : i32
      scf.if %cond3A_1460 {
        %add3A_2957 = arith.constant 2 : i32
        %add3A_2958 = arith.addi %add3A_167, %add3A_2957 : i32
        %dma_start3A_2959 = arith.constant 0 : i32
        %dma_start3A_2960 = tpu.memref_slice %arg5[%add3A_2958, %dma_start3A_2959] : memref<104x128xi32, #tpu.memory_space<vmem>> -> memref<1x128xi32, #tpu.memory_space<vmem>>
        %dma_start3A_2961 = tpu.memref_squeeze %dma_start3A_2960 : memref<1x128xi32, #tpu.memory_space<vmem>> -> memref<128xi32, #tpu.memory_space<vmem>>
        %dma_start3A_2962 = arith.constant 0 : i32
        %dma_start3A_2963 = arith.constant 0 : i32
        %dma_start3A_2964 = tpu.memref_slice %arg3[%dma_start3A_2962, %dma_start3A_2963] : memref<1000000x32xf32, #tpu.memory_space<hbm>> -> memref<1000000x32xf32, #tpu.memory_space<hbm>>
        tpu.enqueue_indirect_dma source(%dma_start3A_2964 : memref<1000000x32xf32, #tpu.memory_space<hbm>>) target(%arg6 : memref<128x32xf32, #tpu.memory_space<vmem>>) offsets(%dma_start3A_2961 : memref<128xi32, #tpu.memory_space<vmem>>) semaphore(%arg10 : memref<!tpu.dma_semaphore, #tpu.memory_space<semaphore_mem>>)
      } else {
      }
      %add3A_1461 = arith.addi %mul3A_2, %add3A_167 : i32
      %jit3A = arith.constant 128 : i32
      %div3A = arith.divsi %add3A_1461, %jit3A : i32
      %sign3A = arith.constant 0 : i32
      %sign3A_1462 = arith.cmpi sgt, %add3A_1461, %sign3A : i32
      %sign3A_1463 = arith.extui %sign3A_1462 : i1 to i32
      %sign3A_1464 = arith.constant 0 : i32
      %sign3A_1465 = arith.cmpi slt, %add3A_1461, %sign3A_1464 : i32
      %sign3A_1466 = arith.extui %sign3A_1465 : i1 to i32
      %sign3A_1467 = arith.subi %sign3A_1463, %sign3A_1466 : i32
      %sign3A_1468 = arith.constant 0 : i32
      %sign3A_1469 = arith.cmpi sgt, %jit3A, %sign3A_1468 : i32
      %sign3A_1470 = arith.extui %sign3A_1469 : i1 to i32
      %sign3A_1471 = arith.constant 0 : i32
      %sign3A_1472 = arith.cmpi slt, %jit3A, %sign3A_1471 : i32
      %sign3A_1473 = arith.extui %sign3A_1472 : i1 to i32
      %sign3A_1474 = arith.subi %sign3A_1470, %sign3A_1473 : i32
      %ne3A = arith.cmpi ne, %sign3A_1467, %sign3A_1474 : i32
      %rem3A = arith.remsi %add3A_1461, %jit3A : i32
      %ne3A_1475 = arith.constant 0 : i32
      %ne3A_1476 = arith.cmpi ne, %rem3A, %ne3A_1475 : i32
      %and3A = arith.andi %ne3A, %ne3A_1476 : i1
      %sub3A = arith.constant 1 : i32
      %sub3A_1477 = arith.subi %div3A, %sub3A : i32
      %select_n3A = arith.select %and3A, %sub3A_1477, %div3A : i32
      %jit3A_1478 = arith.constant 128 : i32
      %eq3A = arith.constant 0 : i32
      %eq3A_1479 = arith.cmpi eq, %jit3A_1478, %eq3A : i32
      %jit3A_1480 = arith.constant 1 : i32
      %select_n3A_1481 = arith.select %eq3A_1479, %jit3A_1480, %jit3A_1478 : i32
      %rem3A_1482 = arith.remsi %add3A_1461, %select_n3A_1481 : i32
      %ne3A_1483 = arith.constant 0 : i32
      %ne3A_1484 = arith.cmpi ne, %rem3A_1482, %ne3A_1483 : i32
      %lt3A_1485 = arith.constant 0 : i32
      %lt3A_1486 = arith.cmpi slt, %rem3A_1482, %lt3A_1485 : i32
      %lt3A_1487 = arith.constant 0 : i32
      %lt3A_1488 = arith.cmpi slt, %select_n3A_1481, %lt3A_1487 : i32
      %ne3A_1489 = arith.xori %lt3A_1486, %lt3A_1488 : i1
      %and3A_1490 = arith.andi %ne3A_1489, %ne3A_1484 : i1
      %add3A_1491 = arith.addi %rem3A_1482, %select_n3A_1481 : i32
      %select_n3A_1492 = arith.select %and3A_1490, %add3A_1491, %rem3A_1482 : i32
      %dma_start3A_1493 = arith.constant 0 : i32
      %dma_start3A_1494 = arith.constant 0 : i32
      %dma_start3A_1495 = arith.constant 0 : i32
      %dma_start3A_1496 = tpu.memref_slice %arg8[%dma_start3A_1494, %dma_start3A_1495] : memref<32x129xf32, #tpu.memory_space<vmem>> -> memref<8x128xf32, #tpu.memory_space<vmem>>
      %dma_start3A_1497 = arith.constant 0 : i32
      %dma_start3A_1498 = arith.constant 0 : i32
      %dma_start3A_1499 = tpu.memref_slice %arg4[%select_n3A, %dma_start3A_1493, %select_n3A_1492, %dma_start3A_1497, %dma_start3A_1498] : memref<26x4x128x8x128xf32, #tpu.memory_space<hbm>> -> memref<1x1x1x8x128xf32, #tpu.memory_space<hbm>>
      %dma_start3A_1500 = tpu.memref_squeeze %dma_start3A_1499 : memref<1x1x1x8x128xf32, #tpu.memory_space<hbm>> -> memref<8x128xf32, #tpu.memory_space<hbm>>
      %dma_start3A_1501 = arith.constant 0 : i32
      %dma_start3A_1502 = arith.constant 0 : i32
      %dma_start3A_1503 = tpu.memref_slice %arg4[%select_n3A, %dma_start3A_1493, %select_n3A_1492, %dma_start3A_1501, %dma_start3A_1502] : memref<26x4x128x8x128xf32, #tpu.memory_space<hbm>> -> memref<1x1x1x8x128xf32, #tpu.memory_space<hbm>>
      %dma_start3A_1504 = tpu.memref_squeeze %dma_start3A_1503 : memref<1x1x1x8x128xf32, #tpu.memory_space<hbm>> -> memref<8x128xf32, #tpu.memory_space<hbm>>
      %dma_start3A_1505 = arith.constant 0 : i32
      %dma_start3A_1506 = arith.constant 0 : i32
      %dma_start3A_1507 = tpu.memref_slice %arg8[%dma_start3A_1505, %dma_start3A_1506] : memref<32x129xf32, #tpu.memory_space<vmem>> -> memref<8x128xf32, #tpu.memory_space<vmem>>
      tpu.enqueue_dma source(%dma_start3A_1507 : memref<8x128xf32, #tpu.memory_space<vmem>>) target(%dma_start3A_1504 : memref<8x128xf32, #tpu.memory_space<hbm>>) target_semaphore(%arg12 : memref<!tpu.dma_semaphore, #tpu.memory_space<semaphore_mem>>)
      %dma_start3A_1508 = arith.constant 1 : i32
      %dma_start3A_1509 = arith.constant 8 : i32
      %dma_start3A_1510 = arith.constant 0 : i32
      %dma_start3A_1511 = tpu.memref_slice %arg8[%dma_start3A_1509, %dma_start3A_1510] : memref<32x129xf32, #tpu.memory_space<vmem>> -> memref<8x128xf32, #tpu.memory_space<vmem>>
      %dma_start3A_1512 = arith.constant 0 : i32
      %dma_start3A_1513 = arith.constant 0 : i32
      %dma_start3A_1514 = tpu.memref_slice %arg4[%select_n3A, %dma_start3A_1508, %select_n3A_1492, %dma_start3A_1512, %dma_start3A_1513] : memref<26x4x128x8x128xf32, #tpu.memory_space<hbm>> -> memref<1x1x1x8x128xf32, #tpu.memory_space<hbm>>
      %dma_start3A_1515 = tpu.memref_squeeze %dma_start3A_1514 : memref<1x1x1x8x128xf32, #tpu.memory_space<hbm>> -> memref<8x128xf32, #tpu.memory_space<hbm>>
      %dma_start3A_1516 = arith.constant 0 : i32
      %dma_start3A_1517 = arith.constant 0 : i32
      %dma_start3A_1518 = tpu.memref_slice %arg4[%select_n3A, %dma_start3A_1508, %select_n3A_1492, %dma_start3A_1516, %dma_start3A_1517] : memref<26x4x128x8x128xf32, #tpu.memory_space<hbm>> -> memref<1x1x1x8x128xf32, #tpu.memory_space<hbm>>
      %dma_start3A_1519 = tpu.memref_squeeze %dma_start3A_1518 : memref<1x1x1x8x128xf32, #tpu.memory_space<hbm>> -> memref<8x128xf32, #tpu.memory_space<hbm>>
      %dma_start3A_1520 = arith.constant 8 : i32
      %dma_start3A_1521 = arith.constant 0 : i32
      %dma_start3A_1522 = tpu.memref_slice %arg8[%dma_start3A_1520, %dma_start3A_1521] : memref<32x129xf32, #tpu.memory_space<vmem>> -> memref<8x128xf32, #tpu.memory_space<vmem>>
      tpu.enqueue_dma source(%dma_start3A_1522 : memref<8x128xf32, #tpu.memory_space<vmem>>) target(%dma_start3A_1519 : memref<8x128xf32, #tpu.memory_space<hbm>>) target_semaphore(%arg12 : memref<!tpu.dma_semaphore, #tpu.memory_space<semaphore_mem>>)
      %dma_start3A_1523 = arith.constant 2 : i32
      %dma_start3A_1524 = arith.constant 16 : i32
      %dma_start3A_1525 = arith.constant 0 : i32
      %dma_start3A_1526 = tpu.memref_slice %arg8[%dma_start3A_1524, %dma_start3A_1525] : memref<32x129xf32, #tpu.memory_space<vmem>> -> memref<8x128xf32, #tpu.memory_space<vmem>>
      %dma_start3A_1527 = arith.constant 0 : i32
      %dma_start3A_1528 = arith.constant 0 : i32
      %dma_start3A_1529 = tpu.memref_slice %arg4[%select_n3A, %dma_start3A_1523, %select_n3A_1492, %dma_start3A_1527, %dma_start3A_1528] : memref<26x4x128x8x128xf32, #tpu.memory_space<hbm>> -> memref<1x1x1x8x128xf32, #tpu.memory_space<hbm>>
      %dma_start3A_1530 = tpu.memref_squeeze %dma_start3A_1529 : memref<1x1x1x8x128xf32, #tpu.memory_space<hbm>> -> memref<8x128xf32, #tpu.memory_space<hbm>>
      %dma_start3A_1531 = arith.constant 0 : i32
      %dma_start3A_1532 = arith.constant 0 : i32
      %dma_start3A_1533 = tpu.memref_slice %arg4[%select_n3A, %dma_start3A_1523, %select_n3A_1492, %dma_start3A_1531, %dma_start3A_1532] : memref<26x4x128x8x128xf32, #tpu.memory_space<hbm>> -> memref<1x1x1x8x128xf32, #tpu.memory_space<hbm>>
      %dma_start3A_1534 = tpu.memref_squeeze %dma_start3A_1533 : memref<1x1x1x8x128xf32, #tpu.memory_space<hbm>> -> memref<8x128xf32, #tpu.memory_space<hbm>>
      %dma_start3A_1535 = arith.constant 16 : i32
      %dma_start3A_1536 = arith.constant 0 : i32
      %dma_start3A_1537 = tpu.memref_slice %arg8[%dma_start3A_1535, %dma_start3A_1536] : memref<32x129xf32, #tpu.memory_space<vmem>> -> memref<8x128xf32, #tpu.memory_space<vmem>>
      tpu.enqueue_dma source(%dma_start3A_1537 : memref<8x128xf32, #tpu.memory_space<vmem>>) target(%dma_start3A_1534 : memref<8x128xf32, #tpu.memory_space<hbm>>) target_semaphore(%arg12 : memref<!tpu.dma_semaphore, #tpu.memory_space<semaphore_mem>>)
      %dma_start3A_1538 = arith.constant 3 : i32
      %dma_start3A_1539 = arith.constant 24 : i32
      %dma_start3A_1540 = arith.constant 0 : i32
      %dma_start3A_1541 = tpu.memref_slice %arg8[%dma_start3A_1539, %dma_start3A_1540] : memref<32x129xf32, #tpu.memory_space<vmem>> -> memref<8x128xf32, #tpu.memory_space<vmem>>
      %dma_start3A_1542 = arith.constant 0 : i32
      %dma_start3A_1543 = arith.constant 0 : i32
      %dma_start3A_1544 = tpu.memref_slice %arg4[%select_n3A, %dma_start3A_1538, %select_n3A_1492, %dma_start3A_1542, %dma_start3A_1543] : memref<26x4x128x8x128xf32, #tpu.memory_space<hbm>> -> memref<1x1x1x8x128xf32, #tpu.memory_space<hbm>>
      %dma_start3A_1545 = tpu.memref_squeeze %dma_start3A_1544 : memref<1x1x1x8x128xf32, #tpu.memory_space<hbm>> -> memref<8x128xf32, #tpu.memory_space<hbm>>
      %dma_start3A_1546 = arith.constant 0 : i32
      %dma_start3A_1547 = arith.constant 0 : i32
      %dma_start3A_1548 = tpu.memref_slice %arg4[%select_n3A, %dma_start3A_1538, %select_n3A_1492, %dma_start3A_1546, %dma_start3A_1547] : memref<26x4x128x8x128xf32, #tpu.memory_space<hbm>> -> memref<1x1x1x8x128xf32, #tpu.memory_space<hbm>>
      %dma_start3A_1549 = tpu.memref_squeeze %dma_start3A_1548 : memref<1x1x1x8x128xf32, #tpu.memory_space<hbm>> -> memref<8x128xf32, #tpu.memory_space<hbm>>
      %dma_start3A_1550 = arith.constant 24 : i32
      %dma_start3A_1551 = arith.constant 0 : i32
      %dma_start3A_1552 = tpu.memref_slice %arg8[%dma_start3A_1550, %dma_start3A_1551] : memref<32x129xf32, #tpu.memory_space<vmem>> -> memref<8x128xf32, #tpu.memory_space<vmem>>
      tpu.enqueue_dma source(%dma_start3A_1552 : memref<8x128xf32, #tpu.memory_space<vmem>>) target(%dma_start3A_1549 : memref<8x128xf32, #tpu.memory_space<hbm>>) target_semaphore(%arg12 : memref<!tpu.dma_semaphore, #tpu.memory_space<semaphore_mem>>)
      %mul3A_1553 = arith.constant 2 : i32
      %mul3A_1554 = arith.muli %mul3A_1553, %scan3A_163 : i32
      %add3A_1555 = arith.constant 1 : i32
      %add3A_1556 = arith.addi %mul3A_1554, %add3A_1555 : i32
      %dma_wait3A_1557 = arith.constant 0 : i32
      %dma_wait3A_1558 = arith.constant 0 : i32
      %dma_wait3A_1559 = tpu.memref_slice %arg5[%dma_wait3A_1557, %dma_wait3A_1558] : memref<104x128xi32, #tpu.memory_space<vmem>> -> memref<1x128xi32, #tpu.memory_space<vmem>>
      %dma_wait3A_1560 = tpu.memref_squeeze %dma_wait3A_1559 : memref<1x128xi32, #tpu.memory_space<vmem>> -> memref<128xi32, #tpu.memory_space<vmem>>
      %dma_wait3A_1561 = arith.constant 0 : i32
      %dma_wait3A_1562 = arith.constant 0 : i32
      %dma_wait3A_1563 = tpu.memref_slice %arg3[%dma_wait3A_1561, %dma_wait3A_1562] : memref<1000000x32xf32, #tpu.memory_space<hbm>> -> memref<1000000x32xf32, #tpu.memory_space<hbm>>
      tpu.wait_indirect_dma semaphore(%arg11 : memref<!tpu.dma_semaphore, #tpu.memory_space<semaphore_mem>>) src(%dma_wait3A_1563 : memref<1000000x32xf32, #tpu.memory_space<hbm>>) dst(%arg7 : memref<128x32xf32, #tpu.memory_space<vmem>>)
      %gt3A_1564 = arith.constant 0 : i32
      %gt3A_1565 = arith.cmpi sgt, %scan3A_163, %gt3A_1564 : i32
      %convert_element_type3A_1566 = arith.extui %gt3A_1565 : i1 to i32
      %cond3A_1567 = arith.constant 0 : i32
      %cond3A_1568 = arith.cmpi ne, %convert_element_type3A_1566, %cond3A_1567 : i32
      scf.if %cond3A_1568 {
        %dma_wait3A_2957 = arith.constant 0 : i32
        %dma_wait3A_2958 = arith.constant 0 : i32
        %dma_wait3A_2959 = arith.constant 0 : i32
        %dma_wait3A_2960 = arith.constant 0 : i32
        %dma_wait3A_2961 = arith.constant 0 : i32
        %dma_wait3A_2962 = tpu.memref_slice %arg9[%dma_wait3A_2960, %dma_wait3A_2961] : memref<32x129xf32, #tpu.memory_space<vmem>> -> memref<8x128xf32, #tpu.memory_space<vmem>>
        %dma_wait3A_2963 = arith.constant 0 : i32
        %dma_wait3A_2964 = arith.constant 0 : i32
        %dma_wait3A_2965 = tpu.memref_slice %arg4[%dma_wait3A_2957, %dma_wait3A_2958, %dma_wait3A_2959, %dma_wait3A_2963, %dma_wait3A_2964] : memref<26x4x128x8x128xf32, #tpu.memory_space<hbm>> -> memref<1x1x1x8x128xf32, #tpu.memory_space<hbm>>
        %dma_wait3A_2966 = tpu.memref_squeeze %dma_wait3A_2965 : memref<1x1x1x8x128xf32, #tpu.memory_space<hbm>> -> memref<8x128xf32, #tpu.memory_space<hbm>>
        %dma_wait3A_2967 = arith.constant 0 : i32
        %dma_wait3A_2968 = arith.constant 0 : i32
        %dma_wait3A_2969 = tpu.memref_slice %arg4[%dma_wait3A_2957, %dma_wait3A_2958, %dma_wait3A_2959, %dma_wait3A_2967, %dma_wait3A_2968] : memref<26x4x128x8x128xf32, #tpu.memory_space<hbm>> -> memref<1x1x1x8x128xf32, #tpu.memory_space<hbm>>
        %dma_wait3A_2970 = tpu.memref_squeeze %dma_wait3A_2969 : memref<1x1x1x8x128xf32, #tpu.memory_space<hbm>> -> memref<8x128xf32, #tpu.memory_space<hbm>>
        %dma_wait3A_2971 = arith.constant 0 : i32
        %dma_wait3A_2972 = arith.constant 0 : i32
        %dma_wait3A_2973 = tpu.memref_slice %arg9[%dma_wait3A_2971, %dma_wait3A_2972] : memref<32x129xf32, #tpu.memory_space<vmem>> -> memref<8x128xf32, #tpu.memory_space<vmem>>
        tpu.wait_dma2 semaphore(%arg13 : memref<!tpu.dma_semaphore, #tpu.memory_space<semaphore_mem>>) src(%dma_wait3A_2973 : memref<8x128xf32, #tpu.memory_space<vmem>>) dst(%dma_wait3A_2970 : memref<8x128xf32, #tpu.memory_space<hbm>>)
        %dma_wait3A_2974 = arith.constant 0 : i32
        %dma_wait3A_2975 = arith.constant 0 : i32
        %dma_wait3A_2976 = arith.constant 0 : i32
        %dma_wait3A_2977 = arith.constant 8 : i32
        %dma_wait3A_2978 = arith.constant 0 : i32
        %dma_wait3A_2979 = tpu.memref_slice %arg9[%dma_wait3A_2977, %dma_wait3A_2978] : memref<32x129xf32, #tpu.memory_space<vmem>> -> memref<8x128xf32, #tpu.memory_space<vmem>>
        %dma_wait3A_2980 = arith.constant 0 : i32
        %dma_wait3A_2981 = arith.constant 0 : i32
        %dma_wait3A_2982 = tpu.memref_slice %arg4[%dma_wait3A_2974, %dma_wait3A_2975, %dma_wait3A_2976, %dma_wait3A_2980, %dma_wait3A_2981] : memref<26x4x128x8x128xf32, #tpu.memory_space<hbm>> -> memref<1x1x1x8x128xf32, #tpu.memory_space<hbm>>
        %dma_wait3A_2983 = tpu.memref_squeeze %dma_wait3A_2982 : memref<1x1x1x8x128xf32, #tpu.memory_space<hbm>> -> memref<8x128xf32, #tpu.memory_space<hbm>>
        %dma_wait3A_2984 = arith.constant 0 : i32
        %dma_wait3A_2985 = arith.constant 0 : i32
        %dma_wait3A_2986 = tpu.memref_slice %arg4[%dma_wait3A_2974, %dma_wait3A_2975, %dma_wait3A_2976, %dma_wait3A_2984, %dma_wait3A_2985] : memref<26x4x128x8x128xf32, #tpu.memory_space<hbm>> -> memref<1x1x1x8x128xf32, #tpu.memory_space<hbm>>
        %dma_wait3A_2987 = tpu.memref_squeeze %dma_wait3A_2986 : memref<1x1x1x8x128xf32, #tpu.memory_space<hbm>> -> memref<8x128xf32, #tpu.memory_space<hbm>>
        %dma_wait3A_2988 = arith.constant 8 : i32
        %dma_wait3A_2989 = arith.constant 0 : i32
        %dma_wait3A_2990 = tpu.memref_slice %arg9[%dma_wait3A_2988, %dma_wait3A_2989] : memref<32x129xf32, #tpu.memory_space<vmem>> -> memref<8x128xf32, #tpu.memory_space<vmem>>
        tpu.wait_dma2 semaphore(%arg13 : memref<!tpu.dma_semaphore, #tpu.memory_space<semaphore_mem>>) src(%dma_wait3A_2990 : memref<8x128xf32, #tpu.memory_space<vmem>>) dst(%dma_wait3A_2987 : memref<8x128xf32, #tpu.memory_space<hbm>>)
        %dma_wait3A_2991 = arith.constant 0 : i32
        %dma_wait3A_2992 = arith.constant 0 : i32
        %dma_wait3A_2993 = arith.constant 0 : i32
        %dma_wait3A_2994 = arith.constant 16 : i32
        %dma_wait3A_2995 = arith.constant 0 : i32
        %dma_wait3A_2996 = tpu.memref_slice %arg9[%dma_wait3A_2994, %dma_wait3A_2995] : memref<32x129xf32, #tpu.memory_space<vmem>> -> memref<8x128xf32, #tpu.memory_space<vmem>>
        %dma_wait3A_2997 = arith.constant 0 : i32
        %dma_wait3A_2998 = arith.constant 0 : i32
        %dma_wait3A_2999 = tpu.memref_slice %arg4[%dma_wait3A_2991, %dma_wait3A_2992, %dma_wait3A_2993, %dma_wait3A_2997, %dma_wait3A_2998] : memref<26x4x128x8x128xf32, #tpu.memory_space<hbm>> -> memref<1x1x1x8x128xf32, #tpu.memory_space<hbm>>
        %dma_wait3A_3000 = tpu.memref_squeeze %dma_wait3A_2999 : memref<1x1x1x8x128xf32, #tpu.memory_space<hbm>> -> memref<8x128xf32, #tpu.memory_space<hbm>>
        %dma_wait3A_3001 = arith.constant 0 : i32
        %dma_wait3A_3002 = arith.constant 0 : i32
        %dma_wait3A_3003 = tpu.memref_slice %arg4[%dma_wait3A_2991, %dma_wait3A_2992, %dma_wait3A_2993, %dma_wait3A_3001, %dma_wait3A_3002] : memref<26x4x128x8x128xf32, #tpu.memory_space<hbm>> -> memref<1x1x1x8x128xf32, #tpu.memory_space<hbm>>
        %dma_wait3A_3004 = tpu.memref_squeeze %dma_wait3A_3003 : memref<1x1x1x8x128xf32, #tpu.memory_space<hbm>> -> memref<8x128xf32, #tpu.memory_space<hbm>>
        %dma_wait3A_3005 = arith.constant 16 : i32
        %dma_wait3A_3006 = arith.constant 0 : i32
        %dma_wait3A_3007 = tpu.memref_slice %arg9[%dma_wait3A_3005, %dma_wait3A_3006] : memref<32x129xf32, #tpu.memory_space<vmem>> -> memref<8x128xf32, #tpu.memory_space<vmem>>
        tpu.wait_dma2 semaphore(%arg13 : memref<!tpu.dma_semaphore, #tpu.memory_space<semaphore_mem>>) src(%dma_wait3A_3007 : memref<8x128xf32, #tpu.memory_space<vmem>>) dst(%dma_wait3A_3004 : memref<8x128xf32, #tpu.memory_space<hbm>>)
        %dma_wait3A_3008 = arith.constant 0 : i32
        %dma_wait3A_3009 = arith.constant 0 : i32
        %dma_wait3A_3010 = arith.constant 0 : i32
        %dma_wait3A_3011 = arith.constant 24 : i32
        %dma_wait3A_3012 = arith.constant 0 : i32
        %dma_wait3A_3013 = tpu.memref_slice %arg9[%dma_wait3A_3011, %dma_wait3A_3012] : memref<32x129xf32, #tpu.memory_space<vmem>> -> memref<8x128xf32, #tpu.memory_space<vmem>>
        %dma_wait3A_3014 = arith.constant 0 : i32
        %dma_wait3A_3015 = arith.constant 0 : i32
        %dma_wait3A_3016 = tpu.memref_slice %arg4[%dma_wait3A_3008, %dma_wait3A_3009, %dma_wait3A_3010, %dma_wait3A_3014, %dma_wait3A_3015] : memref<26x4x128x8x128xf32, #tpu.memory_space<hbm>> -> memref<1x1x1x8x128xf32, #tpu.memory_space<hbm>>
        %dma_wait3A_3017 = tpu.memref_squeeze %dma_wait3A_3016 : memref<1x1x1x8x128xf32, #tpu.memory_space<hbm>> -> memref<8x128xf32, #tpu.memory_space<hbm>>
        %dma_wait3A_3018 = arith.constant 0 : i32
        %dma_wait3A_3019 = arith.constant 0 : i32
        %dma_wait3A_3020 = tpu.memref_slice %arg4[%dma_wait3A_3008, %dma_wait3A_3009, %dma_wait3A_3010, %dma_wait3A_3018, %dma_wait3A_3019] : memref<26x4x128x8x128xf32, #tpu.memory_space<hbm>> -> memref<1x1x1x8x128xf32, #tpu.memory_space<hbm>>
        %dma_wait3A_3021 = tpu.memref_squeeze %dma_wait3A_3020 : memref<1x1x1x8x128xf32, #tpu.memory_space<hbm>> -> memref<8x128xf32, #tpu.memory_space<hbm>>
        %dma_wait3A_3022 = arith.constant 24 : i32
        %dma_wait3A_3023 = arith.constant 0 : i32
        %dma_wait3A_3024 = tpu.memref_slice %arg9[%dma_wait3A_3022, %dma_wait3A_3023] : memref<32x129xf32, #tpu.memory_space<vmem>> -> memref<8x128xf32, #tpu.memory_space<vmem>>
        tpu.wait_dma2 semaphore(%arg13 : memref<!tpu.dma_semaphore, #tpu.memory_space<semaphore_mem>>) src(%dma_wait3A_3024 : memref<8x128xf32, #tpu.memory_space<vmem>>) dst(%dma_wait3A_3021 : memref<8x128xf32, #tpu.memory_space<hbm>>)
      } else {
      }
      %broadcast_in_dim3A_1569 = arith.constant 0 : i32
      %broadcast_in_dim3A_1570 = vector.broadcast %broadcast_in_dim3A_1569 : i32 to vector<16xi32>
      %get3A_1571 = arith.constant 0 : i32
      %get3A_1572 = arith.index_cast %get3A_1571 : i32 to index
      %get3A_1573 = arith.constant 0 : index
      %get3A_1574 = tpu.vector_load %arg7[%get3A_1572, %get3A_1573] {strides = array<i32>} : memref<128x32xf32, #tpu.memory_space<vmem>>, vector<16xf32>,
      tpu.vector_store_idx %arg9[%add3A_5, %broadcast_in_dim3A_1570], %get3A_1574 : memref<32x129xf32, #tpu.memory_space<vmem>>[vector<16xi32>, vector<16xi32>], vector<16xf32>,
      %get3A_1575 = arith.constant 0 : i32
      %get3A_1576 = arith.index_cast %get3A_1575 : i32 to index
      %get3A_1577 = arith.constant 16 : index
      %get3A_1578 = tpu.vector_load %arg7[%get3A_1576, %get3A_1577] {strides = array<i32>} : memref<128x32xf32, #tpu.memory_space<vmem>>, vector<16xf32>,
      tpu.vector_store_idx %arg9[%add3A_9, %broadcast_in_dim3A_1570], %get3A_1578 : memref<32x129xf32, #tpu.memory_space<vmem>>[vector<16xi32>, vector<16xi32>], vector<16xf32>,
      %broadcast_in_dim3A_1579 = arith.constant 1 : i32
      %broadcast_in_dim3A_1580 = vector.broadcast %broadcast_in_dim3A_1579 : i32 to vector<16xi32>
      %get3A_1581 = arith.constant 1 : i32
      %get3A_1582 = arith.index_cast %get3A_1581 : i32 to index
      %get3A_1583 = arith.constant 0 : index
      %get3A_1584 = tpu.vector_load %arg7[%get3A_1582, %get3A_1583] {strides = array<i32>} : memref<128x32xf32, #tpu.memory_space<vmem>>, vector<16xf32>,
      tpu.vector_store_idx %arg9[%add3A_5, %broadcast_in_dim3A_1580], %get3A_1584 : memref<32x129xf32, #tpu.memory_space<vmem>>[vector<16xi32>, vector<16xi32>], vector<16xf32>,
      %get3A_1585 = arith.constant 1 : i32
      %get3A_1586 = arith.index_cast %get3A_1585 : i32 to index
      %get3A_1587 = arith.constant 16 : index
      %get3A_1588 = tpu.vector_load %arg7[%get3A_1586, %get3A_1587] {strides = array<i32>} : memref<128x32xf32, #tpu.memory_space<vmem>>, vector<16xf32>,
      tpu.vector_store_idx %arg9[%add3A_9, %broadcast_in_dim3A_1580], %get3A_1588 : memref<32x129xf32, #tpu.memory_space<vmem>>[vector<16xi32>, vector<16xi32>], vector<16xf32>,
      %broadcast_in_dim3A_1589 = arith.constant 2 : i32
      %broadcast_in_dim3A_1590 = vector.broadcast %broadcast_in_dim3A_1589 : i32 to vector<16xi32>
      %get3A_1591 = arith.constant 2 : i32
      %get3A_1592 = arith.index_cast %get3A_1591 : i32 to index
      %get3A_1593 = arith.constant 0 : index
      %get3A_1594 = tpu.vector_load %arg7[%get3A_1592, %get3A_1593] {strides = array<i32>} : memref<128x32xf32, #tpu.memory_space<vmem>>, vector<16xf32>,
      tpu.vector_store_idx %arg9[%add3A_5, %broadcast_in_dim3A_1590], %get3A_1594 : memref<32x129xf32, #tpu.memory_space<vmem>>[vector<16xi32>, vector<16xi32>], vector<16xf32>,
      %get3A_1595 = arith.constant 2 : i32
      %get3A_1596 = arith.index_cast %get3A_1595 : i32 to index
      %get3A_1597 = arith.constant 16 : index
      %get3A_1598 = tpu.vector_load %arg7[%get3A_1596, %get3A_1597] {strides = array<i32>} : memref<128x32xf32, #tpu.memory_space<vmem>>, vector<16xf32>,
      tpu.vector_store_idx %arg9[%add3A_9, %broadcast_in_dim3A_1590], %get3A_1598 : memref<32x129xf32, #tpu.memory_space<vmem>>[vector<16xi32>, vector<16xi32>], vector<16xf32>,
      %broadcast_in_dim3A_1599 = arith.constant 3 : i32
      %broadcast_in_dim3A_1600 = vector.broadcast %broadcast_in_dim3A_1599 : i32 to vector<16xi32>
      %get3A_1601 = arith.constant 3 : i32
      %get3A_1602 = arith.index_cast %get3A_1601 : i32 to index
      %get3A_1603 = arith.constant 0 : index
      %get3A_1604 = tpu.vector_load %arg7[%get3A_1602, %get3A_1603] {strides = array<i32>} : memref<128x32xf32, #tpu.memory_space<vmem>>, vector<16xf32>,
      tpu.vector_store_idx %arg9[%add3A_5, %broadcast_in_dim3A_1600], %get3A_1604 : memref<32x129xf32, #tpu.memory_space<vmem>>[vector<16xi32>, vector<16xi32>], vector<16xf32>,
      %get3A_1605 = arith.constant 3 : i32
      %get3A_1606 = arith.index_cast %get3A_1605 : i32 to index
      %get3A_1607 = arith.constant 16 : index
      %get3A_1608 = tpu.vector_load %arg7[%get3A_1606, %get3A_1607] {strides = array<i32>} : memref<128x32xf32, #tpu.memory_space<vmem>>, vector<16xf32>,
      tpu.vector_store_idx %arg9[%add3A_9, %broadcast_in_dim3A_1600], %get3A_1608 : memref<32x129xf32, #tpu.memory_space<vmem>>[vector<16xi32>, vector<16xi32>], vector<16xf32>,
      %broadcast_in_dim3A_1609 = arith.constant 4 : i32
      %broadcast_in_dim3A_1610 = vector.broadcast %broadcast_in_dim3A_1609 : i32 to vector<16xi32>
      %get3A_1611 = arith.constant 4 : i32
      %get3A_1612 = arith.index_cast %get3A_1611 : i32 to index
      %get3A_1613 = arith.constant 0 : index
      %get3A_1614 = tpu.vector_load %arg7[%get3A_1612, %get3A_1613] {strides = array<i32>} : memref<128x32xf32, #tpu.memory_space<vmem>>, vector<16xf32>,
      tpu.vector_store_idx %arg9[%add3A_5, %broadcast_in_dim3A_1610], %get3A_1614 : memref<32x129xf32, #tpu.memory_space<vmem>>[vector<16xi32>, vector<16xi32>], vector<16xf32>,
      %get3A_1615 = arith.constant 4 : i32
      %get3A_1616 = arith.index_cast %get3A_1615 : i32 to index
      %get3A_1617 = arith.constant 16 : index
      %get3A_1618 = tpu.vector_load %arg7[%get3A_1616, %get3A_1617] {strides = array<i32>} : memref<128x32xf32, #tpu.memory_space<vmem>>, vector<16xf32>,
      tpu.vector_store_idx %arg9[%add3A_9, %broadcast_in_dim3A_1610], %get3A_1618 : memref<32x129xf32, #tpu.memory_space<vmem>>[vector<16xi32>, vector<16xi32>], vector<16xf32>,
      %broadcast_in_dim3A_1619 = arith.constant 5 : i32
      %broadcast_in_dim3A_1620 = vector.broadcast %broadcast_in_dim3A_1619 : i32 to vector<16xi32>
      %get3A_1621 = arith.constant 5 : i32
      %get3A_1622 = arith.index_cast %get3A_1621 : i32 to index
      %get3A_1623 = arith.constant 0 : index
      %get3A_1624 = tpu.vector_load %arg7[%get3A_1622, %get3A_1623] {strides = array<i32>} : memref<128x32xf32, #tpu.memory_space<vmem>>, vector<16xf32>,
      tpu.vector_store_idx %arg9[%add3A_5, %broadcast_in_dim3A_1620], %get3A_1624 : memref<32x129xf32, #tpu.memory_space<vmem>>[vector<16xi32>, vector<16xi32>], vector<16xf32>,
      %get3A_1625 = arith.constant 5 : i32
      %get3A_1626 = arith.index_cast %get3A_1625 : i32 to index
      %get3A_1627 = arith.constant 16 : index
      %get3A_1628 = tpu.vector_load %arg7[%get3A_1626, %get3A_1627] {strides = array<i32>} : memref<128x32xf32, #tpu.memory_space<vmem>>, vector<16xf32>,
      tpu.vector_store_idx %arg9[%add3A_9, %broadcast_in_dim3A_1620], %get3A_1628 : memref<32x129xf32, #tpu.memory_space<vmem>>[vector<16xi32>, vector<16xi32>], vector<16xf32>,
      %broadcast_in_dim3A_1629 = arith.constant 6 : i32
      %broadcast_in_dim3A_1630 = vector.broadcast %broadcast_in_dim3A_1629 : i32 to vector<16xi32>
      %get3A_1631 = arith.constant 6 : i32
      %get3A_1632 = arith.index_cast %get3A_1631 : i32 to index
      %get3A_1633 = arith.constant 0 : index
      %get3A_1634 = tpu.vector_load %arg7[%get3A_1632, %get3A_1633] {strides = array<i32>} : memref<128x32xf32, #tpu.memory_space<vmem>>, vector<16xf32>,
      tpu.vector_store_idx %arg9[%add3A_5, %broadcast_in_dim3A_1630], %get3A_1634 : memref<32x129xf32, #tpu.memory_space<vmem>>[vector<16xi32>, vector<16xi32>], vector<16xf32>,
      %get3A_1635 = arith.constant 6 : i32
      %get3A_1636 = arith.index_cast %get3A_1635 : i32 to index
      %get3A_1637 = arith.constant 16 : index
      %get3A_1638 = tpu.vector_load %arg7[%get3A_1636, %get3A_1637] {strides = array<i32>} : memref<128x32xf32, #tpu.memory_space<vmem>>, vector<16xf32>,
      tpu.vector_store_idx %arg9[%add3A_9, %broadcast_in_dim3A_1630], %get3A_1638 : memref<32x129xf32, #tpu.memory_space<vmem>>[vector<16xi32>, vector<16xi32>], vector<16xf32>,
      %broadcast_in_dim3A_1639 = arith.constant 7 : i32
      %broadcast_in_dim3A_1640 = vector.broadcast %broadcast_in_dim3A_1639 : i32 to vector<16xi32>
      %get3A_1641 = arith.constant 7 : i32
      %get3A_1642 = arith.index_cast %get3A_1641 : i32 to index
      %get3A_1643 = arith.constant 0 : index
      %get3A_1644 = tpu.vector_load %arg7[%get3A_1642, %get3A_1643] {strides = array<i32>} : memref<128x32xf32, #tpu.memory_space<vmem>>, vector<16xf32>,
      tpu.vector_store_idx %arg9[%add3A_5, %broadcast_in_dim3A_1640], %get3A_1644 : memref<32x129xf32, #tpu.memory_space<vmem>>[vector<16xi32>, vector<16xi32>], vector<16xf32>,
      %get3A_1645 = arith.constant 7 : i32
      %get3A_1646 = arith.index_cast %get3A_1645 : i32 to index
      %get3A_1647 = arith.constant 16 : index
      %get3A_1648 = tpu.vector_load %arg7[%get3A_1646, %get3A_1647] {strides = array<i32>} : memref<128x32xf32, #tpu.memory_space<vmem>>, vector<16xf32>,
      tpu.vector_store_idx %arg9[%add3A_9, %broadcast_in_dim3A_1640], %get3A_1648 : memref<32x129xf32, #tpu.memory_space<vmem>>[vector<16xi32>, vector<16xi32>], vector<16xf32>,
      %broadcast_in_dim3A_1649 = arith.constant 8 : i32
      %broadcast_in_dim3A_1650 = vector.broadcast %broadcast_in_dim3A_1649 : i32 to vector<16xi32>
      %get3A_1651 = arith.constant 8 : i32
      %get3A_1652 = arith.index_cast %get3A_1651 : i32 to index
      %get3A_1653 = arith.constant 0 : index
      %get3A_1654 = tpu.vector_load %arg7[%get3A_1652, %get3A_1653] {strides = array<i32>} : memref<128x32xf32, #tpu.memory_space<vmem>>, vector<16xf32>,
      tpu.vector_store_idx %arg9[%add3A_5, %broadcast_in_dim3A_1650], %get3A_1654 : memref<32x129xf32, #tpu.memory_space<vmem>>[vector<16xi32>, vector<16xi32>], vector<16xf32>,
      %get3A_1655 = arith.constant 8 : i32
      %get3A_1656 = arith.index_cast %get3A_1655 : i32 to index
      %get3A_1657 = arith.constant 16 : index
      %get3A_1658 = tpu.vector_load %arg7[%get3A_1656, %get3A_1657] {strides = array<i32>} : memref<128x32xf32, #tpu.memory_space<vmem>>, vector<16xf32>,
      tpu.vector_store_idx %arg9[%add3A_9, %broadcast_in_dim3A_1650], %get3A_1658 : memref<32x129xf32, #tpu.memory_space<vmem>>[vector<16xi32>, vector<16xi32>], vector<16xf32>,
      %broadcast_in_dim3A_1659 = arith.constant 9 : i32
      %broadcast_in_dim3A_1660 = vector.broadcast %broadcast_in_dim3A_1659 : i32 to vector<16xi32>
      %get3A_1661 = arith.constant 9 : i32
      %get3A_1662 = arith.index_cast %get3A_1661 : i32 to index
      %get3A_1663 = arith.constant 0 : index
      %get3A_1664 = tpu.vector_load %arg7[%get3A_1662, %get3A_1663] {strides = array<i32>} : memref<128x32xf32, #tpu.memory_space<vmem>>, vector<16xf32>,
      tpu.vector_store_idx %arg9[%add3A_5, %broadcast_in_dim3A_1660], %get3A_1664 : memref<32x129xf32, #tpu.memory_space<vmem>>[vector<16xi32>, vector<16xi32>], vector<16xf32>,
      %get3A_1665 = arith.constant 9 : i32
      %get3A_1666 = arith.index_cast %get3A_1665 : i32 to index
      %get3A_1667 = arith.constant 16 : index
      %get3A_1668 = tpu.vector_load %arg7[%get3A_1666, %get3A_1667] {strides = array<i32>} : memref<128x32xf32, #tpu.memory_space<vmem>>, vector<16xf32>,
      tpu.vector_store_idx %arg9[%add3A_9, %broadcast_in_dim3A_1660], %get3A_1668 : memref<32x129xf32, #tpu.memory_space<vmem>>[vector<16xi32>, vector<16xi32>], vector<16xf32>,
      %broadcast_in_dim3A_1669 = arith.constant 10 : i32
      %broadcast_in_dim3A_1670 = vector.broadcast %broadcast_in_dim3A_1669 : i32 to vector<16xi32>
      %get3A_1671 = arith.constant 10 : i32
      %get3A_1672 = arith.index_cast %get3A_1671 : i32 to index
      %get3A_1673 = arith.constant 0 : index
      %get3A_1674 = tpu.vector_load %arg7[%get3A_1672, %get3A_1673] {strides = array<i32>} : memref<128x32xf32, #tpu.memory_space<vmem>>, vector<16xf32>,
      tpu.vector_store_idx %arg9[%add3A_5, %broadcast_in_dim3A_1670], %get3A_1674 : memref<32x129xf32, #tpu.memory_space<vmem>>[vector<16xi32>, vector<16xi32>], vector<16xf32>,
      %get3A_1675 = arith.constant 10 : i32
      %get3A_1676 = arith.index_cast %get3A_1675 : i32 to index
      %get3A_1677 = arith.constant 16 : index
      %get3A_1678 = tpu.vector_load %arg7[%get3A_1676, %get3A_1677] {strides = array<i32>} : memref<128x32xf32, #tpu.memory_space<vmem>>, vector<16xf32>,
      tpu.vector_store_idx %arg9[%add3A_9, %broadcast_in_dim3A_1670], %get3A_1678 : memref<32x129xf32, #tpu.memory_space<vmem>>[vector<16xi32>, vector<16xi32>], vector<16xf32>,
      %broadcast_in_dim3A_1679 = arith.constant 11 : i32
      %broadcast_in_dim3A_1680 = vector.broadcast %broadcast_in_dim3A_1679 : i32 to vector<16xi32>
      %get3A_1681 = arith.constant 11 : i32
      %get3A_1682 = arith.index_cast %get3A_1681 : i32 to index
      %get3A_1683 = arith.constant 0 : index
      %get3A_1684 = tpu.vector_load %arg7[%get3A_1682, %get3A_1683] {strides = array<i32>} : memref<128x32xf32, #tpu.memory_space<vmem>>, vector<16xf32>,
      tpu.vector_store_idx %arg9[%add3A_5, %broadcast_in_dim3A_1680], %get3A_1684 : memref<32x129xf32, #tpu.memory_space<vmem>>[vector<16xi32>, vector<16xi32>], vector<16xf32>,
      %get3A_1685 = arith.constant 11 : i32
      %get3A_1686 = arith.index_cast %get3A_1685 : i32 to index
      %get3A_1687 = arith.constant 16 : index
      %get3A_1688 = tpu.vector_load %arg7[%get3A_1686, %get3A_1687] {strides = array<i32>} : memref<128x32xf32, #tpu.memory_space<vmem>>, vector<16xf32>,
      tpu.vector_store_idx %arg9[%add3A_9, %broadcast_in_dim3A_1680], %get3A_1688 : memref<32x129xf32, #tpu.memory_space<vmem>>[vector<16xi32>, vector<16xi32>], vector<16xf32>,
      %broadcast_in_dim3A_1689 = arith.constant 12 : i32
      %broadcast_in_dim3A_1690 = vector.broadcast %broadcast_in_dim3A_1689 : i32 to vector<16xi32>
      %get3A_1691 = arith.constant 12 : i32
      %get3A_1692 = arith.index_cast %get3A_1691 : i32 to index
      %get3A_1693 = arith.constant 0 : index
      %get3A_1694 = tpu.vector_load %arg7[%get3A_1692, %get3A_1693] {strides = array<i32>} : memref<128x32xf32, #tpu.memory_space<vmem>>, vector<16xf32>,
      tpu.vector_store_idx %arg9[%add3A_5, %broadcast_in_dim3A_1690], %get3A_1694 : memref<32x129xf32, #tpu.memory_space<vmem>>[vector<16xi32>, vector<16xi32>], vector<16xf32>,
      %get3A_1695 = arith.constant 12 : i32
      %get3A_1696 = arith.index_cast %get3A_1695 : i32 to index
      %get3A_1697 = arith.constant 16 : index
      %get3A_1698 = tpu.vector_load %arg7[%get3A_1696, %get3A_1697] {strides = array<i32>} : memref<128x32xf32, #tpu.memory_space<vmem>>, vector<16xf32>,
      tpu.vector_store_idx %arg9[%add3A_9, %broadcast_in_dim3A_1690], %get3A_1698 : memref<32x129xf32, #tpu.memory_space<vmem>>[vector<16xi32>, vector<16xi32>], vector<16xf32>,
      %broadcast_in_dim3A_1699 = arith.constant 13 : i32
      %broadcast_in_dim3A_1700 = vector.broadcast %broadcast_in_dim3A_1699 : i32 to vector<16xi32>
      %get3A_1701 = arith.constant 13 : i32
      %get3A_1702 = arith.index_cast %get3A_1701 : i32 to index
      %get3A_1703 = arith.constant 0 : index
      %get3A_1704 = tpu.vector_load %arg7[%get3A_1702, %get3A_1703] {strides = array<i32>} : memref<128x32xf32, #tpu.memory_space<vmem>>, vector<16xf32>,
      tpu.vector_store_idx %arg9[%add3A_5, %broadcast_in_dim3A_1700], %get3A_1704 : memref<32x129xf32, #tpu.memory_space<vmem>>[vector<16xi32>, vector<16xi32>], vector<16xf32>,
      %get3A_1705 = arith.constant 13 : i32
      %get3A_1706 = arith.index_cast %get3A_1705 : i32 to index
      %get3A_1707 = arith.constant 16 : index
      %get3A_1708 = tpu.vector_load %arg7[%get3A_1706, %get3A_1707] {strides = array<i32>} : memref<128x32xf32, #tpu.memory_space<vmem>>, vector<16xf32>,
      tpu.vector_store_idx %arg9[%add3A_9, %broadcast_in_dim3A_1700], %get3A_1708 : memref<32x129xf32, #tpu.memory_space<vmem>>[vector<16xi32>, vector<16xi32>], vector<16xf32>,
      %broadcast_in_dim3A_1709 = arith.constant 14 : i32
      %broadcast_in_dim3A_1710 = vector.broadcast %broadcast_in_dim3A_1709 : i32 to vector<16xi32>
      %get3A_1711 = arith.constant 14 : i32
      %get3A_1712 = arith.index_cast %get3A_1711 : i32 to index
      %get3A_1713 = arith.constant 0 : index
      %get3A_1714 = tpu.vector_load %arg7[%get3A_1712, %get3A_1713] {strides = array<i32>} : memref<128x32xf32, #tpu.memory_space<vmem>>, vector<16xf32>,
      tpu.vector_store_idx %arg9[%add3A_5, %broadcast_in_dim3A_1710], %get3A_1714 : memref<32x129xf32, #tpu.memory_space<vmem>>[vector<16xi32>, vector<16xi32>], vector<16xf32>,
      %get3A_1715 = arith.constant 14 : i32
      %get3A_1716 = arith.index_cast %get3A_1715 : i32 to index
      %get3A_1717 = arith.constant 16 : index
      %get3A_1718 = tpu.vector_load %arg7[%get3A_1716, %get3A_1717] {strides = array<i32>} : memref<128x32xf32, #tpu.memory_space<vmem>>, vector<16xf32>,
      tpu.vector_store_idx %arg9[%add3A_9, %broadcast_in_dim3A_1710], %get3A_1718 : memref<32x129xf32, #tpu.memory_space<vmem>>[vector<16xi32>, vector<16xi32>], vector<16xf32>,
      %broadcast_in_dim3A_1719 = arith.constant 15 : i32
      %broadcast_in_dim3A_1720 = vector.broadcast %broadcast_in_dim3A_1719 : i32 to vector<16xi32>
      %get3A_1721 = arith.constant 15 : i32
      %get3A_1722 = arith.index_cast %get3A_1721 : i32 to index
      %get3A_1723 = arith.constant 0 : index
      %get3A_1724 = tpu.vector_load %arg7[%get3A_1722, %get3A_1723] {strides = array<i32>} : memref<128x32xf32, #tpu.memory_space<vmem>>, vector<16xf32>,
      tpu.vector_store_idx %arg9[%add3A_5, %broadcast_in_dim3A_1720], %get3A_1724 : memref<32x129xf32, #tpu.memory_space<vmem>>[vector<16xi32>, vector<16xi32>], vector<16xf32>,
      %get3A_1725 = arith.constant 15 : i32
      %get3A_1726 = arith.index_cast %get3A_1725 : i32 to index
      %get3A_1727 = arith.constant 16 : index
      %get3A_1728 = tpu.vector_load %arg7[%get3A_1726, %get3A_1727] {strides = array<i32>} : memref<128x32xf32, #tpu.memory_space<vmem>>, vector<16xf32>,
      tpu.vector_store_idx %arg9[%add3A_9, %broadcast_in_dim3A_1720], %get3A_1728 : memref<32x129xf32, #tpu.memory_space<vmem>>[vector<16xi32>, vector<16xi32>], vector<16xf32>,
      %broadcast_in_dim3A_1729 = arith.constant 16 : i32
      %broadcast_in_dim3A_1730 = vector.broadcast %broadcast_in_dim3A_1729 : i32 to vector<16xi32>
      %get3A_1731 = arith.constant 16 : i32
      %get3A_1732 = arith.index_cast %get3A_1731 : i32 to index
      %get3A_1733 = arith.constant 0 : index
      %get3A_1734 = tpu.vector_load %arg7[%get3A_1732, %get3A_1733] {strides = array<i32>} : memref<128x32xf32, #tpu.memory_space<vmem>>, vector<16xf32>,
      tpu.vector_store_idx %arg9[%add3A_5, %broadcast_in_dim3A_1730], %get3A_1734 : memref<32x129xf32, #tpu.memory_space<vmem>>[vector<16xi32>, vector<16xi32>], vector<16xf32>,
      %get3A_1735 = arith.constant 16 : i32
      %get3A_1736 = arith.index_cast %get3A_1735 : i32 to index
      %get3A_1737 = arith.constant 16 : index
      %get3A_1738 = tpu.vector_load %arg7[%get3A_1736, %get3A_1737] {strides = array<i32>} : memref<128x32xf32, #tpu.memory_space<vmem>>, vector<16xf32>,
      tpu.vector_store_idx %arg9[%add3A_9, %broadcast_in_dim3A_1730], %get3A_1738 : memref<32x129xf32, #tpu.memory_space<vmem>>[vector<16xi32>, vector<16xi32>], vector<16xf32>,
      %broadcast_in_dim3A_1739 = arith.constant 17 : i32
      %broadcast_in_dim3A_1740 = vector.broadcast %broadcast_in_dim3A_1739 : i32 to vector<16xi32>
      %get3A_1741 = arith.constant 17 : i32
      %get3A_1742 = arith.index_cast %get3A_1741 : i32 to index
      %get3A_1743 = arith.constant 0 : index
      %get3A_1744 = tpu.vector_load %arg7[%get3A_1742, %get3A_1743] {strides = array<i32>} : memref<128x32xf32, #tpu.memory_space<vmem>>, vector<16xf32>,
      tpu.vector_store_idx %arg9[%add3A_5, %broadcast_in_dim3A_1740], %get3A_1744 : memref<32x129xf32, #tpu.memory_space<vmem>>[vector<16xi32>, vector<16xi32>], vector<16xf32>,
      %get3A_1745 = arith.constant 17 : i32
      %get3A_1746 = arith.index_cast %get3A_1745 : i32 to index
      %get3A_1747 = arith.constant 16 : index
      %get3A_1748 = tpu.vector_load %arg7[%get3A_1746, %get3A_1747] {strides = array<i32>} : memref<128x32xf32, #tpu.memory_space<vmem>>, vector<16xf32>,
      tpu.vector_store_idx %arg9[%add3A_9, %broadcast_in_dim3A_1740], %get3A_1748 : memref<32x129xf32, #tpu.memory_space<vmem>>[vector<16xi32>, vector<16xi32>], vector<16xf32>,
      %broadcast_in_dim3A_1749 = arith.constant 18 : i32
      %broadcast_in_dim3A_1750 = vector.broadcast %broadcast_in_dim3A_1749 : i32 to vector<16xi32>
      %get3A_1751 = arith.constant 18 : i32
      %get3A_1752 = arith.index_cast %get3A_1751 : i32 to index
      %get3A_1753 = arith.constant 0 : index
      %get3A_1754 = tpu.vector_load %arg7[%get3A_1752, %get3A_1753] {strides = array<i32>} : memref<128x32xf32, #tpu.memory_space<vmem>>, vector<16xf32>,
      tpu.vector_store_idx %arg9[%add3A_5, %broadcast_in_dim3A_1750], %get3A_1754 : memref<32x129xf32, #tpu.memory_space<vmem>>[vector<16xi32>, vector<16xi32>], vector<16xf32>,
      %get3A_1755 = arith.constant 18 : i32
      %get3A_1756 = arith.index_cast %get3A_1755 : i32 to index
      %get3A_1757 = arith.constant 16 : index
      %get3A_1758 = tpu.vector_load %arg7[%get3A_1756, %get3A_1757] {strides = array<i32>} : memref<128x32xf32, #tpu.memory_space<vmem>>, vector<16xf32>,
      tpu.vector_store_idx %arg9[%add3A_9, %broadcast_in_dim3A_1750], %get3A_1758 : memref<32x129xf32, #tpu.memory_space<vmem>>[vector<16xi32>, vector<16xi32>], vector<16xf32>,
      %broadcast_in_dim3A_1759 = arith.constant 19 : i32
      %broadcast_in_dim3A_1760 = vector.broadcast %broadcast_in_dim3A_1759 : i32 to vector<16xi32>
      %get3A_1761 = arith.constant 19 : i32
      %get3A_1762 = arith.index_cast %get3A_1761 : i32 to index
      %get3A_1763 = arith.constant 0 : index
      %get3A_1764 = tpu.vector_load %arg7[%get3A_1762, %get3A_1763] {strides = array<i32>} : memref<128x32xf32, #tpu.memory_space<vmem>>, vector<16xf32>,
      tpu.vector_store_idx %arg9[%add3A_5, %broadcast_in_dim3A_1760], %get3A_1764 : memref<32x129xf32, #tpu.memory_space<vmem>>[vector<16xi32>, vector<16xi32>], vector<16xf32>,
      %get3A_1765 = arith.constant 19 : i32
      %get3A_1766 = arith.index_cast %get3A_1765 : i32 to index
      %get3A_1767 = arith.constant 16 : index
      %get3A_1768 = tpu.vector_load %arg7[%get3A_1766, %get3A_1767] {strides = array<i32>} : memref<128x32xf32, #tpu.memory_space<vmem>>, vector<16xf32>,
      tpu.vector_store_idx %arg9[%add3A_9, %broadcast_in_dim3A_1760], %get3A_1768 : memref<32x129xf32, #tpu.memory_space<vmem>>[vector<16xi32>, vector<16xi32>], vector<16xf32>,
      %broadcast_in_dim3A_1769 = arith.constant 20 : i32
      %broadcast_in_dim3A_1770 = vector.broadcast %broadcast_in_dim3A_1769 : i32 to vector<16xi32>
      %get3A_1771 = arith.constant 20 : i32
      %get3A_1772 = arith.index_cast %get3A_1771 : i32 to index
      %get3A_1773 = arith.constant 0 : index
      %get3A_1774 = tpu.vector_load %arg7[%get3A_1772, %get3A_1773] {strides = array<i32>} : memref<128x32xf32, #tpu.memory_space<vmem>>, vector<16xf32>,
      tpu.vector_store_idx %arg9[%add3A_5, %broadcast_in_dim3A_1770], %get3A_1774 : memref<32x129xf32, #tpu.memory_space<vmem>>[vector<16xi32>, vector<16xi32>], vector<16xf32>,
      %get3A_1775 = arith.constant 20 : i32
      %get3A_1776 = arith.index_cast %get3A_1775 : i32 to index
      %get3A_1777 = arith.constant 16 : index
      %get3A_1778 = tpu.vector_load %arg7[%get3A_1776, %get3A_1777] {strides = array<i32>} : memref<128x32xf32, #tpu.memory_space<vmem>>, vector<16xf32>,
      tpu.vector_store_idx %arg9[%add3A_9, %broadcast_in_dim3A_1770], %get3A_1778 : memref<32x129xf32, #tpu.memory_space<vmem>>[vector<16xi32>, vector<16xi32>], vector<16xf32>,
      %broadcast_in_dim3A_1779 = arith.constant 21 : i32
      %broadcast_in_dim3A_1780 = vector.broadcast %broadcast_in_dim3A_1779 : i32 to vector<16xi32>
      %get3A_1781 = arith.constant 21 : i32
      %get3A_1782 = arith.index_cast %get3A_1781 : i32 to index
      %get3A_1783 = arith.constant 0 : index
      %get3A_1784 = tpu.vector_load %arg7[%get3A_1782, %get3A_1783] {strides = array<i32>} : memref<128x32xf32, #tpu.memory_space<vmem>>, vector<16xf32>,
      tpu.vector_store_idx %arg9[%add3A_5, %broadcast_in_dim3A_1780], %get3A_1784 : memref<32x129xf32, #tpu.memory_space<vmem>>[vector<16xi32>, vector<16xi32>], vector<16xf32>,
      %get3A_1785 = arith.constant 21 : i32
      %get3A_1786 = arith.index_cast %get3A_1785 : i32 to index
      %get3A_1787 = arith.constant 16 : index
      %get3A_1788 = tpu.vector_load %arg7[%get3A_1786, %get3A_1787] {strides = array<i32>} : memref<128x32xf32, #tpu.memory_space<vmem>>, vector<16xf32>,
      tpu.vector_store_idx %arg9[%add3A_9, %broadcast_in_dim3A_1780], %get3A_1788 : memref<32x129xf32, #tpu.memory_space<vmem>>[vector<16xi32>, vector<16xi32>], vector<16xf32>,
      %broadcast_in_dim3A_1789 = arith.constant 22 : i32
      %broadcast_in_dim3A_1790 = vector.broadcast %broadcast_in_dim3A_1789 : i32 to vector<16xi32>
      %get3A_1791 = arith.constant 22 : i32
      %get3A_1792 = arith.index_cast %get3A_1791 : i32 to index
      %get3A_1793 = arith.constant 0 : index
      %get3A_1794 = tpu.vector_load %arg7[%get3A_1792, %get3A_1793] {strides = array<i32>} : memref<128x32xf32, #tpu.memory_space<vmem>>, vector<16xf32>,
      tpu.vector_store_idx %arg9[%add3A_5, %broadcast_in_dim3A_1790], %get3A_1794 : memref<32x129xf32, #tpu.memory_space<vmem>>[vector<16xi32>, vector<16xi32>], vector<16xf32>,
      %get3A_1795 = arith.constant 22 : i32
      %get3A_1796 = arith.index_cast %get3A_1795 : i32 to index
      %get3A_1797 = arith.constant 16 : index
      %get3A_1798 = tpu.vector_load %arg7[%get3A_1796, %get3A_1797] {strides = array<i32>} : memref<128x32xf32, #tpu.memory_space<vmem>>, vector<16xf32>,
      tpu.vector_store_idx %arg9[%add3A_9, %broadcast_in_dim3A_1790], %get3A_1798 : memref<32x129xf32, #tpu.memory_space<vmem>>[vector<16xi32>, vector<16xi32>], vector<16xf32>,
      %broadcast_in_dim3A_1799 = arith.constant 23 : i32
      %broadcast_in_dim3A_1800 = vector.broadcast %broadcast_in_dim3A_1799 : i32 to vector<16xi32>
      %get3A_1801 = arith.constant 23 : i32
      %get3A_1802 = arith.index_cast %get3A_1801 : i32 to index
      %get3A_1803 = arith.constant 0 : index
      %get3A_1804 = tpu.vector_load %arg7[%get3A_1802, %get3A_1803] {strides = array<i32>} : memref<128x32xf32, #tpu.memory_space<vmem>>, vector<16xf32>,
      tpu.vector_store_idx %arg9[%add3A_5, %broadcast_in_dim3A_1800], %get3A_1804 : memref<32x129xf32, #tpu.memory_space<vmem>>[vector<16xi32>, vector<16xi32>], vector<16xf32>,
      %get3A_1805 = arith.constant 23 : i32
      %get3A_1806 = arith.index_cast %get3A_1805 : i32 to index
      %get3A_1807 = arith.constant 16 : index
      %get3A_1808 = tpu.vector_load %arg7[%get3A_1806, %get3A_1807] {strides = array<i32>} : memref<128x32xf32, #tpu.memory_space<vmem>>, vector<16xf32>,
      tpu.vector_store_idx %arg9[%add3A_9, %broadcast_in_dim3A_1800], %get3A_1808 : memref<32x129xf32, #tpu.memory_space<vmem>>[vector<16xi32>, vector<16xi32>], vector<16xf32>,
      %broadcast_in_dim3A_1809 = arith.constant 24 : i32
      %broadcast_in_dim3A_1810 = vector.broadcast %broadcast_in_dim3A_1809 : i32 to vector<16xi32>
      %get3A_1811 = arith.constant 24 : i32
      %get3A_1812 = arith.index_cast %get3A_1811 : i32 to index
      %get3A_1813 = arith.constant 0 : index
      %get3A_1814 = tpu.vector_load %arg7[%get3A_1812, %get3A_1813] {strides = array<i32>} : memref<128x32xf32, #tpu.memory_space<vmem>>, vector<16xf32>,
      tpu.vector_store_idx %arg9[%add3A_5, %broadcast_in_dim3A_1810], %get3A_1814 : memref<32x129xf32, #tpu.memory_space<vmem>>[vector<16xi32>, vector<16xi32>], vector<16xf32>,
      %get3A_1815 = arith.constant 24 : i32
      %get3A_1816 = arith.index_cast %get3A_1815 : i32 to index
      %get3A_1817 = arith.constant 16 : index
      %get3A_1818 = tpu.vector_load %arg7[%get3A_1816, %get3A_1817] {strides = array<i32>} : memref<128x32xf32, #tpu.memory_space<vmem>>, vector<16xf32>,
      tpu.vector_store_idx %arg9[%add3A_9, %broadcast_in_dim3A_1810], %get3A_1818 : memref<32x129xf32, #tpu.memory_space<vmem>>[vector<16xi32>, vector<16xi32>], vector<16xf32>,
      %broadcast_in_dim3A_1819 = arith.constant 25 : i32
      %broadcast_in_dim3A_1820 = vector.broadcast %broadcast_in_dim3A_1819 : i32 to vector<16xi32>
      %get3A_1821 = arith.constant 25 : i32
      %get3A_1822 = arith.index_cast %get3A_1821 : i32 to index
      %get3A_1823 = arith.constant 0 : index
      %get3A_1824 = tpu.vector_load %arg7[%get3A_1822, %get3A_1823] {strides = array<i32>} : memref<128x32xf32, #tpu.memory_space<vmem>>, vector<16xf32>,
      tpu.vector_store_idx %arg9[%add3A_5, %broadcast_in_dim3A_1820], %get3A_1824 : memref<32x129xf32, #tpu.memory_space<vmem>>[vector<16xi32>, vector<16xi32>], vector<16xf32>,
      %get3A_1825 = arith.constant 25 : i32
      %get3A_1826 = arith.index_cast %get3A_1825 : i32 to index
      %get3A_1827 = arith.constant 16 : index
      %get3A_1828 = tpu.vector_load %arg7[%get3A_1826, %get3A_1827] {strides = array<i32>} : memref<128x32xf32, #tpu.memory_space<vmem>>, vector<16xf32>,
      tpu.vector_store_idx %arg9[%add3A_9, %broadcast_in_dim3A_1820], %get3A_1828 : memref<32x129xf32, #tpu.memory_space<vmem>>[vector<16xi32>, vector<16xi32>], vector<16xf32>,
      %broadcast_in_dim3A_1829 = arith.constant 26 : i32
      %broadcast_in_dim3A_1830 = vector.broadcast %broadcast_in_dim3A_1829 : i32 to vector<16xi32>
      %get3A_1831 = arith.constant 26 : i32
      %get3A_1832 = arith.index_cast %get3A_1831 : i32 to index
      %get3A_1833 = arith.constant 0 : index
      %get3A_1834 = tpu.vector_load %arg7[%get3A_1832, %get3A_1833] {strides = array<i32>} : memref<128x32xf32, #tpu.memory_space<vmem>>, vector<16xf32>,
      tpu.vector_store_idx %arg9[%add3A_5, %broadcast_in_dim3A_1830], %get3A_1834 : memref<32x129xf32, #tpu.memory_space<vmem>>[vector<16xi32>, vector<16xi32>], vector<16xf32>,
      %get3A_1835 = arith.constant 26 : i32
      %get3A_1836 = arith.index_cast %get3A_1835 : i32 to index
      %get3A_1837 = arith.constant 16 : index
      %get3A_1838 = tpu.vector_load %arg7[%get3A_1836, %get3A_1837] {strides = array<i32>} : memref<128x32xf32, #tpu.memory_space<vmem>>, vector<16xf32>,
      tpu.vector_store_idx %arg9[%add3A_9, %broadcast_in_dim3A_1830], %get3A_1838 : memref<32x129xf32, #tpu.memory_space<vmem>>[vector<16xi32>, vector<16xi32>], vector<16xf32>,
      %broadcast_in_dim3A_1839 = arith.constant 27 : i32
      %broadcast_in_dim3A_1840 = vector.broadcast %broadcast_in_dim3A_1839 : i32 to vector<16xi32>
      %get3A_1841 = arith.constant 27 : i32
      %get3A_1842 = arith.index_cast %get3A_1841 : i32 to index
      %get3A_1843 = arith.constant 0 : index
      %get3A_1844 = tpu.vector_load %arg7[%get3A_1842, %get3A_1843] {strides = array<i32>} : memref<128x32xf32, #tpu.memory_space<vmem>>, vector<16xf32>,
      tpu.vector_store_idx %arg9[%add3A_5, %broadcast_in_dim3A_1840], %get3A_1844 : memref<32x129xf32, #tpu.memory_space<vmem>>[vector<16xi32>, vector<16xi32>], vector<16xf32>,
      %get3A_1845 = arith.constant 27 : i32
      %get3A_1846 = arith.index_cast %get3A_1845 : i32 to index
      %get3A_1847 = arith.constant 16 : index
      %get3A_1848 = tpu.vector_load %arg7[%get3A_1846, %get3A_1847] {strides = array<i32>} : memref<128x32xf32, #tpu.memory_space<vmem>>, vector<16xf32>,
      tpu.vector_store_idx %arg9[%add3A_9, %broadcast_in_dim3A_1840], %get3A_1848 : memref<32x129xf32, #tpu.memory_space<vmem>>[vector<16xi32>, vector<16xi32>], vector<16xf32>,
      %broadcast_in_dim3A_1849 = arith.constant 28 : i32
      %broadcast_in_dim3A_1850 = vector.broadcast %broadcast_in_dim3A_1849 : i32 to vector<16xi32>
      %get3A_1851 = arith.constant 28 : i32
      %get3A_1852 = arith.index_cast %get3A_1851 : i32 to index
      %get3A_1853 = arith.constant 0 : index
      %get3A_1854 = tpu.vector_load %arg7[%get3A_1852, %get3A_1853] {strides = array<i32>} : memref<128x32xf32, #tpu.memory_space<vmem>>, vector<16xf32>,
      tpu.vector_store_idx %arg9[%add3A_5, %broadcast_in_dim3A_1850], %get3A_1854 : memref<32x129xf32, #tpu.memory_space<vmem>>[vector<16xi32>, vector<16xi32>], vector<16xf32>,
      %get3A_1855 = arith.constant 28 : i32
      %get3A_1856 = arith.index_cast %get3A_1855 : i32 to index
      %get3A_1857 = arith.constant 16 : index
      %get3A_1858 = tpu.vector_load %arg7[%get3A_1856, %get3A_1857] {strides = array<i32>} : memref<128x32xf32, #tpu.memory_space<vmem>>, vector<16xf32>,
      tpu.vector_store_idx %arg9[%add3A_9, %broadcast_in_dim3A_1850], %get3A_1858 : memref<32x129xf32, #tpu.memory_space<vmem>>[vector<16xi32>, vector<16xi32>], vector<16xf32>,
      %broadcast_in_dim3A_1859 = arith.constant 29 : i32
      %broadcast_in_dim3A_1860 = vector.broadcast %broadcast_in_dim3A_1859 : i32 to vector<16xi32>
      %get3A_1861 = arith.constant 29 : i32
      %get3A_1862 = arith.index_cast %get3A_1861 : i32 to index
      %get3A_1863 = arith.constant 0 : index
      %get3A_1864 = tpu.vector_load %arg7[%get3A_1862, %get3A_1863] {strides = array<i32>} : memref<128x32xf32, #tpu.memory_space<vmem>>, vector<16xf32>,
      tpu.vector_store_idx %arg9[%add3A_5, %broadcast_in_dim3A_1860], %get3A_1864 : memref<32x129xf32, #tpu.memory_space<vmem>>[vector<16xi32>, vector<16xi32>], vector<16xf32>,
      %get3A_1865 = arith.constant 29 : i32
      %get3A_1866 = arith.index_cast %get3A_1865 : i32 to index
      %get3A_1867 = arith.constant 16 : index
      %get3A_1868 = tpu.vector_load %arg7[%get3A_1866, %get3A_1867] {strides = array<i32>} : memref<128x32xf32, #tpu.memory_space<vmem>>, vector<16xf32>,
      tpu.vector_store_idx %arg9[%add3A_9, %broadcast_in_dim3A_1860], %get3A_1868 : memref<32x129xf32, #tpu.memory_space<vmem>>[vector<16xi32>, vector<16xi32>], vector<16xf32>,
      %broadcast_in_dim3A_1869 = arith.constant 30 : i32
      %broadcast_in_dim3A_1870 = vector.broadcast %broadcast_in_dim3A_1869 : i32 to vector<16xi32>
      %get3A_1871 = arith.constant 30 : i32
      %get3A_1872 = arith.index_cast %get3A_1871 : i32 to index
      %get3A_1873 = arith.constant 0 : index
      %get3A_1874 = tpu.vector_load %arg7[%get3A_1872, %get3A_1873] {strides = array<i32>} : memref<128x32xf32, #tpu.memory_space<vmem>>, vector<16xf32>,
      tpu.vector_store_idx %arg9[%add3A_5, %broadcast_in_dim3A_1870], %get3A_1874 : memref<32x129xf32, #tpu.memory_space<vmem>>[vector<16xi32>, vector<16xi32>], vector<16xf32>,
      %get3A_1875 = arith.constant 30 : i32
      %get3A_1876 = arith.index_cast %get3A_1875 : i32 to index
      %get3A_1877 = arith.constant 16 : index
      %get3A_1878 = tpu.vector_load %arg7[%get3A_1876, %get3A_1877] {strides = array<i32>} : memref<128x32xf32, #tpu.memory_space<vmem>>, vector<16xf32>,
      tpu.vector_store_idx %arg9[%add3A_9, %broadcast_in_dim3A_1870], %get3A_1878 : memref<32x129xf32, #tpu.memory_space<vmem>>[vector<16xi32>, vector<16xi32>], vector<16xf32>,
      %broadcast_in_dim3A_1879 = arith.constant 31 : i32
      %broadcast_in_dim3A_1880 = vector.broadcast %broadcast_in_dim3A_1879 : i32 to vector<16xi32>
      %get3A_1881 = arith.constant 31 : i32
      %get3A_1882 = arith.index_cast %get3A_1881 : i32 to index
      %get3A_1883 = arith.constant 0 : index
      %get3A_1884 = tpu.vector_load %arg7[%get3A_1882, %get3A_1883] {strides = array<i32>} : memref<128x32xf32, #tpu.memory_space<vmem>>, vector<16xf32>,
      tpu.vector_store_idx %arg9[%add3A_5, %broadcast_in_dim3A_1880], %get3A_1884 : memref<32x129xf32, #tpu.memory_space<vmem>>[vector<16xi32>, vector<16xi32>], vector<16xf32>,
      %get3A_1885 = arith.constant 31 : i32
      %get3A_1886 = arith.index_cast %get3A_1885 : i32 to index
      %get3A_1887 = arith.constant 16 : index
      %get3A_1888 = tpu.vector_load %arg7[%get3A_1886, %get3A_1887] {strides = array<i32>} : memref<128x32xf32, #tpu.memory_space<vmem>>, vector<16xf32>,
      tpu.vector_store_idx %arg9[%add3A_9, %broadcast_in_dim3A_1880], %get3A_1888 : memref<32x129xf32, #tpu.memory_space<vmem>>[vector<16xi32>, vector<16xi32>], vector<16xf32>,
      %broadcast_in_dim3A_1889 = arith.constant 32 : i32
      %broadcast_in_dim3A_1890 = vector.broadcast %broadcast_in_dim3A_1889 : i32 to vector<16xi32>
      %get3A_1891 = arith.constant 32 : i32
      %get3A_1892 = arith.index_cast %get3A_1891 : i32 to index
      %get3A_1893 = arith.constant 0 : index
      %get3A_1894 = tpu.vector_load %arg7[%get3A_1892, %get3A_1893] {strides = array<i32>} : memref<128x32xf32, #tpu.memory_space<vmem>>, vector<16xf32>,
      tpu.vector_store_idx %arg9[%add3A_5, %broadcast_in_dim3A_1890], %get3A_1894 : memref<32x129xf32, #tpu.memory_space<vmem>>[vector<16xi32>, vector<16xi32>], vector<16xf32>,
      %get3A_1895 = arith.constant 32 : i32
      %get3A_1896 = arith.index_cast %get3A_1895 : i32 to index
      %get3A_1897 = arith.constant 16 : index
      %get3A_1898 = tpu.vector_load %arg7[%get3A_1896, %get3A_1897] {strides = array<i32>} : memref<128x32xf32, #tpu.memory_space<vmem>>, vector<16xf32>,
      tpu.vector_store_idx %arg9[%add3A_9, %broadcast_in_dim3A_1890], %get3A_1898 : memref<32x129xf32, #tpu.memory_space<vmem>>[vector<16xi32>, vector<16xi32>], vector<16xf32>,
      %broadcast_in_dim3A_1899 = arith.constant 33 : i32
      %broadcast_in_dim3A_1900 = vector.broadcast %broadcast_in_dim3A_1899 : i32 to vector<16xi32>
      %get3A_1901 = arith.constant 33 : i32
      %get3A_1902 = arith.index_cast %get3A_1901 : i32 to index
      %get3A_1903 = arith.constant 0 : index
      %get3A_1904 = tpu.vector_load %arg7[%get3A_1902, %get3A_1903] {strides = array<i32>} : memref<128x32xf32, #tpu.memory_space<vmem>>, vector<16xf32>,
      tpu.vector_store_idx %arg9[%add3A_5, %broadcast_in_dim3A_1900], %get3A_1904 : memref<32x129xf32, #tpu.memory_space<vmem>>[vector<16xi32>, vector<16xi32>], vector<16xf32>,
      %get3A_1905 = arith.constant 33 : i32
      %get3A_1906 = arith.index_cast %get3A_1905 : i32 to index
      %get3A_1907 = arith.constant 16 : index
      %get3A_1908 = tpu.vector_load %arg7[%get3A_1906, %get3A_1907] {strides = array<i32>} : memref<128x32xf32, #tpu.memory_space<vmem>>, vector<16xf32>,
      tpu.vector_store_idx %arg9[%add3A_9, %broadcast_in_dim3A_1900], %get3A_1908 : memref<32x129xf32, #tpu.memory_space<vmem>>[vector<16xi32>, vector<16xi32>], vector<16xf32>,
      %broadcast_in_dim3A_1909 = arith.constant 34 : i32
      %broadcast_in_dim3A_1910 = vector.broadcast %broadcast_in_dim3A_1909 : i32 to vector<16xi32>
      %get3A_1911 = arith.constant 34 : i32
      %get3A_1912 = arith.index_cast %get3A_1911 : i32 to index
      %get3A_1913 = arith.constant 0 : index
      %get3A_1914 = tpu.vector_load %arg7[%get3A_1912, %get3A_1913] {strides = array<i32>} : memref<128x32xf32, #tpu.memory_space<vmem>>, vector<16xf32>,
      tpu.vector_store_idx %arg9[%add3A_5, %broadcast_in_dim3A_1910], %get3A_1914 : memref<32x129xf32, #tpu.memory_space<vmem>>[vector<16xi32>, vector<16xi32>], vector<16xf32>,
      %get3A_1915 = arith.constant 34 : i32
      %get3A_1916 = arith.index_cast %get3A_1915 : i32 to index
      %get3A_1917 = arith.constant 16 : index
      %get3A_1918 = tpu.vector_load %arg7[%get3A_1916, %get3A_1917] {strides = array<i32>} : memref<128x32xf32, #tpu.memory_space<vmem>>, vector<16xf32>,
      tpu.vector_store_idx %arg9[%add3A_9, %broadcast_in_dim3A_1910], %get3A_1918 : memref<32x129xf32, #tpu.memory_space<vmem>>[vector<16xi32>, vector<16xi32>], vector<16xf32>,
      %broadcast_in_dim3A_1919 = arith.constant 35 : i32
      %broadcast_in_dim3A_1920 = vector.broadcast %broadcast_in_dim3A_1919 : i32 to vector<16xi32>
      %get3A_1921 = arith.constant 35 : i32
      %get3A_1922 = arith.index_cast %get3A_1921 : i32 to index
      %get3A_1923 = arith.constant 0 : index
      %get3A_1924 = tpu.vector_load %arg7[%get3A_1922, %get3A_1923] {strides = array<i32>} : memref<128x32xf32, #tpu.memory_space<vmem>>, vector<16xf32>,
      tpu.vector_store_idx %arg9[%add3A_5, %broadcast_in_dim3A_1920], %get3A_1924 : memref<32x129xf32, #tpu.memory_space<vmem>>[vector<16xi32>, vector<16xi32>], vector<16xf32>,
      %get3A_1925 = arith.constant 35 : i32
      %get3A_1926 = arith.index_cast %get3A_1925 : i32 to index
      %get3A_1927 = arith.constant 16 : index
      %get3A_1928 = tpu.vector_load %arg7[%get3A_1926, %get3A_1927] {strides = array<i32>} : memref<128x32xf32, #tpu.memory_space<vmem>>, vector<16xf32>,
      tpu.vector_store_idx %arg9[%add3A_9, %broadcast_in_dim3A_1920], %get3A_1928 : memref<32x129xf32, #tpu.memory_space<vmem>>[vector<16xi32>, vector<16xi32>], vector<16xf32>,
      %broadcast_in_dim3A_1929 = arith.constant 36 : i32
      %broadcast_in_dim3A_1930 = vector.broadcast %broadcast_in_dim3A_1929 : i32 to vector<16xi32>
      %get3A_1931 = arith.constant 36 : i32
      %get3A_1932 = arith.index_cast %get3A_1931 : i32 to index
      %get3A_1933 = arith.constant 0 : index
      %get3A_1934 = tpu.vector_load %arg7[%get3A_1932, %get3A_1933] {strides = array<i32>} : memref<128x32xf32, #tpu.memory_space<vmem>>, vector<16xf32>,
      tpu.vector_store_idx %arg9[%add3A_5, %broadcast_in_dim3A_1930], %get3A_1934 : memref<32x129xf32, #tpu.memory_space<vmem>>[vector<16xi32>, vector<16xi32>], vector<16xf32>,
      %get3A_1935 = arith.constant 36 : i32
      %get3A_1936 = arith.index_cast %get3A_1935 : i32 to index
      %get3A_1937 = arith.constant 16 : index
      %get3A_1938 = tpu.vector_load %arg7[%get3A_1936, %get3A_1937] {strides = array<i32>} : memref<128x32xf32, #tpu.memory_space<vmem>>, vector<16xf32>,
      tpu.vector_store_idx %arg9[%add3A_9, %broadcast_in_dim3A_1930], %get3A_1938 : memref<32x129xf32, #tpu.memory_space<vmem>>[vector<16xi32>, vector<16xi32>], vector<16xf32>,
      %broadcast_in_dim3A_1939 = arith.constant 37 : i32
      %broadcast_in_dim3A_1940 = vector.broadcast %broadcast_in_dim3A_1939 : i32 to vector<16xi32>
      %get3A_1941 = arith.constant 37 : i32
      %get3A_1942 = arith.index_cast %get3A_1941 : i32 to index
      %get3A_1943 = arith.constant 0 : index
      %get3A_1944 = tpu.vector_load %arg7[%get3A_1942, %get3A_1943] {strides = array<i32>} : memref<128x32xf32, #tpu.memory_space<vmem>>, vector<16xf32>,
      tpu.vector_store_idx %arg9[%add3A_5, %broadcast_in_dim3A_1940], %get3A_1944 : memref<32x129xf32, #tpu.memory_space<vmem>>[vector<16xi32>, vector<16xi32>], vector<16xf32>,
      %get3A_1945 = arith.constant 37 : i32
      %get3A_1946 = arith.index_cast %get3A_1945 : i32 to index
      %get3A_1947 = arith.constant 16 : index
      %get3A_1948 = tpu.vector_load %arg7[%get3A_1946, %get3A_1947] {strides = array<i32>} : memref<128x32xf32, #tpu.memory_space<vmem>>, vector<16xf32>,
      tpu.vector_store_idx %arg9[%add3A_9, %broadcast_in_dim3A_1940], %get3A_1948 : memref<32x129xf32, #tpu.memory_space<vmem>>[vector<16xi32>, vector<16xi32>], vector<16xf32>,
      %broadcast_in_dim3A_1949 = arith.constant 38 : i32
      %broadcast_in_dim3A_1950 = vector.broadcast %broadcast_in_dim3A_1949 : i32 to vector<16xi32>
      %get3A_1951 = arith.constant 38 : i32
      %get3A_1952 = arith.index_cast %get3A_1951 : i32 to index
      %get3A_1953 = arith.constant 0 : index
      %get3A_1954 = tpu.vector_load %arg7[%get3A_1952, %get3A_1953] {strides = array<i32>} : memref<128x32xf32, #tpu.memory_space<vmem>>, vector<16xf32>,
      tpu.vector_store_idx %arg9[%add3A_5, %broadcast_in_dim3A_1950], %get3A_1954 : memref<32x129xf32, #tpu.memory_space<vmem>>[vector<16xi32>, vector<16xi32>], vector<16xf32>,
      %get3A_1955 = arith.constant 38 : i32
      %get3A_1956 = arith.index_cast %get3A_1955 : i32 to index
      %get3A_1957 = arith.constant 16 : index
      %get3A_1958 = tpu.vector_load %arg7[%get3A_1956, %get3A_1957] {strides = array<i32>} : memref<128x32xf32, #tpu.memory_space<vmem>>, vector<16xf32>,
      tpu.vector_store_idx %arg9[%add3A_9, %broadcast_in_dim3A_1950], %get3A_1958 : memref<32x129xf32, #tpu.memory_space<vmem>>[vector<16xi32>, vector<16xi32>], vector<16xf32>,
      %broadcast_in_dim3A_1959 = arith.constant 39 : i32
      %broadcast_in_dim3A_1960 = vector.broadcast %broadcast_in_dim3A_1959 : i32 to vector<16xi32>
      %get3A_1961 = arith.constant 39 : i32
      %get3A_1962 = arith.index_cast %get3A_1961 : i32 to index
      %get3A_1963 = arith.constant 0 : index
      %get3A_1964 = tpu.vector_load %arg7[%get3A_1962, %get3A_1963] {strides = array<i32>} : memref<128x32xf32, #tpu.memory_space<vmem>>, vector<16xf32>,
      tpu.vector_store_idx %arg9[%add3A_5, %broadcast_in_dim3A_1960], %get3A_1964 : memref<32x129xf32, #tpu.memory_space<vmem>>[vector<16xi32>, vector<16xi32>], vector<16xf32>,
      %get3A_1965 = arith.constant 39 : i32
      %get3A_1966 = arith.index_cast %get3A_1965 : i32 to index
      %get3A_1967 = arith.constant 16 : index
      %get3A_1968 = tpu.vector_load %arg7[%get3A_1966, %get3A_1967] {strides = array<i32>} : memref<128x32xf32, #tpu.memory_space<vmem>>, vector<16xf32>,
      tpu.vector_store_idx %arg9[%add3A_9, %broadcast_in_dim3A_1960], %get3A_1968 : memref<32x129xf32, #tpu.memory_space<vmem>>[vector<16xi32>, vector<16xi32>], vector<16xf32>,
      %broadcast_in_dim3A_1969 = arith.constant 40 : i32
      %broadcast_in_dim3A_1970 = vector.broadcast %broadcast_in_dim3A_1969 : i32 to vector<16xi32>
      %get3A_1971 = arith.constant 40 : i32
      %get3A_1972 = arith.index_cast %get3A_1971 : i32 to index
      %get3A_1973 = arith.constant 0 : index
      %get3A_1974 = tpu.vector_load %arg7[%get3A_1972, %get3A_1973] {strides = array<i32>} : memref<128x32xf32, #tpu.memory_space<vmem>>, vector<16xf32>,
      tpu.vector_store_idx %arg9[%add3A_5, %broadcast_in_dim3A_1970], %get3A_1974 : memref<32x129xf32, #tpu.memory_space<vmem>>[vector<16xi32>, vector<16xi32>], vector<16xf32>,
      %get3A_1975 = arith.constant 40 : i32
      %get3A_1976 = arith.index_cast %get3A_1975 : i32 to index
      %get3A_1977 = arith.constant 16 : index
      %get3A_1978 = tpu.vector_load %arg7[%get3A_1976, %get3A_1977] {strides = array<i32>} : memref<128x32xf32, #tpu.memory_space<vmem>>, vector<16xf32>,
      tpu.vector_store_idx %arg9[%add3A_9, %broadcast_in_dim3A_1970], %get3A_1978 : memref<32x129xf32, #tpu.memory_space<vmem>>[vector<16xi32>, vector<16xi32>], vector<16xf32>,
      %broadcast_in_dim3A_1979 = arith.constant 41 : i32
      %broadcast_in_dim3A_1980 = vector.broadcast %broadcast_in_dim3A_1979 : i32 to vector<16xi32>
      %get3A_1981 = arith.constant 41 : i32
      %get3A_1982 = arith.index_cast %get3A_1981 : i32 to index
      %get3A_1983 = arith.constant 0 : index
      %get3A_1984 = tpu.vector_load %arg7[%get3A_1982, %get3A_1983] {strides = array<i32>} : memref<128x32xf32, #tpu.memory_space<vmem>>, vector<16xf32>,
      tpu.vector_store_idx %arg9[%add3A_5, %broadcast_in_dim3A_1980], %get3A_1984 : memref<32x129xf32, #tpu.memory_space<vmem>>[vector<16xi32>, vector<16xi32>], vector<16xf32>,
      %get3A_1985 = arith.constant 41 : i32
      %get3A_1986 = arith.index_cast %get3A_1985 : i32 to index
      %get3A_1987 = arith.constant 16 : index
      %get3A_1988 = tpu.vector_load %arg7[%get3A_1986, %get3A_1987] {strides = array<i32>} : memref<128x32xf32, #tpu.memory_space<vmem>>, vector<16xf32>,
      tpu.vector_store_idx %arg9[%add3A_9, %broadcast_in_dim3A_1980], %get3A_1988 : memref<32x129xf32, #tpu.memory_space<vmem>>[vector<16xi32>, vector<16xi32>], vector<16xf32>,
      %broadcast_in_dim3A_1989 = arith.constant 42 : i32
      %broadcast_in_dim3A_1990 = vector.broadcast %broadcast_in_dim3A_1989 : i32 to vector<16xi32>
      %get3A_1991 = arith.constant 42 : i32
      %get3A_1992 = arith.index_cast %get3A_1991 : i32 to index
      %get3A_1993 = arith.constant 0 : index
      %get3A_1994 = tpu.vector_load %arg7[%get3A_1992, %get3A_1993] {strides = array<i32>} : memref<128x32xf32, #tpu.memory_space<vmem>>, vector<16xf32>,
      tpu.vector_store_idx %arg9[%add3A_5, %broadcast_in_dim3A_1990], %get3A_1994 : memref<32x129xf32, #tpu.memory_space<vmem>>[vector<16xi32>, vector<16xi32>], vector<16xf32>,
      %get3A_1995 = arith.constant 42 : i32
      %get3A_1996 = arith.index_cast %get3A_1995 : i32 to index
      %get3A_1997 = arith.constant 16 : index
      %get3A_1998 = tpu.vector_load %arg7[%get3A_1996, %get3A_1997] {strides = array<i32>} : memref<128x32xf32, #tpu.memory_space<vmem>>, vector<16xf32>,
      tpu.vector_store_idx %arg9[%add3A_9, %broadcast_in_dim3A_1990], %get3A_1998 : memref<32x129xf32, #tpu.memory_space<vmem>>[vector<16xi32>, vector<16xi32>], vector<16xf32>,
      %broadcast_in_dim3A_1999 = arith.constant 43 : i32
      %broadcast_in_dim3A_2000 = vector.broadcast %broadcast_in_dim3A_1999 : i32 to vector<16xi32>
      %get3A_2001 = arith.constant 43 : i32
      %get3A_2002 = arith.index_cast %get3A_2001 : i32 to index
      %get3A_2003 = arith.constant 0 : index
      %get3A_2004 = tpu.vector_load %arg7[%get3A_2002, %get3A_2003] {strides = array<i32>} : memref<128x32xf32, #tpu.memory_space<vmem>>, vector<16xf32>,
      tpu.vector_store_idx %arg9[%add3A_5, %broadcast_in_dim3A_2000], %get3A_2004 : memref<32x129xf32, #tpu.memory_space<vmem>>[vector<16xi32>, vector<16xi32>], vector<16xf32>,
      %get3A_2005 = arith.constant 43 : i32
      %get3A_2006 = arith.index_cast %get3A_2005 : i32 to index
      %get3A_2007 = arith.constant 16 : index
      %get3A_2008 = tpu.vector_load %arg7[%get3A_2006, %get3A_2007] {strides = array<i32>} : memref<128x32xf32, #tpu.memory_space<vmem>>, vector<16xf32>,
      tpu.vector_store_idx %arg9[%add3A_9, %broadcast_in_dim3A_2000], %get3A_2008 : memref<32x129xf32, #tpu.memory_space<vmem>>[vector<16xi32>, vector<16xi32>], vector<16xf32>,
      %broadcast_in_dim3A_2009 = arith.constant 44 : i32
      %broadcast_in_dim3A_2010 = vector.broadcast %broadcast_in_dim3A_2009 : i32 to vector<16xi32>
      %get3A_2011 = arith.constant 44 : i32
      %get3A_2012 = arith.index_cast %get3A_2011 : i32 to index
      %get3A_2013 = arith.constant 0 : index
      %get3A_2014 = tpu.vector_load %arg7[%get3A_2012, %get3A_2013] {strides = array<i32>} : memref<128x32xf32, #tpu.memory_space<vmem>>, vector<16xf32>,
      tpu.vector_store_idx %arg9[%add3A_5, %broadcast_in_dim3A_2010], %get3A_2014 : memref<32x129xf32, #tpu.memory_space<vmem>>[vector<16xi32>, vector<16xi32>], vector<16xf32>,
      %get3A_2015 = arith.constant 44 : i32
      %get3A_2016 = arith.index_cast %get3A_2015 : i32 to index
      %get3A_2017 = arith.constant 16 : index
      %get3A_2018 = tpu.vector_load %arg7[%get3A_2016, %get3A_2017] {strides = array<i32>} : memref<128x32xf32, #tpu.memory_space<vmem>>, vector<16xf32>,
      tpu.vector_store_idx %arg9[%add3A_9, %broadcast_in_dim3A_2010], %get3A_2018 : memref<32x129xf32, #tpu.memory_space<vmem>>[vector<16xi32>, vector<16xi32>], vector<16xf32>,
      %broadcast_in_dim3A_2019 = arith.constant 45 : i32
      %broadcast_in_dim3A_2020 = vector.broadcast %broadcast_in_dim3A_2019 : i32 to vector<16xi32>
      %get3A_2021 = arith.constant 45 : i32
      %get3A_2022 = arith.index_cast %get3A_2021 : i32 to index
      %get3A_2023 = arith.constant 0 : index
      %get3A_2024 = tpu.vector_load %arg7[%get3A_2022, %get3A_2023] {strides = array<i32>} : memref<128x32xf32, #tpu.memory_space<vmem>>, vector<16xf32>,
      tpu.vector_store_idx %arg9[%add3A_5, %broadcast_in_dim3A_2020], %get3A_2024 : memref<32x129xf32, #tpu.memory_space<vmem>>[vector<16xi32>, vector<16xi32>], vector<16xf32>,
      %get3A_2025 = arith.constant 45 : i32
      %get3A_2026 = arith.index_cast %get3A_2025 : i32 to index
      %get3A_2027 = arith.constant 16 : index
      %get3A_2028 = tpu.vector_load %arg7[%get3A_2026, %get3A_2027] {strides = array<i32>} : memref<128x32xf32, #tpu.memory_space<vmem>>, vector<16xf32>,
      tpu.vector_store_idx %arg9[%add3A_9, %broadcast_in_dim3A_2020], %get3A_2028 : memref<32x129xf32, #tpu.memory_space<vmem>>[vector<16xi32>, vector<16xi32>], vector<16xf32>,
      %broadcast_in_dim3A_2029 = arith.constant 46 : i32
      %broadcast_in_dim3A_2030 = vector.broadcast %broadcast_in_dim3A_2029 : i32 to vector<16xi32>
      %get3A_2031 = arith.constant 46 : i32
      %get3A_2032 = arith.index_cast %get3A_2031 : i32 to index
      %get3A_2033 = arith.constant 0 : index
      %get3A_2034 = tpu.vector_load %arg7[%get3A_2032, %get3A_2033] {strides = array<i32>} : memref<128x32xf32, #tpu.memory_space<vmem>>, vector<16xf32>,
      tpu.vector_store_idx %arg9[%add3A_5, %broadcast_in_dim3A_2030], %get3A_2034 : memref<32x129xf32, #tpu.memory_space<vmem>>[vector<16xi32>, vector<16xi32>], vector<16xf32>,
      %get3A_2035 = arith.constant 46 : i32
      %get3A_2036 = arith.index_cast %get3A_2035 : i32 to index
      %get3A_2037 = arith.constant 16 : index
      %get3A_2038 = tpu.vector_load %arg7[%get3A_2036, %get3A_2037] {strides = array<i32>} : memref<128x32xf32, #tpu.memory_space<vmem>>, vector<16xf32>,
      tpu.vector_store_idx %arg9[%add3A_9, %broadcast_in_dim3A_2030], %get3A_2038 : memref<32x129xf32, #tpu.memory_space<vmem>>[vector<16xi32>, vector<16xi32>], vector<16xf32>,
      %broadcast_in_dim3A_2039 = arith.constant 47 : i32
      %broadcast_in_dim3A_2040 = vector.broadcast %broadcast_in_dim3A_2039 : i32 to vector<16xi32>
      %get3A_2041 = arith.constant 47 : i32
      %get3A_2042 = arith.index_cast %get3A_2041 : i32 to index
      %get3A_2043 = arith.constant 0 : index
      %get3A_2044 = tpu.vector_load %arg7[%get3A_2042, %get3A_2043] {strides = array<i32>} : memref<128x32xf32, #tpu.memory_space<vmem>>, vector<16xf32>,
      tpu.vector_store_idx %arg9[%add3A_5, %broadcast_in_dim3A_2040], %get3A_2044 : memref<32x129xf32, #tpu.memory_space<vmem>>[vector<16xi32>, vector<16xi32>], vector<16xf32>,
      %get3A_2045 = arith.constant 47 : i32
      %get3A_2046 = arith.index_cast %get3A_2045 : i32 to index
      %get3A_2047 = arith.constant 16 : index
      %get3A_2048 = tpu.vector_load %arg7[%get3A_2046, %get3A_2047] {strides = array<i32>} : memref<128x32xf32, #tpu.memory_space<vmem>>, vector<16xf32>,
      tpu.vector_store_idx %arg9[%add3A_9, %broadcast_in_dim3A_2040], %get3A_2048 : memref<32x129xf32, #tpu.memory_space<vmem>>[vector<16xi32>, vector<16xi32>], vector<16xf32>,
      %broadcast_in_dim3A_2049 = arith.constant 48 : i32
      %broadcast_in_dim3A_2050 = vector.broadcast %broadcast_in_dim3A_2049 : i32 to vector<16xi32>
      %get3A_2051 = arith.constant 48 : i32
      %get3A_2052 = arith.index_cast %get3A_2051 : i32 to index
      %get3A_2053 = arith.constant 0 : index
      %get3A_2054 = tpu.vector_load %arg7[%get3A_2052, %get3A_2053] {strides = array<i32>} : memref<128x32xf32, #tpu.memory_space<vmem>>, vector<16xf32>,
      tpu.vector_store_idx %arg9[%add3A_5, %broadcast_in_dim3A_2050], %get3A_2054 : memref<32x129xf32, #tpu.memory_space<vmem>>[vector<16xi32>, vector<16xi32>], vector<16xf32>,
      %get3A_2055 = arith.constant 48 : i32
      %get3A_2056 = arith.index_cast %get3A_2055 : i32 to index
      %get3A_2057 = arith.constant 16 : index
      %get3A_2058 = tpu.vector_load %arg7[%get3A_2056, %get3A_2057] {strides = array<i32>} : memref<128x32xf32, #tpu.memory_space<vmem>>, vector<16xf32>,
      tpu.vector_store_idx %arg9[%add3A_9, %broadcast_in_dim3A_2050], %get3A_2058 : memref<32x129xf32, #tpu.memory_space<vmem>>[vector<16xi32>, vector<16xi32>], vector<16xf32>,
      %broadcast_in_dim3A_2059 = arith.constant 49 : i32
      %broadcast_in_dim3A_2060 = vector.broadcast %broadcast_in_dim3A_2059 : i32 to vector<16xi32>
      %get3A_2061 = arith.constant 49 : i32
      %get3A_2062 = arith.index_cast %get3A_2061 : i32 to index
      %get3A_2063 = arith.constant 0 : index
      %get3A_2064 = tpu.vector_load %arg7[%get3A_2062, %get3A_2063] {strides = array<i32>} : memref<128x32xf32, #tpu.memory_space<vmem>>, vector<16xf32>,
      tpu.vector_store_idx %arg9[%add3A_5, %broadcast_in_dim3A_2060], %get3A_2064 : memref<32x129xf32, #tpu.memory_space<vmem>>[vector<16xi32>, vector<16xi32>], vector<16xf32>,
      %get3A_2065 = arith.constant 49 : i32
      %get3A_2066 = arith.index_cast %get3A_2065 : i32 to index
      %get3A_2067 = arith.constant 16 : index
      %get3A_2068 = tpu.vector_load %arg7[%get3A_2066, %get3A_2067] {strides = array<i32>} : memref<128x32xf32, #tpu.memory_space<vmem>>, vector<16xf32>,
      tpu.vector_store_idx %arg9[%add3A_9, %broadcast_in_dim3A_2060], %get3A_2068 : memref<32x129xf32, #tpu.memory_space<vmem>>[vector<16xi32>, vector<16xi32>], vector<16xf32>,
      %broadcast_in_dim3A_2069 = arith.constant 50 : i32
      %broadcast_in_dim3A_2070 = vector.broadcast %broadcast_in_dim3A_2069 : i32 to vector<16xi32>
      %get3A_2071 = arith.constant 50 : i32
      %get3A_2072 = arith.index_cast %get3A_2071 : i32 to index
      %get3A_2073 = arith.constant 0 : index
      %get3A_2074 = tpu.vector_load %arg7[%get3A_2072, %get3A_2073] {strides = array<i32>} : memref<128x32xf32, #tpu.memory_space<vmem>>, vector<16xf32>,
      tpu.vector_store_idx %arg9[%add3A_5, %broadcast_in_dim3A_2070], %get3A_2074 : memref<32x129xf32, #tpu.memory_space<vmem>>[vector<16xi32>, vector<16xi32>], vector<16xf32>,
      %get3A_2075 = arith.constant 50 : i32
      %get3A_2076 = arith.index_cast %get3A_2075 : i32 to index
      %get3A_2077 = arith.constant 16 : index
      %get3A_2078 = tpu.vector_load %arg7[%get3A_2076, %get3A_2077] {strides = array<i32>} : memref<128x32xf32, #tpu.memory_space<vmem>>, vector<16xf32>,
      tpu.vector_store_idx %arg9[%add3A_9, %broadcast_in_dim3A_2070], %get3A_2078 : memref<32x129xf32, #tpu.memory_space<vmem>>[vector<16xi32>, vector<16xi32>], vector<16xf32>,
      %broadcast_in_dim3A_2079 = arith.constant 51 : i32
      %broadcast_in_dim3A_2080 = vector.broadcast %broadcast_in_dim3A_2079 : i32 to vector<16xi32>
      %get3A_2081 = arith.constant 51 : i32
      %get3A_2082 = arith.index_cast %get3A_2081 : i32 to index
      %get3A_2083 = arith.constant 0 : index
      %get3A_2084 = tpu.vector_load %arg7[%get3A_2082, %get3A_2083] {strides = array<i32>} : memref<128x32xf32, #tpu.memory_space<vmem>>, vector<16xf32>,
      tpu.vector_store_idx %arg9[%add3A_5, %broadcast_in_dim3A_2080], %get3A_2084 : memref<32x129xf32, #tpu.memory_space<vmem>>[vector<16xi32>, vector<16xi32>], vector<16xf32>,
      %get3A_2085 = arith.constant 51 : i32
      %get3A_2086 = arith.index_cast %get3A_2085 : i32 to index
      %get3A_2087 = arith.constant 16 : index
      %get3A_2088 = tpu.vector_load %arg7[%get3A_2086, %get3A_2087] {strides = array<i32>} : memref<128x32xf32, #tpu.memory_space<vmem>>, vector<16xf32>,
      tpu.vector_store_idx %arg9[%add3A_9, %broadcast_in_dim3A_2080], %get3A_2088 : memref<32x129xf32, #tpu.memory_space<vmem>>[vector<16xi32>, vector<16xi32>], vector<16xf32>,
      %broadcast_in_dim3A_2089 = arith.constant 52 : i32
      %broadcast_in_dim3A_2090 = vector.broadcast %broadcast_in_dim3A_2089 : i32 to vector<16xi32>
      %get3A_2091 = arith.constant 52 : i32
      %get3A_2092 = arith.index_cast %get3A_2091 : i32 to index
      %get3A_2093 = arith.constant 0 : index
      %get3A_2094 = tpu.vector_load %arg7[%get3A_2092, %get3A_2093] {strides = array<i32>} : memref<128x32xf32, #tpu.memory_space<vmem>>, vector<16xf32>,
      tpu.vector_store_idx %arg9[%add3A_5, %broadcast_in_dim3A_2090], %get3A_2094 : memref<32x129xf32, #tpu.memory_space<vmem>>[vector<16xi32>, vector<16xi32>], vector<16xf32>,
      %get3A_2095 = arith.constant 52 : i32
      %get3A_2096 = arith.index_cast %get3A_2095 : i32 to index
      %get3A_2097 = arith.constant 16 : index
      %get3A_2098 = tpu.vector_load %arg7[%get3A_2096, %get3A_2097] {strides = array<i32>} : memref<128x32xf32, #tpu.memory_space<vmem>>, vector<16xf32>,
      tpu.vector_store_idx %arg9[%add3A_9, %broadcast_in_dim3A_2090], %get3A_2098 : memref<32x129xf32, #tpu.memory_space<vmem>>[vector<16xi32>, vector<16xi32>], vector<16xf32>,
      %broadcast_in_dim3A_2099 = arith.constant 53 : i32
      %broadcast_in_dim3A_2100 = vector.broadcast %broadcast_in_dim3A_2099 : i32 to vector<16xi32>
      %get3A_2101 = arith.constant 53 : i32
      %get3A_2102 = arith.index_cast %get3A_2101 : i32 to index
      %get3A_2103 = arith.constant 0 : index
      %get3A_2104 = tpu.vector_load %arg7[%get3A_2102, %get3A_2103] {strides = array<i32>} : memref<128x32xf32, #tpu.memory_space<vmem>>, vector<16xf32>,
      tpu.vector_store_idx %arg9[%add3A_5, %broadcast_in_dim3A_2100], %get3A_2104 : memref<32x129xf32, #tpu.memory_space<vmem>>[vector<16xi32>, vector<16xi32>], vector<16xf32>,
      %get3A_2105 = arith.constant 53 : i32
      %get3A_2106 = arith.index_cast %get3A_2105 : i32 to index
      %get3A_2107 = arith.constant 16 : index
      %get3A_2108 = tpu.vector_load %arg7[%get3A_2106, %get3A_2107] {strides = array<i32>} : memref<128x32xf32, #tpu.memory_space<vmem>>, vector<16xf32>,
      tpu.vector_store_idx %arg9[%add3A_9, %broadcast_in_dim3A_2100], %get3A_2108 : memref<32x129xf32, #tpu.memory_space<vmem>>[vector<16xi32>, vector<16xi32>], vector<16xf32>,
      %broadcast_in_dim3A_2109 = arith.constant 54 : i32
      %broadcast_in_dim3A_2110 = vector.broadcast %broadcast_in_dim3A_2109 : i32 to vector<16xi32>
      %get3A_2111 = arith.constant 54 : i32
      %get3A_2112 = arith.index_cast %get3A_2111 : i32 to index
      %get3A_2113 = arith.constant 0 : index
      %get3A_2114 = tpu.vector_load %arg7[%get3A_2112, %get3A_2113] {strides = array<i32>} : memref<128x32xf32, #tpu.memory_space<vmem>>, vector<16xf32>,
      tpu.vector_store_idx %arg9[%add3A_5, %broadcast_in_dim3A_2110], %get3A_2114 : memref<32x129xf32, #tpu.memory_space<vmem>>[vector<16xi32>, vector<16xi32>], vector<16xf32>,
      %get3A_2115 = arith.constant 54 : i32
      %get3A_2116 = arith.index_cast %get3A_2115 : i32 to index
      %get3A_2117 = arith.constant 16 : index
      %get3A_2118 = tpu.vector_load %arg7[%get3A_2116, %get3A_2117] {strides = array<i32>} : memref<128x32xf32, #tpu.memory_space<vmem>>, vector<16xf32>,
      tpu.vector_store_idx %arg9[%add3A_9, %broadcast_in_dim3A_2110], %get3A_2118 : memref<32x129xf32, #tpu.memory_space<vmem>>[vector<16xi32>, vector<16xi32>], vector<16xf32>,
      %broadcast_in_dim3A_2119 = arith.constant 55 : i32
      %broadcast_in_dim3A_2120 = vector.broadcast %broadcast_in_dim3A_2119 : i32 to vector<16xi32>
      %get3A_2121 = arith.constant 55 : i32
      %get3A_2122 = arith.index_cast %get3A_2121 : i32 to index
      %get3A_2123 = arith.constant 0 : index
      %get3A_2124 = tpu.vector_load %arg7[%get3A_2122, %get3A_2123] {strides = array<i32>} : memref<128x32xf32, #tpu.memory_space<vmem>>, vector<16xf32>,
      tpu.vector_store_idx %arg9[%add3A_5, %broadcast_in_dim3A_2120], %get3A_2124 : memref<32x129xf32, #tpu.memory_space<vmem>>[vector<16xi32>, vector<16xi32>], vector<16xf32>,
      %get3A_2125 = arith.constant 55 : i32
      %get3A_2126 = arith.index_cast %get3A_2125 : i32 to index
      %get3A_2127 = arith.constant 16 : index
      %get3A_2128 = tpu.vector_load %arg7[%get3A_2126, %get3A_2127] {strides = array<i32>} : memref<128x32xf32, #tpu.memory_space<vmem>>, vector<16xf32>,
      tpu.vector_store_idx %arg9[%add3A_9, %broadcast_in_dim3A_2120], %get3A_2128 : memref<32x129xf32, #tpu.memory_space<vmem>>[vector<16xi32>, vector<16xi32>], vector<16xf32>,
      %broadcast_in_dim3A_2129 = arith.constant 56 : i32
      %broadcast_in_dim3A_2130 = vector.broadcast %broadcast_in_dim3A_2129 : i32 to vector<16xi32>
      %get3A_2131 = arith.constant 56 : i32
      %get3A_2132 = arith.index_cast %get3A_2131 : i32 to index
      %get3A_2133 = arith.constant 0 : index
      %get3A_2134 = tpu.vector_load %arg7[%get3A_2132, %get3A_2133] {strides = array<i32>} : memref<128x32xf32, #tpu.memory_space<vmem>>, vector<16xf32>,
      tpu.vector_store_idx %arg9[%add3A_5, %broadcast_in_dim3A_2130], %get3A_2134 : memref<32x129xf32, #tpu.memory_space<vmem>>[vector<16xi32>, vector<16xi32>], vector<16xf32>,
      %get3A_2135 = arith.constant 56 : i32
      %get3A_2136 = arith.index_cast %get3A_2135 : i32 to index
      %get3A_2137 = arith.constant 16 : index
      %get3A_2138 = tpu.vector_load %arg7[%get3A_2136, %get3A_2137] {strides = array<i32>} : memref<128x32xf32, #tpu.memory_space<vmem>>, vector<16xf32>,
      tpu.vector_store_idx %arg9[%add3A_9, %broadcast_in_dim3A_2130], %get3A_2138 : memref<32x129xf32, #tpu.memory_space<vmem>>[vector<16xi32>, vector<16xi32>], vector<16xf32>,
      %broadcast_in_dim3A_2139 = arith.constant 57 : i32
      %broadcast_in_dim3A_2140 = vector.broadcast %broadcast_in_dim3A_2139 : i32 to vector<16xi32>
      %get3A_2141 = arith.constant 57 : i32
      %get3A_2142 = arith.index_cast %get3A_2141 : i32 to index
      %get3A_2143 = arith.constant 0 : index
      %get3A_2144 = tpu.vector_load %arg7[%get3A_2142, %get3A_2143] {strides = array<i32>} : memref<128x32xf32, #tpu.memory_space<vmem>>, vector<16xf32>,
      tpu.vector_store_idx %arg9[%add3A_5, %broadcast_in_dim3A_2140], %get3A_2144 : memref<32x129xf32, #tpu.memory_space<vmem>>[vector<16xi32>, vector<16xi32>], vector<16xf32>,
      %get3A_2145 = arith.constant 57 : i32
      %get3A_2146 = arith.index_cast %get3A_2145 : i32 to index
      %get3A_2147 = arith.constant 16 : index
      %get3A_2148 = tpu.vector_load %arg7[%get3A_2146, %get3A_2147] {strides = array<i32>} : memref<128x32xf32, #tpu.memory_space<vmem>>, vector<16xf32>,
      tpu.vector_store_idx %arg9[%add3A_9, %broadcast_in_dim3A_2140], %get3A_2148 : memref<32x129xf32, #tpu.memory_space<vmem>>[vector<16xi32>, vector<16xi32>], vector<16xf32>,
      %broadcast_in_dim3A_2149 = arith.constant 58 : i32
      %broadcast_in_dim3A_2150 = vector.broadcast %broadcast_in_dim3A_2149 : i32 to vector<16xi32>
      %get3A_2151 = arith.constant 58 : i32
      %get3A_2152 = arith.index_cast %get3A_2151 : i32 to index
      %get3A_2153 = arith.constant 0 : index
      %get3A_2154 = tpu.vector_load %arg7[%get3A_2152, %get3A_2153] {strides = array<i32>} : memref<128x32xf32, #tpu.memory_space<vmem>>, vector<16xf32>,
      tpu.vector_store_idx %arg9[%add3A_5, %broadcast_in_dim3A_2150], %get3A_2154 : memref<32x129xf32, #tpu.memory_space<vmem>>[vector<16xi32>, vector<16xi32>], vector<16xf32>,
      %get3A_2155 = arith.constant 58 : i32
      %get3A_2156 = arith.index_cast %get3A_2155 : i32 to index
      %get3A_2157 = arith.constant 16 : index
      %get3A_2158 = tpu.vector_load %arg7[%get3A_2156, %get3A_2157] {strides = array<i32>} : memref<128x32xf32, #tpu.memory_space<vmem>>, vector<16xf32>,
      tpu.vector_store_idx %arg9[%add3A_9, %broadcast_in_dim3A_2150], %get3A_2158 : memref<32x129xf32, #tpu.memory_space<vmem>>[vector<16xi32>, vector<16xi32>], vector<16xf32>,
      %broadcast_in_dim3A_2159 = arith.constant 59 : i32
      %broadcast_in_dim3A_2160 = vector.broadcast %broadcast_in_dim3A_2159 : i32 to vector<16xi32>
      %get3A_2161 = arith.constant 59 : i32
      %get3A_2162 = arith.index_cast %get3A_2161 : i32 to index
      %get3A_2163 = arith.constant 0 : index
      %get3A_2164 = tpu.vector_load %arg7[%get3A_2162, %get3A_2163] {strides = array<i32>} : memref<128x32xf32, #tpu.memory_space<vmem>>, vector<16xf32>,
      tpu.vector_store_idx %arg9[%add3A_5, %broadcast_in_dim3A_2160], %get3A_2164 : memref<32x129xf32, #tpu.memory_space<vmem>>[vector<16xi32>, vector<16xi32>], vector<16xf32>,
      %get3A_2165 = arith.constant 59 : i32
      %get3A_2166 = arith.index_cast %get3A_2165 : i32 to index
      %get3A_2167 = arith.constant 16 : index
      %get3A_2168 = tpu.vector_load %arg7[%get3A_2166, %get3A_2167] {strides = array<i32>} : memref<128x32xf32, #tpu.memory_space<vmem>>, vector<16xf32>,
      tpu.vector_store_idx %arg9[%add3A_9, %broadcast_in_dim3A_2160], %get3A_2168 : memref<32x129xf32, #tpu.memory_space<vmem>>[vector<16xi32>, vector<16xi32>], vector<16xf32>,
      %broadcast_in_dim3A_2169 = arith.constant 60 : i32
      %broadcast_in_dim3A_2170 = vector.broadcast %broadcast_in_dim3A_2169 : i32 to vector<16xi32>
      %get3A_2171 = arith.constant 60 : i32
      %get3A_2172 = arith.index_cast %get3A_2171 : i32 to index
      %get3A_2173 = arith.constant 0 : index
      %get3A_2174 = tpu.vector_load %arg7[%get3A_2172, %get3A_2173] {strides = array<i32>} : memref<128x32xf32, #tpu.memory_space<vmem>>, vector<16xf32>,
      tpu.vector_store_idx %arg9[%add3A_5, %broadcast_in_dim3A_2170], %get3A_2174 : memref<32x129xf32, #tpu.memory_space<vmem>>[vector<16xi32>, vector<16xi32>], vector<16xf32>,
      %get3A_2175 = arith.constant 60 : i32
      %get3A_2176 = arith.index_cast %get3A_2175 : i32 to index
      %get3A_2177 = arith.constant 16 : index
      %get3A_2178 = tpu.vector_load %arg7[%get3A_2176, %get3A_2177] {strides = array<i32>} : memref<128x32xf32, #tpu.memory_space<vmem>>, vector<16xf32>,
      tpu.vector_store_idx %arg9[%add3A_9, %broadcast_in_dim3A_2170], %get3A_2178 : memref<32x129xf32, #tpu.memory_space<vmem>>[vector<16xi32>, vector<16xi32>], vector<16xf32>,
      %broadcast_in_dim3A_2179 = arith.constant 61 : i32
      %broadcast_in_dim3A_2180 = vector.broadcast %broadcast_in_dim3A_2179 : i32 to vector<16xi32>
      %get3A_2181 = arith.constant 61 : i32
      %get3A_2182 = arith.index_cast %get3A_2181 : i32 to index
      %get3A_2183 = arith.constant 0 : index
      %get3A_2184 = tpu.vector_load %arg7[%get3A_2182, %get3A_2183] {strides = array<i32>} : memref<128x32xf32, #tpu.memory_space<vmem>>, vector<16xf32>,
      tpu.vector_store_idx %arg9[%add3A_5, %broadcast_in_dim3A_2180], %get3A_2184 : memref<32x129xf32, #tpu.memory_space<vmem>>[vector<16xi32>, vector<16xi32>], vector<16xf32>,
      %get3A_2185 = arith.constant 61 : i32
      %get3A_2186 = arith.index_cast %get3A_2185 : i32 to index
      %get3A_2187 = arith.constant 16 : index
      %get3A_2188 = tpu.vector_load %arg7[%get3A_2186, %get3A_2187] {strides = array<i32>} : memref<128x32xf32, #tpu.memory_space<vmem>>, vector<16xf32>,
      tpu.vector_store_idx %arg9[%add3A_9, %broadcast_in_dim3A_2180], %get3A_2188 : memref<32x129xf32, #tpu.memory_space<vmem>>[vector<16xi32>, vector<16xi32>], vector<16xf32>,
      %broadcast_in_dim3A_2189 = arith.constant 62 : i32
      %broadcast_in_dim3A_2190 = vector.broadcast %broadcast_in_dim3A_2189 : i32 to vector<16xi32>
      %get3A_2191 = arith.constant 62 : i32
      %get3A_2192 = arith.index_cast %get3A_2191 : i32 to index
      %get3A_2193 = arith.constant 0 : index
      %get3A_2194 = tpu.vector_load %arg7[%get3A_2192, %get3A_2193] {strides = array<i32>} : memref<128x32xf32, #tpu.memory_space<vmem>>, vector<16xf32>,
      tpu.vector_store_idx %arg9[%add3A_5, %broadcast_in_dim3A_2190], %get3A_2194 : memref<32x129xf32, #tpu.memory_space<vmem>>[vector<16xi32>, vector<16xi32>], vector<16xf32>,
      %get3A_2195 = arith.constant 62 : i32
      %get3A_2196 = arith.index_cast %get3A_2195 : i32 to index
      %get3A_2197 = arith.constant 16 : index
      %get3A_2198 = tpu.vector_load %arg7[%get3A_2196, %get3A_2197] {strides = array<i32>} : memref<128x32xf32, #tpu.memory_space<vmem>>, vector<16xf32>,
      tpu.vector_store_idx %arg9[%add3A_9, %broadcast_in_dim3A_2190], %get3A_2198 : memref<32x129xf32, #tpu.memory_space<vmem>>[vector<16xi32>, vector<16xi32>], vector<16xf32>,
      %broadcast_in_dim3A_2199 = arith.constant 63 : i32
      %broadcast_in_dim3A_2200 = vector.broadcast %broadcast_in_dim3A_2199 : i32 to vector<16xi32>
      %get3A_2201 = arith.constant 63 : i32
      %get3A_2202 = arith.index_cast %get3A_2201 : i32 to index
      %get3A_2203 = arith.constant 0 : index
      %get3A_2204 = tpu.vector_load %arg7[%get3A_2202, %get3A_2203] {strides = array<i32>} : memref<128x32xf32, #tpu.memory_space<vmem>>, vector<16xf32>,
      tpu.vector_store_idx %arg9[%add3A_5, %broadcast_in_dim3A_2200], %get3A_2204 : memref<32x129xf32, #tpu.memory_space<vmem>>[vector<16xi32>, vector<16xi32>], vector<16xf32>,
      %get3A_2205 = arith.constant 63 : i32
      %get3A_2206 = arith.index_cast %get3A_2205 : i32 to index
      %get3A_2207 = arith.constant 16 : index
      %get3A_2208 = tpu.vector_load %arg7[%get3A_2206, %get3A_2207] {strides = array<i32>} : memref<128x32xf32, #tpu.memory_space<vmem>>, vector<16xf32>,
      tpu.vector_store_idx %arg9[%add3A_9, %broadcast_in_dim3A_2200], %get3A_2208 : memref<32x129xf32, #tpu.memory_space<vmem>>[vector<16xi32>, vector<16xi32>], vector<16xf32>,
      %broadcast_in_dim3A_2209 = arith.constant 64 : i32
      %broadcast_in_dim3A_2210 = vector.broadcast %broadcast_in_dim3A_2209 : i32 to vector<16xi32>
      %get3A_2211 = arith.constant 64 : i32
      %get3A_2212 = arith.index_cast %get3A_2211 : i32 to index
      %get3A_2213 = arith.constant 0 : index
      %get3A_2214 = tpu.vector_load %arg7[%get3A_2212, %get3A_2213] {strides = array<i32>} : memref<128x32xf32, #tpu.memory_space<vmem>>, vector<16xf32>,
      tpu.vector_store_idx %arg9[%add3A_5, %broadcast_in_dim3A_2210], %get3A_2214 : memref<32x129xf32, #tpu.memory_space<vmem>>[vector<16xi32>, vector<16xi32>], vector<16xf32>,
      %get3A_2215 = arith.constant 64 : i32
      %get3A_2216 = arith.index_cast %get3A_2215 : i32 to index
      %get3A_2217 = arith.constant 16 : index
      %get3A_2218 = tpu.vector_load %arg7[%get3A_2216, %get3A_2217] {strides = array<i32>} : memref<128x32xf32, #tpu.memory_space<vmem>>, vector<16xf32>,
      tpu.vector_store_idx %arg9[%add3A_9, %broadcast_in_dim3A_2210], %get3A_2218 : memref<32x129xf32, #tpu.memory_space<vmem>>[vector<16xi32>, vector<16xi32>], vector<16xf32>,
      %broadcast_in_dim3A_2219 = arith.constant 65 : i32
      %broadcast_in_dim3A_2220 = vector.broadcast %broadcast_in_dim3A_2219 : i32 to vector<16xi32>
      %get3A_2221 = arith.constant 65 : i32
      %get3A_2222 = arith.index_cast %get3A_2221 : i32 to index
      %get3A_2223 = arith.constant 0 : index
      %get3A_2224 = tpu.vector_load %arg7[%get3A_2222, %get3A_2223] {strides = array<i32>} : memref<128x32xf32, #tpu.memory_space<vmem>>, vector<16xf32>,
      tpu.vector_store_idx %arg9[%add3A_5, %broadcast_in_dim3A_2220], %get3A_2224 : memref<32x129xf32, #tpu.memory_space<vmem>>[vector<16xi32>, vector<16xi32>], vector<16xf32>,
      %get3A_2225 = arith.constant 65 : i32
      %get3A_2226 = arith.index_cast %get3A_2225 : i32 to index
      %get3A_2227 = arith.constant 16 : index
      %get3A_2228 = tpu.vector_load %arg7[%get3A_2226, %get3A_2227] {strides = array<i32>} : memref<128x32xf32, #tpu.memory_space<vmem>>, vector<16xf32>,
      tpu.vector_store_idx %arg9[%add3A_9, %broadcast_in_dim3A_2220], %get3A_2228 : memref<32x129xf32, #tpu.memory_space<vmem>>[vector<16xi32>, vector<16xi32>], vector<16xf32>,
      %broadcast_in_dim3A_2229 = arith.constant 66 : i32
      %broadcast_in_dim3A_2230 = vector.broadcast %broadcast_in_dim3A_2229 : i32 to vector<16xi32>
      %get3A_2231 = arith.constant 66 : i32
      %get3A_2232 = arith.index_cast %get3A_2231 : i32 to index
      %get3A_2233 = arith.constant 0 : index
      %get3A_2234 = tpu.vector_load %arg7[%get3A_2232, %get3A_2233] {strides = array<i32>} : memref<128x32xf32, #tpu.memory_space<vmem>>, vector<16xf32>,
      tpu.vector_store_idx %arg9[%add3A_5, %broadcast_in_dim3A_2230], %get3A_2234 : memref<32x129xf32, #tpu.memory_space<vmem>>[vector<16xi32>, vector<16xi32>], vector<16xf32>,
      %get3A_2235 = arith.constant 66 : i32
      %get3A_2236 = arith.index_cast %get3A_2235 : i32 to index
      %get3A_2237 = arith.constant 16 : index
      %get3A_2238 = tpu.vector_load %arg7[%get3A_2236, %get3A_2237] {strides = array<i32>} : memref<128x32xf32, #tpu.memory_space<vmem>>, vector<16xf32>,
      tpu.vector_store_idx %arg9[%add3A_9, %broadcast_in_dim3A_2230], %get3A_2238 : memref<32x129xf32, #tpu.memory_space<vmem>>[vector<16xi32>, vector<16xi32>], vector<16xf32>,
      %broadcast_in_dim3A_2239 = arith.constant 67 : i32
      %broadcast_in_dim3A_2240 = vector.broadcast %broadcast_in_dim3A_2239 : i32 to vector<16xi32>
      %get3A_2241 = arith.constant 67 : i32
      %get3A_2242 = arith.index_cast %get3A_2241 : i32 to index
      %get3A_2243 = arith.constant 0 : index
      %get3A_2244 = tpu.vector_load %arg7[%get3A_2242, %get3A_2243] {strides = array<i32>} : memref<128x32xf32, #tpu.memory_space<vmem>>, vector<16xf32>,
      tpu.vector_store_idx %arg9[%add3A_5, %broadcast_in_dim3A_2240], %get3A_2244 : memref<32x129xf32, #tpu.memory_space<vmem>>[vector<16xi32>, vector<16xi32>], vector<16xf32>,
      %get3A_2245 = arith.constant 67 : i32
      %get3A_2246 = arith.index_cast %get3A_2245 : i32 to index
      %get3A_2247 = arith.constant 16 : index
      %get3A_2248 = tpu.vector_load %arg7[%get3A_2246, %get3A_2247] {strides = array<i32>} : memref<128x32xf32, #tpu.memory_space<vmem>>, vector<16xf32>,
      tpu.vector_store_idx %arg9[%add3A_9, %broadcast_in_dim3A_2240], %get3A_2248 : memref<32x129xf32, #tpu.memory_space<vmem>>[vector<16xi32>, vector<16xi32>], vector<16xf32>,
      %broadcast_in_dim3A_2249 = arith.constant 68 : i32
      %broadcast_in_dim3A_2250 = vector.broadcast %broadcast_in_dim3A_2249 : i32 to vector<16xi32>
      %get3A_2251 = arith.constant 68 : i32
      %get3A_2252 = arith.index_cast %get3A_2251 : i32 to index
      %get3A_2253 = arith.constant 0 : index
      %get3A_2254 = tpu.vector_load %arg7[%get3A_2252, %get3A_2253] {strides = array<i32>} : memref<128x32xf32, #tpu.memory_space<vmem>>, vector<16xf32>,
      tpu.vector_store_idx %arg9[%add3A_5, %broadcast_in_dim3A_2250], %get3A_2254 : memref<32x129xf32, #tpu.memory_space<vmem>>[vector<16xi32>, vector<16xi32>], vector<16xf32>,
      %get3A_2255 = arith.constant 68 : i32
      %get3A_2256 = arith.index_cast %get3A_2255 : i32 to index
      %get3A_2257 = arith.constant 16 : index
      %get3A_2258 = tpu.vector_load %arg7[%get3A_2256, %get3A_2257] {strides = array<i32>} : memref<128x32xf32, #tpu.memory_space<vmem>>, vector<16xf32>,
      tpu.vector_store_idx %arg9[%add3A_9, %broadcast_in_dim3A_2250], %get3A_2258 : memref<32x129xf32, #tpu.memory_space<vmem>>[vector<16xi32>, vector<16xi32>], vector<16xf32>,
      %broadcast_in_dim3A_2259 = arith.constant 69 : i32
      %broadcast_in_dim3A_2260 = vector.broadcast %broadcast_in_dim3A_2259 : i32 to vector<16xi32>
      %get3A_2261 = arith.constant 69 : i32
      %get3A_2262 = arith.index_cast %get3A_2261 : i32 to index
      %get3A_2263 = arith.constant 0 : index
      %get3A_2264 = tpu.vector_load %arg7[%get3A_2262, %get3A_2263] {strides = array<i32>} : memref<128x32xf32, #tpu.memory_space<vmem>>, vector<16xf32>,
      tpu.vector_store_idx %arg9[%add3A_5, %broadcast_in_dim3A_2260], %get3A_2264 : memref<32x129xf32, #tpu.memory_space<vmem>>[vector<16xi32>, vector<16xi32>], vector<16xf32>,
      %get3A_2265 = arith.constant 69 : i32
      %get3A_2266 = arith.index_cast %get3A_2265 : i32 to index
      %get3A_2267 = arith.constant 16 : index
      %get3A_2268 = tpu.vector_load %arg7[%get3A_2266, %get3A_2267] {strides = array<i32>} : memref<128x32xf32, #tpu.memory_space<vmem>>, vector<16xf32>,
      tpu.vector_store_idx %arg9[%add3A_9, %broadcast_in_dim3A_2260], %get3A_2268 : memref<32x129xf32, #tpu.memory_space<vmem>>[vector<16xi32>, vector<16xi32>], vector<16xf32>,
      %broadcast_in_dim3A_2269 = arith.constant 70 : i32
      %broadcast_in_dim3A_2270 = vector.broadcast %broadcast_in_dim3A_2269 : i32 to vector<16xi32>
      %get3A_2271 = arith.constant 70 : i32
      %get3A_2272 = arith.index_cast %get3A_2271 : i32 to index
      %get3A_2273 = arith.constant 0 : index
      %get3A_2274 = tpu.vector_load %arg7[%get3A_2272, %get3A_2273] {strides = array<i32>} : memref<128x32xf32, #tpu.memory_space<vmem>>, vector<16xf32>,
      tpu.vector_store_idx %arg9[%add3A_5, %broadcast_in_dim3A_2270], %get3A_2274 : memref<32x129xf32, #tpu.memory_space<vmem>>[vector<16xi32>, vector<16xi32>], vector<16xf32>,
      %get3A_2275 = arith.constant 70 : i32
      %get3A_2276 = arith.index_cast %get3A_2275 : i32 to index
      %get3A_2277 = arith.constant 16 : index
      %get3A_2278 = tpu.vector_load %arg7[%get3A_2276, %get3A_2277] {strides = array<i32>} : memref<128x32xf32, #tpu.memory_space<vmem>>, vector<16xf32>,
      tpu.vector_store_idx %arg9[%add3A_9, %broadcast_in_dim3A_2270], %get3A_2278 : memref<32x129xf32, #tpu.memory_space<vmem>>[vector<16xi32>, vector<16xi32>], vector<16xf32>,
      %broadcast_in_dim3A_2279 = arith.constant 71 : i32
      %broadcast_in_dim3A_2280 = vector.broadcast %broadcast_in_dim3A_2279 : i32 to vector<16xi32>
      %get3A_2281 = arith.constant 71 : i32
      %get3A_2282 = arith.index_cast %get3A_2281 : i32 to index
      %get3A_2283 = arith.constant 0 : index
      %get3A_2284 = tpu.vector_load %arg7[%get3A_2282, %get3A_2283] {strides = array<i32>} : memref<128x32xf32, #tpu.memory_space<vmem>>, vector<16xf32>,
      tpu.vector_store_idx %arg9[%add3A_5, %broadcast_in_dim3A_2280], %get3A_2284 : memref<32x129xf32, #tpu.memory_space<vmem>>[vector<16xi32>, vector<16xi32>], vector<16xf32>,
      %get3A_2285 = arith.constant 71 : i32
      %get3A_2286 = arith.index_cast %get3A_2285 : i32 to index
      %get3A_2287 = arith.constant 16 : index
      %get3A_2288 = tpu.vector_load %arg7[%get3A_2286, %get3A_2287] {strides = array<i32>} : memref<128x32xf32, #tpu.memory_space<vmem>>, vector<16xf32>,
      tpu.vector_store_idx %arg9[%add3A_9, %broadcast_in_dim3A_2280], %get3A_2288 : memref<32x129xf32, #tpu.memory_space<vmem>>[vector<16xi32>, vector<16xi32>], vector<16xf32>,
      %broadcast_in_dim3A_2289 = arith.constant 72 : i32
      %broadcast_in_dim3A_2290 = vector.broadcast %broadcast_in_dim3A_2289 : i32 to vector<16xi32>
      %get3A_2291 = arith.constant 72 : i32
      %get3A_2292 = arith.index_cast %get3A_2291 : i32 to index
      %get3A_2293 = arith.constant 0 : index
      %get3A_2294 = tpu.vector_load %arg7[%get3A_2292, %get3A_2293] {strides = array<i32>} : memref<128x32xf32, #tpu.memory_space<vmem>>, vector<16xf32>,
      tpu.vector_store_idx %arg9[%add3A_5, %broadcast_in_dim3A_2290], %get3A_2294 : memref<32x129xf32, #tpu.memory_space<vmem>>[vector<16xi32>, vector<16xi32>], vector<16xf32>,
      %get3A_2295 = arith.constant 72 : i32
      %get3A_2296 = arith.index_cast %get3A_2295 : i32 to index
      %get3A_2297 = arith.constant 16 : index
      %get3A_2298 = tpu.vector_load %arg7[%get3A_2296, %get3A_2297] {strides = array<i32>} : memref<128x32xf32, #tpu.memory_space<vmem>>, vector<16xf32>,
      tpu.vector_store_idx %arg9[%add3A_9, %broadcast_in_dim3A_2290], %get3A_2298 : memref<32x129xf32, #tpu.memory_space<vmem>>[vector<16xi32>, vector<16xi32>], vector<16xf32>,
      %broadcast_in_dim3A_2299 = arith.constant 73 : i32
      %broadcast_in_dim3A_2300 = vector.broadcast %broadcast_in_dim3A_2299 : i32 to vector<16xi32>
      %get3A_2301 = arith.constant 73 : i32
      %get3A_2302 = arith.index_cast %get3A_2301 : i32 to index
      %get3A_2303 = arith.constant 0 : index
      %get3A_2304 = tpu.vector_load %arg7[%get3A_2302, %get3A_2303] {strides = array<i32>} : memref<128x32xf32, #tpu.memory_space<vmem>>, vector<16xf32>,
      tpu.vector_store_idx %arg9[%add3A_5, %broadcast_in_dim3A_2300], %get3A_2304 : memref<32x129xf32, #tpu.memory_space<vmem>>[vector<16xi32>, vector<16xi32>], vector<16xf32>,
      %get3A_2305 = arith.constant 73 : i32
      %get3A_2306 = arith.index_cast %get3A_2305 : i32 to index
      %get3A_2307 = arith.constant 16 : index
      %get3A_2308 = tpu.vector_load %arg7[%get3A_2306, %get3A_2307] {strides = array<i32>} : memref<128x32xf32, #tpu.memory_space<vmem>>, vector<16xf32>,
      tpu.vector_store_idx %arg9[%add3A_9, %broadcast_in_dim3A_2300], %get3A_2308 : memref<32x129xf32, #tpu.memory_space<vmem>>[vector<16xi32>, vector<16xi32>], vector<16xf32>,
      %broadcast_in_dim3A_2309 = arith.constant 74 : i32
      %broadcast_in_dim3A_2310 = vector.broadcast %broadcast_in_dim3A_2309 : i32 to vector<16xi32>
      %get3A_2311 = arith.constant 74 : i32
      %get3A_2312 = arith.index_cast %get3A_2311 : i32 to index
      %get3A_2313 = arith.constant 0 : index
      %get3A_2314 = tpu.vector_load %arg7[%get3A_2312, %get3A_2313] {strides = array<i32>} : memref<128x32xf32, #tpu.memory_space<vmem>>, vector<16xf32>,
      tpu.vector_store_idx %arg9[%add3A_5, %broadcast_in_dim3A_2310], %get3A_2314 : memref<32x129xf32, #tpu.memory_space<vmem>>[vector<16xi32>, vector<16xi32>], vector<16xf32>,
      %get3A_2315 = arith.constant 74 : i32
      %get3A_2316 = arith.index_cast %get3A_2315 : i32 to index
      %get3A_2317 = arith.constant 16 : index
      %get3A_2318 = tpu.vector_load %arg7[%get3A_2316, %get3A_2317] {strides = array<i32>} : memref<128x32xf32, #tpu.memory_space<vmem>>, vector<16xf32>,
      tpu.vector_store_idx %arg9[%add3A_9, %broadcast_in_dim3A_2310], %get3A_2318 : memref<32x129xf32, #tpu.memory_space<vmem>>[vector<16xi32>, vector<16xi32>], vector<16xf32>,
      %broadcast_in_dim3A_2319 = arith.constant 75 : i32
      %broadcast_in_dim3A_2320 = vector.broadcast %broadcast_in_dim3A_2319 : i32 to vector<16xi32>
      %get3A_2321 = arith.constant 75 : i32
      %get3A_2322 = arith.index_cast %get3A_2321 : i32 to index
      %get3A_2323 = arith.constant 0 : index
      %get3A_2324 = tpu.vector_load %arg7[%get3A_2322, %get3A_2323] {strides = array<i32>} : memref<128x32xf32, #tpu.memory_space<vmem>>, vector<16xf32>,
      tpu.vector_store_idx %arg9[%add3A_5, %broadcast_in_dim3A_2320], %get3A_2324 : memref<32x129xf32, #tpu.memory_space<vmem>>[vector<16xi32>, vector<16xi32>], vector<16xf32>,
      %get3A_2325 = arith.constant 75 : i32
      %get3A_2326 = arith.index_cast %get3A_2325 : i32 to index
      %get3A_2327 = arith.constant 16 : index
      %get3A_2328 = tpu.vector_load %arg7[%get3A_2326, %get3A_2327] {strides = array<i32>} : memref<128x32xf32, #tpu.memory_space<vmem>>, vector<16xf32>,
      tpu.vector_store_idx %arg9[%add3A_9, %broadcast_in_dim3A_2320], %get3A_2328 : memref<32x129xf32, #tpu.memory_space<vmem>>[vector<16xi32>, vector<16xi32>], vector<16xf32>,
      %broadcast_in_dim3A_2329 = arith.constant 76 : i32
      %broadcast_in_dim3A_2330 = vector.broadcast %broadcast_in_dim3A_2329 : i32 to vector<16xi32>
      %get3A_2331 = arith.constant 76 : i32
      %get3A_2332 = arith.index_cast %get3A_2331 : i32 to index
      %get3A_2333 = arith.constant 0 : index
      %get3A_2334 = tpu.vector_load %arg7[%get3A_2332, %get3A_2333] {strides = array<i32>} : memref<128x32xf32, #tpu.memory_space<vmem>>, vector<16xf32>,
      tpu.vector_store_idx %arg9[%add3A_5, %broadcast_in_dim3A_2330], %get3A_2334 : memref<32x129xf32, #tpu.memory_space<vmem>>[vector<16xi32>, vector<16xi32>], vector<16xf32>,
      %get3A_2335 = arith.constant 76 : i32
      %get3A_2336 = arith.index_cast %get3A_2335 : i32 to index
      %get3A_2337 = arith.constant 16 : index
      %get3A_2338 = tpu.vector_load %arg7[%get3A_2336, %get3A_2337] {strides = array<i32>} : memref<128x32xf32, #tpu.memory_space<vmem>>, vector<16xf32>,
      tpu.vector_store_idx %arg9[%add3A_9, %broadcast_in_dim3A_2330], %get3A_2338 : memref<32x129xf32, #tpu.memory_space<vmem>>[vector<16xi32>, vector<16xi32>], vector<16xf32>,
      %broadcast_in_dim3A_2339 = arith.constant 77 : i32
      %broadcast_in_dim3A_2340 = vector.broadcast %broadcast_in_dim3A_2339 : i32 to vector<16xi32>
      %get3A_2341 = arith.constant 77 : i32
      %get3A_2342 = arith.index_cast %get3A_2341 : i32 to index
      %get3A_2343 = arith.constant 0 : index
      %get3A_2344 = tpu.vector_load %arg7[%get3A_2342, %get3A_2343] {strides = array<i32>} : memref<128x32xf32, #tpu.memory_space<vmem>>, vector<16xf32>,
      tpu.vector_store_idx %arg9[%add3A_5, %broadcast_in_dim3A_2340], %get3A_2344 : memref<32x129xf32, #tpu.memory_space<vmem>>[vector<16xi32>, vector<16xi32>], vector<16xf32>,
      %get3A_2345 = arith.constant 77 : i32
      %get3A_2346 = arith.index_cast %get3A_2345 : i32 to index
      %get3A_2347 = arith.constant 16 : index
      %get3A_2348 = tpu.vector_load %arg7[%get3A_2346, %get3A_2347] {strides = array<i32>} : memref<128x32xf32, #tpu.memory_space<vmem>>, vector<16xf32>,
      tpu.vector_store_idx %arg9[%add3A_9, %broadcast_in_dim3A_2340], %get3A_2348 : memref<32x129xf32, #tpu.memory_space<vmem>>[vector<16xi32>, vector<16xi32>], vector<16xf32>,
      %broadcast_in_dim3A_2349 = arith.constant 78 : i32
      %broadcast_in_dim3A_2350 = vector.broadcast %broadcast_in_dim3A_2349 : i32 to vector<16xi32>
      %get3A_2351 = arith.constant 78 : i32
      %get3A_2352 = arith.index_cast %get3A_2351 : i32 to index
      %get3A_2353 = arith.constant 0 : index
      %get3A_2354 = tpu.vector_load %arg7[%get3A_2352, %get3A_2353] {strides = array<i32>} : memref<128x32xf32, #tpu.memory_space<vmem>>, vector<16xf32>,
      tpu.vector_store_idx %arg9[%add3A_5, %broadcast_in_dim3A_2350], %get3A_2354 : memref<32x129xf32, #tpu.memory_space<vmem>>[vector<16xi32>, vector<16xi32>], vector<16xf32>,
      %get3A_2355 = arith.constant 78 : i32
      %get3A_2356 = arith.index_cast %get3A_2355 : i32 to index
      %get3A_2357 = arith.constant 16 : index
      %get3A_2358 = tpu.vector_load %arg7[%get3A_2356, %get3A_2357] {strides = array<i32>} : memref<128x32xf32, #tpu.memory_space<vmem>>, vector<16xf32>,
      tpu.vector_store_idx %arg9[%add3A_9, %broadcast_in_dim3A_2350], %get3A_2358 : memref<32x129xf32, #tpu.memory_space<vmem>>[vector<16xi32>, vector<16xi32>], vector<16xf32>,
      %broadcast_in_dim3A_2359 = arith.constant 79 : i32
      %broadcast_in_dim3A_2360 = vector.broadcast %broadcast_in_dim3A_2359 : i32 to vector<16xi32>
      %get3A_2361 = arith.constant 79 : i32
      %get3A_2362 = arith.index_cast %get3A_2361 : i32 to index
      %get3A_2363 = arith.constant 0 : index
      %get3A_2364 = tpu.vector_load %arg7[%get3A_2362, %get3A_2363] {strides = array<i32>} : memref<128x32xf32, #tpu.memory_space<vmem>>, vector<16xf32>,
      tpu.vector_store_idx %arg9[%add3A_5, %broadcast_in_dim3A_2360], %get3A_2364 : memref<32x129xf32, #tpu.memory_space<vmem>>[vector<16xi32>, vector<16xi32>], vector<16xf32>,
      %get3A_2365 = arith.constant 79 : i32
      %get3A_2366 = arith.index_cast %get3A_2365 : i32 to index
      %get3A_2367 = arith.constant 16 : index
      %get3A_2368 = tpu.vector_load %arg7[%get3A_2366, %get3A_2367] {strides = array<i32>} : memref<128x32xf32, #tpu.memory_space<vmem>>, vector<16xf32>,
      tpu.vector_store_idx %arg9[%add3A_9, %broadcast_in_dim3A_2360], %get3A_2368 : memref<32x129xf32, #tpu.memory_space<vmem>>[vector<16xi32>, vector<16xi32>], vector<16xf32>,
      %broadcast_in_dim3A_2369 = arith.constant 80 : i32
      %broadcast_in_dim3A_2370 = vector.broadcast %broadcast_in_dim3A_2369 : i32 to vector<16xi32>
      %get3A_2371 = arith.constant 80 : i32
      %get3A_2372 = arith.index_cast %get3A_2371 : i32 to index
      %get3A_2373 = arith.constant 0 : index
      %get3A_2374 = tpu.vector_load %arg7[%get3A_2372, %get3A_2373] {strides = array<i32>} : memref<128x32xf32, #tpu.memory_space<vmem>>, vector<16xf32>,
      tpu.vector_store_idx %arg9[%add3A_5, %broadcast_in_dim3A_2370], %get3A_2374 : memref<32x129xf32, #tpu.memory_space<vmem>>[vector<16xi32>, vector<16xi32>], vector<16xf32>,
      %get3A_2375 = arith.constant 80 : i32
      %get3A_2376 = arith.index_cast %get3A_2375 : i32 to index
      %get3A_2377 = arith.constant 16 : index
      %get3A_2378 = tpu.vector_load %arg7[%get3A_2376, %get3A_2377] {strides = array<i32>} : memref<128x32xf32, #tpu.memory_space<vmem>>, vector<16xf32>,
      tpu.vector_store_idx %arg9[%add3A_9, %broadcast_in_dim3A_2370], %get3A_2378 : memref<32x129xf32, #tpu.memory_space<vmem>>[vector<16xi32>, vector<16xi32>], vector<16xf32>,
      %broadcast_in_dim3A_2379 = arith.constant 81 : i32
      %broadcast_in_dim3A_2380 = vector.broadcast %broadcast_in_dim3A_2379 : i32 to vector<16xi32>
      %get3A_2381 = arith.constant 81 : i32
      %get3A_2382 = arith.index_cast %get3A_2381 : i32 to index
      %get3A_2383 = arith.constant 0 : index
      %get3A_2384 = tpu.vector_load %arg7[%get3A_2382, %get3A_2383] {strides = array<i32>} : memref<128x32xf32, #tpu.memory_space<vmem>>, vector<16xf32>,
      tpu.vector_store_idx %arg9[%add3A_5, %broadcast_in_dim3A_2380], %get3A_2384 : memref<32x129xf32, #tpu.memory_space<vmem>>[vector<16xi32>, vector<16xi32>], vector<16xf32>,
      %get3A_2385 = arith.constant 81 : i32
      %get3A_2386 = arith.index_cast %get3A_2385 : i32 to index
      %get3A_2387 = arith.constant 16 : index
      %get3A_2388 = tpu.vector_load %arg7[%get3A_2386, %get3A_2387] {strides = array<i32>} : memref<128x32xf32, #tpu.memory_space<vmem>>, vector<16xf32>,
      tpu.vector_store_idx %arg9[%add3A_9, %broadcast_in_dim3A_2380], %get3A_2388 : memref<32x129xf32, #tpu.memory_space<vmem>>[vector<16xi32>, vector<16xi32>], vector<16xf32>,
      %broadcast_in_dim3A_2389 = arith.constant 82 : i32
      %broadcast_in_dim3A_2390 = vector.broadcast %broadcast_in_dim3A_2389 : i32 to vector<16xi32>
      %get3A_2391 = arith.constant 82 : i32
      %get3A_2392 = arith.index_cast %get3A_2391 : i32 to index
      %get3A_2393 = arith.constant 0 : index
      %get3A_2394 = tpu.vector_load %arg7[%get3A_2392, %get3A_2393] {strides = array<i32>} : memref<128x32xf32, #tpu.memory_space<vmem>>, vector<16xf32>,
      tpu.vector_store_idx %arg9[%add3A_5, %broadcast_in_dim3A_2390], %get3A_2394 : memref<32x129xf32, #tpu.memory_space<vmem>>[vector<16xi32>, vector<16xi32>], vector<16xf32>,
      %get3A_2395 = arith.constant 82 : i32
      %get3A_2396 = arith.index_cast %get3A_2395 : i32 to index
      %get3A_2397 = arith.constant 16 : index
      %get3A_2398 = tpu.vector_load %arg7[%get3A_2396, %get3A_2397] {strides = array<i32>} : memref<128x32xf32, #tpu.memory_space<vmem>>, vector<16xf32>,
      tpu.vector_store_idx %arg9[%add3A_9, %broadcast_in_dim3A_2390], %get3A_2398 : memref<32x129xf32, #tpu.memory_space<vmem>>[vector<16xi32>, vector<16xi32>], vector<16xf32>,
      %broadcast_in_dim3A_2399 = arith.constant 83 : i32
      %broadcast_in_dim3A_2400 = vector.broadcast %broadcast_in_dim3A_2399 : i32 to vector<16xi32>
      %get3A_2401 = arith.constant 83 : i32
      %get3A_2402 = arith.index_cast %get3A_2401 : i32 to index
      %get3A_2403 = arith.constant 0 : index
      %get3A_2404 = tpu.vector_load %arg7[%get3A_2402, %get3A_2403] {strides = array<i32>} : memref<128x32xf32, #tpu.memory_space<vmem>>, vector<16xf32>,
      tpu.vector_store_idx %arg9[%add3A_5, %broadcast_in_dim3A_2400], %get3A_2404 : memref<32x129xf32, #tpu.memory_space<vmem>>[vector<16xi32>, vector<16xi32>], vector<16xf32>,
      %get3A_2405 = arith.constant 83 : i32
      %get3A_2406 = arith.index_cast %get3A_2405 : i32 to index
      %get3A_2407 = arith.constant 16 : index
      %get3A_2408 = tpu.vector_load %arg7[%get3A_2406, %get3A_2407] {strides = array<i32>} : memref<128x32xf32, #tpu.memory_space<vmem>>, vector<16xf32>,
      tpu.vector_store_idx %arg9[%add3A_9, %broadcast_in_dim3A_2400], %get3A_2408 : memref<32x129xf32, #tpu.memory_space<vmem>>[vector<16xi32>, vector<16xi32>], vector<16xf32>,
      %broadcast_in_dim3A_2409 = arith.constant 84 : i32
      %broadcast_in_dim3A_2410 = vector.broadcast %broadcast_in_dim3A_2409 : i32 to vector<16xi32>
      %get3A_2411 = arith.constant 84 : i32
      %get3A_2412 = arith.index_cast %get3A_2411 : i32 to index
      %get3A_2413 = arith.constant 0 : index
      %get3A_2414 = tpu.vector_load %arg7[%get3A_2412, %get3A_2413] {strides = array<i32>} : memref<128x32xf32, #tpu.memory_space<vmem>>, vector<16xf32>,
      tpu.vector_store_idx %arg9[%add3A_5, %broadcast_in_dim3A_2410], %get3A_2414 : memref<32x129xf32, #tpu.memory_space<vmem>>[vector<16xi32>, vector<16xi32>], vector<16xf32>,
      %get3A_2415 = arith.constant 84 : i32
      %get3A_2416 = arith.index_cast %get3A_2415 : i32 to index
      %get3A_2417 = arith.constant 16 : index
      %get3A_2418 = tpu.vector_load %arg7[%get3A_2416, %get3A_2417] {strides = array<i32>} : memref<128x32xf32, #tpu.memory_space<vmem>>, vector<16xf32>,
      tpu.vector_store_idx %arg9[%add3A_9, %broadcast_in_dim3A_2410], %get3A_2418 : memref<32x129xf32, #tpu.memory_space<vmem>>[vector<16xi32>, vector<16xi32>], vector<16xf32>,
      %broadcast_in_dim3A_2419 = arith.constant 85 : i32
      %broadcast_in_dim3A_2420 = vector.broadcast %broadcast_in_dim3A_2419 : i32 to vector<16xi32>
      %get3A_2421 = arith.constant 85 : i32
      %get3A_2422 = arith.index_cast %get3A_2421 : i32 to index
      %get3A_2423 = arith.constant 0 : index
      %get3A_2424 = tpu.vector_load %arg7[%get3A_2422, %get3A_2423] {strides = array<i32>} : memref<128x32xf32, #tpu.memory_space<vmem>>, vector<16xf32>,
      tpu.vector_store_idx %arg9[%add3A_5, %broadcast_in_dim3A_2420], %get3A_2424 : memref<32x129xf32, #tpu.memory_space<vmem>>[vector<16xi32>, vector<16xi32>], vector<16xf32>,
      %get3A_2425 = arith.constant 85 : i32
      %get3A_2426 = arith.index_cast %get3A_2425 : i32 to index
      %get3A_2427 = arith.constant 16 : index
      %get3A_2428 = tpu.vector_load %arg7[%get3A_2426, %get3A_2427] {strides = array<i32>} : memref<128x32xf32, #tpu.memory_space<vmem>>, vector<16xf32>,
      tpu.vector_store_idx %arg9[%add3A_9, %broadcast_in_dim3A_2420], %get3A_2428 : memref<32x129xf32, #tpu.memory_space<vmem>>[vector<16xi32>, vector<16xi32>], vector<16xf32>,
      %broadcast_in_dim3A_2429 = arith.constant 86 : i32
      %broadcast_in_dim3A_2430 = vector.broadcast %broadcast_in_dim3A_2429 : i32 to vector<16xi32>
      %get3A_2431 = arith.constant 86 : i32
      %get3A_2432 = arith.index_cast %get3A_2431 : i32 to index
      %get3A_2433 = arith.constant 0 : index
      %get3A_2434 = tpu.vector_load %arg7[%get3A_2432, %get3A_2433] {strides = array<i32>} : memref<128x32xf32, #tpu.memory_space<vmem>>, vector<16xf32>,
      tpu.vector_store_idx %arg9[%add3A_5, %broadcast_in_dim3A_2430], %get3A_2434 : memref<32x129xf32, #tpu.memory_space<vmem>>[vector<16xi32>, vector<16xi32>], vector<16xf32>,
      %get3A_2435 = arith.constant 86 : i32
      %get3A_2436 = arith.index_cast %get3A_2435 : i32 to index
      %get3A_2437 = arith.constant 16 : index
      %get3A_2438 = tpu.vector_load %arg7[%get3A_2436, %get3A_2437] {strides = array<i32>} : memref<128x32xf32, #tpu.memory_space<vmem>>, vector<16xf32>,
      tpu.vector_store_idx %arg9[%add3A_9, %broadcast_in_dim3A_2430], %get3A_2438 : memref<32x129xf32, #tpu.memory_space<vmem>>[vector<16xi32>, vector<16xi32>], vector<16xf32>,
      %broadcast_in_dim3A_2439 = arith.constant 87 : i32
      %broadcast_in_dim3A_2440 = vector.broadcast %broadcast_in_dim3A_2439 : i32 to vector<16xi32>
      %get3A_2441 = arith.constant 87 : i32
      %get3A_2442 = arith.index_cast %get3A_2441 : i32 to index
      %get3A_2443 = arith.constant 0 : index
      %get3A_2444 = tpu.vector_load %arg7[%get3A_2442, %get3A_2443] {strides = array<i32>} : memref<128x32xf32, #tpu.memory_space<vmem>>, vector<16xf32>,
      tpu.vector_store_idx %arg9[%add3A_5, %broadcast_in_dim3A_2440], %get3A_2444 : memref<32x129xf32, #tpu.memory_space<vmem>>[vector<16xi32>, vector<16xi32>], vector<16xf32>,
      %get3A_2445 = arith.constant 87 : i32
      %get3A_2446 = arith.index_cast %get3A_2445 : i32 to index
      %get3A_2447 = arith.constant 16 : index
      %get3A_2448 = tpu.vector_load %arg7[%get3A_2446, %get3A_2447] {strides = array<i32>} : memref<128x32xf32, #tpu.memory_space<vmem>>, vector<16xf32>,
      tpu.vector_store_idx %arg9[%add3A_9, %broadcast_in_dim3A_2440], %get3A_2448 : memref<32x129xf32, #tpu.memory_space<vmem>>[vector<16xi32>, vector<16xi32>], vector<16xf32>,
      %broadcast_in_dim3A_2449 = arith.constant 88 : i32
      %broadcast_in_dim3A_2450 = vector.broadcast %broadcast_in_dim3A_2449 : i32 to vector<16xi32>
      %get3A_2451 = arith.constant 88 : i32
      %get3A_2452 = arith.index_cast %get3A_2451 : i32 to index
      %get3A_2453 = arith.constant 0 : index
      %get3A_2454 = tpu.vector_load %arg7[%get3A_2452, %get3A_2453] {strides = array<i32>} : memref<128x32xf32, #tpu.memory_space<vmem>>, vector<16xf32>,
      tpu.vector_store_idx %arg9[%add3A_5, %broadcast_in_dim3A_2450], %get3A_2454 : memref<32x129xf32, #tpu.memory_space<vmem>>[vector<16xi32>, vector<16xi32>], vector<16xf32>,
      %get3A_2455 = arith.constant 88 : i32
      %get3A_2456 = arith.index_cast %get3A_2455 : i32 to index
      %get3A_2457 = arith.constant 16 : index
      %get3A_2458 = tpu.vector_load %arg7[%get3A_2456, %get3A_2457] {strides = array<i32>} : memref<128x32xf32, #tpu.memory_space<vmem>>, vector<16xf32>,
      tpu.vector_store_idx %arg9[%add3A_9, %broadcast_in_dim3A_2450], %get3A_2458 : memref<32x129xf32, #tpu.memory_space<vmem>>[vector<16xi32>, vector<16xi32>], vector<16xf32>,
      %broadcast_in_dim3A_2459 = arith.constant 89 : i32
      %broadcast_in_dim3A_2460 = vector.broadcast %broadcast_in_dim3A_2459 : i32 to vector<16xi32>
      %get3A_2461 = arith.constant 89 : i32
      %get3A_2462 = arith.index_cast %get3A_2461 : i32 to index
      %get3A_2463 = arith.constant 0 : index
      %get3A_2464 = tpu.vector_load %arg7[%get3A_2462, %get3A_2463] {strides = array<i32>} : memref<128x32xf32, #tpu.memory_space<vmem>>, vector<16xf32>,
      tpu.vector_store_idx %arg9[%add3A_5, %broadcast_in_dim3A_2460], %get3A_2464 : memref<32x129xf32, #tpu.memory_space<vmem>>[vector<16xi32>, vector<16xi32>], vector<16xf32>,
      %get3A_2465 = arith.constant 89 : i32
      %get3A_2466 = arith.index_cast %get3A_2465 : i32 to index
      %get3A_2467 = arith.constant 16 : index
      %get3A_2468 = tpu.vector_load %arg7[%get3A_2466, %get3A_2467] {strides = array<i32>} : memref<128x32xf32, #tpu.memory_space<vmem>>, vector<16xf32>,
      tpu.vector_store_idx %arg9[%add3A_9, %broadcast_in_dim3A_2460], %get3A_2468 : memref<32x129xf32, #tpu.memory_space<vmem>>[vector<16xi32>, vector<16xi32>], vector<16xf32>,
      %broadcast_in_dim3A_2469 = arith.constant 90 : i32
      %broadcast_in_dim3A_2470 = vector.broadcast %broadcast_in_dim3A_2469 : i32 to vector<16xi32>
      %get3A_2471 = arith.constant 90 : i32
      %get3A_2472 = arith.index_cast %get3A_2471 : i32 to index
      %get3A_2473 = arith.constant 0 : index
      %get3A_2474 = tpu.vector_load %arg7[%get3A_2472, %get3A_2473] {strides = array<i32>} : memref<128x32xf32, #tpu.memory_space<vmem>>, vector<16xf32>,
      tpu.vector_store_idx %arg9[%add3A_5, %broadcast_in_dim3A_2470], %get3A_2474 : memref<32x129xf32, #tpu.memory_space<vmem>>[vector<16xi32>, vector<16xi32>], vector<16xf32>,
      %get3A_2475 = arith.constant 90 : i32
      %get3A_2476 = arith.index_cast %get3A_2475 : i32 to index
      %get3A_2477 = arith.constant 16 : index
      %get3A_2478 = tpu.vector_load %arg7[%get3A_2476, %get3A_2477] {strides = array<i32>} : memref<128x32xf32, #tpu.memory_space<vmem>>, vector<16xf32>,
      tpu.vector_store_idx %arg9[%add3A_9, %broadcast_in_dim3A_2470], %get3A_2478 : memref<32x129xf32, #tpu.memory_space<vmem>>[vector<16xi32>, vector<16xi32>], vector<16xf32>,
      %broadcast_in_dim3A_2479 = arith.constant 91 : i32
      %broadcast_in_dim3A_2480 = vector.broadcast %broadcast_in_dim3A_2479 : i32 to vector<16xi32>
      %get3A_2481 = arith.constant 91 : i32
      %get3A_2482 = arith.index_cast %get3A_2481 : i32 to index
      %get3A_2483 = arith.constant 0 : index
      %get3A_2484 = tpu.vector_load %arg7[%get3A_2482, %get3A_2483] {strides = array<i32>} : memref<128x32xf32, #tpu.memory_space<vmem>>, vector<16xf32>,
      tpu.vector_store_idx %arg9[%add3A_5, %broadcast_in_dim3A_2480], %get3A_2484 : memref<32x129xf32, #tpu.memory_space<vmem>>[vector<16xi32>, vector<16xi32>], vector<16xf32>,
      %get3A_2485 = arith.constant 91 : i32
      %get3A_2486 = arith.index_cast %get3A_2485 : i32 to index
      %get3A_2487 = arith.constant 16 : index
      %get3A_2488 = tpu.vector_load %arg7[%get3A_2486, %get3A_2487] {strides = array<i32>} : memref<128x32xf32, #tpu.memory_space<vmem>>, vector<16xf32>,
      tpu.vector_store_idx %arg9[%add3A_9, %broadcast_in_dim3A_2480], %get3A_2488 : memref<32x129xf32, #tpu.memory_space<vmem>>[vector<16xi32>, vector<16xi32>], vector<16xf32>,
      %broadcast_in_dim3A_2489 = arith.constant 92 : i32
      %broadcast_in_dim3A_2490 = vector.broadcast %broadcast_in_dim3A_2489 : i32 to vector<16xi32>
      %get3A_2491 = arith.constant 92 : i32
      %get3A_2492 = arith.index_cast %get3A_2491 : i32 to index
      %get3A_2493 = arith.constant 0 : index
      %get3A_2494 = tpu.vector_load %arg7[%get3A_2492, %get3A_2493] {strides = array<i32>} : memref<128x32xf32, #tpu.memory_space<vmem>>, vector<16xf32>,
      tpu.vector_store_idx %arg9[%add3A_5, %broadcast_in_dim3A_2490], %get3A_2494 : memref<32x129xf32, #tpu.memory_space<vmem>>[vector<16xi32>, vector<16xi32>], vector<16xf32>,
      %get3A_2495 = arith.constant 92 : i32
      %get3A_2496 = arith.index_cast %get3A_2495 : i32 to index
      %get3A_2497 = arith.constant 16 : index
      %get3A_2498 = tpu.vector_load %arg7[%get3A_2496, %get3A_2497] {strides = array<i32>} : memref<128x32xf32, #tpu.memory_space<vmem>>, vector<16xf32>,
      tpu.vector_store_idx %arg9[%add3A_9, %broadcast_in_dim3A_2490], %get3A_2498 : memref<32x129xf32, #tpu.memory_space<vmem>>[vector<16xi32>, vector<16xi32>], vector<16xf32>,
      %broadcast_in_dim3A_2499 = arith.constant 93 : i32
      %broadcast_in_dim3A_2500 = vector.broadcast %broadcast_in_dim3A_2499 : i32 to vector<16xi32>
      %get3A_2501 = arith.constant 93 : i32
      %get3A_2502 = arith.index_cast %get3A_2501 : i32 to index
      %get3A_2503 = arith.constant 0 : index
      %get3A_2504 = tpu.vector_load %arg7[%get3A_2502, %get3A_2503] {strides = array<i32>} : memref<128x32xf32, #tpu.memory_space<vmem>>, vector<16xf32>,
      tpu.vector_store_idx %arg9[%add3A_5, %broadcast_in_dim3A_2500], %get3A_2504 : memref<32x129xf32, #tpu.memory_space<vmem>>[vector<16xi32>, vector<16xi32>], vector<16xf32>,
      %get3A_2505 = arith.constant 93 : i32
      %get3A_2506 = arith.index_cast %get3A_2505 : i32 to index
      %get3A_2507 = arith.constant 16 : index
      %get3A_2508 = tpu.vector_load %arg7[%get3A_2506, %get3A_2507] {strides = array<i32>} : memref<128x32xf32, #tpu.memory_space<vmem>>, vector<16xf32>,
      tpu.vector_store_idx %arg9[%add3A_9, %broadcast_in_dim3A_2500], %get3A_2508 : memref<32x129xf32, #tpu.memory_space<vmem>>[vector<16xi32>, vector<16xi32>], vector<16xf32>,
      %broadcast_in_dim3A_2509 = arith.constant 94 : i32
      %broadcast_in_dim3A_2510 = vector.broadcast %broadcast_in_dim3A_2509 : i32 to vector<16xi32>
      %get3A_2511 = arith.constant 94 : i32
      %get3A_2512 = arith.index_cast %get3A_2511 : i32 to index
      %get3A_2513 = arith.constant 0 : index
      %get3A_2514 = tpu.vector_load %arg7[%get3A_2512, %get3A_2513] {strides = array<i32>} : memref<128x32xf32, #tpu.memory_space<vmem>>, vector<16xf32>,
      tpu.vector_store_idx %arg9[%add3A_5, %broadcast_in_dim3A_2510], %get3A_2514 : memref<32x129xf32, #tpu.memory_space<vmem>>[vector<16xi32>, vector<16xi32>], vector<16xf32>,
      %get3A_2515 = arith.constant 94 : i32
      %get3A_2516 = arith.index_cast %get3A_2515 : i32 to index
      %get3A_2517 = arith.constant 16 : index
      %get3A_2518 = tpu.vector_load %arg7[%get3A_2516, %get3A_2517] {strides = array<i32>} : memref<128x32xf32, #tpu.memory_space<vmem>>, vector<16xf32>,
      tpu.vector_store_idx %arg9[%add3A_9, %broadcast_in_dim3A_2510], %get3A_2518 : memref<32x129xf32, #tpu.memory_space<vmem>>[vector<16xi32>, vector<16xi32>], vector<16xf32>,
      %broadcast_in_dim3A_2519 = arith.constant 95 : i32
      %broadcast_in_dim3A_2520 = vector.broadcast %broadcast_in_dim3A_2519 : i32 to vector<16xi32>
      %get3A_2521 = arith.constant 95 : i32
      %get3A_2522 = arith.index_cast %get3A_2521 : i32 to index
      %get3A_2523 = arith.constant 0 : index
      %get3A_2524 = tpu.vector_load %arg7[%get3A_2522, %get3A_2523] {strides = array<i32>} : memref<128x32xf32, #tpu.memory_space<vmem>>, vector<16xf32>,
      tpu.vector_store_idx %arg9[%add3A_5, %broadcast_in_dim3A_2520], %get3A_2524 : memref<32x129xf32, #tpu.memory_space<vmem>>[vector<16xi32>, vector<16xi32>], vector<16xf32>,
      %get3A_2525 = arith.constant 95 : i32
      %get3A_2526 = arith.index_cast %get3A_2525 : i32 to index
      %get3A_2527 = arith.constant 16 : index
      %get3A_2528 = tpu.vector_load %arg7[%get3A_2526, %get3A_2527] {strides = array<i32>} : memref<128x32xf32, #tpu.memory_space<vmem>>, vector<16xf32>,
      tpu.vector_store_idx %arg9[%add3A_9, %broadcast_in_dim3A_2520], %get3A_2528 : memref<32x129xf32, #tpu.memory_space<vmem>>[vector<16xi32>, vector<16xi32>], vector<16xf32>,
      %broadcast_in_dim3A_2529 = arith.constant 96 : i32
      %broadcast_in_dim3A_2530 = vector.broadcast %broadcast_in_dim3A_2529 : i32 to vector<16xi32>
      %get3A_2531 = arith.constant 96 : i32
      %get3A_2532 = arith.index_cast %get3A_2531 : i32 to index
      %get3A_2533 = arith.constant 0 : index
      %get3A_2534 = tpu.vector_load %arg7[%get3A_2532, %get3A_2533] {strides = array<i32>} : memref<128x32xf32, #tpu.memory_space<vmem>>, vector<16xf32>,
      tpu.vector_store_idx %arg9[%add3A_5, %broadcast_in_dim3A_2530], %get3A_2534 : memref<32x129xf32, #tpu.memory_space<vmem>>[vector<16xi32>, vector<16xi32>], vector<16xf32>,
      %get3A_2535 = arith.constant 96 : i32
      %get3A_2536 = arith.index_cast %get3A_2535 : i32 to index
      %get3A_2537 = arith.constant 16 : index
      %get3A_2538 = tpu.vector_load %arg7[%get3A_2536, %get3A_2537] {strides = array<i32>} : memref<128x32xf32, #tpu.memory_space<vmem>>, vector<16xf32>,
      tpu.vector_store_idx %arg9[%add3A_9, %broadcast_in_dim3A_2530], %get3A_2538 : memref<32x129xf32, #tpu.memory_space<vmem>>[vector<16xi32>, vector<16xi32>], vector<16xf32>,
      %broadcast_in_dim3A_2539 = arith.constant 97 : i32
      %broadcast_in_dim3A_2540 = vector.broadcast %broadcast_in_dim3A_2539 : i32 to vector<16xi32>
      %get3A_2541 = arith.constant 97 : i32
      %get3A_2542 = arith.index_cast %get3A_2541 : i32 to index
      %get3A_2543 = arith.constant 0 : index
      %get3A_2544 = tpu.vector_load %arg7[%get3A_2542, %get3A_2543] {strides = array<i32>} : memref<128x32xf32, #tpu.memory_space<vmem>>, vector<16xf32>,
      tpu.vector_store_idx %arg9[%add3A_5, %broadcast_in_dim3A_2540], %get3A_2544 : memref<32x129xf32, #tpu.memory_space<vmem>>[vector<16xi32>, vector<16xi32>], vector<16xf32>,
      %get3A_2545 = arith.constant 97 : i32
      %get3A_2546 = arith.index_cast %get3A_2545 : i32 to index
      %get3A_2547 = arith.constant 16 : index
      %get3A_2548 = tpu.vector_load %arg7[%get3A_2546, %get3A_2547] {strides = array<i32>} : memref<128x32xf32, #tpu.memory_space<vmem>>, vector<16xf32>,
      tpu.vector_store_idx %arg9[%add3A_9, %broadcast_in_dim3A_2540], %get3A_2548 : memref<32x129xf32, #tpu.memory_space<vmem>>[vector<16xi32>, vector<16xi32>], vector<16xf32>,
      %broadcast_in_dim3A_2549 = arith.constant 98 : i32
      %broadcast_in_dim3A_2550 = vector.broadcast %broadcast_in_dim3A_2549 : i32 to vector<16xi32>
      %get3A_2551 = arith.constant 98 : i32
      %get3A_2552 = arith.index_cast %get3A_2551 : i32 to index
      %get3A_2553 = arith.constant 0 : index
      %get3A_2554 = tpu.vector_load %arg7[%get3A_2552, %get3A_2553] {strides = array<i32>} : memref<128x32xf32, #tpu.memory_space<vmem>>, vector<16xf32>,
      tpu.vector_store_idx %arg9[%add3A_5, %broadcast_in_dim3A_2550], %get3A_2554 : memref<32x129xf32, #tpu.memory_space<vmem>>[vector<16xi32>, vector<16xi32>], vector<16xf32>,
      %get3A_2555 = arith.constant 98 : i32
      %get3A_2556 = arith.index_cast %get3A_2555 : i32 to index
      %get3A_2557 = arith.constant 16 : index
      %get3A_2558 = tpu.vector_load %arg7[%get3A_2556, %get3A_2557] {strides = array<i32>} : memref<128x32xf32, #tpu.memory_space<vmem>>, vector<16xf32>,
      tpu.vector_store_idx %arg9[%add3A_9, %broadcast_in_dim3A_2550], %get3A_2558 : memref<32x129xf32, #tpu.memory_space<vmem>>[vector<16xi32>, vector<16xi32>], vector<16xf32>,
      %broadcast_in_dim3A_2559 = arith.constant 99 : i32
      %broadcast_in_dim3A_2560 = vector.broadcast %broadcast_in_dim3A_2559 : i32 to vector<16xi32>
      %get3A_2561 = arith.constant 99 : i32
      %get3A_2562 = arith.index_cast %get3A_2561 : i32 to index
      %get3A_2563 = arith.constant 0 : index
      %get3A_2564 = tpu.vector_load %arg7[%get3A_2562, %get3A_2563] {strides = array<i32>} : memref<128x32xf32, #tpu.memory_space<vmem>>, vector<16xf32>,
      tpu.vector_store_idx %arg9[%add3A_5, %broadcast_in_dim3A_2560], %get3A_2564 : memref<32x129xf32, #tpu.memory_space<vmem>>[vector<16xi32>, vector<16xi32>], vector<16xf32>,
      %get3A_2565 = arith.constant 99 : i32
      %get3A_2566 = arith.index_cast %get3A_2565 : i32 to index
      %get3A_2567 = arith.constant 16 : index
      %get3A_2568 = tpu.vector_load %arg7[%get3A_2566, %get3A_2567] {strides = array<i32>} : memref<128x32xf32, #tpu.memory_space<vmem>>, vector<16xf32>,
      tpu.vector_store_idx %arg9[%add3A_9, %broadcast_in_dim3A_2560], %get3A_2568 : memref<32x129xf32, #tpu.memory_space<vmem>>[vector<16xi32>, vector<16xi32>], vector<16xf32>,
      %broadcast_in_dim3A_2569 = arith.constant 100 : i32
      %broadcast_in_dim3A_2570 = vector.broadcast %broadcast_in_dim3A_2569 : i32 to vector<16xi32>
      %get3A_2571 = arith.constant 100 : i32
      %get3A_2572 = arith.index_cast %get3A_2571 : i32 to index
      %get3A_2573 = arith.constant 0 : index
      %get3A_2574 = tpu.vector_load %arg7[%get3A_2572, %get3A_2573] {strides = array<i32>} : memref<128x32xf32, #tpu.memory_space<vmem>>, vector<16xf32>,
      tpu.vector_store_idx %arg9[%add3A_5, %broadcast_in_dim3A_2570], %get3A_2574 : memref<32x129xf32, #tpu.memory_space<vmem>>[vector<16xi32>, vector<16xi32>], vector<16xf32>,
      %get3A_2575 = arith.constant 100 : i32
      %get3A_2576 = arith.index_cast %get3A_2575 : i32 to index
      %get3A_2577 = arith.constant 16 : index
      %get3A_2578 = tpu.vector_load %arg7[%get3A_2576, %get3A_2577] {strides = array<i32>} : memref<128x32xf32, #tpu.memory_space<vmem>>, vector<16xf32>,
      tpu.vector_store_idx %arg9[%add3A_9, %broadcast_in_dim3A_2570], %get3A_2578 : memref<32x129xf32, #tpu.memory_space<vmem>>[vector<16xi32>, vector<16xi32>], vector<16xf32>,
      %broadcast_in_dim3A_2579 = arith.constant 101 : i32
      %broadcast_in_dim3A_2580 = vector.broadcast %broadcast_in_dim3A_2579 : i32 to vector<16xi32>
      %get3A_2581 = arith.constant 101 : i32
      %get3A_2582 = arith.index_cast %get3A_2581 : i32 to index
      %get3A_2583 = arith.constant 0 : index
      %get3A_2584 = tpu.vector_load %arg7[%get3A_2582, %get3A_2583] {strides = array<i32>} : memref<128x32xf32, #tpu.memory_space<vmem>>, vector<16xf32>,
      tpu.vector_store_idx %arg9[%add3A_5, %broadcast_in_dim3A_2580], %get3A_2584 : memref<32x129xf32, #tpu.memory_space<vmem>>[vector<16xi32>, vector<16xi32>], vector<16xf32>,
      %get3A_2585 = arith.constant 101 : i32
      %get3A_2586 = arith.index_cast %get3A_2585 : i32 to index
      %get3A_2587 = arith.constant 16 : index
      %get3A_2588 = tpu.vector_load %arg7[%get3A_2586, %get3A_2587] {strides = array<i32>} : memref<128x32xf32, #tpu.memory_space<vmem>>, vector<16xf32>,
      tpu.vector_store_idx %arg9[%add3A_9, %broadcast_in_dim3A_2580], %get3A_2588 : memref<32x129xf32, #tpu.memory_space<vmem>>[vector<16xi32>, vector<16xi32>], vector<16xf32>,
      %broadcast_in_dim3A_2589 = arith.constant 102 : i32
      %broadcast_in_dim3A_2590 = vector.broadcast %broadcast_in_dim3A_2589 : i32 to vector<16xi32>
      %get3A_2591 = arith.constant 102 : i32
      %get3A_2592 = arith.index_cast %get3A_2591 : i32 to index
      %get3A_2593 = arith.constant 0 : index
      %get3A_2594 = tpu.vector_load %arg7[%get3A_2592, %get3A_2593] {strides = array<i32>} : memref<128x32xf32, #tpu.memory_space<vmem>>, vector<16xf32>,
      tpu.vector_store_idx %arg9[%add3A_5, %broadcast_in_dim3A_2590], %get3A_2594 : memref<32x129xf32, #tpu.memory_space<vmem>>[vector<16xi32>, vector<16xi32>], vector<16xf32>,
      %get3A_2595 = arith.constant 102 : i32
      %get3A_2596 = arith.index_cast %get3A_2595 : i32 to index
      %get3A_2597 = arith.constant 16 : index
      %get3A_2598 = tpu.vector_load %arg7[%get3A_2596, %get3A_2597] {strides = array<i32>} : memref<128x32xf32, #tpu.memory_space<vmem>>, vector<16xf32>,
      tpu.vector_store_idx %arg9[%add3A_9, %broadcast_in_dim3A_2590], %get3A_2598 : memref<32x129xf32, #tpu.memory_space<vmem>>[vector<16xi32>, vector<16xi32>], vector<16xf32>,
      %broadcast_in_dim3A_2599 = arith.constant 103 : i32
      %broadcast_in_dim3A_2600 = vector.broadcast %broadcast_in_dim3A_2599 : i32 to vector<16xi32>
      %get3A_2601 = arith.constant 103 : i32
      %get3A_2602 = arith.index_cast %get3A_2601 : i32 to index
      %get3A_2603 = arith.constant 0 : index
      %get3A_2604 = tpu.vector_load %arg7[%get3A_2602, %get3A_2603] {strides = array<i32>} : memref<128x32xf32, #tpu.memory_space<vmem>>, vector<16xf32>,
      tpu.vector_store_idx %arg9[%add3A_5, %broadcast_in_dim3A_2600], %get3A_2604 : memref<32x129xf32, #tpu.memory_space<vmem>>[vector<16xi32>, vector<16xi32>], vector<16xf32>,
      %get3A_2605 = arith.constant 103 : i32
      %get3A_2606 = arith.index_cast %get3A_2605 : i32 to index
      %get3A_2607 = arith.constant 16 : index
      %get3A_2608 = tpu.vector_load %arg7[%get3A_2606, %get3A_2607] {strides = array<i32>} : memref<128x32xf32, #tpu.memory_space<vmem>>, vector<16xf32>,
      tpu.vector_store_idx %arg9[%add3A_9, %broadcast_in_dim3A_2600], %get3A_2608 : memref<32x129xf32, #tpu.memory_space<vmem>>[vector<16xi32>, vector<16xi32>], vector<16xf32>,
      %broadcast_in_dim3A_2609 = arith.constant 104 : i32
      %broadcast_in_dim3A_2610 = vector.broadcast %broadcast_in_dim3A_2609 : i32 to vector<16xi32>
      %get3A_2611 = arith.constant 104 : i32
      %get3A_2612 = arith.index_cast %get3A_2611 : i32 to index
      %get3A_2613 = arith.constant 0 : index
      %get3A_2614 = tpu.vector_load %arg7[%get3A_2612, %get3A_2613] {strides = array<i32>} : memref<128x32xf32, #tpu.memory_space<vmem>>, vector<16xf32>,
      tpu.vector_store_idx %arg9[%add3A_5, %broadcast_in_dim3A_2610], %get3A_2614 : memref<32x129xf32, #tpu.memory_space<vmem>>[vector<16xi32>, vector<16xi32>], vector<16xf32>,
      %get3A_2615 = arith.constant 104 : i32
      %get3A_2616 = arith.index_cast %get3A_2615 : i32 to index
      %get3A_2617 = arith.constant 16 : index
      %get3A_2618 = tpu.vector_load %arg7[%get3A_2616, %get3A_2617] {strides = array<i32>} : memref<128x32xf32, #tpu.memory_space<vmem>>, vector<16xf32>,
      tpu.vector_store_idx %arg9[%add3A_9, %broadcast_in_dim3A_2610], %get3A_2618 : memref<32x129xf32, #tpu.memory_space<vmem>>[vector<16xi32>, vector<16xi32>], vector<16xf32>,
      %broadcast_in_dim3A_2619 = arith.constant 105 : i32
      %broadcast_in_dim3A_2620 = vector.broadcast %broadcast_in_dim3A_2619 : i32 to vector<16xi32>
      %get3A_2621 = arith.constant 105 : i32
      %get3A_2622 = arith.index_cast %get3A_2621 : i32 to index
      %get3A_2623 = arith.constant 0 : index
      %get3A_2624 = tpu.vector_load %arg7[%get3A_2622, %get3A_2623] {strides = array<i32>} : memref<128x32xf32, #tpu.memory_space<vmem>>, vector<16xf32>,
      tpu.vector_store_idx %arg9[%add3A_5, %broadcast_in_dim3A_2620], %get3A_2624 : memref<32x129xf32, #tpu.memory_space<vmem>>[vector<16xi32>, vector<16xi32>], vector<16xf32>,
      %get3A_2625 = arith.constant 105 : i32
      %get3A_2626 = arith.index_cast %get3A_2625 : i32 to index
      %get3A_2627 = arith.constant 16 : index
      %get3A_2628 = tpu.vector_load %arg7[%get3A_2626, %get3A_2627] {strides = array<i32>} : memref<128x32xf32, #tpu.memory_space<vmem>>, vector<16xf32>,
      tpu.vector_store_idx %arg9[%add3A_9, %broadcast_in_dim3A_2620], %get3A_2628 : memref<32x129xf32, #tpu.memory_space<vmem>>[vector<16xi32>, vector<16xi32>], vector<16xf32>,
      %broadcast_in_dim3A_2629 = arith.constant 106 : i32
      %broadcast_in_dim3A_2630 = vector.broadcast %broadcast_in_dim3A_2629 : i32 to vector<16xi32>
      %get3A_2631 = arith.constant 106 : i32
      %get3A_2632 = arith.index_cast %get3A_2631 : i32 to index
      %get3A_2633 = arith.constant 0 : index
      %get3A_2634 = tpu.vector_load %arg7[%get3A_2632, %get3A_2633] {strides = array<i32>} : memref<128x32xf32, #tpu.memory_space<vmem>>, vector<16xf32>,
      tpu.vector_store_idx %arg9[%add3A_5, %broadcast_in_dim3A_2630], %get3A_2634 : memref<32x129xf32, #tpu.memory_space<vmem>>[vector<16xi32>, vector<16xi32>], vector<16xf32>,
      %get3A_2635 = arith.constant 106 : i32
      %get3A_2636 = arith.index_cast %get3A_2635 : i32 to index
      %get3A_2637 = arith.constant 16 : index
      %get3A_2638 = tpu.vector_load %arg7[%get3A_2636, %get3A_2637] {strides = array<i32>} : memref<128x32xf32, #tpu.memory_space<vmem>>, vector<16xf32>,
      tpu.vector_store_idx %arg9[%add3A_9, %broadcast_in_dim3A_2630], %get3A_2638 : memref<32x129xf32, #tpu.memory_space<vmem>>[vector<16xi32>, vector<16xi32>], vector<16xf32>,
      %broadcast_in_dim3A_2639 = arith.constant 107 : i32
      %broadcast_in_dim3A_2640 = vector.broadcast %broadcast_in_dim3A_2639 : i32 to vector<16xi32>
      %get3A_2641 = arith.constant 107 : i32
      %get3A_2642 = arith.index_cast %get3A_2641 : i32 to index
      %get3A_2643 = arith.constant 0 : index
      %get3A_2644 = tpu.vector_load %arg7[%get3A_2642, %get3A_2643] {strides = array<i32>} : memref<128x32xf32, #tpu.memory_space<vmem>>, vector<16xf32>,
      tpu.vector_store_idx %arg9[%add3A_5, %broadcast_in_dim3A_2640], %get3A_2644 : memref<32x129xf32, #tpu.memory_space<vmem>>[vector<16xi32>, vector<16xi32>], vector<16xf32>,
      %get3A_2645 = arith.constant 107 : i32
      %get3A_2646 = arith.index_cast %get3A_2645 : i32 to index
      %get3A_2647 = arith.constant 16 : index
      %get3A_2648 = tpu.vector_load %arg7[%get3A_2646, %get3A_2647] {strides = array<i32>} : memref<128x32xf32, #tpu.memory_space<vmem>>, vector<16xf32>,
      tpu.vector_store_idx %arg9[%add3A_9, %broadcast_in_dim3A_2640], %get3A_2648 : memref<32x129xf32, #tpu.memory_space<vmem>>[vector<16xi32>, vector<16xi32>], vector<16xf32>,
      %broadcast_in_dim3A_2649 = arith.constant 108 : i32
      %broadcast_in_dim3A_2650 = vector.broadcast %broadcast_in_dim3A_2649 : i32 to vector<16xi32>
      %get3A_2651 = arith.constant 108 : i32
      %get3A_2652 = arith.index_cast %get3A_2651 : i32 to index
      %get3A_2653 = arith.constant 0 : index
      %get3A_2654 = tpu.vector_load %arg7[%get3A_2652, %get3A_2653] {strides = array<i32>} : memref<128x32xf32, #tpu.memory_space<vmem>>, vector<16xf32>,
      tpu.vector_store_idx %arg9[%add3A_5, %broadcast_in_dim3A_2650], %get3A_2654 : memref<32x129xf32, #tpu.memory_space<vmem>>[vector<16xi32>, vector<16xi32>], vector<16xf32>,
      %get3A_2655 = arith.constant 108 : i32
      %get3A_2656 = arith.index_cast %get3A_2655 : i32 to index
      %get3A_2657 = arith.constant 16 : index
      %get3A_2658 = tpu.vector_load %arg7[%get3A_2656, %get3A_2657] {strides = array<i32>} : memref<128x32xf32, #tpu.memory_space<vmem>>, vector<16xf32>,
      tpu.vector_store_idx %arg9[%add3A_9, %broadcast_in_dim3A_2650], %get3A_2658 : memref<32x129xf32, #tpu.memory_space<vmem>>[vector<16xi32>, vector<16xi32>], vector<16xf32>,
      %broadcast_in_dim3A_2659 = arith.constant 109 : i32
      %broadcast_in_dim3A_2660 = vector.broadcast %broadcast_in_dim3A_2659 : i32 to vector<16xi32>
      %get3A_2661 = arith.constant 109 : i32
      %get3A_2662 = arith.index_cast %get3A_2661 : i32 to index
      %get3A_2663 = arith.constant 0 : index
      %get3A_2664 = tpu.vector_load %arg7[%get3A_2662, %get3A_2663] {strides = array<i32>} : memref<128x32xf32, #tpu.memory_space<vmem>>, vector<16xf32>,
      tpu.vector_store_idx %arg9[%add3A_5, %broadcast_in_dim3A_2660], %get3A_2664 : memref<32x129xf32, #tpu.memory_space<vmem>>[vector<16xi32>, vector<16xi32>], vector<16xf32>,
      %get3A_2665 = arith.constant 109 : i32
      %get3A_2666 = arith.index_cast %get3A_2665 : i32 to index
      %get3A_2667 = arith.constant 16 : index
      %get3A_2668 = tpu.vector_load %arg7[%get3A_2666, %get3A_2667] {strides = array<i32>} : memref<128x32xf32, #tpu.memory_space<vmem>>, vector<16xf32>,
      tpu.vector_store_idx %arg9[%add3A_9, %broadcast_in_dim3A_2660], %get3A_2668 : memref<32x129xf32, #tpu.memory_space<vmem>>[vector<16xi32>, vector<16xi32>], vector<16xf32>,
      %broadcast_in_dim3A_2669 = arith.constant 110 : i32
      %broadcast_in_dim3A_2670 = vector.broadcast %broadcast_in_dim3A_2669 : i32 to vector<16xi32>
      %get3A_2671 = arith.constant 110 : i32
      %get3A_2672 = arith.index_cast %get3A_2671 : i32 to index
      %get3A_2673 = arith.constant 0 : index
      %get3A_2674 = tpu.vector_load %arg7[%get3A_2672, %get3A_2673] {strides = array<i32>} : memref<128x32xf32, #tpu.memory_space<vmem>>, vector<16xf32>,
      tpu.vector_store_idx %arg9[%add3A_5, %broadcast_in_dim3A_2670], %get3A_2674 : memref<32x129xf32, #tpu.memory_space<vmem>>[vector<16xi32>, vector<16xi32>], vector<16xf32>,
      %get3A_2675 = arith.constant 110 : i32
      %get3A_2676 = arith.index_cast %get3A_2675 : i32 to index
      %get3A_2677 = arith.constant 16 : index
      %get3A_2678 = tpu.vector_load %arg7[%get3A_2676, %get3A_2677] {strides = array<i32>} : memref<128x32xf32, #tpu.memory_space<vmem>>, vector<16xf32>,
      tpu.vector_store_idx %arg9[%add3A_9, %broadcast_in_dim3A_2670], %get3A_2678 : memref<32x129xf32, #tpu.memory_space<vmem>>[vector<16xi32>, vector<16xi32>], vector<16xf32>,
      %broadcast_in_dim3A_2679 = arith.constant 111 : i32
      %broadcast_in_dim3A_2680 = vector.broadcast %broadcast_in_dim3A_2679 : i32 to vector<16xi32>
      %get3A_2681 = arith.constant 111 : i32
      %get3A_2682 = arith.index_cast %get3A_2681 : i32 to index
      %get3A_2683 = arith.constant 0 : index
      %get3A_2684 = tpu.vector_load %arg7[%get3A_2682, %get3A_2683] {strides = array<i32>} : memref<128x32xf32, #tpu.memory_space<vmem>>, vector<16xf32>,
      tpu.vector_store_idx %arg9[%add3A_5, %broadcast_in_dim3A_2680], %get3A_2684 : memref<32x129xf32, #tpu.memory_space<vmem>>[vector<16xi32>, vector<16xi32>], vector<16xf32>,
      %get3A_2685 = arith.constant 111 : i32
      %get3A_2686 = arith.index_cast %get3A_2685 : i32 to index
      %get3A_2687 = arith.constant 16 : index
      %get3A_2688 = tpu.vector_load %arg7[%get3A_2686, %get3A_2687] {strides = array<i32>} : memref<128x32xf32, #tpu.memory_space<vmem>>, vector<16xf32>,
      tpu.vector_store_idx %arg9[%add3A_9, %broadcast_in_dim3A_2680], %get3A_2688 : memref<32x129xf32, #tpu.memory_space<vmem>>[vector<16xi32>, vector<16xi32>], vector<16xf32>,
      %broadcast_in_dim3A_2689 = arith.constant 112 : i32
      %broadcast_in_dim3A_2690 = vector.broadcast %broadcast_in_dim3A_2689 : i32 to vector<16xi32>
      %get3A_2691 = arith.constant 112 : i32
      %get3A_2692 = arith.index_cast %get3A_2691 : i32 to index
      %get3A_2693 = arith.constant 0 : index
      %get3A_2694 = tpu.vector_load %arg7[%get3A_2692, %get3A_2693] {strides = array<i32>} : memref<128x32xf32, #tpu.memory_space<vmem>>, vector<16xf32>,
      tpu.vector_store_idx %arg9[%add3A_5, %broadcast_in_dim3A_2690], %get3A_2694 : memref<32x129xf32, #tpu.memory_space<vmem>>[vector<16xi32>, vector<16xi32>], vector<16xf32>,
      %get3A_2695 = arith.constant 112 : i32
      %get3A_2696 = arith.index_cast %get3A_2695 : i32 to index
      %get3A_2697 = arith.constant 16 : index
      %get3A_2698 = tpu.vector_load %arg7[%get3A_2696, %get3A_2697] {strides = array<i32>} : memref<128x32xf32, #tpu.memory_space<vmem>>, vector<16xf32>,
      tpu.vector_store_idx %arg9[%add3A_9, %broadcast_in_dim3A_2690], %get3A_2698 : memref<32x129xf32, #tpu.memory_space<vmem>>[vector<16xi32>, vector<16xi32>], vector<16xf32>,
      %broadcast_in_dim3A_2699 = arith.constant 113 : i32
      %broadcast_in_dim3A_2700 = vector.broadcast %broadcast_in_dim3A_2699 : i32 to vector<16xi32>
      %get3A_2701 = arith.constant 113 : i32
      %get3A_2702 = arith.index_cast %get3A_2701 : i32 to index
      %get3A_2703 = arith.constant 0 : index
      %get3A_2704 = tpu.vector_load %arg7[%get3A_2702, %get3A_2703] {strides = array<i32>} : memref<128x32xf32, #tpu.memory_space<vmem>>, vector<16xf32>,
      tpu.vector_store_idx %arg9[%add3A_5, %broadcast_in_dim3A_2700], %get3A_2704 : memref<32x129xf32, #tpu.memory_space<vmem>>[vector<16xi32>, vector<16xi32>], vector<16xf32>,
      %get3A_2705 = arith.constant 113 : i32
      %get3A_2706 = arith.index_cast %get3A_2705 : i32 to index
      %get3A_2707 = arith.constant 16 : index
      %get3A_2708 = tpu.vector_load %arg7[%get3A_2706, %get3A_2707] {strides = array<i32>} : memref<128x32xf32, #tpu.memory_space<vmem>>, vector<16xf32>,
      tpu.vector_store_idx %arg9[%add3A_9, %broadcast_in_dim3A_2700], %get3A_2708 : memref<32x129xf32, #tpu.memory_space<vmem>>[vector<16xi32>, vector<16xi32>], vector<16xf32>,
      %broadcast_in_dim3A_2709 = arith.constant 114 : i32
      %broadcast_in_dim3A_2710 = vector.broadcast %broadcast_in_dim3A_2709 : i32 to vector<16xi32>
      %get3A_2711 = arith.constant 114 : i32
      %get3A_2712 = arith.index_cast %get3A_2711 : i32 to index
      %get3A_2713 = arith.constant 0 : index
      %get3A_2714 = tpu.vector_load %arg7[%get3A_2712, %get3A_2713] {strides = array<i32>} : memref<128x32xf32, #tpu.memory_space<vmem>>, vector<16xf32>,
      tpu.vector_store_idx %arg9[%add3A_5, %broadcast_in_dim3A_2710], %get3A_2714 : memref<32x129xf32, #tpu.memory_space<vmem>>[vector<16xi32>, vector<16xi32>], vector<16xf32>,
      %get3A_2715 = arith.constant 114 : i32
      %get3A_2716 = arith.index_cast %get3A_2715 : i32 to index
      %get3A_2717 = arith.constant 16 : index
      %get3A_2718 = tpu.vector_load %arg7[%get3A_2716, %get3A_2717] {strides = array<i32>} : memref<128x32xf32, #tpu.memory_space<vmem>>, vector<16xf32>,
      tpu.vector_store_idx %arg9[%add3A_9, %broadcast_in_dim3A_2710], %get3A_2718 : memref<32x129xf32, #tpu.memory_space<vmem>>[vector<16xi32>, vector<16xi32>], vector<16xf32>,
      %broadcast_in_dim3A_2719 = arith.constant 115 : i32
      %broadcast_in_dim3A_2720 = vector.broadcast %broadcast_in_dim3A_2719 : i32 to vector<16xi32>
      %get3A_2721 = arith.constant 115 : i32
      %get3A_2722 = arith.index_cast %get3A_2721 : i32 to index
      %get3A_2723 = arith.constant 0 : index
      %get3A_2724 = tpu.vector_load %arg7[%get3A_2722, %get3A_2723] {strides = array<i32>} : memref<128x32xf32, #tpu.memory_space<vmem>>, vector<16xf32>,
      tpu.vector_store_idx %arg9[%add3A_5, %broadcast_in_dim3A_2720], %get3A_2724 : memref<32x129xf32, #tpu.memory_space<vmem>>[vector<16xi32>, vector<16xi32>], vector<16xf32>,
      %get3A_2725 = arith.constant 115 : i32
      %get3A_2726 = arith.index_cast %get3A_2725 : i32 to index
      %get3A_2727 = arith.constant 16 : index
      %get3A_2728 = tpu.vector_load %arg7[%get3A_2726, %get3A_2727] {strides = array<i32>} : memref<128x32xf32, #tpu.memory_space<vmem>>, vector<16xf32>,
      tpu.vector_store_idx %arg9[%add3A_9, %broadcast_in_dim3A_2720], %get3A_2728 : memref<32x129xf32, #tpu.memory_space<vmem>>[vector<16xi32>, vector<16xi32>], vector<16xf32>,
      %broadcast_in_dim3A_2729 = arith.constant 116 : i32
      %broadcast_in_dim3A_2730 = vector.broadcast %broadcast_in_dim3A_2729 : i32 to vector<16xi32>
      %get3A_2731 = arith.constant 116 : i32
      %get3A_2732 = arith.index_cast %get3A_2731 : i32 to index
      %get3A_2733 = arith.constant 0 : index
      %get3A_2734 = tpu.vector_load %arg7[%get3A_2732, %get3A_2733] {strides = array<i32>} : memref<128x32xf32, #tpu.memory_space<vmem>>, vector<16xf32>,
      tpu.vector_store_idx %arg9[%add3A_5, %broadcast_in_dim3A_2730], %get3A_2734 : memref<32x129xf32, #tpu.memory_space<vmem>>[vector<16xi32>, vector<16xi32>], vector<16xf32>,
      %get3A_2735 = arith.constant 116 : i32
      %get3A_2736 = arith.index_cast %get3A_2735 : i32 to index
      %get3A_2737 = arith.constant 16 : index
      %get3A_2738 = tpu.vector_load %arg7[%get3A_2736, %get3A_2737] {strides = array<i32>} : memref<128x32xf32, #tpu.memory_space<vmem>>, vector<16xf32>,
      tpu.vector_store_idx %arg9[%add3A_9, %broadcast_in_dim3A_2730], %get3A_2738 : memref<32x129xf32, #tpu.memory_space<vmem>>[vector<16xi32>, vector<16xi32>], vector<16xf32>,
      %broadcast_in_dim3A_2739 = arith.constant 117 : i32
      %broadcast_in_dim3A_2740 = vector.broadcast %broadcast_in_dim3A_2739 : i32 to vector<16xi32>
      %get3A_2741 = arith.constant 117 : i32
      %get3A_2742 = arith.index_cast %get3A_2741 : i32 to index
      %get3A_2743 = arith.constant 0 : index
      %get3A_2744 = tpu.vector_load %arg7[%get3A_2742, %get3A_2743] {strides = array<i32>} : memref<128x32xf32, #tpu.memory_space<vmem>>, vector<16xf32>,
      tpu.vector_store_idx %arg9[%add3A_5, %broadcast_in_dim3A_2740], %get3A_2744 : memref<32x129xf32, #tpu.memory_space<vmem>>[vector<16xi32>, vector<16xi32>], vector<16xf32>,
      %get3A_2745 = arith.constant 117 : i32
      %get3A_2746 = arith.index_cast %get3A_2745 : i32 to index
      %get3A_2747 = arith.constant 16 : index
      %get3A_2748 = tpu.vector_load %arg7[%get3A_2746, %get3A_2747] {strides = array<i32>} : memref<128x32xf32, #tpu.memory_space<vmem>>, vector<16xf32>,
      tpu.vector_store_idx %arg9[%add3A_9, %broadcast_in_dim3A_2740], %get3A_2748 : memref<32x129xf32, #tpu.memory_space<vmem>>[vector<16xi32>, vector<16xi32>], vector<16xf32>,
      %broadcast_in_dim3A_2749 = arith.constant 118 : i32
      %broadcast_in_dim3A_2750 = vector.broadcast %broadcast_in_dim3A_2749 : i32 to vector<16xi32>
      %get3A_2751 = arith.constant 118 : i32
      %get3A_2752 = arith.index_cast %get3A_2751 : i32 to index
      %get3A_2753 = arith.constant 0 : index
      %get3A_2754 = tpu.vector_load %arg7[%get3A_2752, %get3A_2753] {strides = array<i32>} : memref<128x32xf32, #tpu.memory_space<vmem>>, vector<16xf32>,
      tpu.vector_store_idx %arg9[%add3A_5, %broadcast_in_dim3A_2750], %get3A_2754 : memref<32x129xf32, #tpu.memory_space<vmem>>[vector<16xi32>, vector<16xi32>], vector<16xf32>,
      %get3A_2755 = arith.constant 118 : i32
      %get3A_2756 = arith.index_cast %get3A_2755 : i32 to index
      %get3A_2757 = arith.constant 16 : index
      %get3A_2758 = tpu.vector_load %arg7[%get3A_2756, %get3A_2757] {strides = array<i32>} : memref<128x32xf32, #tpu.memory_space<vmem>>, vector<16xf32>,
      tpu.vector_store_idx %arg9[%add3A_9, %broadcast_in_dim3A_2750], %get3A_2758 : memref<32x129xf32, #tpu.memory_space<vmem>>[vector<16xi32>, vector<16xi32>], vector<16xf32>,
      %broadcast_in_dim3A_2759 = arith.constant 119 : i32
      %broadcast_in_dim3A_2760 = vector.broadcast %broadcast_in_dim3A_2759 : i32 to vector<16xi32>
      %get3A_2761 = arith.constant 119 : i32
      %get3A_2762 = arith.index_cast %get3A_2761 : i32 to index
      %get3A_2763 = arith.constant 0 : index
      %get3A_2764 = tpu.vector_load %arg7[%get3A_2762, %get3A_2763] {strides = array<i32>} : memref<128x32xf32, #tpu.memory_space<vmem>>, vector<16xf32>,
      tpu.vector_store_idx %arg9[%add3A_5, %broadcast_in_dim3A_2760], %get3A_2764 : memref<32x129xf32, #tpu.memory_space<vmem>>[vector<16xi32>, vector<16xi32>], vector<16xf32>,
      %get3A_2765 = arith.constant 119 : i32
      %get3A_2766 = arith.index_cast %get3A_2765 : i32 to index
      %get3A_2767 = arith.constant 16 : index
      %get3A_2768 = tpu.vector_load %arg7[%get3A_2766, %get3A_2767] {strides = array<i32>} : memref<128x32xf32, #tpu.memory_space<vmem>>, vector<16xf32>,
      tpu.vector_store_idx %arg9[%add3A_9, %broadcast_in_dim3A_2760], %get3A_2768 : memref<32x129xf32, #tpu.memory_space<vmem>>[vector<16xi32>, vector<16xi32>], vector<16xf32>,
      %broadcast_in_dim3A_2769 = arith.constant 120 : i32
      %broadcast_in_dim3A_2770 = vector.broadcast %broadcast_in_dim3A_2769 : i32 to vector<16xi32>
      %get3A_2771 = arith.constant 120 : i32
      %get3A_2772 = arith.index_cast %get3A_2771 : i32 to index
      %get3A_2773 = arith.constant 0 : index
      %get3A_2774 = tpu.vector_load %arg7[%get3A_2772, %get3A_2773] {strides = array<i32>} : memref<128x32xf32, #tpu.memory_space<vmem>>, vector<16xf32>,
      tpu.vector_store_idx %arg9[%add3A_5, %broadcast_in_dim3A_2770], %get3A_2774 : memref<32x129xf32, #tpu.memory_space<vmem>>[vector<16xi32>, vector<16xi32>], vector<16xf32>,
      %get3A_2775 = arith.constant 120 : i32
      %get3A_2776 = arith.index_cast %get3A_2775 : i32 to index
      %get3A_2777 = arith.constant 16 : index
      %get3A_2778 = tpu.vector_load %arg7[%get3A_2776, %get3A_2777] {strides = array<i32>} : memref<128x32xf32, #tpu.memory_space<vmem>>, vector<16xf32>,
      tpu.vector_store_idx %arg9[%add3A_9, %broadcast_in_dim3A_2770], %get3A_2778 : memref<32x129xf32, #tpu.memory_space<vmem>>[vector<16xi32>, vector<16xi32>], vector<16xf32>,
      %broadcast_in_dim3A_2779 = arith.constant 121 : i32
      %broadcast_in_dim3A_2780 = vector.broadcast %broadcast_in_dim3A_2779 : i32 to vector<16xi32>
      %get3A_2781 = arith.constant 121 : i32
      %get3A_2782 = arith.index_cast %get3A_2781 : i32 to index
      %get3A_2783 = arith.constant 0 : index
      %get3A_2784 = tpu.vector_load %arg7[%get3A_2782, %get3A_2783] {strides = array<i32>} : memref<128x32xf32, #tpu.memory_space<vmem>>, vector<16xf32>,
      tpu.vector_store_idx %arg9[%add3A_5, %broadcast_in_dim3A_2780], %get3A_2784 : memref<32x129xf32, #tpu.memory_space<vmem>>[vector<16xi32>, vector<16xi32>], vector<16xf32>,
      %get3A_2785 = arith.constant 121 : i32
      %get3A_2786 = arith.index_cast %get3A_2785 : i32 to index
      %get3A_2787 = arith.constant 16 : index
      %get3A_2788 = tpu.vector_load %arg7[%get3A_2786, %get3A_2787] {strides = array<i32>} : memref<128x32xf32, #tpu.memory_space<vmem>>, vector<16xf32>,
      tpu.vector_store_idx %arg9[%add3A_9, %broadcast_in_dim3A_2780], %get3A_2788 : memref<32x129xf32, #tpu.memory_space<vmem>>[vector<16xi32>, vector<16xi32>], vector<16xf32>,
      %broadcast_in_dim3A_2789 = arith.constant 122 : i32
      %broadcast_in_dim3A_2790 = vector.broadcast %broadcast_in_dim3A_2789 : i32 to vector<16xi32>
      %get3A_2791 = arith.constant 122 : i32
      %get3A_2792 = arith.index_cast %get3A_2791 : i32 to index
      %get3A_2793 = arith.constant 0 : index
      %get3A_2794 = tpu.vector_load %arg7[%get3A_2792, %get3A_2793] {strides = array<i32>} : memref<128x32xf32, #tpu.memory_space<vmem>>, vector<16xf32>,
      tpu.vector_store_idx %arg9[%add3A_5, %broadcast_in_dim3A_2790], %get3A_2794 : memref<32x129xf32, #tpu.memory_space<vmem>>[vector<16xi32>, vector<16xi32>], vector<16xf32>,
      %get3A_2795 = arith.constant 122 : i32
      %get3A_2796 = arith.index_cast %get3A_2795 : i32 to index
      %get3A_2797 = arith.constant 16 : index
      %get3A_2798 = tpu.vector_load %arg7[%get3A_2796, %get3A_2797] {strides = array<i32>} : memref<128x32xf32, #tpu.memory_space<vmem>>, vector<16xf32>,
      tpu.vector_store_idx %arg9[%add3A_9, %broadcast_in_dim3A_2790], %get3A_2798 : memref<32x129xf32, #tpu.memory_space<vmem>>[vector<16xi32>, vector<16xi32>], vector<16xf32>,
      %broadcast_in_dim3A_2799 = arith.constant 123 : i32
      %broadcast_in_dim3A_2800 = vector.broadcast %broadcast_in_dim3A_2799 : i32 to vector<16xi32>
      %get3A_2801 = arith.constant 123 : i32
      %get3A_2802 = arith.index_cast %get3A_2801 : i32 to index
      %get3A_2803 = arith.constant 0 : index
      %get3A_2804 = tpu.vector_load %arg7[%get3A_2802, %get3A_2803] {strides = array<i32>} : memref<128x32xf32, #tpu.memory_space<vmem>>, vector<16xf32>,
      tpu.vector_store_idx %arg9[%add3A_5, %broadcast_in_dim3A_2800], %get3A_2804 : memref<32x129xf32, #tpu.memory_space<vmem>>[vector<16xi32>, vector<16xi32>], vector<16xf32>,
      %get3A_2805 = arith.constant 123 : i32
      %get3A_2806 = arith.index_cast %get3A_2805 : i32 to index
      %get3A_2807 = arith.constant 16 : index
      %get3A_2808 = tpu.vector_load %arg7[%get3A_2806, %get3A_2807] {strides = array<i32>} : memref<128x32xf32, #tpu.memory_space<vmem>>, vector<16xf32>,
      tpu.vector_store_idx %arg9[%add3A_9, %broadcast_in_dim3A_2800], %get3A_2808 : memref<32x129xf32, #tpu.memory_space<vmem>>[vector<16xi32>, vector<16xi32>], vector<16xf32>,
      %broadcast_in_dim3A_2809 = arith.constant 124 : i32
      %broadcast_in_dim3A_2810 = vector.broadcast %broadcast_in_dim3A_2809 : i32 to vector<16xi32>
      %get3A_2811 = arith.constant 124 : i32
      %get3A_2812 = arith.index_cast %get3A_2811 : i32 to index
      %get3A_2813 = arith.constant 0 : index
      %get3A_2814 = tpu.vector_load %arg7[%get3A_2812, %get3A_2813] {strides = array<i32>} : memref<128x32xf32, #tpu.memory_space<vmem>>, vector<16xf32>,
      tpu.vector_store_idx %arg9[%add3A_5, %broadcast_in_dim3A_2810], %get3A_2814 : memref<32x129xf32, #tpu.memory_space<vmem>>[vector<16xi32>, vector<16xi32>], vector<16xf32>,
      %get3A_2815 = arith.constant 124 : i32
      %get3A_2816 = arith.index_cast %get3A_2815 : i32 to index
      %get3A_2817 = arith.constant 16 : index
      %get3A_2818 = tpu.vector_load %arg7[%get3A_2816, %get3A_2817] {strides = array<i32>} : memref<128x32xf32, #tpu.memory_space<vmem>>, vector<16xf32>,
      tpu.vector_store_idx %arg9[%add3A_9, %broadcast_in_dim3A_2810], %get3A_2818 : memref<32x129xf32, #tpu.memory_space<vmem>>[vector<16xi32>, vector<16xi32>], vector<16xf32>,
      %broadcast_in_dim3A_2819 = arith.constant 125 : i32
      %broadcast_in_dim3A_2820 = vector.broadcast %broadcast_in_dim3A_2819 : i32 to vector<16xi32>
      %get3A_2821 = arith.constant 125 : i32
      %get3A_2822 = arith.index_cast %get3A_2821 : i32 to index
      %get3A_2823 = arith.constant 0 : index
      %get3A_2824 = tpu.vector_load %arg7[%get3A_2822, %get3A_2823] {strides = array<i32>} : memref<128x32xf32, #tpu.memory_space<vmem>>, vector<16xf32>,
      tpu.vector_store_idx %arg9[%add3A_5, %broadcast_in_dim3A_2820], %get3A_2824 : memref<32x129xf32, #tpu.memory_space<vmem>>[vector<16xi32>, vector<16xi32>], vector<16xf32>,
      %get3A_2825 = arith.constant 125 : i32
      %get3A_2826 = arith.index_cast %get3A_2825 : i32 to index
      %get3A_2827 = arith.constant 16 : index
      %get3A_2828 = tpu.vector_load %arg7[%get3A_2826, %get3A_2827] {strides = array<i32>} : memref<128x32xf32, #tpu.memory_space<vmem>>, vector<16xf32>,
      tpu.vector_store_idx %arg9[%add3A_9, %broadcast_in_dim3A_2820], %get3A_2828 : memref<32x129xf32, #tpu.memory_space<vmem>>[vector<16xi32>, vector<16xi32>], vector<16xf32>,
      %broadcast_in_dim3A_2829 = arith.constant 126 : i32
      %broadcast_in_dim3A_2830 = vector.broadcast %broadcast_in_dim3A_2829 : i32 to vector<16xi32>
      %get3A_2831 = arith.constant 126 : i32
      %get3A_2832 = arith.index_cast %get3A_2831 : i32 to index
      %get3A_2833 = arith.constant 0 : index
      %get3A_2834 = tpu.vector_load %arg7[%get3A_2832, %get3A_2833] {strides = array<i32>} : memref<128x32xf32, #tpu.memory_space<vmem>>, vector<16xf32>,
      tpu.vector_store_idx %arg9[%add3A_5, %broadcast_in_dim3A_2830], %get3A_2834 : memref<32x129xf32, #tpu.memory_space<vmem>>[vector<16xi32>, vector<16xi32>], vector<16xf32>,
      %get3A_2835 = arith.constant 126 : i32
      %get3A_2836 = arith.index_cast %get3A_2835 : i32 to index
      %get3A_2837 = arith.constant 16 : index
      %get3A_2838 = tpu.vector_load %arg7[%get3A_2836, %get3A_2837] {strides = array<i32>} : memref<128x32xf32, #tpu.memory_space<vmem>>, vector<16xf32>,
      tpu.vector_store_idx %arg9[%add3A_9, %broadcast_in_dim3A_2830], %get3A_2838 : memref<32x129xf32, #tpu.memory_space<vmem>>[vector<16xi32>, vector<16xi32>], vector<16xf32>,
      %broadcast_in_dim3A_2839 = arith.constant 127 : i32
      %broadcast_in_dim3A_2840 = vector.broadcast %broadcast_in_dim3A_2839 : i32 to vector<16xi32>
      %get3A_2841 = arith.constant 127 : i32
      %get3A_2842 = arith.index_cast %get3A_2841 : i32 to index
      %get3A_2843 = arith.constant 0 : index
      %get3A_2844 = tpu.vector_load %arg7[%get3A_2842, %get3A_2843] {strides = array<i32>} : memref<128x32xf32, #tpu.memory_space<vmem>>, vector<16xf32>,
      tpu.vector_store_idx %arg9[%add3A_5, %broadcast_in_dim3A_2840], %get3A_2844 : memref<32x129xf32, #tpu.memory_space<vmem>>[vector<16xi32>, vector<16xi32>], vector<16xf32>,
      %get3A_2845 = arith.constant 127 : i32
      %get3A_2846 = arith.index_cast %get3A_2845 : i32 to index
      %get3A_2847 = arith.constant 16 : index
      %get3A_2848 = tpu.vector_load %arg7[%get3A_2846, %get3A_2847] {strides = array<i32>} : memref<128x32xf32, #tpu.memory_space<vmem>>, vector<16xf32>,
      tpu.vector_store_idx %arg9[%add3A_9, %broadcast_in_dim3A_2840], %get3A_2848 : memref<32x129xf32, #tpu.memory_space<vmem>>[vector<16xi32>, vector<16xi32>], vector<16xf32>,
      %add3A_2849 = arith.constant 2 : i32
      %add3A_2850 = arith.addi %add3A_1556, %add3A_2849 : i32
      %lt3A_2851 = arith.constant 104 : i32
      %lt3A_2852 = arith.cmpi slt, %add3A_2850, %lt3A_2851 : i32
      %convert_element_type3A_2853 = arith.extui %lt3A_2852 : i1 to i32
      %cond3A_2854 = arith.constant 0 : i32
      %cond3A_2855 = arith.cmpi ne, %convert_element_type3A_2853, %cond3A_2854 : i32
      scf.if %cond3A_2855 {
        %add3A_2957 = arith.constant 2 : i32
        %add3A_2958 = arith.addi %add3A_1556, %add3A_2957 : i32
        %dma_start3A_2959 = arith.constant 0 : i32
        %dma_start3A_2960 = tpu.memref_slice %arg5[%add3A_2958, %dma_start3A_2959] : memref<104x128xi32, #tpu.memory_space<vmem>> -> memref<1x128xi32, #tpu.memory_space<vmem>>
        %dma_start3A_2961 = tpu.memref_squeeze %dma_start3A_2960 : memref<1x128xi32, #tpu.memory_space<vmem>> -> memref<128xi32, #tpu.memory_space<vmem>>
        %dma_start3A_2962 = arith.constant 0 : i32
        %dma_start3A_2963 = arith.constant 0 : i32
        %dma_start3A_2964 = tpu.memref_slice %arg3[%dma_start3A_2962, %dma_start3A_2963] : memref<1000000x32xf32, #tpu.memory_space<hbm>> -> memref<1000000x32xf32, #tpu.memory_space<hbm>>
        tpu.enqueue_indirect_dma source(%dma_start3A_2964 : memref<1000000x32xf32, #tpu.memory_space<hbm>>) target(%arg7 : memref<128x32xf32, #tpu.memory_space<vmem>>) offsets(%dma_start3A_2961 : memref<128xi32, #tpu.memory_space<vmem>>) semaphore(%arg11 : memref<!tpu.dma_semaphore, #tpu.memory_space<semaphore_mem>>)
      } else {
      }
      %add3A_2856 = arith.addi %mul3A_2, %add3A_1556 : i32
      %jit3A_2857 = arith.constant 128 : i32
      %div3A_2858 = arith.divsi %add3A_2856, %jit3A_2857 : i32
      %sign3A_2859 = arith.constant 0 : i32
      %sign3A_2860 = arith.cmpi sgt, %add3A_2856, %sign3A_2859 : i32
      %sign3A_2861 = arith.extui %sign3A_2860 : i1 to i32
      %sign3A_2862 = arith.constant 0 : i32
      %sign3A_2863 = arith.cmpi slt, %add3A_2856, %sign3A_2862 : i32
      %sign3A_2864 = arith.extui %sign3A_2863 : i1 to i32
      %sign3A_2865 = arith.subi %sign3A_2861, %sign3A_2864 : i32
      %sign3A_2866 = arith.constant 0 : i32
      %sign3A_2867 = arith.cmpi sgt, %jit3A_2857, %sign3A_2866 : i32
      %sign3A_2868 = arith.extui %sign3A_2867 : i1 to i32
      %sign3A_2869 = arith.constant 0 : i32
      %sign3A_2870 = arith.cmpi slt, %jit3A_2857, %sign3A_2869 : i32
      %sign3A_2871 = arith.extui %sign3A_2870 : i1 to i32
      %sign3A_2872 = arith.subi %sign3A_2868, %sign3A_2871 : i32
      %ne3A_2873 = arith.cmpi ne, %sign3A_2865, %sign3A_2872 : i32
      %rem3A_2874 = arith.remsi %add3A_2856, %jit3A_2857 : i32
      %ne3A_2875 = arith.constant 0 : i32
      %ne3A_2876 = arith.cmpi ne, %rem3A_2874, %ne3A_2875 : i32
      %and3A_2877 = arith.andi %ne3A_2873, %ne3A_2876 : i1
      %sub3A_2878 = arith.constant 1 : i32
      %sub3A_2879 = arith.subi %div3A_2858, %sub3A_2878 : i32
      %select_n3A_2880 = arith.select %and3A_2877, %sub3A_2879, %div3A_2858 : i32
      %jit3A_2881 = arith.constant 128 : i32
      %eq3A_2882 = arith.constant 0 : i32
      %eq3A_2883 = arith.cmpi eq, %jit3A_2881, %eq3A_2882 : i32
      %jit3A_2884 = arith.constant 1 : i32
      %select_n3A_2885 = arith.select %eq3A_2883, %jit3A_2884, %jit3A_2881 : i32
      %rem3A_2886 = arith.remsi %add3A_2856, %select_n3A_2885 : i32
      %ne3A_2887 = arith.constant 0 : i32
      %ne3A_2888 = arith.cmpi ne, %rem3A_2886, %ne3A_2887 : i32
      %lt3A_2889 = arith.constant 0 : i32
      %lt3A_2890 = arith.cmpi slt, %rem3A_2886, %lt3A_2889 : i32
      %lt3A_2891 = arith.constant 0 : i32
      %lt3A_2892 = arith.cmpi slt, %select_n3A_2885, %lt3A_2891 : i32
      %ne3A_2893 = arith.xori %lt3A_2890, %lt3A_2892 : i1
      %and3A_2894 = arith.andi %ne3A_2893, %ne3A_2888 : i1
      %add3A_2895 = arith.addi %rem3A_2886, %select_n3A_2885 : i32
      %select_n3A_2896 = arith.select %and3A_2894, %add3A_2895, %rem3A_2886 : i32
      %dma_start3A_2897 = arith.constant 0 : i32
      %dma_start3A_2898 = arith.constant 0 : i32
      %dma_start3A_2899 = arith.constant 0 : i32
      %dma_start3A_2900 = tpu.memref_slice %arg9[%dma_start3A_2898, %dma_start3A_2899] : memref<32x129xf32, #tpu.memory_space<vmem>> -> memref<8x128xf32, #tpu.memory_space<vmem>>
      %dma_start3A_2901 = arith.constant 0 : i32
      %dma_start3A_2902 = arith.constant 0 : i32
      %dma_start3A_2903 = tpu.memref_slice %arg4[%select_n3A_2880, %dma_start3A_2897, %select_n3A_2896, %dma_start3A_2901, %dma_start3A_2902] : memref<26x4x128x8x128xf32, #tpu.memory_space<hbm>> -> memref<1x1x1x8x128xf32, #tpu.memory_space<hbm>>
      %dma_start3A_2904 = tpu.memref_squeeze %dma_start3A_2903 : memref<1x1x1x8x128xf32, #tpu.memory_space<hbm>> -> memref<8x128xf32, #tpu.memory_space<hbm>>
      %dma_start3A_2905 = arith.constant 0 : i32
      %dma_start3A_2906 = arith.constant 0 : i32
      %dma_start3A_2907 = tpu.memref_slice %arg4[%select_n3A_2880, %dma_start3A_2897, %select_n3A_2896, %dma_start3A_2905, %dma_start3A_2906] : memref<26x4x128x8x128xf32, #tpu.memory_space<hbm>> -> memref<1x1x1x8x128xf32, #tpu.memory_space<hbm>>
      %dma_start3A_2908 = tpu.memref_squeeze %dma_start3A_2907 : memref<1x1x1x8x128xf32, #tpu.memory_space<hbm>> -> memref<8x128xf32, #tpu.memory_space<hbm>>
      %dma_start3A_2909 = arith.constant 0 : i32
      %dma_start3A_2910 = arith.constant 0 : i32
      %dma_start3A_2911 = tpu.memref_slice %arg9[%dma_start3A_2909, %dma_start3A_2910] : memref<32x129xf32, #tpu.memory_space<vmem>> -> memref<8x128xf32, #tpu.memory_space<vmem>>
      tpu.enqueue_dma source(%dma_start3A_2911 : memref<8x128xf32, #tpu.memory_space<vmem>>) target(%dma_start3A_2908 : memref<8x128xf32, #tpu.memory_space<hbm>>) target_semaphore(%arg13 : memref<!tpu.dma_semaphore, #tpu.memory_space<semaphore_mem>>)
      %dma_start3A_2912 = arith.constant 1 : i32
      %dma_start3A_2913 = arith.constant 8 : i32
      %dma_start3A_2914 = arith.constant 0 : i32
      %dma_start3A_2915 = tpu.memref_slice %arg9[%dma_start3A_2913, %dma_start3A_2914] : memref<32x129xf32, #tpu.memory_space<vmem>> -> memref<8x128xf32, #tpu.memory_space<vmem>>
      %dma_start3A_2916 = arith.constant 0 : i32
      %dma_start3A_2917 = arith.constant 0 : i32
      %dma_start3A_2918 = tpu.memref_slice %arg4[%select_n3A_2880, %dma_start3A_2912, %select_n3A_2896, %dma_start3A_2916, %dma_start3A_2917] : memref<26x4x128x8x128xf32, #tpu.memory_space<hbm>> -> memref<1x1x1x8x128xf32, #tpu.memory_space<hbm>>
      %dma_start3A_2919 = tpu.memref_squeeze %dma_start3A_2918 : memref<1x1x1x8x128xf32, #tpu.memory_space<hbm>> -> memref<8x128xf32, #tpu.memory_space<hbm>>
      %dma_start3A_2920 = arith.constant 0 : i32
      %dma_start3A_2921 = arith.constant 0 : i32
      %dma_start3A_2922 = tpu.memref_slice %arg4[%select_n3A_2880, %dma_start3A_2912, %select_n3A_2896, %dma_start3A_2920, %dma_start3A_2921] : memref<26x4x128x8x128xf32, #tpu.memory_space<hbm>> -> memref<1x1x1x8x128xf32, #tpu.memory_space<hbm>>
      %dma_start3A_2923 = tpu.memref_squeeze %dma_start3A_2922 : memref<1x1x1x8x128xf32, #tpu.memory_space<hbm>> -> memref<8x128xf32, #tpu.memory_space<hbm>>
      %dma_start3A_2924 = arith.constant 8 : i32
      %dma_start3A_2925 = arith.constant 0 : i32
      %dma_start3A_2926 = tpu.memref_slice %arg9[%dma_start3A_2924, %dma_start3A_2925] : memref<32x129xf32, #tpu.memory_space<vmem>> -> memref<8x128xf32, #tpu.memory_space<vmem>>
      tpu.enqueue_dma source(%dma_start3A_2926 : memref<8x128xf32, #tpu.memory_space<vmem>>) target(%dma_start3A_2923 : memref<8x128xf32, #tpu.memory_space<hbm>>) target_semaphore(%arg13 : memref<!tpu.dma_semaphore, #tpu.memory_space<semaphore_mem>>)
      %dma_start3A_2927 = arith.constant 2 : i32
      %dma_start3A_2928 = arith.constant 16 : i32
      %dma_start3A_2929 = arith.constant 0 : i32
      %dma_start3A_2930 = tpu.memref_slice %arg9[%dma_start3A_2928, %dma_start3A_2929] : memref<32x129xf32, #tpu.memory_space<vmem>> -> memref<8x128xf32, #tpu.memory_space<vmem>>
      %dma_start3A_2931 = arith.constant 0 : i32
      %dma_start3A_2932 = arith.constant 0 : i32
      %dma_start3A_2933 = tpu.memref_slice %arg4[%select_n3A_2880, %dma_start3A_2927, %select_n3A_2896, %dma_start3A_2931, %dma_start3A_2932] : memref<26x4x128x8x128xf32, #tpu.memory_space<hbm>> -> memref<1x1x1x8x128xf32, #tpu.memory_space<hbm>>
      %dma_start3A_2934 = tpu.memref_squeeze %dma_start3A_2933 : memref<1x1x1x8x128xf32, #tpu.memory_space<hbm>> -> memref<8x128xf32, #tpu.memory_space<hbm>>
      %dma_start3A_2935 = arith.constant 0 : i32
      %dma_start3A_2936 = arith.constant 0 : i32
      %dma_start3A_2937 = tpu.memref_slice %arg4[%select_n3A_2880, %dma_start3A_2927, %select_n3A_2896, %dma_start3A_2935, %dma_start3A_2936] : memref<26x4x128x8x128xf32, #tpu.memory_space<hbm>> -> memref<1x1x1x8x128xf32, #tpu.memory_space<hbm>>
      %dma_start3A_2938 = tpu.memref_squeeze %dma_start3A_2937 : memref<1x1x1x8x128xf32, #tpu.memory_space<hbm>> -> memref<8x128xf32, #tpu.memory_space<hbm>>
      %dma_start3A_2939 = arith.constant 16 : i32
      %dma_start3A_2940 = arith.constant 0 : i32
      %dma_start3A_2941 = tpu.memref_slice %arg9[%dma_start3A_2939, %dma_start3A_2940] : memref<32x129xf32, #tpu.memory_space<vmem>> -> memref<8x128xf32, #tpu.memory_space<vmem>>
      tpu.enqueue_dma source(%dma_start3A_2941 : memref<8x128xf32, #tpu.memory_space<vmem>>) target(%dma_start3A_2938 : memref<8x128xf32, #tpu.memory_space<hbm>>) target_semaphore(%arg13 : memref<!tpu.dma_semaphore, #tpu.memory_space<semaphore_mem>>)
      %dma_start3A_2942 = arith.constant 3 : i32
      %dma_start3A_2943 = arith.constant 24 : i32
      %dma_start3A_2944 = arith.constant 0 : i32
      %dma_start3A_2945 = tpu.memref_slice %arg9[%dma_start3A_2943, %dma_start3A_2944] : memref<32x129xf32, #tpu.memory_space<vmem>> -> memref<8x128xf32, #tpu.memory_space<vmem>>
      %dma_start3A_2946 = arith.constant 0 : i32
      %dma_start3A_2947 = arith.constant 0 : i32
      %dma_start3A_2948 = tpu.memref_slice %arg4[%select_n3A_2880, %dma_start3A_2942, %select_n3A_2896, %dma_start3A_2946, %dma_start3A_2947] : memref<26x4x128x8x128xf32, #tpu.memory_space<hbm>> -> memref<1x1x1x8x128xf32, #tpu.memory_space<hbm>>
      %dma_start3A_2949 = tpu.memref_squeeze %dma_start3A_2948 : memref<1x1x1x8x128xf32, #tpu.memory_space<hbm>> -> memref<8x128xf32, #tpu.memory_space<hbm>>
      %dma_start3A_2950 = arith.constant 0 : i32
      %dma_start3A_2951 = arith.constant 0 : i32
      %dma_start3A_2952 = tpu.memref_slice %arg4[%select_n3A_2880, %dma_start3A_2942, %select_n3A_2896, %dma_start3A_2950, %dma_start3A_2951] : memref<26x4x128x8x128xf32, #tpu.memory_space<hbm>> -> memref<1x1x1x8x128xf32, #tpu.memory_space<hbm>>
      %dma_start3A_2953 = tpu.memref_squeeze %dma_start3A_2952 : memref<1x1x1x8x128xf32, #tpu.memory_space<hbm>> -> memref<8x128xf32, #tpu.memory_space<hbm>>
      %dma_start3A_2954 = arith.constant 24 : i32
      %dma_start3A_2955 = arith.constant 0 : i32
      %dma_start3A_2956 = tpu.memref_slice %arg9[%dma_start3A_2954, %dma_start3A_2955] : memref<32x129xf32, #tpu.memory_space<vmem>> -> memref<8x128xf32, #tpu.memory_space<vmem>>
      tpu.enqueue_dma source(%dma_start3A_2956 : memref<8x128xf32, #tpu.memory_space<vmem>>) target(%dma_start3A_2953 : memref<8x128xf32, #tpu.memory_space<hbm>>) target_semaphore(%arg13 : memref<!tpu.dma_semaphore, #tpu.memory_space<semaphore_mem>>)
    }
    %scan3A_27 = arith.constant 52 : i32
    %dma_wait3A = arith.constant 0 : i32
    %dma_wait3A_28 = arith.constant 0 : i32
    %dma_wait3A_29 = arith.constant 0 : i32
    %dma_wait3A_30 = arith.constant 0 : i32
    %dma_wait3A_31 = arith.constant 0 : i32
    %dma_wait3A_32 = tpu.memref_slice %arg8[%dma_wait3A_30, %dma_wait3A_31] : memref<32x129xf32, #tpu.memory_space<vmem>> -> memref<8x128xf32, #tpu.memory_space<vmem>>
    %dma_wait3A_33 = arith.constant 0 : i32
    %dma_wait3A_34 = arith.constant 0 : i32
    %dma_wait3A_35 = tpu.memref_slice %arg4[%dma_wait3A, %dma_wait3A_28, %dma_wait3A_29, %dma_wait3A_33, %dma_wait3A_34] : memref<26x4x128x8x128xf32, #tpu.memory_space<hbm>> -> memref<1x1x1x8x128xf32, #tpu.memory_space<hbm>>
    %dma_wait3A_36 = tpu.memref_squeeze %dma_wait3A_35 : memref<1x1x1x8x128xf32, #tpu.memory_space<hbm>> -> memref<8x128xf32, #tpu.memory_space<hbm>>
    %dma_wait3A_37 = arith.constant 0 : i32
    %dma_wait3A_38 = arith.constant 0 : i32
    %dma_wait3A_39 = tpu.memref_slice %arg4[%dma_wait3A, %dma_wait3A_28, %dma_wait3A_29, %dma_wait3A_37, %dma_wait3A_38] : memref<26x4x128x8x128xf32, #tpu.memory_space<hbm>> -> memref<1x1x1x8x128xf32, #tpu.memory_space<hbm>>
    %dma_wait3A_40 = tpu.memref_squeeze %dma_wait3A_39 : memref<1x1x1x8x128xf32, #tpu.memory_space<hbm>> -> memref<8x128xf32, #tpu.memory_space<hbm>>
    %dma_wait3A_41 = arith.constant 0 : i32
    %dma_wait3A_42 = arith.constant 0 : i32
    %dma_wait3A_43 = tpu.memref_slice %arg8[%dma_wait3A_41, %dma_wait3A_42] : memref<32x129xf32, #tpu.memory_space<vmem>> -> memref<8x128xf32, #tpu.memory_space<vmem>>
    tpu.wait_dma2 semaphore(%arg12 : memref<!tpu.dma_semaphore, #tpu.memory_space<semaphore_mem>>) src(%dma_wait3A_43 : memref<8x128xf32, #tpu.memory_space<vmem>>) dst(%dma_wait3A_40 : memref<8x128xf32, #tpu.memory_space<hbm>>)
    %dma_wait3A_44 = arith.constant 0 : i32
    %dma_wait3A_45 = arith.constant 0 : i32
    %dma_wait3A_46 = arith.constant 0 : i32
    %dma_wait3A_47 = arith.constant 8 : i32
    %dma_wait3A_48 = arith.constant 0 : i32
    %dma_wait3A_49 = tpu.memref_slice %arg8[%dma_wait3A_47, %dma_wait3A_48] : memref<32x129xf32, #tpu.memory_space<vmem>> -> memref<8x128xf32, #tpu.memory_space<vmem>>
    %dma_wait3A_50 = arith.constant 0 : i32
    %dma_wait3A_51 = arith.constant 0 : i32
    %dma_wait3A_52 = tpu.memref_slice %arg4[%dma_wait3A_44, %dma_wait3A_45, %dma_wait3A_46, %dma_wait3A_50, %dma_wait3A_51] : memref<26x4x128x8x128xf32, #tpu.memory_space<hbm>> -> memref<1x1x1x8x128xf32, #tpu.memory_space<hbm>>
    %dma_wait3A_53 = tpu.memref_squeeze %dma_wait3A_52 : memref<1x1x1x8x128xf32, #tpu.memory_space<hbm>> -> memref<8x128xf32, #tpu.memory_space<hbm>>
    %dma_wait3A_54 = arith.constant 0 : i32
    %dma_wait3A_55 = arith.constant 0 : i32
    %dma_wait3A_56 = tpu.memref_slice %arg4[%dma_wait3A_44, %dma_wait3A_45, %dma_wait3A_46, %dma_wait3A_54, %dma_wait3A_55] : memref<26x4x128x8x128xf32, #tpu.memory_space<hbm>> -> memref<1x1x1x8x128xf32, #tpu.memory_space<hbm>>
    %dma_wait3A_57 = tpu.memref_squeeze %dma_wait3A_56 : memref<1x1x1x8x128xf32, #tpu.memory_space<hbm>> -> memref<8x128xf32, #tpu.memory_space<hbm>>
    %dma_wait3A_58 = arith.constant 8 : i32
    %dma_wait3A_59 = arith.constant 0 : i32
    %dma_wait3A_60 = tpu.memref_slice %arg8[%dma_wait3A_58, %dma_wait3A_59] : memref<32x129xf32, #tpu.memory_space<vmem>> -> memref<8x128xf32, #tpu.memory_space<vmem>>
    tpu.wait_dma2 semaphore(%arg12 : memref<!tpu.dma_semaphore, #tpu.memory_space<semaphore_mem>>) src(%dma_wait3A_60 : memref<8x128xf32, #tpu.memory_space<vmem>>) dst(%dma_wait3A_57 : memref<8x128xf32, #tpu.memory_space<hbm>>)
    %dma_wait3A_61 = arith.constant 0 : i32
    %dma_wait3A_62 = arith.constant 0 : i32
    %dma_wait3A_63 = arith.constant 0 : i32
    %dma_wait3A_64 = arith.constant 16 : i32
    %dma_wait3A_65 = arith.constant 0 : i32
    %dma_wait3A_66 = tpu.memref_slice %arg8[%dma_wait3A_64, %dma_wait3A_65] : memref<32x129xf32, #tpu.memory_space<vmem>> -> memref<8x128xf32, #tpu.memory_space<vmem>>
    %dma_wait3A_67 = arith.constant 0 : i32
    %dma_wait3A_68 = arith.constant 0 : i32
    %dma_wait3A_69 = tpu.memref_slice %arg4[%dma_wait3A_61, %dma_wait3A_62, %dma_wait3A_63, %dma_wait3A_67, %dma_wait3A_68] : memref<26x4x128x8x128xf32, #tpu.memory_space<hbm>> -> memref<1x1x1x8x128xf32, #tpu.memory_space<hbm>>
    %dma_wait3A_70 = tpu.memref_squeeze %dma_wait3A_69 : memref<1x1x1x8x128xf32, #tpu.memory_space<hbm>> -> memref<8x128xf32, #tpu.memory_space<hbm>>
    %dma_wait3A_71 = arith.constant 0 : i32
    %dma_wait3A_72 = arith.constant 0 : i32
    %dma_wait3A_73 = tpu.memref_slice %arg4[%dma_wait3A_61, %dma_wait3A_62, %dma_wait3A_63, %dma_wait3A_71, %dma_wait3A_72] : memref<26x4x128x8x128xf32, #tpu.memory_space<hbm>> -> memref<1x1x1x8x128xf32, #tpu.memory_space<hbm>>
    %dma_wait3A_74 = tpu.memref_squeeze %dma_wait3A_73 : memref<1x1x1x8x128xf32, #tpu.memory_space<hbm>> -> memref<8x128xf32, #tpu.memory_space<hbm>>
    %dma_wait3A_75 = arith.constant 16 : i32
    %dma_wait3A_76 = arith.constant 0 : i32
    %dma_wait3A_77 = tpu.memref_slice %arg8[%dma_wait3A_75, %dma_wait3A_76] : memref<32x129xf32, #tpu.memory_space<vmem>> -> memref<8x128xf32, #tpu.memory_space<vmem>>
    tpu.wait_dma2 semaphore(%arg12 : memref<!tpu.dma_semaphore, #tpu.memory_space<semaphore_mem>>) src(%dma_wait3A_77 : memref<8x128xf32, #tpu.memory_space<vmem>>) dst(%dma_wait3A_74 : memref<8x128xf32, #tpu.memory_space<hbm>>)
    %dma_wait3A_78 = arith.constant 0 : i32
    %dma_wait3A_79 = arith.constant 0 : i32
    %dma_wait3A_80 = arith.constant 0 : i32
    %dma_wait3A_81 = arith.constant 24 : i32
    %dma_wait3A_82 = arith.constant 0 : i32
    %dma_wait3A_83 = tpu.memref_slice %arg8[%dma_wait3A_81, %dma_wait3A_82] : memref<32x129xf32, #tpu.memory_space<vmem>> -> memref<8x128xf32, #tpu.memory_space<vmem>>
    %dma_wait3A_84 = arith.constant 0 : i32
    %dma_wait3A_85 = arith.constant 0 : i32
    %dma_wait3A_86 = tpu.memref_slice %arg4[%dma_wait3A_78, %dma_wait3A_79, %dma_wait3A_80, %dma_wait3A_84, %dma_wait3A_85] : memref<26x4x128x8x128xf32, #tpu.memory_space<hbm>> -> memref<1x1x1x8x128xf32, #tpu.memory_space<hbm>>
    %dma_wait3A_87 = tpu.memref_squeeze %dma_wait3A_86 : memref<1x1x1x8x128xf32, #tpu.memory_space<hbm>> -> memref<8x128xf32, #tpu.memory_space<hbm>>
    %dma_wait3A_88 = arith.constant 0 : i32
    %dma_wait3A_89 = arith.constant 0 : i32
    %dma_wait3A_90 = tpu.memref_slice %arg4[%dma_wait3A_78, %dma_wait3A_79, %dma_wait3A_80, %dma_wait3A_88, %dma_wait3A_89] : memref<26x4x128x8x128xf32, #tpu.memory_space<hbm>> -> memref<1x1x1x8x128xf32, #tpu.memory_space<hbm>>
    %dma_wait3A_91 = tpu.memref_squeeze %dma_wait3A_90 : memref<1x1x1x8x128xf32, #tpu.memory_space<hbm>> -> memref<8x128xf32, #tpu.memory_space<hbm>>
    %dma_wait3A_92 = arith.constant 24 : i32
    %dma_wait3A_93 = arith.constant 0 : i32
    %dma_wait3A_94 = tpu.memref_slice %arg8[%dma_wait3A_92, %dma_wait3A_93] : memref<32x129xf32, #tpu.memory_space<vmem>> -> memref<8x128xf32, #tpu.memory_space<vmem>>
    tpu.wait_dma2 semaphore(%arg12 : memref<!tpu.dma_semaphore, #tpu.memory_space<semaphore_mem>>) src(%dma_wait3A_94 : memref<8x128xf32, #tpu.memory_space<vmem>>) dst(%dma_wait3A_91 : memref<8x128xf32, #tpu.memory_space<hbm>>)
    %dma_wait3A_95 = arith.constant 0 : i32
    %dma_wait3A_96 = arith.constant 0 : i32
    %dma_wait3A_97 = arith.constant 0 : i32
    %dma_wait3A_98 = arith.constant 0 : i32
    %dma_wait3A_99 = arith.constant 0 : i32
    %dma_wait3A_100 = tpu.memref_slice %arg9[%dma_wait3A_98, %dma_wait3A_99] : memref<32x129xf32, #tpu.memory_space<vmem>> -> memref<8x128xf32, #tpu.memory_space<vmem>>
    %dma_wait3A_101 = arith.constant 0 : i32
    %dma_wait3A_102 = arith.constant 0 : i32
    %dma_wait3A_103 = tpu.memref_slice %arg4[%dma_wait3A_95, %dma_wait3A_96, %dma_wait3A_97, %dma_wait3A_101, %dma_wait3A_102] : memref<26x4x128x8x128xf32, #tpu.memory_space<hbm>> -> memref<1x1x1x8x128xf32, #tpu.memory_space<hbm>>
    %dma_wait3A_104 = tpu.memref_squeeze %dma_wait3A_103 : memref<1x1x1x8x128xf32, #tpu.memory_space<hbm>> -> memref<8x128xf32, #tpu.memory_space<hbm>>
    %dma_wait3A_105 = arith.constant 0 : i32
    %dma_wait3A_106 = arith.constant 0 : i32
    %dma_wait3A_107 = tpu.memref_slice %arg4[%dma_wait3A_95, %dma_wait3A_96, %dma_wait3A_97, %dma_wait3A_105, %dma_wait3A_106] : memref<26x4x128x8x128xf32, #tpu.memory_space<hbm>> -> memref<1x1x1x8x128xf32, #tpu.memory_space<hbm>>
    %dma_wait3A_108 = tpu.memref_squeeze %dma_wait3A_107 : memref<1x1x1x8x128xf32, #tpu.memory_space<hbm>> -> memref<8x128xf32, #tpu.memory_space<hbm>>
    %dma_wait3A_109 = arith.constant 0 : i32
    %dma_wait3A_110 = arith.constant 0 : i32
    %dma_wait3A_111 = tpu.memref_slice %arg9[%dma_wait3A_109, %dma_wait3A_110] : memref<32x129xf32, #tpu.memory_space<vmem>> -> memref<8x128xf32, #tpu.memory_space<vmem>>
    tpu.wait_dma2 semaphore(%arg13 : memref<!tpu.dma_semaphore, #tpu.memory_space<semaphore_mem>>) src(%dma_wait3A_111 : memref<8x128xf32, #tpu.memory_space<vmem>>) dst(%dma_wait3A_108 : memref<8x128xf32, #tpu.memory_space<hbm>>)
    %dma_wait3A_112 = arith.constant 0 : i32
    %dma_wait3A_113 = arith.constant 0 : i32
    %dma_wait3A_114 = arith.constant 0 : i32
    %dma_wait3A_115 = arith.constant 8 : i32
    %dma_wait3A_116 = arith.constant 0 : i32
    %dma_wait3A_117 = tpu.memref_slice %arg9[%dma_wait3A_115, %dma_wait3A_116] : memref<32x129xf32, #tpu.memory_space<vmem>> -> memref<8x128xf32, #tpu.memory_space<vmem>>
    %dma_wait3A_118 = arith.constant 0 : i32
    %dma_wait3A_119 = arith.constant 0 : i32
    %dma_wait3A_120 = tpu.memref_slice %arg4[%dma_wait3A_112, %dma_wait3A_113, %dma_wait3A_114, %dma_wait3A_118, %dma_wait3A_119] : memref<26x4x128x8x128xf32, #tpu.memory_space<hbm>> -> memref<1x1x1x8x128xf32, #tpu.memory_space<hbm>>
    %dma_wait3A_121 = tpu.memref_squeeze %dma_wait3A_120 : memref<1x1x1x8x128xf32, #tpu.memory_space<hbm>> -> memref<8x128xf32, #tpu.memory_space<hbm>>
    %dma_wait3A_122 = arith.constant 0 : i32
    %dma_wait3A_123 = arith.constant 0 : i32
    %dma_wait3A_124 = tpu.memref_slice %arg4[%dma_wait3A_112, %dma_wait3A_113, %dma_wait3A_114, %dma_wait3A_122, %dma_wait3A_123] : memref<26x4x128x8x128xf32, #tpu.memory_space<hbm>> -> memref<1x1x1x8x128xf32, #tpu.memory_space<hbm>>
    %dma_wait3A_125 = tpu.memref_squeeze %dma_wait3A_124 : memref<1x1x1x8x128xf32, #tpu.memory_space<hbm>> -> memref<8x128xf32, #tpu.memory_space<hbm>>
    %dma_wait3A_126 = arith.constant 8 : i32
    %dma_wait3A_127 = arith.constant 0 : i32
    %dma_wait3A_128 = tpu.memref_slice %arg9[%dma_wait3A_126, %dma_wait3A_127] : memref<32x129xf32, #tpu.memory_space<vmem>> -> memref<8x128xf32, #tpu.memory_space<vmem>>
    tpu.wait_dma2 semaphore(%arg13 : memref<!tpu.dma_semaphore, #tpu.memory_space<semaphore_mem>>) src(%dma_wait3A_128 : memref<8x128xf32, #tpu.memory_space<vmem>>) dst(%dma_wait3A_125 : memref<8x128xf32, #tpu.memory_space<hbm>>)
    %dma_wait3A_129 = arith.constant 0 : i32
    %dma_wait3A_130 = arith.constant 0 : i32
    %dma_wait3A_131 = arith.constant 0 : i32
    %dma_wait3A_132 = arith.constant 16 : i32
    %dma_wait3A_133 = arith.constant 0 : i32
    %dma_wait3A_134 = tpu.memref_slice %arg9[%dma_wait3A_132, %dma_wait3A_133] : memref<32x129xf32, #tpu.memory_space<vmem>> -> memref<8x128xf32, #tpu.memory_space<vmem>>
    %dma_wait3A_135 = arith.constant 0 : i32
    %dma_wait3A_136 = arith.constant 0 : i32
    %dma_wait3A_137 = tpu.memref_slice %arg4[%dma_wait3A_129, %dma_wait3A_130, %dma_wait3A_131, %dma_wait3A_135, %dma_wait3A_136] : memref<26x4x128x8x128xf32, #tpu.memory_space<hbm>> -> memref<1x1x1x8x128xf32, #tpu.memory_space<hbm>>
    %dma_wait3A_138 = tpu.memref_squeeze %dma_wait3A_137 : memref<1x1x1x8x128xf32, #tpu.memory_space<hbm>> -> memref<8x128xf32, #tpu.memory_space<hbm>>
    %dma_wait3A_139 = arith.constant 0 : i32
    %dma_wait3A_140 = arith.constant 0 : i32
    %dma_wait3A_141 = tpu.memref_slice %arg4[%dma_wait3A_129, %dma_wait3A_130, %dma_wait3A_131, %dma_wait3A_139, %dma_wait3A_140] : memref<26x4x128x8x128xf32, #tpu.memory_space<hbm>> -> memref<1x1x1x8x128xf32, #tpu.memory_space<hbm>>
    %dma_wait3A_142 = tpu.memref_squeeze %dma_wait3A_141 : memref<1x1x1x8x128xf32, #tpu.memory_space<hbm>> -> memref<8x128xf32, #tpu.memory_space<hbm>>
    %dma_wait3A_143 = arith.constant 16 : i32
    %dma_wait3A_144 = arith.constant 0 : i32
    %dma_wait3A_145 = tpu.memref_slice %arg9[%dma_wait3A_143, %dma_wait3A_144] : memref<32x129xf32, #tpu.memory_space<vmem>> -> memref<8x128xf32, #tpu.memory_space<vmem>>
    tpu.wait_dma2 semaphore(%arg13 : memref<!tpu.dma_semaphore, #tpu.memory_space<semaphore_mem>>) src(%dma_wait3A_145 : memref<8x128xf32, #tpu.memory_space<vmem>>) dst(%dma_wait3A_142 : memref<8x128xf32, #tpu.memory_space<hbm>>)
    %dma_wait3A_146 = arith.constant 0 : i32
    %dma_wait3A_147 = arith.constant 0 : i32
    %dma_wait3A_148 = arith.constant 0 : i32
    %dma_wait3A_149 = arith.constant 24 : i32
    %dma_wait3A_150 = arith.constant 0 : i32
    %dma_wait3A_151 = tpu.memref_slice %arg9[%dma_wait3A_149, %dma_wait3A_150] : memref<32x129xf32, #tpu.memory_space<vmem>> -> memref<8x128xf32, #tpu.memory_space<vmem>>
    %dma_wait3A_152 = arith.constant 0 : i32
    %dma_wait3A_153 = arith.constant 0 : i32
    %dma_wait3A_154 = tpu.memref_slice %arg4[%dma_wait3A_146, %dma_wait3A_147, %dma_wait3A_148, %dma_wait3A_152, %dma_wait3A_153] : memref<26x4x128x8x128xf32, #tpu.memory_space<hbm>> -> memref<1x1x1x8x128xf32, #tpu.memory_space<hbm>>
    %dma_wait3A_155 = tpu.memref_squeeze %dma_wait3A_154 : memref<1x1x1x8x128xf32, #tpu.memory_space<hbm>> -> memref<8x128xf32, #tpu.memory_space<hbm>>
    %dma_wait3A_156 = arith.constant 0 : i32
    %dma_wait3A_157 = arith.constant 0 : i32
    %dma_wait3A_158 = tpu.memref_slice %arg4[%dma_wait3A_146, %dma_wait3A_147, %dma_wait3A_148, %dma_wait3A_156, %dma_wait3A_157] : memref<26x4x128x8x128xf32, #tpu.memory_space<hbm>> -> memref<1x1x1x8x128xf32, #tpu.memory_space<hbm>>
    %dma_wait3A_159 = tpu.memref_squeeze %dma_wait3A_158 : memref<1x1x1x8x128xf32, #tpu.memory_space<hbm>> -> memref<8x128xf32, #tpu.memory_space<hbm>>
    %dma_wait3A_160 = arith.constant 24 : i32
    %dma_wait3A_161 = arith.constant 0 : i32
    %dma_wait3A_162 = tpu.memref_slice %arg9[%dma_wait3A_160, %dma_wait3A_161] : memref<32x129xf32, #tpu.memory_space<vmem>> -> memref<8x128xf32, #tpu.memory_space<vmem>>
    tpu.wait_dma2 semaphore(%arg13 : memref<!tpu.dma_semaphore, #tpu.memory_space<semaphore_mem>>) src(%dma_wait3A_162 : memref<8x128xf32, #tpu.memory_space<vmem>>) dst(%dma_wait3A_159 : memref<8x128xf32, #tpu.memory_space<hbm>>)
    return
  }
}

module attributes {stable_mosaic.version = 14 : i64} {
  func.func @_fold_body(%arg0: i32, %arg1: memref<32x8192xf32, #tpu.memory_space<vmem>>, %arg2: memref<2048x128xf32, #tpu.memory_space<vmem>>) attributes {dimension_semantics = [#tpu.dimension_semantics<arbitrary>], iteration_bounds = array<i64: 123>, scalar_prefetch = 0 : i64, scratch_operands = 0 : i64, tpu.core_type = #tpu.core_type<tc>, window_params = [{transform_indices = @transform_0, window_bounds = array<i64: 32, 8192>}, {transform_indices = @transform_1, window_bounds = array<i64: 2048, 128>}]} {
    %get3A = arith.constant 0 : index
    %get3A_0 = arith.constant 0 : index
    %get3A_1 = vector.load %arg1[%get3A, %get3A_0] : memref<32x8192xf32, #tpu.memory_space<vmem>>, vector<32x8192xf32>
    %transpose3A = tpu.transpose %get3A_1, [1, 0] : vector<32x8192xf32> -> vector<8192x32xf32>
    %reshape3A = vector.shape_cast %transpose3A : vector<8192x32xf32> to vector<2048x4x32xf32>
    %slice3A = vector.extract_strided_slice %reshape3A {offsets = [0, 0, 0], sizes = [2048, 1, 32], strides = [1, 1, 1]} : vector<2048x4x32xf32> to vector<2048x1x32xf32>
    %squeeze3A = vector.shape_cast %slice3A : vector<2048x1x32xf32> to vector<2048x32xf32>
    %swap3A = arith.constant 0 : index
    %swap3A_2 = arith.constant 0 : index
    %swap3A_3 = vector.load %arg2[%swap3A, %swap3A_2] : memref<2048x128xf32, #tpu.memory_space<vmem>>, vector<2048x32xf32>
    tpu.vector_store %arg2[%swap3A, %swap3A_2], %squeeze3A {strides = array<i32>} : memref<2048x128xf32, #tpu.memory_space<vmem>>, vector<2048x32xf32>,
    %slice3A_4 = vector.extract_strided_slice %reshape3A {offsets = [0, 1, 0], sizes = [2048, 1, 32], strides = [1, 1, 1]} : vector<2048x4x32xf32> to vector<2048x1x32xf32>
    %squeeze3A_5 = vector.shape_cast %slice3A_4 : vector<2048x1x32xf32> to vector<2048x32xf32>
    %swap3A_6 = arith.constant 0 : index
    %swap3A_7 = arith.constant 32 : index
    %swap3A_8 = vector.load %arg2[%swap3A_6, %swap3A_7] : memref<2048x128xf32, #tpu.memory_space<vmem>>, vector<2048x32xf32>
    tpu.vector_store %arg2[%swap3A_6, %swap3A_7], %squeeze3A_5 {strides = array<i32>} : memref<2048x128xf32, #tpu.memory_space<vmem>>, vector<2048x32xf32>,
    %slice3A_9 = vector.extract_strided_slice %reshape3A {offsets = [0, 2, 0], sizes = [2048, 1, 32], strides = [1, 1, 1]} : vector<2048x4x32xf32> to vector<2048x1x32xf32>
    %squeeze3A_10 = vector.shape_cast %slice3A_9 : vector<2048x1x32xf32> to vector<2048x32xf32>
    %swap3A_11 = arith.constant 0 : index
    %swap3A_12 = arith.constant 64 : index
    %swap3A_13 = vector.load %arg2[%swap3A_11, %swap3A_12] : memref<2048x128xf32, #tpu.memory_space<vmem>>, vector<2048x32xf32>
    tpu.vector_store %arg2[%swap3A_11, %swap3A_12], %squeeze3A_10 {strides = array<i32>} : memref<2048x128xf32, #tpu.memory_space<vmem>>, vector<2048x32xf32>,
    %slice3A_14 = vector.extract_strided_slice %reshape3A {offsets = [0, 3, 0], sizes = [2048, 1, 32], strides = [1, 1, 1]} : vector<2048x4x32xf32> to vector<2048x1x32xf32>
    %squeeze3A_15 = vector.shape_cast %slice3A_14 : vector<2048x1x32xf32> to vector<2048x32xf32>
    %swap3A_16 = arith.constant 0 : index
    %swap3A_17 = arith.constant 96 : index
    %swap3A_18 = vector.load %arg2[%swap3A_16, %swap3A_17] : memref<2048x128xf32, #tpu.memory_space<vmem>>, vector<2048x32xf32>
    tpu.vector_store %arg2[%swap3A_16, %swap3A_17], %squeeze3A_15 {strides = array<i32>} : memref<2048x128xf32, #tpu.memory_space<vmem>>, vector<2048x32xf32>,
    return
  }
  func.func @transform_0(%arg0: i32) -> (i32, i32) {
    %c0_i32 = arith.constant 0 : i32
    %c0_i32_0 = arith.constant 0 : i32
    return %c0_i32, %arg0 : i32, i32
  }
  func.func @transform_1(%arg0: i32) -> (i32, i32) {
    %c0_i32 = arith.constant 0 : i32
    %c0_i32_0 = arith.constant 0 : i32
    return %arg0, %c0_i32 : i32, i32
  }
}

</mosaic_0001>

<sc_bundles>
// kernel: kernel.4.cloned.1.call-start
scs
__scs_entry_jumppad:
0x0: {  	(pc) =	sbr.rel $0x88, $3  }
0x1: {  	(tag) =	ssettag $0x0;
	lr =	simm.s32 $0x1  }
0x2: {  	[smem:$0x3F9F] =	sst lr;
	_ =	strace $0xD0000000  }
0x3: {  	_ = 	snop  }
0x4: {  	_ = 	snop  }
0x5: {  	_ = 	snop  }
0x6: {  	_ = 	snop  }
0x7: {  	_ = 	snop  }
__scs_overlays_trampoline_lowered:
0x8: {  	[smem:$0x3FAE] =	sst s0  }
0x9: {  	[smem:$0x3FAF] =	sst s1  }
0xa: {  	[smem:$0x3FB0] =	sst s2  }
0xb: {  	[smem:$0x3FB1] =	sst s3  }
0xc: {  	[smem:$0x3FB2] =	sst s4  }
0xd: {  	[smem:$0x3FB3] =	sst s5  }
0xe: {  	[smem:$0x3FB4] =	sst s6  }
0xf: {  	[smem:$0x3FB5] =	sst s7  }
0x10: {  	[smem:$0x3FB6] =	sst s8  }
0x11: {  	[smem:$0x3FB7] =	sst s9;
	s0 =	simm.s32 @!p0 $0x0  }
0x12: {  	s1 =	sld [smem:$0x3F9D];
	s0 =	simm.s32 @p0 $0x1  }
0x13: {  	[smem:$0x3FB8] =	sst s0;
	s0 =	simm.s32 @!p1 $0x0  }
0x14: {  	s2 =	sld [smem:$0x3F9C];
	s0 =	simm.s32 @p1 $0x1  }
0x15: {  	[smem:$0x3FB9] =	sst s0;
	s0 =	simm.s32 @!p2 $0x0  }
0x16: {  	s3 =	sld [smem:$0x3FDB];
	s0 =	simm.s32 @p2 $0x1  }
0x17: {  	s4 =	simm.s32 $0x1BF5;
	[smem:$0x3FBB] =	sst s0  }
0x18: {  	s0 =	sld [smem:$0x3F9E];
	_ =	swait.ge [sflag:s4], $0x0  }
0x19: {  	s7 =	sld [smem:$0x3F9F]  }
0x1a: {  	s8 =	sadd.s32 $0xFFFFE003, lr  }
0x1b: {  	s9 =	sadd.s32 $0xFFFFFEF7, lr;
	s5 =	simm.s32 $0xFFFFFFFF;
	p2 =	slt.u32 s8, $0xFFFFF086  }
0x1c: {  	p1 =	slt.u32 s9, $0xF7A;
	s5 =	simm.s32 @!p2 $0x0  }
0x1d: {  	s5 =	simm.s32 @p1 $0x1;
	p0 =	seq.s32 s7, s2  }
0x1e: {  	s7 =	smul.u32 @!p0 $0xF7A, s2;
	p2 =	seq.s32 @!p0 s5, $0x0  }
0x1f: {  	s9 =	smul.u32 $0xF7A, s1;
	s8 =	simm.s32 @!p0 $0x1BF5;
	p2 =	por !p2, p0  }
0x20: {  	[sflag:s8] =	ssyncset.s32 @!p0 $0xFFFFF086;
	s6 =	sadd.s32 @!p0 s3, s7;
	s7 =	simm.s32 @!p0 $0x108  }
0x21: {  	s3 =	sadd.s32 s3, s9;
	s6 =	sadd.s32 @!p0 $0x88, s6;
	s7 =	simm.s32 @p2 $0x1082  }
0x22: {  	[simem:s7], [sflag:s8] =	dma.local @!p0 [hbm:s6], $0xF7A  }
0x23: {  	s9 =	sor.u32 $0xD0000000, s2;
	s6 =	simm.s32 $0x108;
	_ =	swait.ge @!p0 [sflag:s8], $0x0  }
0x24: {  	s3 =	sadd.s32 $0x88, s3;
	s6 =	simm.s32 @!p1 $0x1082;
	[sflag:s4] =	ssyncset.s32 $0xFFFFF086  }
0x25: {  	[simem:s6], [sflag:s4] =	dma.local [hbm:s3], $0xF7A  }
0x26: {  	[smem:$0x3F9F] =	sst s1;
	(tag) =	ssettag s2;
	_ =	strace s9  }
0x27: {  	s1 =	sld [smem:$0x3FAF]  }
0x28: {  	s2 =	sld [smem:$0x3FB0]  }
0x29: {  	s4 =	sld [smem:$0x3FB2]  }
0x2a: {  	p0 =	seq.s32 s5, $0x0;
	s5 =	sld [smem:$0x3FB3]  }
0x2b: {  	s6 =	sld [smem:$0x3FB4]  }
0x2c: {  	s7 =	sld [smem:$0x3FB5]  }
0x2d: {  	s3 =	simm.s32 $0x108;
	s8 =	sld [smem:$0x3FB6]  }
0x2e: {  	s3 =	simm.s32 @!p0 $0x1082;
	s9 =	sld [smem:$0x3FB7]  }
0x2f: {  	lr =	sadd.s32 s0, s3;
	s0 =	sld [smem:$0x3FAE]  }
0x30: {  	s3 =	sld [smem:$0x3FB1]  }
0x31: {  	[smem:$0x3FBA] =	sst s10  }
0x32: {  	s10 =	sld [smem:$0x3FB8];
	_ =	sdelay $0x3  }
0x33: {  	p0 =	seq.s32 s10, $0x1;
	s10 =	sld [smem:$0x3FBA];
	_ =	sdelay $0x3  }
0x34: {  	[smem:$0x3FBA] =	sst s10  }
0x35: {  	s10 =	sld [smem:$0x3FB9];
	_ =	sdelay $0x3  }
0x36: {  	p1 =	seq.s32 s10, $0x1;
	s10 =	sld [smem:$0x3FBA];
	_ =	sdelay $0x3  }
0x37: {  	[smem:$0x3FBA] =	sst s10  }
0x38: {  	s10 =	sld [smem:$0x3FBB]  }
0x39: {  	_ = 	snop;
	(pc) =	sbr.ind lr, $3  }
0x3a: {  	_ = 	snop  }
0x3b: {  	_ = 	snop  }
0x3c: {  	p2 =	seq.s32 s10, $0x1;
	s10 =	sld [smem:$0x3FBA]  }
0x3d: {  	_ =	shalt  }
0x3e: {  	_ =	shalt  }
0x3f: {  	_ =	shalt  }
0x40: {  	_ =	shalt  }
0x41: {  	_ =	shalt  }
0x42: {  	_ =	shalt  }
0x43: {  	_ =	shalt  }
0x44: {  	_ =	shalt  }
0x45: {  	_ =	shalt  }
0x46: {  	_ =	shalt  }
0x47: {  	_ =	shalt  }
0x48: {  	_ =	shalt  }
0x49: {  	_ =	shalt  }
0x4a: {  	_ =	shalt  }
0x4b: {  	_ =	shalt  }
0x4c: {  	_ =	shalt  }
0x4d: {  	_ =	shalt  }
0x4e: {  	_ =	shalt  }
0x4f: {  	_ =	shalt  }
0x50: {  	_ =	shalt  }
0x51: {  	_ =	shalt  }
0x52: {  	_ =	shalt  }
0x53: {  	_ =	shalt  }
0x54: {  	_ =	shalt  }
0x55: {  	_ =	shalt  }
0x56: {  	_ =	shalt  }
0x57: {  	_ =	shalt  }
0x58: {  	_ =	shalt  }
0x59: {  	_ =	shalt  }
0x5a: {  	_ =	shalt  }
0x5b: {  	_ =	shalt  }
0x5c: {  	_ =	shalt  }
0x5d: {  	_ =	shalt  }
0x5e: {  	_ =	shalt  }
0x5f: {  	_ =	shalt  }
0x60: {  	_ =	shalt  }
0x61: {  	_ =	shalt  }
0x62: {  	_ =	shalt  }
0x63: {  	_ =	shalt  }
0x64: {  	_ =	shalt  }
0x65: {  	_ =	shalt  }
0x66: {  	_ =	shalt  }
0x67: {  	_ =	shalt  }
0x68: {  	_ =	shalt  }
0x69: {  	_ =	shalt  }
0x6a: {  	_ =	shalt  }
0x6b: {  	_ =	shalt  }
0x6c: {  	_ =	shalt  }
0x6d: {  	_ =	shalt  }
0x6e: {  	_ =	shalt  }
0x6f: {  	_ =	shalt  }
0x70: {  	_ =	shalt  }
0x71: {  	_ =	shalt  }
0x72: {  	_ =	shalt  }
0x73: {  	_ =	shalt  }
0x74: {  	_ =	shalt  }
0x75: {  	_ =	shalt  }
0x76: {  	_ =	shalt  }
0x77: {  	_ =	shalt  }
0x78: {  	_ =	shalt  }
0x79: {  	_ =	shalt  }
0x7a: {  	_ =	shalt  }
0x7b: {  	_ =	shalt  }
0x7c: {  	_ =	shalt  }
0x7d: {  	_ =	shalt  }
0x7e: {  	_ =	shalt  }
0x7f: {  	_ =	shalt  }
0x80: {  	_ =	shalt  }
0x81: {  	_ =	shalt  }
0x82: {  	_ =	shalt  }
0x83: {  	_ =	shalt  }
0x84: {  	_ =	shalt  }
0x85: {  	_ =	shalt  }
0x86: {  	_ =	shalt  }
0x87: {  	_ =	shalt  }
.Lfunc_end0:
.L_simem_size_0:
called_computation_lowered:
.L_overlay_start_0:
0x88: {  	s2 =	sld [smem:$0x3FD9]  }
0x89: {  	s3 =	sld [smem:$0x3FFE];
	_ =	sdelay $0x1  }
0x8a: {  	s1 =	srdreg.scid  }
0x8b: {  	s0 =	sand.u32 $0x1, s1  }
0x8c: {  	s17 =	sshll.u32 s0, $0xA;
	s2 =	sadd.s32 s3, s2  }
0x8d: {  	s2 =	sadd.s32 s2, s17  }
0x8e: {  	[smem:$0x3FC6] =	sst s2  }
0x8f: {  	_ = 	snop  }
0x90: {  	s2 =	sld [smem:$0x3FD0];
	(tm) =	ssettm $0x1  }
0x91: {  	s18 =	sld [smem:$0x3FFB];
	_ =	sdelay $0x3  }
0x92: {  	_ =	strace s18  }
0x93: {  	s3 =	sld [smem:$0x3FFC];
	_ =	sdelay $0x3  }
0x94: {  	_ =	strace s3  }
0x95: {  	s3 =	sld [smem:$0x3FFD];
	_ =	sdelay $0x3  }
0x96: {  	_ =	strace s3  }
0x97: {  	_ =	strace $0x8FFFFFFF  }
0x98: {  	s19 =	sld [smem:$0x3FDB];
	_ =	sdelay $0x1  }
0x99: {  	s4 =	simm.s32 $_scs_section_size  }
0x9a: {  	s5 =	simm.s32 $_size__tile_overlayer_lowered;
	s6 =	simm.s32 $_tile_overlayer_lowered  }
0x9b: {  	s22 =	simm.s32 $0x1BFF;
	s21 =	sshll.u32 s6, $0x1;
	s3 =	sadd.s32 s4, s19  }
0x9c: {  	s7 =	simm.s32 $0x0;
	s20 =	sshll.u32 s5, $0x1;
	s5 =	sadd.s32 s21, s3  }
0x9d: {  	[timem:s7], [sflag:s22] =	dma.local [hbm:s5], s20  }
0x9e: {  	_ =	swait.ge [sflag:s22], s20  }
0x9f: {  	s4 =	ssub.s32 $0x0, s20;
	[sflag:s22] =	ssyncset.done $0x0  }
0xa0: {  	[sflag:s22] =	ssyncadd.s32 s4;
	_ =	sdelay $0x1  }
0xa1: {  	s23 =	simm.s32 $0x1B8B  }
0xa2: {  	_ =	swait.ge [sflag:s23], $0x1  }
0xa3: {  	[sflag:s23] =	ssyncset.done $0x0  }
0xa4: {  	s25 =	simm.s32 $0x1B8E;
	s24 =	sld [smem:$0x3FFE];
	[sflag:s23] =	ssyncadd.s32 $0xFFFFFFFF  }
0xa5: {  	s26 =	simm.s32 $execute0_lowered;
	[smem:$0x3FD2] =	sst s25  }
0xa6: {  	s5 =	sshll.u32 s26, $0x1;
	_ =	strace $0x80000046;
	[dreg:$0x1] =	wrdreg $0xFFFFFFFF  }
0xa7: {  	s28 =	simm.s32 $_size_execute0_lowered;
	s3 =	sadd.s32 s3, s5;
	[dreg:$0x0] =	wrdreg $0x0  }
0xa8: {  	s5 =	sshll.u32 s28, $0x1;
	[dreg:$0x2] =	wrdreg s3  }
0xa9: {  	[dreg:$0x3] =	wrdreg s5  }
0xaa: {  	[dreg:$0x4] =	wrdreg $0xC0  }
0xab: {  	_ =	task [dreg:s7], $0x5FFFF  }
0xac: {  	[dreg:$0x1] =	wrdreg $0xFFFFFFFF  }
0xad: {  	[dreg:$0x0] =	wrdreg $0x60  }
0xae: {  	[dreg:$0x2] =	wrdreg s24  }
0xaf: {  	[dreg:$0x3] =	wrdreg s2  }
0xb0: {  	[dreg:$0x4] =	wrdreg $0x9  }
0xb1: {  	_ =	task.clear_ibuf [dreg:s7], $0x5FFFF;
	_ =	strace $0x90000046  }
0xb2: {  	s29 =	simm.s32 $0x9;
	_ =	strace $0x80000048  }
0xb3: {  	_ =	swait.ge [sflag:s29], $0x1  }
0xb4: {  	[sflag:s29] =	ssyncadd.s32 $0xFFFFFFFF  }
0xb5: {  	_ =	strace $0x90000048  }
0xb6: {  	_ =	sfence  }
0xb7: {  	s30 =	sld [smem:$0x0];
	_ =	sdelay $0x2  }
0xb8: {  	s31 =	sshll.u32 s1, $0xD;
	s1 =	sshrl.u32 s1, $0x2  }
0xb9: {  	s3 =	sand.u32 $0x4000, s31;
	s1 =	sadd.s32 s1, s30  }
0xba: {  	s0 =	sor.u32 s3, s0;
	s1 =	sshll.u32 s1, $0x11  }
0xbb: {  	s0 =	sor.u32 s1, s0  }
0xbc: {  	s0 =	sadd.s32 $0x8F2B, s0  }
0xbd: {  	[sflag:s0] =	ssyncadd.remote.s32 $0x1  }
0xbe: {  	_ =	sfence.sel $0xFFFF  }
0xbf: {  	[dreg:$0x0] =	wrdreg $0xFFFFFFFF;
	(pc) =	sbr.abs _section_cstart, $3  }
0xc0: {  	[dreg:$0x1] =	wrdreg $0xFFFFFFFF  }
0xc1: {  	_ =	task.clear_ibuf [dreg:s7], $0x2FFFF;
	_ =	strace $0x9FFFFFFF  }
0xc2: {  	(tm) =	ssettm $0x7FFFFFFF  }
0xc3: {  	_ =	shalt  }
tec
execute0_lowered:
.L_overlay_start_1:
0x0: {  	(tag) =	ssettag $0x1  }
0x1: {  	s4 =	rddreg [dreg:$0x0]  }
0x2: {  	s2 =	rddreg [dreg:$0x1];
	s3 =	simm.s32 $0x0  }
0x3: {  	s24 =	simm.s32 $0x5488;
	[smem:$0x7FF] =	sst s3  }
0x4: {  	s25 =	simm.s32 $0x5510;
	_ =	strace $0x80000047;
	[dreg:$0x4] =	wrdreg s24  }
0x5: {  	s26 =	simm.s32 $0x5598;
	[dreg:$0x5] =	wrdreg s25  }
0x6: {  	s28 =	simm.s32 $0x5620;
	[dreg:$0x6] =	wrdreg s26  }
0x7: {  	s29 =	simm.s32 $0x56A8;
	[dreg:$0x7] =	wrdreg s28  }
0x8: {  	s30 =	simm.s32 $0x5730;
	[dreg:$0x8] =	wrdreg s29  }
0x9: {  	s1 =	srdreg.scid;
	s31 =	simm.s32 $0x57B8;
	[dreg:$0x9] =	wrdreg s30  }
0xa: {  	s9 =	sand.u32 $0x1, s1;
	s1 =	simm.s32 $0x5840;
	[dreg:$0xa] =	wrdreg s31  }
0xb: {  	s7 =	simm.s32 $0x5950;
	[dreg:$0xb] =	wrdreg s1  }
0xc: {  	s8 =	simm.s32 $0x59D8;
	[dreg:$0xd] =	wrdreg s7  }
0xd: {  	s10 =	simm.s32 $0x5A60;
	[dreg:$0xe] =	wrdreg s8  }
0xe: {  	s11 =	simm.s32 $0x5AE8;
	[dreg:$0xf] =	wrdreg s10  }
0xf: {  	s12 =	simm.s32 $0x5B70;
	[dreg:$0x10] =	wrdreg s11  }
0x10: {  	s13 =	simm.s32 $0x5BF8;
	[dreg:$0x11] =	wrdreg s12  }
0x11: {  	s14 =	simm.s32 $0x5C80;
	[dreg:$0x12] =	wrdreg s13  }
0x12: {  	s15 =	simm.s32 $0x5D08;
	[dreg:$0x13] =	wrdreg s14  }
0x13: {  	s16 =	simm.s32 $0x5D90;
	[dreg:$0x14] =	wrdreg s15  }
0x14: {  	s17 =	simm.s32 $0x5E18;
	[dreg:$0x15] =	wrdreg s16  }
0x15: {  	s18 =	simm.s32 $0x5EA0;
	[dreg:$0x16] =	wrdreg s17  }
0x16: {  	s19 =	simm.s32 $0x5F28;
	[dreg:$0x17] =	wrdreg s18  }
0x17: {  	s20 =	simm.s32 $0x5FB0;
	[dreg:$0x18] =	wrdreg s19  }
0x18: {  	s21 =	simm.s32 $0x6038;
	[dreg:$0x19] =	wrdreg s20  }
0x19: {  	s22 =	simm.s32 $0x60C0;
	[dreg:$0x1a] =	wrdreg s21  }
0x1a: {  	s23 =	simm.s32 $0x6148;
	[dreg:$0x1b] =	wrdreg s22  }
0x1b: {  	[dreg:$0x1c] =	wrdreg s23;
	s24 =	simm.s32 $0x61D0  }
0x1c: {  	s25 =	simm.s32 $0x6258;
	[dreg:$0x1d] =	wrdreg s24  }
0x1d: {  	s26 =	simm.s32 $0x62E0;
	[dreg:$0x1e] =	wrdreg s25  }
0x1e: {  	s28 =	simm.s32 $0x6368;
	[dreg:$0x1f] =	wrdreg s26  }
0x1f: {  	s29 =	simm.s32 $0x63F0;
	[smem:$0x7DC] =	sst s28  }
0x20: {  	s30 =	simm.s32 $0x6478;
	[smem:$0x7DD] =	sst s29  }
0x21: {  	s31 =	simm.s32 $0x6588;
	[smem:$0x7DE] =	sst s30  }
0x22: {  	s1 =	simm.s32 $0x6610;
	[smem:$0x7DF] =	sst s31  }
0x23: {  	s7 =	simm.s32 $0x6720;
	[smem:$0x7E0] =	sst s1  }
0x24: {  	s8 =	simm.s32 $0x67A8;
	[smem:$0x7E2] =	sst s7  }
0x25: {  	s10 =	simm.s32 $0x6830;
	[smem:$0x7E3] =	sst s8  }
0x26: {  	s11 =	simm.s32 $0x68B8;
	[smem:$0x7E4] =	sst s10  }
0x27: {  	s12 =	simm.s32 $0x6940;
	[smem:$0x7E5] =	sst s11  }
0x28: {  	s14 =	simm.s32 $0x69C8;
	[smem:$0x7E6] =	sst s12  }
0x29: {  	s15 =	simm.s32 $0x6A50;
	[smem:$0x7E7] =	sst s14  }
0x2a: {  	s16 =	simm.s32 $0x6AD8;
	[smem:$0x7E8] =	sst s15  }
0x2b: {  	s17 =	simm.s32 $0x6B60;
	[smem:$0x7E9] =	sst s16  }
0x2c: {  	s18 =	simm.s32 $0x6BE8;
	[smem:$0x7EA] =	sst s17  }
0x2d: {  	s19 =	simm.s32 $0x6C70;
	[smem:$0x7EB] =	sst s18  }
0x2e: {  	s20 =	simm.s32 $0x6CF8;
	[smem:$0x7EC] =	sst s19  }
0x2f: {  	v0 =	vlaneseq.u32;
	s21 =	simm.s32 $0x6D80;
	[smem:$0x7ED] =	sst s20  }
0x30: {  	v0 =	vmul.u32 $0x88, v0;
	s22 =	simm.s32 $0x6E08;
	[smem:$0x7EE] =	sst s21  }
0x31: {  	s23 =	simm.s32 $0x6E90;
	[smem:$0x7EF] =	sst s22  }
0x32: {  	s0 =	stileid.u32;
	v2 =	vadd.s32 $0x880, v0;
	v3 =	vor.u32 $0x1, v0;
	v4 =	vadd.s32 $0x881, v0;
	[smem:$0x7F0] =	sst s23;
	s24 =	simm.s32 $0x6F18  }
0x33: {  	s5 =	smul.u32 $0x1A000, s0;
	v5 =	vor.u32 $0x2, v0;
	v6 =	vadd.s32 $0x882, v0;
	v7 =	vor.u32 $0x3, v0;
	s11 =	simm.s32 $0x6FA0;
	[smem:$0x7F1] =	sst s24  }
0x34: {  	s6 =	smul.u32 $0xD000, s9;
	v8 =	vadd.s32 $0x883, v0;
	v9 =	vor.u32 $0x4, v0;
	v10 =	vadd.s32 $0x884, v0;
	s25 =	simm.s32 $0x7028;
	[smem:$0x7F2] =	sst s11  }
0x35: {  	s13 =	sshll.u32 s0, $0x1;
	v11 =	vor.u32 $0x5, v0;
	v12 =	vadd.s32 $0x885, v0;
	v13 =	vor.u32 $0x6, v0;
	s26 =	simm.s32 $0x70B0;
	[smem:$0x7F3] =	sst s25  }
0x36: {  	s7 =	ssub.s32 $0x2, s9;
	v14 =	vadd.s32 $0x886, v0;
	v15 =	vor.u32 $0x7, v0;
	v16 =	vadd.s32 $0x887, v0;
	s28 =	simm.s32 $0x7138;
	[smem:$0x7F4] =	sst s26  }
0x37: {  	v18 =	vadd.s32 $0x888, v0;
	v19 =	vadd.s32 $0x9, v0;
	v20 =	vadd.s32 $0x889, v0;
	s12 =	smul.u32 $0x6800, s0;
	s29 =	simm.s32 $0x71C0;
	[smem:$0x7F5] =	sst s28  }
0x38: {  	v21 =	vadd.s32 $0xA, v0;
	v22 =	vadd.s32 $0x88A, v0;
	v23 =	vadd.s32 $0xB, v0;
	s30 =	simm.s32 $0x7248;
	s31 =	simm.s32 $0x72D0;
	[smem:$0x7F6] =	sst s29  }
0x39: {  	v24 =	vadd.s32 $0x88B, v0;
	v25 =	vadd.s32 $0xC, v0;
	v26 =	vadd.s32 $0x88C, v0;
	s14 =	simm.s32 $0x7358;
	s15 =	simm.s32 $0x73E0;
	[smem:$0x7F7] =	sst s30  }
0x3a: {  	v27 =	vadd.s32 $0xD, v0;
	v28 =	vadd.s32 $0x88D, v0;
	v29 =	vadd.s32 $0xE, v0;
	s16 =	simm.s32 $0x7468;
	s17 =	simm.s32 $0x74F0;
	[smem:$0x7F8] =	sst s31  }
0x3b: {  	v30 =	vadd.s32 $0x88E, v0;
	v31 =	vadd.s32 $0xF, v0;
	v32 =	vadd.s32 $0x88F, v0;
	s19 =	simm.s32 $0x7578;
	s18 =	simm.s32 $0x6500;
	[smem:$0x7F9] =	sst s14  }
0x3c: {  	v33 =	vadd.s32 $0x10, v0;
	v34 =	vadd.s32 $0x890, v0;
	v35 =	vadd.s32 $0x11, v0;
	s20 =	simm.s32 $0x4;
	s21 =	simm.s32 $0x0;
	[smem:$0x7FA] =	sst s15  }
0x3d: {  	v36 =	vadd.s32 $0x891, v0;
	v37 =	vadd.s32 $0x12, v0;
	v38 =	vadd.s32 $0x892, v0;
	s5 =	sadd.s32 s6, s5;
	s6 =	simm.s32 $0x58C8;
	[smem:$0x7FB] =	sst s16  }
0x3e: {  	v39 =	vadd.s32 $0x13, v0;
	v40 =	vadd.s32 $0x893, v0;
	v41 =	vadd.s32 $0x14, v0;
	s8 =	sshrl.u32 s7, $0x1;
	s11 =	simm.s32 $0x5;
	[smem:$0x7FC] =	sst s17  }
0x3f: {  	v42 =	vadd.s32 $0x894, v0;
	v43 =	vadd.s32 $0x15, v0;
	v44 =	vadd.s32 $0x895, v0;
	s14 =	simm.s32 $0x4400;
	s15 =	simm.s32 $0x1;
	[smem:$0x7FD] =	sst s19  }
0x40: {  	v45 =	vadd.s32 $0x16, v0;
	v46 =	vadd.s32 $0x896, v0;
	v47 =	vadd.s32 $0x17, v0;
	s16 =	simm.s32 $0x5400;
	s17 =	simm.s32 $0x2;
	[dreg:$0x3] =	wrdreg s5  }
0x41: {  	v48 =	vadd.s32 $0x897, v0;
	v49 =	vadd.s32 $0x18, v0;
	v50 =	vadd.s32 $0x898, v0;
	s19 =	simm.s32 $0x3;
	[dreg:$0xc] =	wrdreg s6;
	s6 =	simm.s32 $0x6698  }
0x42: {  	v51 =	vadd.s32 $0x19, v0;
	v52 =	vadd.s32 $0x899, v0;
	v53 =	vadd.s32 $0x1A, v0;
	[smem:$0x7E1] =	sst s6;
	s6 =	sor.u32 s9, s13;
	s13 =	smul.u32 $0x3400, s9  }
0x43: {  	v54 =	vadd.s32 $0x89A, v0;
	v55 =	vadd.s32 $0x1B, v0;
	v56 =	vadd.s32 $0x89B, v0;
	s10 =	ssub.s32 s7, s8;
	s7 =	sadd.s32 $0x8000, s2;
	s6 =	smul.u32 $0x680, s6  }
0x44: {  	v57 =	vadd.s32 $0x1C, v0;
	v58 =	vadd.s32 $0x89C, v0;
	v1 =	vadd.s32 $0x89F, v0;
	s8 =	sadd.s32 $0xC000, s2;
	s9 =	smax.u32 s10, $0x1;
	s10 =	sadd.s32 s13, s12  }
0x45: {  	v59 =	vadd.s32 $0x1D, v0;
	v60 =	vadd.s32 $0x89D, v0;
	v61 =	vadd.s32 $0x1E, v0;
	[tilespmem:$0x1FFE0] =	vst v1;
	s12 =	simm.s32 $0x80;
	s13 =	simm.s32 $0x3400;
	s6 =	sadd.s32 s6, s4  }
0x46: {  	v17 =	vadd.s32 $0x8, v0;
	v62 =	vadd.s32 $0x89E, v0;
	v63 =	vadd.s32 $0x1F, v0;
	[tilespmem:$0x1FFF0] =	vst v2;
	s4 =	sadd.s32 $0xD400, s4;
	s5 =	sadd.s32 $0x400, s6;
	s6 =	sadd.s32 $0x4000, s2  }
.LBB2_1:
0x47: {  	[tilespmem:s3], [sflag:$0x5] =	stream.linear.gather [hbm4b:s5+s3], $0x3400, $0x38;
	[tilespmem:$0x7600] =	vst v63  }
0x48: {  	_ =	swait.ge [sflag:s11], $0x3400  }
0x49: {  	[sflag:s11] =	ssyncset.done $0x0  }
0x4a: {  	[sflag:s11] =	ssyncadd.s32 $0xFFFFCC00  }
0x4b: {  	[tilespmem:s13], [sflag:$0x1] =	stream.indirect.gather [hbm4b:s4+s12], $0x20, s3, s12, $0xb8;
	[tilespmem:$0x7600] =	vst v63  }
0x4c: {  	s22 =	smov.u32 s10;
	s23 =	simm.s32 $0x0  }
0x4d: {  	[tilespmem:s14], [sflag:$0x2] =	stream.indirect.gather [hbm4b:s4+s12], $0x20, s12, s12, $0xb8;
	[tilespmem:$0x7600] =	vst v63  }
.LBB2_2:
0x4e: {  	_ =	swait.ge [sflag:s15], $0x1000  }
0x4f: {  	p0 =	seq.s32 s23, $0x0;
	[sflag:s15] =	ssyncset.done $0x0  }
0x50: {  	s24 =	simm.s32 @!p0 $0x3;
	[sflag:s15] =	ssyncadd.s32 $0xFFFFF000  }
0x51: {  	_ =	swait.ge @!p0 [sflag:s24], $0x400  }
0x52: {  	[sflag:s24] =	ssyncset.done @!p0 $0x0  }
0x53: {  	[sflag:s24] =	ssyncadd.s32 @!p0 $0xFFFFFC00  }
0x54: {  	_ =	swait.ge @!p0 [sflag:s24], $0x400  }
0x55: {  	[sflag:s24] =	ssyncset.done @!p0 $0x0  }
0x56: {  	[sflag:s24] =	ssyncadd.s32 @!p0 $0xFFFFFC00  }
0x57: {  	_ =	swait.ge @!p0 [sflag:s24], $0x400  }
0x58: {  	[sflag:s24] =	ssyncset.done @!p0 $0x0  }
0x59: {  	[sflag:s24] =	ssyncadd.s32 @!p0 $0xFFFFFC00  }
0x5a: {  	_ =	swait.ge @!p0 [sflag:s24], $0x400  }
0x5b: {  	[sflag:s24] =	ssyncset.done @!p0 $0x0  }
0x5c: {  	[sflag:s24] =	ssyncadd.s32 @!p0 $0xFFFFFC00  }
0x5d: {  	v1 =	vld [tilespmem:$0x3400];
	_ =	sdelay $0x4  }
0x5e: {  	[tilespmem:v0+s16+$0x0] =	vst.idx.msk $0xffff, v1  }
0x5f: {  	v1 =	vld [tilespmem:$0x3410];
	_ =	sdelay $0x4  }
0x60: {  	[tilespmem:v2+s16+$0x0] =	vst.idx.msk $0xffff, v1  }
0x61: {  	v1 =	vld [tilespmem:$0x3420];
	_ =	sdelay $0x4  }
0x62: {  	[tilespmem:v3+s16+$0x0] =	vst.idx.msk $0xffff, v1  }
0x63: {  	v1 =	vld [tilespmem:$0x3430];
	_ =	sdelay $0x4  }
0x64: {  	[tilespmem:v4+s16+$0x0] =	vst.idx.msk $0xffff, v1  }
0x65: {  	v1 =	vld [tilespmem:$0x3440];
	_ =	sdelay $0x4  }
0x66: {  	[tilespmem:v5+s16+$0x0] =	vst.idx.msk $0xffff, v1  }
0x67: {  	v1 =	vld [tilespmem:$0x3450];
	_ =	sdelay $0x4  }
0x68: {  	[tilespmem:v6+s16+$0x0] =	vst.idx.msk $0xffff, v1  }
0x69: {  	v1 =	vld [tilespmem:$0x3460];
	_ =	sdelay $0x4  }
0x6a: {  	[tilespmem:v7+s16+$0x0] =	vst.idx.msk $0xffff, v1  }
0x6b: {  	v1 =	vld [tilespmem:$0x3470];
	_ =	sdelay $0x4  }
0x6c: {  	[tilespmem:v8+s16+$0x0] =	vst.idx.msk $0xffff, v1  }
0x6d: {  	v1 =	vld [tilespmem:$0x3480];
	_ =	sdelay $0x4  }
0x6e: {  	[tilespmem:v9+s16+$0x0] =	vst.idx.msk $0xffff, v1  }
0x6f: {  	v1 =	vld [tilespmem:$0x3490];
	_ =	sdelay $0x4  }
0x70: {  	[tilespmem:v10+s16+$0x0] =	vst.idx.msk $0xffff, v1  }
0x71: {  	v1 =	vld [tilespmem:$0x34A0];
	_ =	sdelay $0x4  }
0x72: {  	[tilespmem:v11+s16+$0x0] =	vst.idx.msk $0xffff, v1  }
0x73: {  	v1 =	vld [tilespmem:$0x34B0];
	_ =	sdelay $0x4  }
0x74: {  	[tilespmem:v12+s16+$0x0] =	vst.idx.msk $0xffff, v1  }
0x75: {  	v1 =	vld [tilespmem:$0x34C0];
	_ =	sdelay $0x4  }
0x76: {  	[tilespmem:v13+s16+$0x0] =	vst.idx.msk $0xffff, v1  }
0x77: {  	v1 =	vld [tilespmem:$0x34D0];
	_ =	sdelay $0x4  }
0x78: {  	[tilespmem:v14+s16+$0x0] =	vst.idx.msk $0xffff, v1  }
0x79: {  	v1 =	vld [tilespmem:$0x34E0];
	_ =	sdelay $0x4  }
0x7a: {  	[tilespmem:v15+s16+$0x0] =	vst.idx.msk $0xffff, v1  }
0x7b: {  	v1 =	vld [tilespmem:$0x34F0];
	_ =	sdelay $0x4  }
0x7c: {  	[tilespmem:v16+s16+$0x0] =	vst.idx.msk $0xffff, v1  }
0x7d: {  	v1 =	vld [tilespmem:$0x3500];
	_ =	sdelay $0x4  }
0x7e: {  	[tilespmem:v17+s16+$0x0] =	vst.idx.msk $0xffff, v1  }
0x7f: {  	v1 =	vld [tilespmem:$0x3510];
	_ =	sdelay $0x4  }
0x80: {  	[tilespmem:v18+s16+$0x0] =	vst.idx.msk $0xffff, v1  }
0x81: {  	v1 =	vld [tilespmem:$0x3520];
	_ =	sdelay $0x4  }
0x82: {  	[tilespmem:v19+s16+$0x0] =	vst.idx.msk $0xffff, v1  }
0x83: {  	v1 =	vld [tilespmem:$0x3530];
	_ =	sdelay $0x4  }
0x84: {  	[tilespmem:v20+s16+$0x0] =	vst.idx.msk $0xffff, v1  }
0x85: {  	v1 =	vld [tilespmem:$0x3540];
	_ =	sdelay $0x4  }
0x86: {  	[tilespmem:v21+s16+$0x0] =	vst.idx.msk $0xffff, v1  }
0x87: {  	v1 =	vld [tilespmem:$0x3550];
	_ =	sdelay $0x4  }
0x88: {  	[tilespmem:v22+s16+$0x0] =	vst.idx.msk $0xffff, v1  }
0x89: {  	v1 =	vld [tilespmem:$0x3560];
	_ =	sdelay $0x4  }
0x8a: {  	[tilespmem:v23+s16+$0x0] =	vst.idx.msk $0xffff, v1  }
0x8b: {  	v1 =	vld [tilespmem:$0x3570];
	_ =	sdelay $0x4  }
0x8c: {  	[tilespmem:v24+s16+$0x0] =	vst.idx.msk $0xffff, v1  }
0x8d: {  	v1 =	vld [tilespmem:$0x3580];
	_ =	sdelay $0x4  }
0x8e: {  	[tilespmem:v25+s16+$0x0] =	vst.idx.msk $0xffff, v1  }
0x8f: {  	v1 =	vld [tilespmem:$0x3590];
	_ =	sdelay $0x4  }
0x90: {  	[tilespmem:v26+s16+$0x0] =	vst.idx.msk $0xffff, v1  }
0x91: {  	v1 =	vld [tilespmem:$0x35A0];
	_ =	sdelay $0x4  }
0x92: {  	[tilespmem:v27+s16+$0x0] =	vst.idx.msk $0xffff, v1  }
0x93: {  	v1 =	vld [tilespmem:$0x35B0];
	_ =	sdelay $0x4  }
0x94: {  	[tilespmem:v28+s16+$0x0] =	vst.idx.msk $0xffff, v1  }
0x95: {  	v1 =	vld [tilespmem:$0x35C0];
	_ =	sdelay $0x4  }
0x96: {  	[tilespmem:v29+s16+$0x0] =	vst.idx.msk $0xffff, v1  }
0x97: {  	v1 =	vld [tilespmem:$0x35D0];
	_ =	sdelay $0x4  }
0x98: {  	[tilespmem:v30+s16+$0x0] =	vst.idx.msk $0xffff, v1  }
0x99: {  	v1 =	vld [tilespmem:$0x35E0];
	_ =	sdelay $0x4  }
0x9a: {  	[tilespmem:v31+s16+$0x0] =	vst.idx.msk $0xffff, v1  }
0x9b: {  	v1 =	vld [tilespmem:$0x35F0];
	_ =	sdelay $0x4  }
0x9c: {  	[tilespmem:v32+s16+$0x0] =	vst.idx.msk $0xffff, v1  }
0x9d: {  	v1 =	vld [tilespmem:$0x3600];
	_ =	sdelay $0x4  }
0x9e: {  	[tilespmem:v33+s16+$0x0] =	vst.idx.msk $0xffff, v1  }
0x9f: {  	v1 =	vld [tilespmem:$0x3610];
	_ =	sdelay $0x4  }
0xa0: {  	[tilespmem:v34+s16+$0x0] =	vst.idx.msk $0xffff, v1  }
0xa1: {  	v1 =	vld [tilespmem:$0x3620];
	_ =	sdelay $0x4  }
0xa2: {  	[tilespmem:v35+s16+$0x0] =	vst.idx.msk $0xffff, v1  }
0xa3: {  	v1 =	vld [tilespmem:$0x3630];
	_ =	sdelay $0x4  }
0xa4: {  	[tilespmem:v36+s16+$0x0] =	vst.idx.msk $0xffff, v1  }
0xa5: {  	v1 =	vld [tilespmem:$0x3640];
	_ =	sdelay $0x4  }
0xa6: {  	[tilespmem:v37+s16+$0x0] =	vst.idx.msk $0xffff, v1  }
0xa7: {  	v1 =	vld [tilespmem:$0x3650];
	_ =	sdelay $0x4  }
0xa8: {  	[tilespmem:v38+s16+$0x0] =	vst.idx.msk $0xffff, v1  }
0xa9: {  	v1 =	vld [tilespmem:$0x3660];
	_ =	sdelay $0x4  }
0xaa: {  	[tilespmem:v39+s16+$0x0] =	vst.idx.msk $0xffff, v1  }
0xab: {  	v1 =	vld [tilespmem:$0x3670];
	_ =	sdelay $0x4  }
0xac: {  	[tilespmem:v40+s16+$0x0] =	vst.idx.msk $0xffff, v1  }
0xad: {  	v1 =	vld [tilespmem:$0x3680];
	_ =	sdelay $0x4  }
0xae: {  	[tilespmem:v41+s16+$0x0] =	vst.idx.msk $0xffff, v1  }
0xaf: {  	v1 =	vld [tilespmem:$0x3690];
	_ =	sdelay $0x4  }
0xb0: {  	[tilespmem:v42+s16+$0x0] =	vst.idx.msk $0xffff, v1  }
0xb1: {  	v1 =	vld [tilespmem:$0x36A0];
	_ =	sdelay $0x4  }
0xb2: {  	[tilespmem:v43+s16+$0x0] =	vst.idx.msk $0xffff, v1  }
0xb3: {  	v1 =	vld [tilespmem:$0x36B0];
	_ =	sdelay $0x4  }
0xb4: {  	[tilespmem:v44+s16+$0x0] =	vst.idx.msk $0xffff, v1  }
0xb5: {  	v1 =	vld [tilespmem:$0x36C0];
	_ =	sdelay $0x4  }
0xb6: {  	[tilespmem:v45+s16+$0x0] =	vst.idx.msk $0xffff, v1  }
0xb7: {  	v1 =	vld [tilespmem:$0x36D0];
	_ =	sdelay $0x4  }
0xb8: {  	[tilespmem:v46+s16+$0x0] =	vst.idx.msk $0xffff, v1  }
0xb9: {  	v1 =	vld [tilespmem:$0x36E0];
	_ =	sdelay $0x4  }
0xba: {  	[tilespmem:v47+s16+$0x0] =	vst.idx.msk $0xffff, v1  }
0xbb: {  	v1 =	vld [tilespmem:$0x36F0];
	_ =	sdelay $0x4  }
0xbc: {  	[tilespmem:v48+s16+$0x0] =	vst.idx.msk $0xffff, v1  }
0xbd: {  	v1 =	vld [tilespmem:$0x3700];
	_ =	sdelay $0x4  }
0xbe: {  	[tilespmem:v49+s16+$0x0] =	vst.idx.msk $0xffff, v1  }
0xbf: {  	v1 =	vld [tilespmem:$0x3710];
	_ =	sdelay $0x4  }
0xc0: {  	[tilespmem:v50+s16+$0x0] =	vst.idx.msk $0xffff, v1  }
0xc1: {  	v1 =	vld [tilespmem:$0x3720];
	_ =	sdelay $0x4  }
0xc2: {  	[tilespmem:v51+s16+$0x0] =	vst.idx.msk $0xffff, v1  }
0xc3: {  	v1 =	vld [tilespmem:$0x3730];
	_ =	sdelay $0x4  }
0xc4: {  	[tilespmem:v52+s16+$0x0] =	vst.idx.msk $0xffff, v1  }
0xc5: {  	v1 =	vld [tilespmem:$0x3740];
	_ =	sdelay $0x4  }
0xc6: {  	[tilespmem:v53+s16+$0x0] =	vst.idx.msk $0xffff, v1  }
0xc7: {  	v1 =	vld [tilespmem:$0x3750];
	_ =	sdelay $0x4  }
0xc8: {  	[tilespmem:v54+s16+$0x0] =	vst.idx.msk $0xffff, v1  }
0xc9: {  	v1 =	vld [tilespmem:$0x3760];
	_ =	sdelay $0x4  }
0xca: {  	[tilespmem:v55+s16+$0x0] =	vst.idx.msk $0xffff, v1  }
0xcb: {  	v1 =	vld [tilespmem:$0x3770];
	_ =	sdelay $0x4  }
0xcc: {  	[tilespmem:v56+s16+$0x0] =	vst.idx.msk $0xffff, v1  }
0xcd: {  	v1 =	vld [tilespmem:$0x3780];
	_ =	sdelay $0x4  }
0xce: {  	[tilespmem:v57+s16+$0x0] =	vst.idx.msk $0xffff, v1  }
0xcf: {  	v1 =	vld [tilespmem:$0x3790];
	_ =	sdelay $0x4  }
0xd0: {  	[tilespmem:v58+s16+$0x0] =	vst.idx.msk $0xffff, v1  }
0xd1: {  	v1 =	vld [tilespmem:$0x37A0];
	_ =	sdelay $0x4  }
0xd2: {  	[tilespmem:v59+s16+$0x0] =	vst.idx.msk $0xffff, v1  }
0xd3: {  	v1 =	vld [tilespmem:$0x37B0];
	_ =	sdelay $0x4  }
0xd4: {  	[tilespmem:v60+s16+$0x0] =	vst.idx.msk $0xffff, v1  }
0xd5: {  	v1 =	vld [tilespmem:$0x37C0];
	_ =	sdelay $0x4  }
0xd6: {  	[tilespmem:v61+s16+$0x0] =	vst.idx.msk $0xffff, v1  }
0xd7: {  	v1 =	vld [tilespmem:$0x37D0];
	_ =	sdelay $0x4  }
0xd8: {  	[tilespmem:v62+s16+$0x0] =	vst.idx.msk $0xffff, v1  }
0xd9: {  	v1 =	vld [tilespmem:$0x37E0];
	_ =	sdelay $0x2  }
0xda: {  	v2 =	vld [tilespmem:$0x1FFE0];
	_ =	sdelay $0x1  }
0xdb: {  	[tilespmem:v63+s16+$0x0] =	vst.idx.msk $0xffff, v1  }
0xdc: {  	v1 =	vld [tilespmem:$0x37F0];
	_ =	sdelay $0x4  }
0xdd: {  	[tilespmem:v2+s16+$0x0] =	vst.idx.msk $0xffff, v1  }
0xde: {  	v2 =	vadd.s32 $0x20, v0;
	v1 =	vld [tilespmem:$0x3800];
	_ =	sdelay $0x4  }
0xdf: {  	[tilespmem:v2+s16+$0x0] =	vst.idx.msk $0xffff, v1  }
0xe0: {  	[tilespmem:$0x1F3E0] =	vst v2;
	v2 =	vadd.s32 $0x8A0, v0;
	v1 =	vld [tilespmem:$0x3810];
	_ =	sdelay $0x4  }
0xe1: {  	[tilespmem:v2+s16+$0x0] =	vst.idx.msk $0xffff, v1  }
0xe2: {  	[tilespmem:$0x1F3F0] =	vst v2;
	v2 =	vadd.s32 $0x21, v0;
	v1 =	vld [tilespmem:$0x3820];
	_ =	sdelay $0x4  }
0xe3: {  	[tilespmem:v2+s16+$0x0] =	vst.idx.msk $0xffff, v1  }
0xe4: {  	[tilespmem:$0x1F400] =	vst v2;
	v2 =	vadd.s32 $0x8A1, v0;
	v1 =	vld [tilespmem:$0x3830];
	_ =	sdelay $0x4  }
0xe5: {  	[tilespmem:v2+s16+$0x0] =	vst.idx.msk $0xffff, v1  }
0xe6: {  	[tilespmem:$0x1F410] =	vst v2;
	v2 =	vadd.s32 $0x22, v0;
	v1 =	vld [tilespmem:$0x3840];
	_ =	sdelay $0x4  }
0xe7: {  	[tilespmem:v2+s16+$0x0] =	vst.idx.msk $0xffff, v1  }
0xe8: {  	[tilespmem:$0x1F420] =	vst v2;
	v2 =	vadd.s32 $0x8A2, v0;
	v1 =	vld [tilespmem:$0x3850];
	_ =	sdelay $0x4  }
0xe9: {  	[tilespmem:v2+s16+$0x0] =	vst.idx.msk $0xffff, v1  }
0xea: {  	[tilespmem:$0x1F430] =	vst v2;
	v2 =	vadd.s32 $0x23, v0;
	v1 =	vld [tilespmem:$0x3860];
	_ =	sdelay $0x4  }
0xeb: {  	[tilespmem:v2+s16+$0x0] =	vst.idx.msk $0xffff, v1  }
0xec: {  	[tilespmem:$0x1F440] =	vst v2;
	v2 =	vadd.s32 $0x8A3, v0;
	v1 =	vld [tilespmem:$0x3870];
	_ =	sdelay $0x4  }
0xed: {  	[tilespmem:v2+s16+$0x0] =	vst.idx.msk $0xffff, v1  }
0xee: {  	[tilespmem:$0x1F450] =	vst v2;
	v2 =	vadd.s32 $0x24, v0;
	v1 =	vld [tilespmem:$0x3880];
	_ =	sdelay $0x4  }
0xef: {  	[tilespmem:v2+s16+$0x0] =	vst.idx.msk $0xffff, v1  }
0xf0: {  	[tilespmem:$0x1F460] =	vst v2;
	v2 =	vadd.s32 $0x8A4, v0;
	v1 =	vld [tilespmem:$0x3890];
	_ =	sdelay $0x4  }
0xf1: {  	[tilespmem:v2+s16+$0x0] =	vst.idx.msk $0xffff, v1  }
0xf2: {  	[tilespmem:$0x1F470] =	vst v2;
	v2 =	vadd.s32 $0x25, v0;
	v1 =	vld [tilespmem:$0x38A0];
	_ =	sdelay $0x4  }
0xf3: {  	[tilespmem:v2+s16+$0x0] =	vst.idx.msk $0xffff, v1  }
0xf4: {  	[tilespmem:$0x1F480] =	vst v2;
	v2 =	vadd.s32 $0x8A5, v0;
	v1 =	vld [tilespmem:$0x38B0];
	_ =	sdelay $0x4  }
0xf5: {  	[tilespmem:v2+s16+$0x0] =	vst.idx.msk $0xffff, v1  }
0xf6: {  	[tilespmem:$0x1F490] =	vst v2;
	v2 =	vadd.s32 $0x26, v0;
	v1 =	vld [tilespmem:$0x38C0];
	_ =	sdelay $0x4  }
0xf7: {  	[tilespmem:v2+s16+$0x0] =	vst.idx.msk $0xffff, v1  }
0xf8: {  	[tilespmem:$0x1F4A0] =	vst v2;
	v2 =	vadd.s32 $0x8A6, v0;
	v1 =	vld [tilespmem:$0x38D0];
	_ =	sdelay $0x4  }
0xf9: {  	[tilespmem:v2+s16+$0x0] =	vst.idx.msk $0xffff, v1  }
0xfa: {  	[tilespmem:$0x1F4B0] =	vst v2;
	v2 =	vadd.s32 $0x27, v0;
	v1 =	vld [tilespmem:$0x38E0];
	_ =	sdelay $0x4  }
0xfb: {  	[tilespmem:v2+s16+$0x0] =	vst.idx.msk $0xffff, v1  }
0xfc: {  	[tilespmem:$0x1F4C0] =	vst v2;
	v2 =	vadd.s32 $0x8A7, v0;
	v1 =	vld [tilespmem:$0x38F0];
	_ =	sdelay $0x4  }
0xfd: {  	[tilespmem:v2+s16+$0x0] =	vst.idx.msk $0xffff, v1  }
0xfe: {  	[tilespmem:$0x1F4D0] =	vst v2;
	v2 =	vadd.s32 $0x28, v0;
	v1 =	vld [tilespmem:$0x3900];
	_ =	sdelay $0x4  }
0xff: {  	[tilespmem:v2+s16+$0x0] =	vst.idx.msk $0xffff, v1  }
0x100: {  	[tilespmem:$0x1F4E0] =	vst v2;
	v2 =	vadd.s32 $0x8A8, v0;
	v1 =	vld [tilespmem:$0x3910];
	_ =	sdelay $0x4  }
0x101: {  	[tilespmem:v2+s16+$0x0] =	vst.idx.msk $0xffff, v1  }
0x102: {  	[tilespmem:$0x1F4F0] =	vst v2;
	v2 =	vadd.s32 $0x29, v0;
	v1 =	vld [tilespmem:$0x3920];
	_ =	sdelay $0x4  }
0x103: {  	[tilespmem:v2+s16+$0x0] =	vst.idx.msk $0xffff, v1  }
0x104: {  	[tilespmem:$0x1F500] =	vst v2;
	v2 =	vadd.s32 $0x8A9, v0;
	v1 =	vld [tilespmem:$0x3930];
	_ =	sdelay $0x4  }
0x105: {  	[tilespmem:v2+s16+$0x0] =	vst.idx.msk $0xffff, v1  }
0x106: {  	[tilespmem:$0x1F510] =	vst v2;
	v2 =	vadd.s32 $0x2A, v0;
	v1 =	vld [tilespmem:$0x3940];
	_ =	sdelay $0x4  }
0x107: {  	[tilespmem:v2+s16+$0x0] =	vst.idx.msk $0xffff, v1  }
0x108: {  	[tilespmem:$0x1F520] =	vst v2;
	v2 =	vadd.s32 $0x8AA, v0;
	v1 =	vld [tilespmem:$0x3950];
	_ =	sdelay $0x4  }
0x109: {  	[tilespmem:v2+s16+$0x0] =	vst.idx.msk $0xffff, v1  }
0x10a: {  	[tilespmem:$0x1F530] =	vst v2;
	v2 =	vadd.s32 $0x2B, v0;
	v1 =	vld [tilespmem:$0x3960];
	_ =	sdelay $0x4  }
0x10b: {  	[tilespmem:v2+s16+$0x0] =	vst.idx.msk $0xffff, v1  }
0x10c: {  	[tilespmem:$0x1F540] =	vst v2;
	v2 =	vadd.s32 $0x8AB, v0;
	v1 =	vld [tilespmem:$0x3970];
	_ =	sdelay $0x4  }
0x10d: {  	[tilespmem:v2+s16+$0x0] =	vst.idx.msk $0xffff, v1  }
0x10e: {  	[tilespmem:$0x1F550] =	vst v2;
	v2 =	vadd.s32 $0x2C, v0;
	v1 =	vld [tilespmem:$0x3980];
	_ =	sdelay $0x4  }
0x10f: {  	[tilespmem:v2+s16+$0x0] =	vst.idx.msk $0xffff, v1  }
0x110: {  	[tilespmem:$0x1F560] =	vst v2;
	v2 =	vadd.s32 $0x8AC, v0;
	v1 =	vld [tilespmem:$0x3990];
	_ =	sdelay $0x4  }
0x111: {  	[tilespmem:v2+s16+$0x0] =	vst.idx.msk $0xffff, v1  }
0x112: {  	[tilespmem:$0x1F570] =	vst v2;
	v2 =	vadd.s32 $0x2D, v0;
	v1 =	vld [tilespmem:$0x39A0];
	_ =	sdelay $0x4  }
0x113: {  	[tilespmem:v2+s16+$0x0] =	vst.idx.msk $0xffff, v1  }
0x114: {  	[tilespmem:$0x1F580] =	vst v2;
	v2 =	vadd.s32 $0x8AD, v0;
	v1 =	vld [tilespmem:$0x39B0];
	_ =	sdelay $0x4  }
0x115: {  	[tilespmem:v2+s16+$0x0] =	vst.idx.msk $0xffff, v1  }
0x116: {  	[tilespmem:$0x1F590] =	vst v2;
	v2 =	vadd.s32 $0x2E, v0;
	v1 =	vld [tilespmem:$0x39C0];
	_ =	sdelay $0x4  }
0x117: {  	[tilespmem:v2+s16+$0x0] =	vst.idx.msk $0xffff, v1  }
0x118: {  	[tilespmem:$0x1F5A0] =	vst v2;
	v2 =	vadd.s32 $0x8AE, v0;
	v1 =	vld [tilespmem:$0x39D0];
	_ =	sdelay $0x4  }
0x119: {  	[tilespmem:v2+s16+$0x0] =	vst.idx.msk $0xffff, v1  }
0x11a: {  	[tilespmem:$0x1F5B0] =	vst v2;
	v2 =	vadd.s32 $0x2F, v0;
	v1 =	vld [tilespmem:$0x39E0];
	_ =	sdelay $0x4  }
0x11b: {  	[tilespmem:v2+s16+$0x0] =	vst.idx.msk $0xffff, v1  }
0x11c: {  	[tilespmem:$0x1F5C0] =	vst v2;
	v2 =	vadd.s32 $0x8AF, v0;
	v1 =	vld [tilespmem:$0x39F0];
	_ =	sdelay $0x4  }
0x11d: {  	[tilespmem:v2+s16+$0x0] =	vst.idx.msk $0xffff, v1  }
0x11e: {  	[tilespmem:$0x1F5D0] =	vst v2;
	v2 =	vadd.s32 $0x30, v0;
	v1 =	vld [tilespmem:$0x3A00];
	_ =	sdelay $0x4  }
0x11f: {  	[tilespmem:v2+s16+$0x0] =	vst.idx.msk $0xffff, v1  }
0x120: {  	[tilespmem:$0x1F5E0] =	vst v2;
	v2 =	vadd.s32 $0x8B0, v0;
	v1 =	vld [tilespmem:$0x3A10];
	_ =	sdelay $0x4  }
0x121: {  	[tilespmem:v2+s16+$0x0] =	vst.idx.msk $0xffff, v1  }
0x122: {  	[tilespmem:$0x1F5F0] =	vst v2;
	v2 =	vadd.s32 $0x31, v0;
	v1 =	vld [tilespmem:$0x3A20];
	_ =	sdelay $0x4  }
0x123: {  	[tilespmem:v2+s16+$0x0] =	vst.idx.msk $0xffff, v1  }
0x124: {  	[tilespmem:$0x1F600] =	vst v2;
	v2 =	vadd.s32 $0x8B1, v0;
	v1 =	vld [tilespmem:$0x3A30];
	_ =	sdelay $0x4  }
0x125: {  	[tilespmem:v2+s16+$0x0] =	vst.idx.msk $0xffff, v1  }
0x126: {  	[tilespmem:$0x1F610] =	vst v2;
	v2 =	vadd.s32 $0x32, v0;
	v1 =	vld [tilespmem:$0x3A40];
	_ =	sdelay $0x4  }
0x127: {  	[tilespmem:v2+s16+$0x0] =	vst.idx.msk $0xffff, v1  }
0x128: {  	[tilespmem:$0x1F620] =	vst v2;
	v2 =	vadd.s32 $0x8B2, v0;
	v1 =	vld [tilespmem:$0x3A50];
	_ =	sdelay $0x4  }
0x129: {  	[tilespmem:v2+s16+$0x0] =	vst.idx.msk $0xffff, v1  }
0x12a: {  	[tilespmem:$0x1F630] =	vst v2;
	v2 =	vadd.s32 $0x33, v0;
	v1 =	vld [tilespmem:$0x3A60];
	_ =	sdelay $0x4  }
0x12b: {  	[tilespmem:v2+s16+$0x0] =	vst.idx.msk $0xffff, v1  }
0x12c: {  	[tilespmem:$0x1F640] =	vst v2;
	v2 =	vadd.s32 $0x8B3, v0;
	v1 =	vld [tilespmem:$0x3A70];
	_ =	sdelay $0x4  }
0x12d: {  	[tilespmem:v2+s16+$0x0] =	vst.idx.msk $0xffff, v1  }
0x12e: {  	[tilespmem:$0x1F650] =	vst v2;
	v2 =	vadd.s32 $0x34, v0;
	v1 =	vld [tilespmem:$0x3A80];
	_ =	sdelay $0x4  }
0x12f: {  	[tilespmem:v2+s16+$0x0] =	vst.idx.msk $0xffff, v1  }
0x130: {  	[tilespmem:$0x1F660] =	vst v2;
	v2 =	vadd.s32 $0x8B4, v0;
	v1 =	vld [tilespmem:$0x3A90];
	_ =	sdelay $0x4  }
0x131: {  	[tilespmem:v2+s16+$0x0] =	vst.idx.msk $0xffff, v1  }
0x132: {  	[tilespmem:$0x1F670] =	vst v2;
	v2 =	vadd.s32 $0x35, v0;
	v1 =	vld [tilespmem:$0x3AA0];
	_ =	sdelay $0x4  }
0x133: {  	[tilespmem:v2+s16+$0x0] =	vst.idx.msk $0xffff, v1  }
0x134: {  	[tilespmem:$0x1F680] =	vst v2;
	v2 =	vadd.s32 $0x8B5, v0;
	v1 =	vld [tilespmem:$0x3AB0];
	_ =	sdelay $0x4  }
0x135: {  	[tilespmem:v2+s16+$0x0] =	vst.idx.msk $0xffff, v1  }
0x136: {  	[tilespmem:$0x1F690] =	vst v2;
	v2 =	vadd.s32 $0x36, v0;
	v1 =	vld [tilespmem:$0x3AC0];
	_ =	sdelay $0x4  }
0x137: {  	[tilespmem:v2+s16+$0x0] =	vst.idx.msk $0xffff, v1  }
0x138: {  	[tilespmem:$0x1F6A0] =	vst v2;
	v2 =	vadd.s32 $0x8B6, v0;
	v1 =	vld [tilespmem:$0x3AD0];
	_ =	sdelay $0x4  }
0x139: {  	[tilespmem:v2+s16+$0x0] =	vst.idx.msk $0xffff, v1  }
0x13a: {  	[tilespmem:$0x1F6B0] =	vst v2;
	v2 =	vadd.s32 $0x37, v0;
	v1 =	vld [tilespmem:$0x3AE0];
	_ =	sdelay $0x4  }
0x13b: {  	[tilespmem:v2+s16+$0x0] =	vst.idx.msk $0xffff, v1  }
0x13c: {  	[tilespmem:$0x1F6C0] =	vst v2;
	v2 =	vadd.s32 $0x8B7, v0;
	v1 =	vld [tilespmem:$0x3AF0];
	_ =	sdelay $0x4  }
0x13d: {  	[tilespmem:v2+s16+$0x0] =	vst.idx.msk $0xffff, v1  }
0x13e: {  	[tilespmem:$0x1F6D0] =	vst v2;
	v2 =	vadd.s32 $0x38, v0;
	v1 =	vld [tilespmem:$0x3B00];
	_ =	sdelay $0x4  }
0x13f: {  	[tilespmem:v2+s16+$0x0] =	vst.idx.msk $0xffff, v1  }
0x140: {  	[tilespmem:$0x1F6E0] =	vst v2;
	v2 =	vadd.s32 $0x8B8, v0;
	v1 =	vld [tilespmem:$0x3B10];
	_ =	sdelay $0x4  }
0x141: {  	[tilespmem:v2+s16+$0x0] =	vst.idx.msk $0xffff, v1  }
0x142: {  	[tilespmem:$0x1F6F0] =	vst v2;
	v2 =	vadd.s32 $0x39, v0;
	v1 =	vld [tilespmem:$0x3B20];
	_ =	sdelay $0x4  }
0x143: {  	[tilespmem:v2+s16+$0x0] =	vst.idx.msk $0xffff, v1  }
0x144: {  	[tilespmem:$0x1F700] =	vst v2;
	v2 =	vadd.s32 $0x8B9, v0;
	v1 =	vld [tilespmem:$0x3B30];
	_ =	sdelay $0x4  }
0x145: {  	[tilespmem:v2+s16+$0x0] =	vst.idx.msk $0xffff, v1  }
0x146: {  	[tilespmem:$0x1F710] =	vst v2;
	v2 =	vadd.s32 $0x3A, v0;
	v1 =	vld [tilespmem:$0x3B40];
	_ =	sdelay $0x4  }
0x147: {  	[tilespmem:v2+s16+$0x0] =	vst.idx.msk $0xffff, v1  }
0x148: {  	[tilespmem:$0x1F720] =	vst v2;
	v2 =	vadd.s32 $0x8BA, v0;
	v1 =	vld [tilespmem:$0x3B50];
	_ =	sdelay $0x4  }
0x149: {  	[tilespmem:v2+s16+$0x0] =	vst.idx.msk $0xffff, v1  }
0x14a: {  	[tilespmem:$0x1F730] =	vst v2;
	v2 =	vadd.s32 $0x3B, v0;
	v1 =	vld [tilespmem:$0x3B60];
	_ =	sdelay $0x4  }
0x14b: {  	[tilespmem:v2+s16+$0x0] =	vst.idx.msk $0xffff, v1  }
0x14c: {  	[tilespmem:$0x1F740] =	vst v2;
	v2 =	vadd.s32 $0x8BB, v0;
	v1 =	vld [tilespmem:$0x3B70];
	_ =	sdelay $0x4  }
0x14d: {  	[tilespmem:v2+s16+$0x0] =	vst.idx.msk $0xffff, v1  }
0x14e: {  	[tilespmem:$0x1F750] =	vst v2;
	v2 =	vadd.s32 $0x3C, v0;
	v1 =	vld [tilespmem:$0x3B80];
	_ =	sdelay $0x4  }
0x14f: {  	[tilespmem:v2+s16+$0x0] =	vst.idx.msk $0xffff, v1  }
0x150: {  	[tilespmem:$0x1F760] =	vst v2;
	v2 =	vadd.s32 $0x8BC, v0;
	v1 =	vld [tilespmem:$0x3B90];
	_ =	sdelay $0x4  }
0x151: {  	[tilespmem:v2+s16+$0x0] =	vst.idx.msk $0xffff, v1  }
0x152: {  	[tilespmem:$0x1F770] =	vst v2;
	v2 =	vadd.s32 $0x3D, v0;
	v1 =	vld [tilespmem:$0x3BA0];
	_ =	sdelay $0x4  }
0x153: {  	[tilespmem:v2+s16+$0x0] =	vst.idx.msk $0xffff, v1  }
0x154: {  	[tilespmem:$0x1F780] =	vst v2;
	v2 =	vadd.s32 $0x8BD, v0;
	v1 =	vld [tilespmem:$0x3BB0];
	_ =	sdelay $0x4  }
0x155: {  	[tilespmem:v2+s16+$0x0] =	vst.idx.msk $0xffff, v1  }
0x156: {  	[tilespmem:$0x1F790] =	vst v2;
	v2 =	vadd.s32 $0x3E, v0;
	v1 =	vld [tilespmem:$0x3BC0];
	_ =	sdelay $0x4  }
0x157: {  	[tilespmem:v2+s16+$0x0] =	vst.idx.msk $0xffff, v1  }
0x158: {  	[tilespmem:$0x1F7A0] =	vst v2;
	v2 =	vadd.s32 $0x8BE, v0;
	v1 =	vld [tilespmem:$0x3BD0];
	_ =	sdelay $0x4  }
0x159: {  	[tilespmem:v2+s16+$0x0] =	vst.idx.msk $0xffff, v1  }
0x15a: {  	[tilespmem:$0x1F7B0] =	vst v2;
	v2 =	vadd.s32 $0x3F, v0;
	v1 =	vld [tilespmem:$0x3BE0];
	_ =	sdelay $0x4  }
0x15b: {  	[tilespmem:v2+s16+$0x0] =	vst.idx.msk $0xffff, v1  }
0x15c: {  	[tilespmem:$0x1F7C0] =	vst v2;
	v2 =	vadd.s32 $0x8BF, v0;
	v1 =	vld [tilespmem:$0x3BF0];
	_ =	sdelay $0x4  }
0x15d: {  	[tilespmem:v2+s16+$0x0] =	vst.idx.msk $0xffff, v1  }
0x15e: {  	[tilespmem:$0x1F7D0] =	vst v2;
	v2 =	vadd.s32 $0x40, v0;
	v1 =	vld [tilespmem:$0x3C00];
	_ =	sdelay $0x4  }
0x15f: {  	[tilespmem:v2+s16+$0x0] =	vst.idx.msk $0xffff, v1  }
0x160: {  	[tilespmem:$0x1F7E0] =	vst v2;
	v2 =	vadd.s32 $0x8C0, v0;
	v1 =	vld [tilespmem:$0x3C10];
	_ =	sdelay $0x4  }
0x161: {  	[tilespmem:v2+s16+$0x0] =	vst.idx.msk $0xffff, v1  }
0x162: {  	[tilespmem:$0x1F7F0] =	vst v2;
	v2 =	vadd.s32 $0x41, v0;
	v1 =	vld [tilespmem:$0x3C20];
	_ =	sdelay $0x4  }
0x163: {  	[tilespmem:v2+s16+$0x0] =	vst.idx.msk $0xffff, v1  }
0x164: {  	[tilespmem:$0x1F800] =	vst v2;
	v2 =	vadd.s32 $0x8C1, v0;
	v1 =	vld [tilespmem:$0x3C30];
	_ =	sdelay $0x4  }
0x165: {  	[tilespmem:v2+s16+$0x0] =	vst.idx.msk $0xffff, v1  }
0x166: {  	[tilespmem:$0x1F810] =	vst v2;
	v2 =	vadd.s32 $0x42, v0;
	v1 =	vld [tilespmem:$0x3C40];
	_ =	sdelay $0x4  }
0x167: {  	[tilespmem:v2+s16+$0x0] =	vst.idx.msk $0xffff, v1  }
0x168: {  	[tilespmem:$0x1F820] =	vst v2;
	v2 =	vadd.s32 $0x8C2, v0;
	v1 =	vld [tilespmem:$0x3C50];
	_ =	sdelay $0x4  }
0x169: {  	[tilespmem:v2+s16+$0x0] =	vst.idx.msk $0xffff, v1  }
0x16a: {  	[tilespmem:$0x1F830] =	vst v2;
	v2 =	vadd.s32 $0x43, v0;
	v1 =	vld [tilespmem:$0x3C60];
	_ =	sdelay $0x4  }
0x16b: {  	[tilespmem:v2+s16+$0x0] =	vst.idx.msk $0xffff, v1  }
0x16c: {  	[tilespmem:$0x1F840] =	vst v2;
	v2 =	vadd.s32 $0x8C3, v0;
	v1 =	vld [tilespmem:$0x3C70];
	_ =	sdelay $0x4  }
0x16d: {  	[tilespmem:v2+s16+$0x0] =	vst.idx.msk $0xffff, v1  }
0x16e: {  	[tilespmem:$0x1F850] =	vst v2;
	v2 =	vadd.s32 $0x44, v0;
	v1 =	vld [tilespmem:$0x3C80];
	_ =	sdelay $0x4  }
0x16f: {  	[tilespmem:v2+s16+$0x0] =	vst.idx.msk $0xffff, v1  }
0x170: {  	[tilespmem:$0x1F860] =	vst v2;
	v2 =	vadd.s32 $0x8C4, v0;
	v1 =	vld [tilespmem:$0x3C90];
	_ =	sdelay $0x4  }
0x171: {  	[tilespmem:v2+s16+$0x0] =	vst.idx.msk $0xffff, v1  }
0x172: {  	[tilespmem:$0x1F870] =	vst v2;
	v2 =	vadd.s32 $0x45, v0;
	v1 =	vld [tilespmem:$0x3CA0];
	_ =	sdelay $0x4  }
0x173: {  	[tilespmem:v2+s16+$0x0] =	vst.idx.msk $0xffff, v1  }
0x174: {  	[tilespmem:$0x1F880] =	vst v2;
	v2 =	vadd.s32 $0x8C5, v0;
	v1 =	vld [tilespmem:$0x3CB0];
	_ =	sdelay $0x4  }
0x175: {  	[tilespmem:v2+s16+$0x0] =	vst.idx.msk $0xffff, v1  }
0x176: {  	[tilespmem:$0x1F890] =	vst v2;
	v2 =	vadd.s32 $0x46, v0;
	v1 =	vld [tilespmem:$0x3CC0];
	_ =	sdelay $0x4  }
0x177: {  	[tilespmem:v2+s16+$0x0] =	vst.idx.msk $0xffff, v1  }
0x178: {  	[tilespmem:$0x1F8A0] =	vst v2;
	v2 =	vadd.s32 $0x8C6, v0;
	v1 =	vld [tilespmem:$0x3CD0];
	_ =	sdelay $0x4  }
0x179: {  	[tilespmem:v2+s16+$0x0] =	vst.idx.msk $0xffff, v1  }
0x17a: {  	[tilespmem:$0x1F8B0] =	vst v2;
	v2 =	vadd.s32 $0x47, v0;
	v1 =	vld [tilespmem:$0x3CE0];
	_ =	sdelay $0x4  }
0x17b: {  	[tilespmem:v2+s16+$0x0] =	vst.idx.msk $0xffff, v1  }
0x17c: {  	[tilespmem:$0x1F8C0] =	vst v2;
	v2 =	vadd.s32 $0x8C7, v0;
	v1 =	vld [tilespmem:$0x3CF0];
	_ =	sdelay $0x4  }
0x17d: {  	[tilespmem:v2+s16+$0x0] =	vst.idx.msk $0xffff, v1  }
0x17e: {  	[tilespmem:$0x1F8D0] =	vst v2;
	v2 =	vadd.s32 $0x48, v0;
	v1 =	vld [tilespmem:$0x3D00];
	_ =	sdelay $0x4  }
0x17f: {  	[tilespmem:v2+s16+$0x0] =	vst.idx.msk $0xffff, v1  }
0x180: {  	[tilespmem:$0x1F8E0] =	vst v2;
	v2 =	vadd.s32 $0x8C8, v0;
	v1 =	vld [tilespmem:$0x3D10];
	_ =	sdelay $0x4  }
0x181: {  	[tilespmem:v2+s16+$0x0] =	vst.idx.msk $0xffff, v1  }
0x182: {  	[tilespmem:$0x1F8F0] =	vst v2;
	v2 =	vadd.s32 $0x49, v0;
	v1 =	vld [tilespmem:$0x3D20];
	_ =	sdelay $0x4  }
0x183: {  	[tilespmem:v2+s16+$0x0] =	vst.idx.msk $0xffff, v1  }
0x184: {  	[tilespmem:$0x1F900] =	vst v2;
	v2 =	vadd.s32 $0x8C9, v0;
	v1 =	vld [tilespmem:$0x3D30];
	_ =	sdelay $0x4  }
0x185: {  	[tilespmem:v2+s16+$0x0] =	vst.idx.msk $0xffff, v1  }
0x186: {  	[tilespmem:$0x1F910] =	vst v2;
	v2 =	vadd.s32 $0x4A, v0;
	v1 =	vld [tilespmem:$0x3D40];
	_ =	sdelay $0x4  }
0x187: {  	[tilespmem:v2+s16+$0x0] =	vst.idx.msk $0xffff, v1  }
0x188: {  	[tilespmem:$0x1F920] =	vst v2;
	v2 =	vadd.s32 $0x8CA, v0;
	v1 =	vld [tilespmem:$0x3D50];
	_ =	sdelay $0x4  }
0x189: {  	[tilespmem:v2+s16+$0x0] =	vst.idx.msk $0xffff, v1  }
0x18a: {  	[tilespmem:$0x1F930] =	vst v2;
	v2 =	vadd.s32 $0x4B, v0;
	v1 =	vld [tilespmem:$0x3D60];
	_ =	sdelay $0x4  }
0x18b: {  	[tilespmem:v2+s16+$0x0] =	vst.idx.msk $0xffff, v1  }
0x18c: {  	[tilespmem:$0x1F940] =	vst v2;
	v2 =	vadd.s32 $0x8CB, v0;
	v1 =	vld [tilespmem:$0x3D70];
	_ =	sdelay $0x4  }
0x18d: {  	[tilespmem:v2+s16+$0x0] =	vst.idx.msk $0xffff, v1  }
0x18e: {  	[tilespmem:$0x1F950] =	vst v2;
	v2 =	vadd.s32 $0x4C, v0;
	v1 =	vld [tilespmem:$0x3D80];
	_ =	sdelay $0x4  }
0x18f: {  	[tilespmem:v2+s16+$0x0] =	vst.idx.msk $0xffff, v1  }
0x190: {  	[tilespmem:$0x1F960] =	vst v2;
	v2 =	vadd.s32 $0x8CC, v0;
	v1 =	vld [tilespmem:$0x3D90];
	_ =	sdelay $0x4  }
0x191: {  	[tilespmem:v2+s16+$0x0] =	vst.idx.msk $0xffff, v1  }
0x192: {  	[tilespmem:$0x1F970] =	vst v2;
	v2 =	vadd.s32 $0x4D, v0;
	v1 =	vld [tilespmem:$0x3DA0];
	_ =	sdelay $0x4  }
0x193: {  	[tilespmem:v2+s16+$0x0] =	vst.idx.msk $0xffff, v1  }
0x194: {  	[tilespmem:$0x1F980] =	vst v2;
	v2 =	vadd.s32 $0x8CD, v0;
	v1 =	vld [tilespmem:$0x3DB0];
	_ =	sdelay $0x4  }
0x195: {  	[tilespmem:v2+s16+$0x0] =	vst.idx.msk $0xffff, v1  }
0x196: {  	[tilespmem:$0x1F990] =	vst v2;
	v2 =	vadd.s32 $0x4E, v0;
	v1 =	vld [tilespmem:$0x3DC0];
	_ =	sdelay $0x4  }
0x197: {  	[tilespmem:v2+s16+$0x0] =	vst.idx.msk $0xffff, v1  }
0x198: {  	[tilespmem:$0x1F9A0] =	vst v2;
	v2 =	vadd.s32 $0x8CE, v0;
	v1 =	vld [tilespmem:$0x3DD0];
	_ =	sdelay $0x4  }
0x199: {  	[tilespmem:v2+s16+$0x0] =	vst.idx.msk $0xffff, v1  }
0x19a: {  	[tilespmem:$0x1F9B0] =	vst v2;
	v2 =	vadd.s32 $0x4F, v0;
	v1 =	vld [tilespmem:$0x3DE0];
	_ =	sdelay $0x4  }
0x19b: {  	[tilespmem:v2+s16+$0x0] =	vst.idx.msk $0xffff, v1  }
0x19c: {  	[tilespmem:$0x1F9C0] =	vst v2;
	v2 =	vadd.s32 $0x8CF, v0;
	v1 =	vld [tilespmem:$0x3DF0];
	_ =	sdelay $0x4  }
0x19d: {  	[tilespmem:v2+s16+$0x0] =	vst.idx.msk $0xffff, v1  }
0x19e: {  	[tilespmem:$0x1F9D0] =	vst v2;
	v2 =	vadd.s32 $0x50, v0;
	v1 =	vld [tilespmem:$0x3E00];
	_ =	sdelay $0x4  }
0x19f: {  	[tilespmem:v2+s16+$0x0] =	vst.idx.msk $0xffff, v1  }
0x1a0: {  	[tilespmem:$0x1F9E0] =	vst v2;
	v2 =	vadd.s32 $0x8D0, v0;
	v1 =	vld [tilespmem:$0x3E10];
	_ =	sdelay $0x4  }
0x1a1: {  	[tilespmem:v2+s16+$0x0] =	vst.idx.msk $0xffff, v1  }
0x1a2: {  	[tilespmem:$0x1F9F0] =	vst v2;
	v2 =	vadd.s32 $0x51, v0;
	v1 =	vld [tilespmem:$0x3E20];
	_ =	sdelay $0x4  }
0x1a3: {  	[tilespmem:v2+s16+$0x0] =	vst.idx.msk $0xffff, v1  }
0x1a4: {  	[tilespmem:$0x1FA00] =	vst v2;
	v2 =	vadd.s32 $0x8D1, v0;
	v1 =	vld [tilespmem:$0x3E30];
	_ =	sdelay $0x4  }
0x1a5: {  	[tilespmem:v2+s16+$0x0] =	vst.idx.msk $0xffff, v1  }
0x1a6: {  	[tilespmem:$0x1FA10] =	vst v2;
	v2 =	vadd.s32 $0x52, v0;
	v1 =	vld [tilespmem:$0x3E40];
	_ =	sdelay $0x4  }
0x1a7: {  	[tilespmem:v2+s16+$0x0] =	vst.idx.msk $0xffff, v1  }
0x1a8: {  	[tilespmem:$0x1FA20] =	vst v2;
	v2 =	vadd.s32 $0x8D2, v0;
	v1 =	vld [tilespmem:$0x3E50];
	_ =	sdelay $0x4  }
0x1a9: {  	[tilespmem:v2+s16+$0x0] =	vst.idx.msk $0xffff, v1  }
0x1aa: {  	[tilespmem:$0x1FA30] =	vst v2;
	v2 =	vadd.s32 $0x53, v0;
	v1 =	vld [tilespmem:$0x3E60];
	_ =	sdelay $0x4  }
0x1ab: {  	[tilespmem:v2+s16+$0x0] =	vst.idx.msk $0xffff, v1  }
0x1ac: {  	[tilespmem:$0x1FA40] =	vst v2;
	v2 =	vadd.s32 $0x8D3, v0;
	v1 =	vld [tilespmem:$0x3E70];
	_ =	sdelay $0x4  }
0x1ad: {  	[tilespmem:v2+s16+$0x0] =	vst.idx.msk $0xffff, v1  }
0x1ae: {  	[tilespmem:$0x1FA50] =	vst v2;
	v2 =	vadd.s32 $0x54, v0;
	v1 =	vld [tilespmem:$0x3E80];
	_ =	sdelay $0x4  }
0x1af: {  	[tilespmem:v2+s16+$0x0] =	vst.idx.msk $0xffff, v1  }
0x1b0: {  	[tilespmem:$0x1FA60] =	vst v2;
	v2 =	vadd.s32 $0x8D4, v0;
	v1 =	vld [tilespmem:$0x3E90];
	_ =	sdelay $0x4  }
0x1b1: {  	[tilespmem:v2+s16+$0x0] =	vst.idx.msk $0xffff, v1  }
0x1b2: {  	[tilespmem:$0x1FA70] =	vst v2;
	v2 =	vadd.s32 $0x55, v0;
	v1 =	vld [tilespmem:$0x3EA0];
	_ =	sdelay $0x4  }
0x1b3: {  	[tilespmem:v2+s16+$0x0] =	vst.idx.msk $0xffff, v1  }
0x1b4: {  	[tilespmem:$0x1FA80] =	vst v2;
	v2 =	vadd.s32 $0x8D5, v0;
	v1 =	vld [tilespmem:$0x3EB0];
	_ =	sdelay $0x4  }
0x1b5: {  	[tilespmem:v2+s16+$0x0] =	vst.idx.msk $0xffff, v1  }
0x1b6: {  	[tilespmem:$0x1FA90] =	vst v2;
	v2 =	vadd.s32 $0x56, v0;
	v1 =	vld [tilespmem:$0x3EC0];
	_ =	sdelay $0x4  }
0x1b7: {  	[tilespmem:v2+s16+$0x0] =	vst.idx.msk $0xffff, v1  }
0x1b8: {  	[tilespmem:$0x1FAA0] =	vst v2;
	v2 =	vadd.s32 $0x8D6, v0;
	v1 =	vld [tilespmem:$0x3ED0];
	_ =	sdelay $0x4  }
0x1b9: {  	[tilespmem:v2+s16+$0x0] =	vst.idx.msk $0xffff, v1  }
0x1ba: {  	[tilespmem:$0x1FAB0] =	vst v2;
	v2 =	vadd.s32 $0x57, v0;
	v1 =	vld [tilespmem:$0x3EE0];
	_ =	sdelay $0x4  }
0x1bb: {  	[tilespmem:v2+s16+$0x0] =	vst.idx.msk $0xffff, v1  }
0x1bc: {  	[tilespmem:$0x1FAC0] =	vst v2;
	v2 =	vadd.s32 $0x8D7, v0;
	v1 =	vld [tilespmem:$0x3EF0];
	_ =	sdelay $0x4  }
0x1bd: {  	[tilespmem:v2+s16+$0x0] =	vst.idx.msk $0xffff, v1  }
0x1be: {  	[tilespmem:$0x1FAD0] =	vst v2;
	v2 =	vadd.s32 $0x58, v0;
	v1 =	vld [tilespmem:$0x3F00];
	_ =	sdelay $0x4  }
0x1bf: {  	[tilespmem:v2+s16+$0x0] =	vst.idx.msk $0xffff, v1  }
0x1c0: {  	[tilespmem:$0x1FAE0] =	vst v2;
	v2 =	vadd.s32 $0x8D8, v0;
	v1 =	vld [tilespmem:$0x3F10];
	_ =	sdelay $0x4  }
0x1c1: {  	[tilespmem:v2+s16+$0x0] =	vst.idx.msk $0xffff, v1  }
0x1c2: {  	[tilespmem:$0x1FAF0] =	vst v2;
	v2 =	vadd.s32 $0x59, v0;
	v1 =	vld [tilespmem:$0x3F20];
	_ =	sdelay $0x4  }
0x1c3: {  	[tilespmem:v2+s16+$0x0] =	vst.idx.msk $0xffff, v1  }
0x1c4: {  	[tilespmem:$0x1FB00] =	vst v2;
	v2 =	vadd.s32 $0x8D9, v0;
	v1 =	vld [tilespmem:$0x3F30];
	_ =	sdelay $0x4  }
0x1c5: {  	[tilespmem:v2+s16+$0x0] =	vst.idx.msk $0xffff, v1  }
0x1c6: {  	[tilespmem:$0x1FB10] =	vst v2;
	v2 =	vadd.s32 $0x5A, v0;
	v1 =	vld [tilespmem:$0x3F40];
	_ =	sdelay $0x4  }
0x1c7: {  	[tilespmem:v2+s16+$0x0] =	vst.idx.msk $0xffff, v1  }
0x1c8: {  	[tilespmem:$0x1FB20] =	vst v2;
	v2 =	vadd.s32 $0x8DA, v0;
	v1 =	vld [tilespmem:$0x3F50];
	_ =	sdelay $0x4  }
0x1c9: {  	[tilespmem:v2+s16+$0x0] =	vst.idx.msk $0xffff, v1  }
0x1ca: {  	[tilespmem:$0x1FB30] =	vst v2;
	v2 =	vadd.s32 $0x5B, v0;
	v1 =	vld [tilespmem:$0x3F60];
	_ =	sdelay $0x4  }
0x1cb: {  	[tilespmem:v2+s16+$0x0] =	vst.idx.msk $0xffff, v1  }
0x1cc: {  	[tilespmem:$0x1FB40] =	vst v2;
	v2 =	vadd.s32 $0x8DB, v0;
	v1 =	vld [tilespmem:$0x3F70];
	_ =	sdelay $0x4  }
0x1cd: {  	[tilespmem:v2+s16+$0x0] =	vst.idx.msk $0xffff, v1  }
0x1ce: {  	[tilespmem:$0x1FB50] =	vst v2;
	v2 =	vadd.s32 $0x5C, v0;
	v1 =	vld [tilespmem:$0x3F80];
	_ =	sdelay $0x4  }
0x1cf: {  	[tilespmem:v2+s16+$0x0] =	vst.idx.msk $0xffff, v1  }
0x1d0: {  	[tilespmem:$0x1FB60] =	vst v2;
	v2 =	vadd.s32 $0x8DC, v0;
	v1 =	vld [tilespmem:$0x3F90];
	_ =	sdelay $0x4  }
0x1d1: {  	[tilespmem:v2+s16+$0x0] =	vst.idx.msk $0xffff, v1  }
0x1d2: {  	[tilespmem:$0x1FB70] =	vst v2;
	v2 =	vadd.s32 $0x5D, v0;
	v1 =	vld [tilespmem:$0x3FA0];
	_ =	sdelay $0x4  }
0x1d3: {  	[tilespmem:v2+s16+$0x0] =	vst.idx.msk $0xffff, v1  }
0x1d4: {  	[tilespmem:$0x1FB80] =	vst v2;
	v2 =	vadd.s32 $0x8DD, v0;
	v1 =	vld [tilespmem:$0x3FB0];
	_ =	sdelay $0x4  }
0x1d5: {  	[tilespmem:v2+s16+$0x0] =	vst.idx.msk $0xffff, v1  }
0x1d6: {  	[tilespmem:$0x1FB90] =	vst v2;
	v2 =	vadd.s32 $0x5E, v0;
	v1 =	vld [tilespmem:$0x3FC0];
	_ =	sdelay $0x4  }
0x1d7: {  	[tilespmem:v2+s16+$0x0] =	vst.idx.msk $0xffff, v1  }
0x1d8: {  	[tilespmem:$0x1FBA0] =	vst v2;
	v2 =	vadd.s32 $0x8DE, v0;
	v1 =	vld [tilespmem:$0x3FD0];
	_ =	sdelay $0x4  }
0x1d9: {  	[tilespmem:v2+s16+$0x0] =	vst.idx.msk $0xffff, v1  }
0x1da: {  	[tilespmem:$0x1FBB0] =	vst v2;
	v2 =	vadd.s32 $0x5F, v0;
	v1 =	vld [tilespmem:$0x3FE0];
	_ =	sdelay $0x4  }
0x1db: {  	[tilespmem:v2+s16+$0x0] =	vst.idx.msk $0xffff, v1  }
0x1dc: {  	[tilespmem:$0x1FBC0] =	vst v2;
	v2 =	vadd.s32 $0x8DF, v0;
	v1 =	vld [tilespmem:$0x3FF0];
	_ =	sdelay $0x4  }
0x1dd: {  	[tilespmem:v2+s16+$0x0] =	vst.idx.msk $0xffff, v1  }
0x1de: {  	[tilespmem:$0x1FBD0] =	vst v2;
	v2 =	vadd.s32 $0x60, v0;
	v1 =	vld [tilespmem:$0x4000];
	_ =	sdelay $0x4  }
0x1df: {  	[tilespmem:v2+s16+$0x0] =	vst.idx.msk $0xffff, v1  }
0x1e0: {  	[tilespmem:$0x1FBE0] =	vst v2;
	v2 =	vadd.s32 $0x8E0, v0;
	v1 =	vld [tilespmem:$0x4010];
	_ =	sdelay $0x4  }
0x1e1: {  	[tilespmem:v2+s16+$0x0] =	vst.idx.msk $0xffff, v1  }
0x1e2: {  	[tilespmem:$0x1FBF0] =	vst v2;
	v2 =	vadd.s32 $0x61, v0;
	v1 =	vld [tilespmem:$0x4020];
	_ =	sdelay $0x4  }
0x1e3: {  	[tilespmem:v2+s16+$0x0] =	vst.idx.msk $0xffff, v1  }
0x1e4: {  	[tilespmem:$0x1FC00] =	vst v2;
	v2 =	vadd.s32 $0x8E1, v0;
	v1 =	vld [tilespmem:$0x4030];
	_ =	sdelay $0x4  }
0x1e5: {  	[tilespmem:v2+s16+$0x0] =	vst.idx.msk $0xffff, v1  }
0x1e6: {  	[tilespmem:$0x1FC10] =	vst v2;
	v2 =	vadd.s32 $0x62, v0;
	v1 =	vld [tilespmem:$0x4040];
	_ =	sdelay $0x4  }
0x1e7: {  	[tilespmem:v2+s16+$0x0] =	vst.idx.msk $0xffff, v1  }
0x1e8: {  	[tilespmem:$0x1FC20] =	vst v2;
	v2 =	vadd.s32 $0x8E2, v0;
	v1 =	vld [tilespmem:$0x4050];
	_ =	sdelay $0x4  }
0x1e9: {  	[tilespmem:v2+s16+$0x0] =	vst.idx.msk $0xffff, v1  }
0x1ea: {  	[tilespmem:$0x1FC30] =	vst v2;
	v2 =	vadd.s32 $0x63, v0;
	v1 =	vld [tilespmem:$0x4060];
	_ =	sdelay $0x4  }
0x1eb: {  	[tilespmem:v2+s16+$0x0] =	vst.idx.msk $0xffff, v1  }
0x1ec: {  	[tilespmem:$0x1FC40] =	vst v2;
	v2 =	vadd.s32 $0x8E3, v0;
	v1 =	vld [tilespmem:$0x4070];
	_ =	sdelay $0x4  }
0x1ed: {  	[tilespmem:v2+s16+$0x0] =	vst.idx.msk $0xffff, v1  }
0x1ee: {  	[tilespmem:$0x1FC50] =	vst v2;
	v2 =	vadd.s32 $0x64, v0;
	v1 =	vld [tilespmem:$0x4080];
	_ =	sdelay $0x4  }
0x1ef: {  	[tilespmem:v2+s16+$0x0] =	vst.idx.msk $0xffff, v1  }
0x1f0: {  	[tilespmem:$0x1FC60] =	vst v2;
	v2 =	vadd.s32 $0x8E4, v0;
	v1 =	vld [tilespmem:$0x4090];
	_ =	sdelay $0x4  }
0x1f1: {  	[tilespmem:v2+s16+$0x0] =	vst.idx.msk $0xffff, v1  }
0x1f2: {  	[tilespmem:$0x1FC70] =	vst v2;
	v2 =	vadd.s32 $0x65, v0;
	v1 =	vld [tilespmem:$0x40A0];
	_ =	sdelay $0x4  }
0x1f3: {  	[tilespmem:v2+s16+$0x0] =	vst.idx.msk $0xffff, v1  }
0x1f4: {  	[tilespmem:$0x1FC80] =	vst v2;
	v2 =	vadd.s32 $0x8E5, v0;
	v1 =	vld [tilespmem:$0x40B0];
	_ =	sdelay $0x4  }
0x1f5: {  	[tilespmem:v2+s16+$0x0] =	vst.idx.msk $0xffff, v1  }
0x1f6: {  	[tilespmem:$0x1FC90] =	vst v2;
	v2 =	vadd.s32 $0x66, v0;
	v1 =	vld [tilespmem:$0x40C0];
	_ =	sdelay $0x3  }
0x1f7: {  	[tilespmem:$0x1FCA0] =	vst v2  }
0x1f8: {  	[tilespmem:v2+s16+$0x0] =	vst.idx.msk $0xffff, v1  }
0x1f9: {  	v2 =	vadd.s32 $0x8E6, v0;
	v1 =	vld [tilespmem:$0x40D0];
	_ =	sdelay $0x4  }
0x1fa: {  	[tilespmem:v2+s16+$0x0] =	vst.idx.msk $0xffff, v1  }
0x1fb: {  	[tilespmem:$0x1FCB0] =	vst v2;
	v2 =	vadd.s32 $0x67, v0;
	v1 =	vld [tilespmem:$0x40E0];
	_ =	sdelay $0x4  }
0x1fc: {  	[tilespmem:v2+s16+$0x0] =	vst.idx.msk $0xffff, v1  }
0x1fd: {  	[tilespmem:$0x1FCC0] =	vst v2;
	v2 =	vadd.s32 $0x8E7, v0;
	v1 =	vld [tilespmem:$0x40F0];
	_ =	sdelay $0x4  }
0x1fe: {  	[tilespmem:v2+s16+$0x0] =	vst.idx.msk $0xffff, v1  }
0x1ff: {  	[tilespmem:$0x1FCD0] =	vst v2;
	v2 =	vadd.s32 $0x68, v0;
	v1 =	vld [tilespmem:$0x4100];
	_ =	sdelay $0x4  }
0x200: {  	[tilespmem:v2+s16+$0x0] =	vst.idx.msk $0xffff, v1  }
0x201: {  	[tilespmem:$0x1FCE0] =	vst v2;
	v2 =	vadd.s32 $0x8E8, v0;
	v1 =	vld [tilespmem:$0x4110];
	_ =	sdelay $0x4  }
0x202: {  	[tilespmem:v2+s16+$0x0] =	vst.idx.msk $0xffff, v1  }
0x203: {  	[tilespmem:$0x1FCF0] =	vst v2;
	v2 =	vadd.s32 $0x69, v0;
	v1 =	vld [tilespmem:$0x4120];
	_ =	sdelay $0x4  }
0x204: {  	[tilespmem:v2+s16+$0x0] =	vst.idx.msk $0xffff, v1  }
0x205: {  	[tilespmem:$0x1FD00] =	vst v2;
	v2 =	vadd.s32 $0x8E9, v0;
	v1 =	vld [tilespmem:$0x4130];
	_ =	sdelay $0x4  }
0x206: {  	[tilespmem:v2+s16+$0x0] =	vst.idx.msk $0xffff, v1  }
0x207: {  	[tilespmem:$0x1FD10] =	vst v2;
	v2 =	vadd.s32 $0x6A, v0;
	v1 =	vld [tilespmem:$0x4140];
	_ =	sdelay $0x4  }
0x208: {  	[tilespmem:v2+s16+$0x0] =	vst.idx.msk $0xffff, v1  }
0x209: {  	[tilespmem:$0x1FD20] =	vst v2;
	v2 =	vadd.s32 $0x8EA, v0;
	v1 =	vld [tilespmem:$0x4150];
	_ =	sdelay $0x4  }
0x20a: {  	[tilespmem:v2+s16+$0x0] =	vst.idx.msk $0xffff, v1  }
0x20b: {  	[tilespmem:$0x1FD30] =	vst v2;
	v2 =	vadd.s32 $0x6B, v0;
	v1 =	vld [tilespmem:$0x4160];
	_ =	sdelay $0x4  }
0x20c: {  	[tilespmem:v2+s16+$0x0] =	vst.idx.msk $0xffff, v1  }
0x20d: {  	[tilespmem:$0x1FD40] =	vst v2;
	v2 =	vadd.s32 $0x8EB, v0;
	v1 =	vld [tilespmem:$0x4170];
	_ =	sdelay $0x4  }
0x20e: {  	[tilespmem:v2+s16+$0x0] =	vst.idx.msk $0xffff, v1  }
0x20f: {  	[tilespmem:$0x1FD50] =	vst v2;
	v2 =	vadd.s32 $0x6C, v0;
	v1 =	vld [tilespmem:$0x4180];
	_ =	sdelay $0x4  }
0x210: {  	[tilespmem:v2+s16+$0x0] =	vst.idx.msk $0xffff, v1  }
0x211: {  	[tilespmem:$0x1FD60] =	vst v2;
	v2 =	vadd.s32 $0x8EC, v0;
	v1 =	vld [tilespmem:$0x4190];
	_ =	sdelay $0x4  }
0x212: {  	[tilespmem:v2+s16+$0x0] =	vst.idx.msk $0xffff, v1  }
0x213: {  	[tilespmem:$0x1FD70] =	vst v2;
	v2 =	vadd.s32 $0x6D, v0;
	v1 =	vld [tilespmem:$0x41A0];
	_ =	sdelay $0x4  }
0x214: {  	[tilespmem:v2+s16+$0x0] =	vst.idx.msk $0xffff, v1  }
0x215: {  	[tilespmem:$0x1FD80] =	vst v2;
	v2 =	vadd.s32 $0x8ED, v0;
	v1 =	vld [tilespmem:$0x41B0];
	_ =	sdelay $0x4  }
0x216: {  	[tilespmem:v2+s16+$0x0] =	vst.idx.msk $0xffff, v1  }
0x217: {  	[tilespmem:$0x1FD90] =	vst v2;
	v2 =	vadd.s32 $0x6E, v0;
	v1 =	vld [tilespmem:$0x41C0];
	_ =	sdelay $0x4  }
0x218: {  	[tilespmem:v2+s16+$0x0] =	vst.idx.msk $0xffff, v1  }
0x219: {  	[tilespmem:$0x1FDA0] =	vst v2;
	v2 =	vadd.s32 $0x8EE, v0;
	v1 =	vld [tilespmem:$0x41D0];
	_ =	sdelay $0x4  }
0x21a: {  	[tilespmem:v2+s16+$0x0] =	vst.idx.msk $0xffff, v1  }
0x21b: {  	[tilespmem:$0x1FDB0] =	vst v2;
	v2 =	vadd.s32 $0x6F, v0;
	v1 =	vld [tilespmem:$0x41E0];
	_ =	sdelay $0x4  }
0x21c: {  	[tilespmem:v2+s16+$0x0] =	vst.idx.msk $0xffff, v1  }
0x21d: {  	[tilespmem:$0x1FDC0] =	vst v2;
	v2 =	vadd.s32 $0x8EF, v0;
	v1 =	vld [tilespmem:$0x41F0];
	_ =	sdelay $0x4  }
0x21e: {  	[tilespmem:v2+s16+$0x0] =	vst.idx.msk $0xffff, v1  }
0x21f: {  	[tilespmem:$0x1FDD0] =	vst v2;
	v2 =	vadd.s32 $0x70, v0;
	v1 =	vld [tilespmem:$0x4200];
	_ =	sdelay $0x4  }
0x220: {  	[tilespmem:v2+s16+$0x0] =	vst.idx.msk $0xffff, v1  }
0x221: {  	[tilespmem:$0x1FDE0] =	vst v2;
	v2 =	vadd.s32 $0x8F0, v0;
	v1 =	vld [tilespmem:$0x4210];
	_ =	sdelay $0x4  }
0x222: {  	[tilespmem:v2+s16+$0x0] =	vst.idx.msk $0xffff, v1  }
0x223: {  	[tilespmem:$0x1FDF0] =	vst v2;
	v2 =	vadd.s32 $0x71, v0;
	v1 =	vld [tilespmem:$0x4220];
	_ =	sdelay $0x4  }
0x224: {  	[tilespmem:v2+s16+$0x0] =	vst.idx.msk $0xffff, v1  }
0x225: {  	[tilespmem:$0x1FE00] =	vst v2;
	v2 =	vadd.s32 $0x8F1, v0;
	v1 =	vld [tilespmem:$0x4230];
	_ =	sdelay $0x4  }
0x226: {  	[tilespmem:v2+s16+$0x0] =	vst.idx.msk $0xffff, v1  }
0x227: {  	[tilespmem:$0x1FE10] =	vst v2;
	v2 =	vadd.s32 $0x72, v0;
	v1 =	vld [tilespmem:$0x4240];
	_ =	sdelay $0x4  }
0x228: {  	[tilespmem:v2+s16+$0x0] =	vst.idx.msk $0xffff, v1  }
0x229: {  	[tilespmem:$0x1FE20] =	vst v2;
	v2 =	vadd.s32 $0x8F2, v0;
	v1 =	vld [tilespmem:$0x4250];
	_ =	sdelay $0x4  }
0x22a: {  	[tilespmem:v2+s16+$0x0] =	vst.idx.msk $0xffff, v1  }
0x22b: {  	[tilespmem:$0x1FE30] =	vst v2;
	v2 =	vadd.s32 $0x73, v0;
	v1 =	vld [tilespmem:$0x4260];
	_ =	sdelay $0x4  }
0x22c: {  	[tilespmem:v2+s16+$0x0] =	vst.idx.msk $0xffff, v1  }
0x22d: {  	[tilespmem:$0x1FE40] =	vst v2;
	v2 =	vadd.s32 $0x8F3, v0;
	v1 =	vld [tilespmem:$0x4270];
	_ =	sdelay $0x4  }
0x22e: {  	[tilespmem:v2+s16+$0x0] =	vst.idx.msk $0xffff, v1  }
0x22f: {  	[tilespmem:$0x1FE50] =	vst v2;
	v2 =	vadd.s32 $0x74, v0;
	v1 =	vld [tilespmem:$0x4280];
	_ =	sdelay $0x4  }
0x230: {  	[tilespmem:v2+s16+$0x0] =	vst.idx.msk $0xffff, v1  }
0x231: {  	[tilespmem:$0x1FE60] =	vst v2;
	v2 =	vadd.s32 $0x8F4, v0;
	v1 =	vld [tilespmem:$0x4290];
	_ =	sdelay $0x4  }
0x232: {  	[tilespmem:v2+s16+$0x0] =	vst.idx.msk $0xffff, v1  }
0x233: {  	[tilespmem:$0x1FE70] =	vst v2;
	v2 =	vadd.s32 $0x75, v0;
	v1 =	vld [tilespmem:$0x42A0];
	_ =	sdelay $0x4  }
0x234: {  	[tilespmem:v2+s16+$0x0] =	vst.idx.msk $0xffff, v1  }
0x235: {  	[tilespmem:$0x1FE80] =	vst v2;
	v2 =	vadd.s32 $0x8F5, v0;
	v1 =	vld [tilespmem:$0x42B0];
	_ =	sdelay $0x4  }
0x236: {  	[tilespmem:v2+s16+$0x0] =	vst.idx.msk $0xffff, v1  }
0x237: {  	[tilespmem:$0x1FE90] =	vst v2;
	v2 =	vadd.s32 $0x76, v0;
	v1 =	vld [tilespmem:$0x42C0];
	_ =	sdelay $0x4  }
0x238: {  	[tilespmem:v2+s16+$0x0] =	vst.idx.msk $0xffff, v1  }
0x239: {  	[tilespmem:$0x1FEA0] =	vst v2;
	v2 =	vadd.s32 $0x8F6, v0;
	v1 =	vld [tilespmem:$0x42D0];
	_ =	sdelay $0x4  }
0x23a: {  	[tilespmem:v2+s16+$0x0] =	vst.idx.msk $0xffff, v1  }
0x23b: {  	[tilespmem:$0x1FEB0] =	vst v2;
	v2 =	vadd.s32 $0x77, v0;
	v1 =	vld [tilespmem:$0x42E0];
	_ =	sdelay $0x4  }
0x23c: {  	[tilespmem:v2+s16+$0x0] =	vst.idx.msk $0xffff, v1  }
0x23d: {  	[tilespmem:$0x1FEC0] =	vst v2;
	v2 =	vadd.s32 $0x8F7, v0;
	v1 =	vld [tilespmem:$0x42F0];
	_ =	sdelay $0x4  }
0x23e: {  	[tilespmem:v2+s16+$0x0] =	vst.idx.msk $0xffff, v1  }
0x23f: {  	[tilespmem:$0x1FED0] =	vst v2;
	v2 =	vadd.s32 $0x78, v0;
	v1 =	vld [tilespmem:$0x4300];
	_ =	sdelay $0x4  }
0x240: {  	[tilespmem:v2+s16+$0x0] =	vst.idx.msk $0xffff, v1  }
0x241: {  	[tilespmem:$0x1FEE0] =	vst v2;
	v2 =	vadd.s32 $0x8F8, v0;
	v1 =	vld [tilespmem:$0x4310];
	_ =	sdelay $0x4  }
0x242: {  	[tilespmem:v2+s16+$0x0] =	vst.idx.msk $0xffff, v1  }
0x243: {  	[tilespmem:$0x1FEF0] =	vst v2;
	v2 =	vadd.s32 $0x79, v0;
	v1 =	vld [tilespmem:$0x4320];
	_ =	sdelay $0x4  }
0x244: {  	[tilespmem:v2+s16+$0x0] =	vst.idx.msk $0xffff, v1  }
0x245: {  	[tilespmem:$0x1FF00] =	vst v2;
	v2 =	vadd.s32 $0x8F9, v0;
	v1 =	vld [tilespmem:$0x4330];
	_ =	sdelay $0x4  }
0x246: {  	[tilespmem:v2+s16+$0x0] =	vst.idx.msk $0xffff, v1  }
0x247: {  	[tilespmem:$0x1FF10] =	vst v2;
	v2 =	vadd.s32 $0x7A, v0;
	v1 =	vld [tilespmem:$0x4340];
	_ =	sdelay $0x4  }
0x248: {  	[tilespmem:v2+s16+$0x0] =	vst.idx.msk $0xffff, v1  }
0x249: {  	[tilespmem:$0x1FF20] =	vst v2;
	v2 =	vadd.s32 $0x8FA, v0;
	v1 =	vld [tilespmem:$0x4350];
	_ =	sdelay $0x4  }
0x24a: {  	[tilespmem:v2+s16+$0x0] =	vst.idx.msk $0xffff, v1  }
0x24b: {  	[tilespmem:$0x1FF30] =	vst v2;
	v2 =	vadd.s32 $0x7B, v0;
	v1 =	vld [tilespmem:$0x4360];
	_ =	sdelay $0x4  }
0x24c: {  	[tilespmem:v2+s16+$0x0] =	vst.idx.msk $0xffff, v1  }
0x24d: {  	[tilespmem:$0x1FF40] =	vst v2;
	v2 =	vadd.s32 $0x8FB, v0;
	v1 =	vld [tilespmem:$0x4370];
	_ =	sdelay $0x4  }
0x24e: {  	[tilespmem:v2+s16+$0x0] =	vst.idx.msk $0xffff, v1  }
0x24f: {  	[tilespmem:$0x1FF50] =	vst v2;
	v2 =	vadd.s32 $0x7C, v0;
	v1 =	vld [tilespmem:$0x4380];
	_ =	sdelay $0x4  }
0x250: {  	[tilespmem:v2+s16+$0x0] =	vst.idx.msk $0xffff, v1  }
0x251: {  	[tilespmem:$0x1FF60] =	vst v2;
	v2 =	vadd.s32 $0x8FC, v0;
	v1 =	vld [tilespmem:$0x4390];
	_ =	sdelay $0x4  }
0x252: {  	[tilespmem:v2+s16+$0x0] =	vst.idx.msk $0xffff, v1  }
0x253: {  	[tilespmem:$0x1FF70] =	vst v2;
	v2 =	vadd.s32 $0x7D, v0;
	v1 =	vld [tilespmem:$0x43A0];
	_ =	sdelay $0x4  }
0x254: {  	[tilespmem:v2+s16+$0x0] =	vst.idx.msk $0xffff, v1  }
0x255: {  	[tilespmem:$0x1FF80] =	vst v2;
	v2 =	vadd.s32 $0x8FD, v0;
	v1 =	vld [tilespmem:$0x43B0];
	_ =	sdelay $0x4  }
0x256: {  	[tilespmem:v2+s16+$0x0] =	vst.idx.msk $0xffff, v1  }
0x257: {  	[tilespmem:$0x1FF90] =	vst v2;
	v2 =	vadd.s32 $0x7E, v0;
	v1 =	vld [tilespmem:$0x43C0];
	_ =	sdelay $0x4  }
0x258: {  	[tilespmem:v2+s16+$0x0] =	vst.idx.msk $0xffff, v1  }
0x259: {  	[tilespmem:$0x1FFA0] =	vst v2;
	v2 =	vadd.s32 $0x8FE, v0;
	v1 =	vld [tilespmem:$0x43D0];
	_ =	sdelay $0x4  }
0x25a: {  	[tilespmem:v2+s16+$0x0] =	vst.idx.msk $0xffff, v1  }
0x25b: {  	[tilespmem:$0x1FFB0] =	vst v2;
	v2 =	vadd.s32 $0x7F, v0;
	v1 =	vld [tilespmem:$0x43E0];
	_ =	sdelay $0x4  }
0x25c: {  	[tilespmem:v2+s16+$0x0] =	vst.idx.msk $0xffff, v1  }
0x25d: {  	[tilespmem:$0x1FFC0] =	vst v2;
	v2 =	vadd.s32 $0x8FF, v0;
	v1 =	vld [tilespmem:$0x43F0];
	_ =	sdelay $0x2  }
0x25e: {  	p1 =	seq.s32 s23, $0xCC00;
	s1 =	sand.u32 $0x3F00, s22;
	s26 =	rddreg [dreg:$0x3]  }
0x25f: {  	s25 =	simm.s32 @!p1 $0x80;
	s24 =	sshra.s32 @!p1 s23, $0x2;
	s26 =	sadd.s32 s23, s26  }
0x260: {  	s29 =	simm.s32 @!p1 $0x3400;
	s28 =	sadd.s32 @!p1 $0x100, s24;
	s31 =	sand.u32 $0xFFF0000, s26;
	[tilespmem:v2+s16+$0x0] =	vst.idx.msk $0xffff, v1  }
0x261: {  	[tilespmem:s29], [sflag:$0x1] =	stream.indirect.gather @!p1 [hbm4b:s4+s25], $0x20, s28, s25, $0xb8;
	[tilespmem:$0x7600] =	vst v63  }
0x262: {  	s28 =	sor.u32 s1, s31  }
0x263: {  	s30 =	rddreg [dreg:$0x4];
	s29 =	sadd.s32 s2, s28  }
0x264: {  	[hbm4b:s29+s3] =	stream.linear.scatter [tilespmem:s16], [sflag:$0x3], $0x80, $0x38;
	[tilespmem:$0x7600] =	vst v63  }
0x265: {  	s1 =	rddreg [dreg:$0x5];
	s31 =	sadd.s32 $0x10, s29  }
0x266: {  	[hbm4b:s31+s3] =	stream.linear.scatter [tilespmem:s30], [sflag:$0x3], $0x80, $0x38;
	[tilespmem:$0x7600] =	vst v63  }
0x267: {  	s30 =	sadd.s32 $0x20, s29;
	s31 =	rddreg [dreg:$0x6]  }
0x268: {  	[hbm4b:s30+s3] =	stream.linear.scatter [tilespmem:s1], [sflag:$0x3], $0x80, $0x38;
	[tilespmem:$0x7600] =	vst v63  }
0x269: {  	s1 =	sadd.s32 $0x30, s29;
	s30 =	rddreg [dreg:$0x7]  }
0x26a: {  	[hbm4b:s1+s3] =	stream.linear.scatter [tilespmem:s31], [sflag:$0x3], $0x80, $0x38;
	[tilespmem:$0x7600] =	vst v63  }
0x26b: {  	s1 =	sadd.s32 $0x40, s29;
	s31 =	rddreg [dreg:$0x8]  }
0x26c: {  	[hbm4b:s1+s3] =	stream.linear.scatter [tilespmem:s30], [sflag:$0x3], $0x80, $0x38;
	[tilespmem:$0x7600] =	vst v63  }
0x26d: {  	s1 =	sadd.s32 $0x50, s29;
	s30 =	rddreg [dreg:$0x9]  }
0x26e: {  	[hbm4b:s1+s3] =	stream.linear.scatter [tilespmem:s31], [sflag:$0x3], $0x80, $0x38;
	[tilespmem:$0x7600] =	vst v63  }
0x26f: {  	s1 =	sadd.s32 $0x60, s29;
	s31 =	rddreg [dreg:$0xa]  }
0x270: {  	[hbm4b:s1+s3] =	stream.linear.scatter [tilespmem:s30], [sflag:$0x3], $0x80, $0x38;
	[tilespmem:$0x7600] =	vst v63  }
0x271: {  	s30 =	sadd.s32 $0x70, s29;
	s29 =	rddreg [dreg:$0xb]  }
0x272: {  	[hbm4b:s30+s3] =	stream.linear.scatter [tilespmem:s31], [sflag:$0x3], $0x80, $0x38;
	[tilespmem:$0x7600] =	vst v63  }
0x273: {  	s1 =	sadd.s32 s28, s6;
	s30 =	rddreg [dreg:$0xc]  }
0x274: {  	[hbm4b:s1+s3] =	stream.linear.scatter [tilespmem:s29], [sflag:$0x3], $0x80, $0x38;
	[tilespmem:$0x7600] =	vst v63  }
0x275: {  	s31 =	rddreg [dreg:$0xd];
	s29 =	sadd.s32 $0x10, s1  }
0x276: {  	[hbm4b:s29+s3] =	stream.linear.scatter [tilespmem:s30], [sflag:$0x3], $0x80, $0x38;
	[tilespmem:$0x7600] =	vst v63  }
0x277: {  	s29 =	sadd.s32 $0x20, s1;
	s30 =	rddreg [dreg:$0xe]  }
0x278: {  	[hbm4b:s29+s3] =	stream.linear.scatter [tilespmem:s31], [sflag:$0x3], $0x80, $0x38;
	[tilespmem:$0x7600] =	vst v63  }
0x279: {  	s29 =	sadd.s32 $0x30, s1;
	s31 =	rddreg [dreg:$0xf]  }
0x27a: {  	[hbm4b:s29+s3] =	stream.linear.scatter [tilespmem:s30], [sflag:$0x3], $0x80, $0x38;
	[tilespmem:$0x7600] =	vst v63  }
0x27b: {  	s29 =	sadd.s32 $0x40, s1;
	s30 =	rddreg [dreg:$0x10]  }
0x27c: {  	[hbm4b:s29+s3] =	stream.linear.scatter [tilespmem:s31], [sflag:$0x3], $0x80, $0x38;
	[tilespmem:$0x7600] =	vst v63  }
0x27d: {  	s29 =	sadd.s32 $0x50, s1;
	s31 =	rddreg [dreg:$0x11]  }
0x27e: {  	[hbm4b:s29+s3] =	stream.linear.scatter [tilespmem:s30], [sflag:$0x3], $0x80, $0x38;
	[tilespmem:$0x7600] =	vst v63  }
0x27f: {  	s29 =	sadd.s32 $0x60, s1;
	s30 =	rddreg [dreg:$0x12]  }
0x280: {  	[hbm4b:s29+s3] =	stream.linear.scatter [tilespmem:s31], [sflag:$0x3], $0x80, $0x38;
	[tilespmem:$0x7600] =	vst v63  }
0x281: {  	s1 =	sadd.s32 $0x70, s1;
	s31 =	rddreg [dreg:$0x13]  }
0x282: {  	[hbm4b:s1+s3] =	stream.linear.scatter [tilespmem:s30], [sflag:$0x3], $0x80, $0x38;
	[tilespmem:$0x7600] =	vst v63  }
0x283: {  	s1 =	sadd.s32 s28, s7;
	s30 =	rddreg [dreg:$0x14]  }
0x284: {  	[hbm4b:s1+s3] =	stream.linear.scatter [tilespmem:s31], [sflag:$0x3], $0x80, $0x38;
	[tilespmem:$0x7600] =	vst v63  }
0x285: {  	s29 =	sadd.s32 $0x10, s1;
	s31 =	rddreg [dreg:$0x15]  }
0x286: {  	[hbm4b:s29+s3] =	stream.linear.scatter [tilespmem:s30], [sflag:$0x3], $0x80, $0x38;
	[tilespmem:$0x7600] =	vst v63  }
0x287: {  	s29 =	sadd.s32 $0x20, s1;
	s30 =	rddreg [dreg:$0x16]  }
0x288: {  	[hbm4b:s29+s3] =	stream.linear.scatter [tilespmem:s31], [sflag:$0x3], $0x80, $0x38;
	[tilespmem:$0x7600] =	vst v63  }
0x289: {  	s29 =	sadd.s32 $0x30, s1;
	s31 =	rddreg [dreg:$0x17]  }
0x28a: {  	[hbm4b:s29+s3] =	stream.linear.scatter [tilespmem:s30], [sflag:$0x3], $0x80, $0x38;
	[tilespmem:$0x7600] =	vst v63  }
0x28b: {  	s29 =	sadd.s32 $0x40, s1;
	s30 =	rddreg [dreg:$0x18]  }
0x28c: {  	[hbm4b:s29+s3] =	stream.linear.scatter [tilespmem:s31], [sflag:$0x3], $0x80, $0x38;
	[tilespmem:$0x7600] =	vst v63  }
0x28d: {  	s29 =	sadd.s32 $0x50, s1;
	s31 =	rddreg [dreg:$0x19]  }
0x28e: {  	[hbm4b:s29+s3] =	stream.linear.scatter [tilespmem:s30], [sflag:$0x3], $0x80, $0x38;
	[tilespmem:$0x7600] =	vst v63  }
0x28f: {  	s29 =	sadd.s32 $0x60, s1;
	s30 =	rddreg [dreg:$0x1a]  }
0x290: {  	[hbm4b:s29+s3] =	stream.linear.scatter [tilespmem:s31], [sflag:$0x3], $0x80, $0x38;
	[tilespmem:$0x7600] =	vst v63  }
0x291: {  	s1 =	sadd.s32 $0x70, s1;
	s31 =	rddreg [dreg:$0x1b]  }
0x292: {  	[hbm4b:s1+s3] =	stream.linear.scatter [tilespmem:s30], [sflag:$0x3], $0x80, $0x38;
	[tilespmem:$0x7600] =	vst v63  }
0x293: {  	s29 =	rddreg [dreg:$0x1e];
	s1 =	sadd.s32 s28, s8  }
0x294: {  	[hbm4b:s1+s3] =	stream.linear.scatter [tilespmem:s31], [sflag:$0x3], $0x80, $0x38;
	[tilespmem:$0x7600] =	vst v63  }
0x295: {  	s28 =	rddreg [dreg:$0x1c];
	s31 =	sadd.s32 $0x10, s1  }
0x296: {  	[hbm4b:s31+s3] =	stream.linear.scatter [tilespmem:s28], [sflag:$0x3], $0x80, $0x38;
	[tilespmem:$0x7600] =	vst v63  }
0x297: {  	s30 =	rddreg [dreg:$0x1d];
	s31 =	sadd.s32 $0x20, s1  }
0x298: {  	[hbm4b:s31+s3] =	stream.linear.scatter [tilespmem:s30], [sflag:$0x3], $0x80, $0x38;
	[tilespmem:$0x7600] =	vst v63  }
0x299: {  	s31 =	sadd.s32 $0x30, s1;
	s30 =	rddreg [dreg:$0x1f]  }
0x29a: {  	[hbm4b:s31+s3] =	stream.linear.scatter [tilespmem:s29], [sflag:$0x3], $0x80, $0x38;
	[tilespmem:$0x7600] =	vst v63  }
0x29b: {  	s31 =	sadd.s32 $0x40, s1;
	s29 =	sld [smem:$0x7DC]  }
0x29c: {  	[hbm4b:s31+s3] =	stream.linear.scatter [tilespmem:s30], [sflag:$0x3], $0x80, $0x38;
	[tilespmem:$0x7600] =	vst v63  }
0x29d: {  	s31 =	sadd.s32 $0x50, s1;
	s30 =	sld [smem:$0x7DD]  }
0x29e: {  	[hbm4b:s31+s3] =	stream.linear.scatter [tilespmem:s29], [sflag:$0x3], $0x80, $0x38;
	[tilespmem:$0x7600] =	vst v63  }
0x29f: {  	s28 =	sadd.s32 $0x60, s1;
	s31 =	sld [smem:$0x7DE]  }
0x2a0: {  	[hbm4b:s28+s3] =	stream.linear.scatter [tilespmem:s30], [sflag:$0x3], $0x80, $0x38;
	[tilespmem:$0x7600] =	vst v63  }
0x2a1: {  	[tilespmem:$0x1FFD0] =	vst v2;
	s1 =	sadd.s32 $0x70, s1  }
0x2a2: {  	[hbm4b:s1+s3] =	stream.linear.scatter [tilespmem:s31], [sflag:$0x3], $0x80, $0x38;
	[tilespmem:$0x7600] =	vst v63  }
0x2a3: {  	_ =	swait.ge [sflag:s17], $0x1000  }
0x2a4: {  	[sflag:s17] =	ssyncset.done $0x0  }
0x2a5: {  	s1 =	simm.s32 @!p0 $0x4;
	[sflag:s17] =	ssyncadd.s32 $0xFFFFF000  }
0x2a6: {  	_ =	swait.ge @!p0 [sflag:s1], $0x400  }
0x2a7: {  	[sflag:s1] =	ssyncset.done @!p0 $0x0  }
0x2a8: {  	[sflag:s1] =	ssyncadd.s32 @!p0 $0xFFFFFC00  }
0x2a9: {  	_ =	swait.ge @!p0 [sflag:s1], $0x400  }
0x2aa: {  	[sflag:s1] =	ssyncset.done @!p0 $0x0  }
0x2ab: {  	[sflag:s1] =	ssyncadd.s32 @!p0 $0xFFFFFC00  }
0x2ac: {  	_ =	swait.ge @!p0 [sflag:s1], $0x400  }
0x2ad: {  	[sflag:s1] =	ssyncset.done @!p0 $0x0  }
0x2ae: {  	[sflag:s1] =	ssyncadd.s32 @!p0 $0xFFFFFC00  }
0x2af: {  	_ =	swait.ge @!p0 [sflag:s1], $0x400  }
0x2b0: {  	[sflag:s1] =	ssyncset.done @!p0 $0x0  }
0x2b1: {  	[sflag:s1] =	ssyncadd.s32 @!p0 $0xFFFFFC00  }
0x2b2: {  	v1 =	vld [tilespmem:$0x4400];
	_ =	sdelay $0x2  }
0x2b3: {  	v2 =	vld [tilespmem:$0x1FFF0];
	_ =	sdelay $0x1  }
0x2b4: {  	[tilespmem:v0+s18+$0x0] =	vst.idx.msk $0xffff, v1  }
0x2b5: {  	v1 =	vld [tilespmem:$0x4410];
	_ =	sdelay $0x4  }
0x2b6: {  	[tilespmem:v2+s18+$0x0] =	vst.idx.msk $0xffff, v1  }
0x2b7: {  	v1 =	vld [tilespmem:$0x4420];
	_ =	sdelay $0x4  }
0x2b8: {  	[tilespmem:v3+s18+$0x0] =	vst.idx.msk $0xffff, v1  }
0x2b9: {  	v1 =	vld [tilespmem:$0x4430];
	_ =	sdelay $0x4  }
0x2ba: {  	[tilespmem:v4+s18+$0x0] =	vst.idx.msk $0xffff, v1  }
0x2bb: {  	v1 =	vld [tilespmem:$0x4440];
	_ =	sdelay $0x4  }
0x2bc: {  	[tilespmem:v5+s18+$0x0] =	vst.idx.msk $0xffff, v1  }
0x2bd: {  	v1 =	vld [tilespmem:$0x4450];
	_ =	sdelay $0x4  }
0x2be: {  	[tilespmem:v6+s18+$0x0] =	vst.idx.msk $0xffff, v1  }
0x2bf: {  	v1 =	vld [tilespmem:$0x4460];
	_ =	sdelay $0x4  }
0x2c0: {  	[tilespmem:v7+s18+$0x0] =	vst.idx.msk $0xffff, v1  }
0x2c1: {  	v1 =	vld [tilespmem:$0x4470];
	_ =	sdelay $0x4  }
0x2c2: {  	[tilespmem:v8+s18+$0x0] =	vst.idx.msk $0xffff, v1  }
0x2c3: {  	v1 =	vld [tilespmem:$0x4480];
	_ =	sdelay $0x4  }
0x2c4: {  	[tilespmem:v9+s18+$0x0] =	vst.idx.msk $0xffff, v1  }
0x2c5: {  	v1 =	vld [tilespmem:$0x4490];
	_ =	sdelay $0x4  }
0x2c6: {  	[tilespmem:v10+s18+$0x0] =	vst.idx.msk $0xffff, v1  }
0x2c7: {  	v1 =	vld [tilespmem:$0x44A0];
	_ =	sdelay $0x4  }
0x2c8: {  	[tilespmem:v11+s18+$0x0] =	vst.idx.msk $0xffff, v1  }
0x2c9: {  	v1 =	vld [tilespmem:$0x44B0];
	_ =	sdelay $0x4  }
0x2ca: {  	[tilespmem:v12+s18+$0x0] =	vst.idx.msk $0xffff, v1  }
0x2cb: {  	v1 =	vld [tilespmem:$0x44C0];
	_ =	sdelay $0x4  }
0x2cc: {  	[tilespmem:v13+s18+$0x0] =	vst.idx.msk $0xffff, v1  }
0x2cd: {  	v1 =	vld [tilespmem:$0x44D0];
	_ =	sdelay $0x4  }
0x2ce: {  	[tilespmem:v14+s18+$0x0] =	vst.idx.msk $0xffff, v1  }
0x2cf: {  	v1 =	vld [tilespmem:$0x44E0];
	_ =	sdelay $0x4  }
0x2d0: {  	[tilespmem:v15+s18+$0x0] =	vst.idx.msk $0xffff, v1  }
0x2d1: {  	v1 =	vld [tilespmem:$0x44F0];
	_ =	sdelay $0x4  }
0x2d2: {  	[tilespmem:v16+s18+$0x0] =	vst.idx.msk $0xffff, v1  }
0x2d3: {  	v1 =	vld [tilespmem:$0x4500];
	_ =	sdelay $0x4  }
0x2d4: {  	[tilespmem:v17+s18+$0x0] =	vst.idx.msk $0xffff, v1  }
0x2d5: {  	v1 =	vld [tilespmem:$0x4510];
	_ =	sdelay $0x4  }
0x2d6: {  	[tilespmem:v18+s18+$0x0] =	vst.idx.msk $0xffff, v1  }
0x2d7: {  	v1 =	vld [tilespmem:$0x4520];
	_ =	sdelay $0x4  }
0x2d8: {  	[tilespmem:v19+s18+$0x0] =	vst.idx.msk $0xffff, v1  }
0x2d9: {  	v1 =	vld [tilespmem:$0x4530];
	_ =	sdelay $0x4  }
0x2da: {  	[tilespmem:v20+s18+$0x0] =	vst.idx.msk $0xffff, v1  }
0x2db: {  	v1 =	vld [tilespmem:$0x4540];
	_ =	sdelay $0x4  }
0x2dc: {  	[tilespmem:v21+s18+$0x0] =	vst.idx.msk $0xffff, v1  }
0x2dd: {  	v1 =	vld [tilespmem:$0x4550];
	_ =	sdelay $0x4  }
0x2de: {  	[tilespmem:v22+s18+$0x0] =	vst.idx.msk $0xffff, v1  }
0x2df: {  	v1 =	vld [tilespmem:$0x4560];
	_ =	sdelay $0x4  }
0x2e0: {  	[tilespmem:v23+s18+$0x0] =	vst.idx.msk $0xffff, v1  }
0x2e1: {  	v1 =	vld [tilespmem:$0x4570];
	_ =	sdelay $0x4  }
0x2e2: {  	[tilespmem:v24+s18+$0x0] =	vst.idx.msk $0xffff, v1  }
0x2e3: {  	v1 =	vld [tilespmem:$0x4580];
	_ =	sdelay $0x4  }
0x2e4: {  	[tilespmem:v25+s18+$0x0] =	vst.idx.msk $0xffff, v1  }
0x2e5: {  	v1 =	vld [tilespmem:$0x4590];
	_ =	sdelay $0x4  }
0x2e6: {  	[tilespmem:v26+s18+$0x0] =	vst.idx.msk $0xffff, v1  }
0x2e7: {  	v1 =	vld [tilespmem:$0x45A0];
	_ =	sdelay $0x4  }
0x2e8: {  	[tilespmem:v27+s18+$0x0] =	vst.idx.msk $0xffff, v1  }
0x2e9: {  	v1 =	vld [tilespmem:$0x45B0];
	_ =	sdelay $0x4  }
0x2ea: {  	[tilespmem:v28+s18+$0x0] =	vst.idx.msk $0xffff, v1  }
0x2eb: {  	v1 =	vld [tilespmem:$0x45C0];
	_ =	sdelay $0x4  }
0x2ec: {  	[tilespmem:v29+s18+$0x0] =	vst.idx.msk $0xffff, v1  }
0x2ed: {  	v1 =	vld [tilespmem:$0x45D0];
	_ =	sdelay $0x4  }
0x2ee: {  	[tilespmem:v30+s18+$0x0] =	vst.idx.msk $0xffff, v1  }
0x2ef: {  	v1 =	vld [tilespmem:$0x45E0];
	_ =	sdelay $0x4  }
0x2f0: {  	[tilespmem:v31+s18+$0x0] =	vst.idx.msk $0xffff, v1  }
0x2f1: {  	v1 =	vld [tilespmem:$0x45F0];
	_ =	sdelay $0x4  }
0x2f2: {  	[tilespmem:v32+s18+$0x0] =	vst.idx.msk $0xffff, v1  }
0x2f3: {  	v1 =	vld [tilespmem:$0x4600];
	_ =	sdelay $0x4  }
0x2f4: {  	[tilespmem:v33+s18+$0x0] =	vst.idx.msk $0xffff, v1  }
0x2f5: {  	v1 =	vld [tilespmem:$0x4610];
	_ =	sdelay $0x4  }
0x2f6: {  	[tilespmem:v34+s18+$0x0] =	vst.idx.msk $0xffff, v1  }
0x2f7: {  	v1 =	vld [tilespmem:$0x4620];
	_ =	sdelay $0x4  }
0x2f8: {  	[tilespmem:v35+s18+$0x0] =	vst.idx.msk $0xffff, v1  }
0x2f9: {  	v1 =	vld [tilespmem:$0x4630];
	_ =	sdelay $0x4  }
0x2fa: {  	[tilespmem:v36+s18+$0x0] =	vst.idx.msk $0xffff, v1  }
0x2fb: {  	v1 =	vld [tilespmem:$0x4640];
	_ =	sdelay $0x4  }
0x2fc: {  	[tilespmem:v37+s18+$0x0] =	vst.idx.msk $0xffff, v1  }
0x2fd: {  	v1 =	vld [tilespmem:$0x4650];
	_ =	sdelay $0x4  }
0x2fe: {  	[tilespmem:v38+s18+$0x0] =	vst.idx.msk $0xffff, v1  }
0x2ff: {  	v1 =	vld [tilespmem:$0x4660];
	_ =	sdelay $0x4  }
0x300: {  	[tilespmem:v39+s18+$0x0] =	vst.idx.msk $0xffff, v1  }
0x301: {  	v1 =	vld [tilespmem:$0x4670];
	_ =	sdelay $0x4  }
0x302: {  	[tilespmem:v40+s18+$0x0] =	vst.idx.msk $0xffff, v1  }
0x303: {  	v1 =	vld [tilespmem:$0x4680];
	_ =	sdelay $0x4  }
0x304: {  	[tilespmem:v41+s18+$0x0] =	vst.idx.msk $0xffff, v1  }
0x305: {  	v1 =	vld [tilespmem:$0x4690];
	_ =	sdelay $0x4  }
0x306: {  	[tilespmem:v42+s18+$0x0] =	vst.idx.msk $0xffff, v1  }
0x307: {  	v1 =	vld [tilespmem:$0x46A0];
	_ =	sdelay $0x4  }
0x308: {  	[tilespmem:v43+s18+$0x0] =	vst.idx.msk $0xffff, v1  }
0x309: {  	v1 =	vld [tilespmem:$0x46B0];
	_ =	sdelay $0x4  }
0x30a: {  	[tilespmem:v44+s18+$0x0] =	vst.idx.msk $0xffff, v1  }
0x30b: {  	v1 =	vld [tilespmem:$0x46C0];
	_ =	sdelay $0x4  }
0x30c: {  	[tilespmem:v45+s18+$0x0] =	vst.idx.msk $0xffff, v1  }
0x30d: {  	v1 =	vld [tilespmem:$0x46D0];
	_ =	sdelay $0x4  }
0x30e: {  	[tilespmem:v46+s18+$0x0] =	vst.idx.msk $0xffff, v1  }
0x30f: {  	v1 =	vld [tilespmem:$0x46E0];
	_ =	sdelay $0x4  }
0x310: {  	[tilespmem:v47+s18+$0x0] =	vst.idx.msk $0xffff, v1  }
0x311: {  	v1 =	vld [tilespmem:$0x46F0];
	_ =	sdelay $0x4  }
0x312: {  	[tilespmem:v48+s18+$0x0] =	vst.idx.msk $0xffff, v1  }
0x313: {  	v1 =	vld [tilespmem:$0x4700];
	_ =	sdelay $0x4  }
0x314: {  	[tilespmem:v49+s18+$0x0] =	vst.idx.msk $0xffff, v1  }
0x315: {  	v1 =	vld [tilespmem:$0x4710];
	_ =	sdelay $0x4  }
0x316: {  	[tilespmem:v50+s18+$0x0] =	vst.idx.msk $0xffff, v1  }
0x317: {  	v1 =	vld [tilespmem:$0x4720];
	_ =	sdelay $0x4  }
0x318: {  	[tilespmem:v51+s18+$0x0] =	vst.idx.msk $0xffff, v1  }
0x319: {  	v1 =	vld [tilespmem:$0x4730];
	_ =	sdelay $0x4  }
0x31a: {  	[tilespmem:v52+s18+$0x0] =	vst.idx.msk $0xffff, v1  }
0x31b: {  	v1 =	vld [tilespmem:$0x4740];
	_ =	sdelay $0x4  }
0x31c: {  	[tilespmem:v53+s18+$0x0] =	vst.idx.msk $0xffff, v1  }
0x31d: {  	v1 =	vld [tilespmem:$0x4750];
	_ =	sdelay $0x4  }
0x31e: {  	[tilespmem:v54+s18+$0x0] =	vst.idx.msk $0xffff, v1  }
0x31f: {  	v1 =	vld [tilespmem:$0x4760];
	_ =	sdelay $0x4  }
0x320: {  	[tilespmem:v55+s18+$0x0] =	vst.idx.msk $0xffff, v1  }
0x321: {  	v1 =	vld [tilespmem:$0x4770];
	_ =	sdelay $0x4  }
0x322: {  	[tilespmem:v56+s18+$0x0] =	vst.idx.msk $0xffff, v1  }
0x323: {  	v1 =	vld [tilespmem:$0x4780];
	_ =	sdelay $0x4  }
0x324: {  	[tilespmem:v57+s18+$0x0] =	vst.idx.msk $0xffff, v1  }
0x325: {  	v1 =	vld [tilespmem:$0x4790];
	_ =	sdelay $0x4  }
0x326: {  	[tilespmem:v58+s18+$0x0] =	vst.idx.msk $0xffff, v1  }
0x327: {  	v1 =	vld [tilespmem:$0x47A0];
	_ =	sdelay $0x4  }
0x328: {  	[tilespmem:v59+s18+$0x0] =	vst.idx.msk $0xffff, v1  }
0x329: {  	v1 =	vld [tilespmem:$0x47B0];
	_ =	sdelay $0x4  }
0x32a: {  	[tilespmem:v60+s18+$0x0] =	vst.idx.msk $0xffff, v1  }
0x32b: {  	v1 =	vld [tilespmem:$0x47C0];
	_ =	sdelay $0x4  }
0x32c: {  	[tilespmem:v61+s18+$0x0] =	vst.idx.msk $0xffff, v1  }
0x32d: {  	v1 =	vld [tilespmem:$0x47D0];
	_ =	sdelay $0x4  }
0x32e: {  	[tilespmem:v62+s18+$0x0] =	vst.idx.msk $0xffff, v1  }
0x32f: {  	v1 =	vld [tilespmem:$0x47E0];
	_ =	sdelay $0x2  }
0x330: {  	v2 =	vld [tilespmem:$0x1FFE0];
	_ =	sdelay $0x1  }
0x331: {  	[tilespmem:v63+s18+$0x0] =	vst.idx.msk $0xffff, v1  }
0x332: {  	v1 =	vld [tilespmem:$0x47F0];
	_ =	sdelay $0x4  }
0x333: {  	[tilespmem:v2+s18+$0x0] =	vst.idx.msk $0xffff, v1;
	v2 =	vld [tilespmem:$0x1F3E0];
	_ =	sdelay $0x2  }
0x334: {  	v1 =	vld [tilespmem:$0x4800];
	_ =	sdelay $0x4  }
0x335: {  	[tilespmem:v2+s18+$0x0] =	vst.idx.msk $0xffff, v1;
	v2 =	vld [tilespmem:$0x1F3F0];
	_ =	sdelay $0x2  }
0x336: {  	v1 =	vld [tilespmem:$0x4810];
	_ =	sdelay $0x4  }
0x337: {  	[tilespmem:v2+s18+$0x0] =	vst.idx.msk $0xffff, v1;
	v2 =	vld [tilespmem:$0x1F400];
	_ =	sdelay $0x2  }
0x338: {  	v1 =	vld [tilespmem:$0x4820];
	_ =	sdelay $0x4  }
0x339: {  	[tilespmem:v2+s18+$0x0] =	vst.idx.msk $0xffff, v1;
	v2 =	vld [tilespmem:$0x1F410];
	_ =	sdelay $0x2  }
0x33a: {  	v1 =	vld [tilespmem:$0x4830];
	_ =	sdelay $0x4  }
0x33b: {  	[tilespmem:v2+s18+$0x0] =	vst.idx.msk $0xffff, v1;
	v2 =	vld [tilespmem:$0x1F420];
	_ =	sdelay $0x2  }
0x33c: {  	v1 =	vld [tilespmem:$0x4840];
	_ =	sdelay $0x4  }
0x33d: {  	[tilespmem:v2+s18+$0x0] =	vst.idx.msk $0xffff, v1;
	v2 =	vld [tilespmem:$0x1F430];
	_ =	sdelay $0x2  }
0x33e: {  	v1 =	vld [tilespmem:$0x4850];
	_ =	sdelay $0x4  }
0x33f: {  	[tilespmem:v2+s18+$0x0] =	vst.idx.msk $0xffff, v1;
	v2 =	vld [tilespmem:$0x1F440];
	_ =	sdelay $0x2  }
0x340: {  	v1 =	vld [tilespmem:$0x4860];
	_ =	sdelay $0x4  }
0x341: {  	[tilespmem:v2+s18+$0x0] =	vst.idx.msk $0xffff, v1;
	v2 =	vld [tilespmem:$0x1F450];
	_ =	sdelay $0x2  }
0x342: {  	v1 =	vld [tilespmem:$0x4870];
	_ =	sdelay $0x4  }
0x343: {  	[tilespmem:v2+s18+$0x0] =	vst.idx.msk $0xffff, v1;
	v2 =	vld [tilespmem:$0x1F460];
	_ =	sdelay $0x2  }
0x344: {  	v1 =	vld [tilespmem:$0x4880];
	_ =	sdelay $0x4  }
0x345: {  	[tilespmem:v2+s18+$0x0] =	vst.idx.msk $0xffff, v1;
	v2 =	vld [tilespmem:$0x1F470];
	_ =	sdelay $0x2  }
0x346: {  	v1 =	vld [tilespmem:$0x4890];
	_ =	sdelay $0x4  }
0x347: {  	[tilespmem:v2+s18+$0x0] =	vst.idx.msk $0xffff, v1;
	v2 =	vld [tilespmem:$0x1F480];
	_ =	sdelay $0x2  }
0x348: {  	v1 =	vld [tilespmem:$0x48A0];
	_ =	sdelay $0x4  }
0x349: {  	[tilespmem:v2+s18+$0x0] =	vst.idx.msk $0xffff, v1;
	v2 =	vld [tilespmem:$0x1F490];
	_ =	sdelay $0x2  }
0x34a: {  	v1 =	vld [tilespmem:$0x48B0];
	_ =	sdelay $0x4  }
0x34b: {  	[tilespmem:v2+s18+$0x0] =	vst.idx.msk $0xffff, v1;
	v2 =	vld [tilespmem:$0x1F4A0];
	_ =	sdelay $0x2  }
0x34c: {  	v1 =	vld [tilespmem:$0x48C0];
	_ =	sdelay $0x4  }
0x34d: {  	[tilespmem:v2+s18+$0x0] =	vst.idx.msk $0xffff, v1;
	v2 =	vld [tilespmem:$0x1F4B0];
	_ =	sdelay $0x2  }
0x34e: {  	v1 =	vld [tilespmem:$0x48D0];
	_ =	sdelay $0x4  }
0x34f: {  	[tilespmem:v2+s18+$0x0] =	vst.idx.msk $0xffff, v1;
	v2 =	vld [tilespmem:$0x1F4C0];
	_ =	sdelay $0x2  }
0x350: {  	v1 =	vld [tilespmem:$0x48E0];
	_ =	sdelay $0x4  }
0x351: {  	[tilespmem:v2+s18+$0x0] =	vst.idx.msk $0xffff, v1;
	v2 =	vld [tilespmem:$0x1F4D0];
	_ =	sdelay $0x2  }
0x352: {  	v1 =	vld [tilespmem:$0x48F0];
	_ =	sdelay $0x4  }
0x353: {  	[tilespmem:v2+s18+$0x0] =	vst.idx.msk $0xffff, v1;
	v2 =	vld [tilespmem:$0x1F4E0];
	_ =	sdelay $0x2  }
0x354: {  	v1 =	vld [tilespmem:$0x4900];
	_ =	sdelay $0x4  }
0x355: {  	[tilespmem:v2+s18+$0x0] =	vst.idx.msk $0xffff, v1;
	v2 =	vld [tilespmem:$0x1F4F0];
	_ =	sdelay $0x2  }
0x356: {  	v1 =	vld [tilespmem:$0x4910];
	_ =	sdelay $0x4  }
0x357: {  	[tilespmem:v2+s18+$0x0] =	vst.idx.msk $0xffff, v1;
	v2 =	vld [tilespmem:$0x1F500];
	_ =	sdelay $0x2  }
0x358: {  	v1 =	vld [tilespmem:$0x4920];
	_ =	sdelay $0x4  }
0x359: {  	[tilespmem:v2+s18+$0x0] =	vst.idx.msk $0xffff, v1;
	v2 =	vld [tilespmem:$0x1F510];
	_ =	sdelay $0x2  }
0x35a: {  	v1 =	vld [tilespmem:$0x4930];
	_ =	sdelay $0x4  }
0x35b: {  	[tilespmem:v2+s18+$0x0] =	vst.idx.msk $0xffff, v1;
	v2 =	vld [tilespmem:$0x1F520];
	_ =	sdelay $0x2  }
0x35c: {  	v1 =	vld [tilespmem:$0x4940];
	_ =	sdelay $0x4  }
0x35d: {  	[tilespmem:v2+s18+$0x0] =	vst.idx.msk $0xffff, v1;
	v2 =	vld [tilespmem:$0x1F530];
	_ =	sdelay $0x2  }
0x35e: {  	v1 =	vld [tilespmem:$0x4950];
	_ =	sdelay $0x4  }
0x35f: {  	[tilespmem:v2+s18+$0x0] =	vst.idx.msk $0xffff, v1;
	v2 =	vld [tilespmem:$0x1F540];
	_ =	sdelay $0x2  }
0x360: {  	v1 =	vld [tilespmem:$0x4960];
	_ =	sdelay $0x4  }
0x361: {  	[tilespmem:v2+s18+$0x0] =	vst.idx.msk $0xffff, v1;
	v2 =	vld [tilespmem:$0x1F550];
	_ =	sdelay $0x2  }
0x362: {  	v1 =	vld [tilespmem:$0x4970];
	_ =	sdelay $0x4  }
0x363: {  	[tilespmem:v2+s18+$0x0] =	vst.idx.msk $0xffff, v1;
	v2 =	vld [tilespmem:$0x1F560];
	_ =	sdelay $0x2  }
0x364: {  	v1 =	vld [tilespmem:$0x4980];
	_ =	sdelay $0x4  }
0x365: {  	[tilespmem:v2+s18+$0x0] =	vst.idx.msk $0xffff, v1;
	v2 =	vld [tilespmem:$0x1F570];
	_ =	sdelay $0x2  }
0x366: {  	v1 =	vld [tilespmem:$0x4990];
	_ =	sdelay $0x4  }
0x367: {  	[tilespmem:v2+s18+$0x0] =	vst.idx.msk $0xffff, v1;
	v2 =	vld [tilespmem:$0x1F580];
	_ =	sdelay $0x2  }
0x368: {  	v1 =	vld [tilespmem:$0x49A0];
	_ =	sdelay $0x4  }
0x369: {  	[tilespmem:v2+s18+$0x0] =	vst.idx.msk $0xffff, v1;
	v2 =	vld [tilespmem:$0x1F590];
	_ =	sdelay $0x2  }
0x36a: {  	v1 =	vld [tilespmem:$0x49B0];
	_ =	sdelay $0x4  }
0x36b: {  	[tilespmem:v2+s18+$0x0] =	vst.idx.msk $0xffff, v1;
	v2 =	vld [tilespmem:$0x1F5A0];
	_ =	sdelay $0x2  }
0x36c: {  	v1 =	vld [tilespmem:$0x49C0];
	_ =	sdelay $0x4  }
0x36d: {  	[tilespmem:v2+s18+$0x0] =	vst.idx.msk $0xffff, v1;
	v2 =	vld [tilespmem:$0x1F5B0];
	_ =	sdelay $0x2  }
0x36e: {  	v1 =	vld [tilespmem:$0x49D0];
	_ =	sdelay $0x4  }
0x36f: {  	[tilespmem:v2+s18+$0x0] =	vst.idx.msk $0xffff, v1;
	v2 =	vld [tilespmem:$0x1F5C0];
	_ =	sdelay $0x2  }
0x370: {  	v1 =	vld [tilespmem:$0x49E0];
	_ =	sdelay $0x4  }
0x371: {  	[tilespmem:v2+s18+$0x0] =	vst.idx.msk $0xffff, v1;
	v2 =	vld [tilespmem:$0x1F5D0];
	_ =	sdelay $0x2  }
0x372: {  	v1 =	vld [tilespmem:$0x49F0];
	_ =	sdelay $0x4  }
0x373: {  	[tilespmem:v2+s18+$0x0] =	vst.idx.msk $0xffff, v1;
	v2 =	vld [tilespmem:$0x1F5E0];
	_ =	sdelay $0x2  }
0x374: {  	v1 =	vld [tilespmem:$0x4A00];
	_ =	sdelay $0x4  }
0x375: {  	[tilespmem:v2+s18+$0x0] =	vst.idx.msk $0xffff, v1;
	v2 =	vld [tilespmem:$0x1F5F0];
	_ =	sdelay $0x2  }
0x376: {  	v1 =	vld [tilespmem:$0x4A10];
	_ =	sdelay $0x4  }
0x377: {  	[tilespmem:v2+s18+$0x0] =	vst.idx.msk $0xffff, v1;
	v2 =	vld [tilespmem:$0x1F600];
	_ =	sdelay $0x2  }
0x378: {  	v1 =	vld [tilespmem:$0x4A20];
	_ =	sdelay $0x4  }
0x379: {  	[tilespmem:v2+s18+$0x0] =	vst.idx.msk $0xffff, v1;
	v2 =	vld [tilespmem:$0x1F610];
	_ =	sdelay $0x2  }
0x37a: {  	v1 =	vld [tilespmem:$0x4A30];
	_ =	sdelay $0x4  }
0x37b: {  	[tilespmem:v2+s18+$0x0] =	vst.idx.msk $0xffff, v1;
	v2 =	vld [tilespmem:$0x1F620];
	_ =	sdelay $0x2  }
0x37c: {  	v1 =	vld [tilespmem:$0x4A40];
	_ =	sdelay $0x4  }
0x37d: {  	[tilespmem:v2+s18+$0x0] =	vst.idx.msk $0xffff, v1;
	v2 =	vld [tilespmem:$0x1F630];
	_ =	sdelay $0x2  }
0x37e: {  	v1 =	vld [tilespmem:$0x4A50];
	_ =	sdelay $0x4  }
0x37f: {  	[tilespmem:v2+s18+$0x0] =	vst.idx.msk $0xffff, v1;
	v2 =	vld [tilespmem:$0x1F640];
	_ =	sdelay $0x2  }
0x380: {  	v1 =	vld [tilespmem:$0x4A60];
	_ =	sdelay $0x4  }
0x381: {  	[tilespmem:v2+s18+$0x0] =	vst.idx.msk $0xffff, v1;
	v2 =	vld [tilespmem:$0x1F650];
	_ =	sdelay $0x2  }
0x382: {  	v1 =	vld [tilespmem:$0x4A70];
	_ =	sdelay $0x4  }
0x383: {  	[tilespmem:v2+s18+$0x0] =	vst.idx.msk $0xffff, v1;
	v2 =	vld [tilespmem:$0x1F660];
	_ =	sdelay $0x2  }
0x384: {  	v1 =	vld [tilespmem:$0x4A80];
	_ =	sdelay $0x4  }
0x385: {  	[tilespmem:v2+s18+$0x0] =	vst.idx.msk $0xffff, v1;
	v2 =	vld [tilespmem:$0x1F670];
	_ =	sdelay $0x2  }
0x386: {  	v1 =	vld [tilespmem:$0x4A90];
	_ =	sdelay $0x4  }
0x387: {  	[tilespmem:v2+s18+$0x0] =	vst.idx.msk $0xffff, v1;
	v2 =	vld [tilespmem:$0x1F680];
	_ =	sdelay $0x2  }
0x388: {  	v1 =	vld [tilespmem:$0x4AA0];
	_ =	sdelay $0x4  }
0x389: {  	[tilespmem:v2+s18+$0x0] =	vst.idx.msk $0xffff, v1;
	v2 =	vld [tilespmem:$0x1F690];
	_ =	sdelay $0x2  }
0x38a: {  	v1 =	vld [tilespmem:$0x4AB0];
	_ =	sdelay $0x4  }
0x38b: {  	[tilespmem:v2+s18+$0x0] =	vst.idx.msk $0xffff, v1;
	v2 =	vld [tilespmem:$0x1F6A0];
	_ =	sdelay $0x2  }
0x38c: {  	v1 =	vld [tilespmem:$0x4AC0];
	_ =	sdelay $0x4  }
0x38d: {  	[tilespmem:v2+s18+$0x0] =	vst.idx.msk $0xffff, v1;
	v2 =	vld [tilespmem:$0x1F6B0];
	_ =	sdelay $0x2  }
0x38e: {  	v1 =	vld [tilespmem:$0x4AD0];
	_ =	sdelay $0x4  }
0x38f: {  	[tilespmem:v2+s18+$0x0] =	vst.idx.msk $0xffff, v1;
	v2 =	vld [tilespmem:$0x1F6C0];
	_ =	sdelay $0x2  }
0x390: {  	v1 =	vld [tilespmem:$0x4AE0];
	_ =	sdelay $0x4  }
0x391: {  	[tilespmem:v2+s18+$0x0] =	vst.idx.msk $0xffff, v1  }
0x392: {  	v1 =	vld [tilespmem:$0x4AF0]  }
0x393: {  	v2 =	vld [tilespmem:$0x1F6D0];
	_ =	sdelay $0x7  }
0x394: {  	[tilespmem:v2+s18+$0x0] =	vst.idx.msk $0xffff, v1;
	v2 =	vld [tilespmem:$0x1F6E0];
	_ =	sdelay $0x2  }
0x395: {  	v1 =	vld [tilespmem:$0x4B00];
	_ =	sdelay $0x4  }
0x396: {  	[tilespmem:v2+s18+$0x0] =	vst.idx.msk $0xffff, v1;
	v2 =	vld [tilespmem:$0x1F6F0];
	_ =	sdelay $0x2  }
0x397: {  	v1 =	vld [tilespmem:$0x4B10];
	_ =	sdelay $0x4  }
0x398: {  	[tilespmem:v2+s18+$0x0] =	vst.idx.msk $0xffff, v1;
	v2 =	vld [tilespmem:$0x1F700];
	_ =	sdelay $0x2  }
0x399: {  	v1 =	vld [tilespmem:$0x4B20];
	_ =	sdelay $0x4  }
0x39a: {  	[tilespmem:v2+s18+$0x0] =	vst.idx.msk $0xffff, v1;
	v2 =	vld [tilespmem:$0x1F710];
	_ =	sdelay $0x2  }
0x39b: {  	v1 =	vld [tilespmem:$0x4B30];
	_ =	sdelay $0x4  }
0x39c: {  	[tilespmem:v2+s18+$0x0] =	vst.idx.msk $0xffff, v1;
	v2 =	vld [tilespmem:$0x1F720];
	_ =	sdelay $0x2  }
0x39d: {  	v1 =	vld [tilespmem:$0x4B40];
	_ =	sdelay $0x4  }
0x39e: {  	[tilespmem:v2+s18+$0x0] =	vst.idx.msk $0xffff, v1;
	v2 =	vld [tilespmem:$0x1F730];
	_ =	sdelay $0x2  }
0x39f: {  	v1 =	vld [tilespmem:$0x4B50];
	_ =	sdelay $0x4  }
0x3a0: {  	[tilespmem:v2+s18+$0x0] =	vst.idx.msk $0xffff, v1;
	v2 =	vld [tilespmem:$0x1F740];
	_ =	sdelay $0x2  }
0x3a1: {  	v1 =	vld [tilespmem:$0x4B60];
	_ =	sdelay $0x4  }
0x3a2: {  	[tilespmem:v2+s18+$0x0] =	vst.idx.msk $0xffff, v1;
	v2 =	vld [tilespmem:$0x1F750];
	_ =	sdelay $0x2  }
0x3a3: {  	v1 =	vld [tilespmem:$0x4B70];
	_ =	sdelay $0x4  }
0x3a4: {  	[tilespmem:v2+s18+$0x0] =	vst.idx.msk $0xffff, v1;
	v2 =	vld [tilespmem:$0x1F760];
	_ =	sdelay $0x2  }
0x3a5: {  	v1 =	vld [tilespmem:$0x4B80];
	_ =	sdelay $0x4  }
0x3a6: {  	[tilespmem:v2+s18+$0x0] =	vst.idx.msk $0xffff, v1;
	v2 =	vld [tilespmem:$0x1F770];
	_ =	sdelay $0x2  }
0x3a7: {  	v1 =	vld [tilespmem:$0x4B90];
	_ =	sdelay $0x4  }
0x3a8: {  	[tilespmem:v2+s18+$0x0] =	vst.idx.msk $0xffff, v1;
	v2 =	vld [tilespmem:$0x1F780];
	_ =	sdelay $0x2  }
0x3a9: {  	v1 =	vld [tilespmem:$0x4BA0];
	_ =	sdelay $0x4  }
0x3aa: {  	[tilespmem:v2+s18+$0x0] =	vst.idx.msk $0xffff, v1;
	v2 =	vld [tilespmem:$0x1F790];
	_ =	sdelay $0x2  }
0x3ab: {  	v1 =	vld [tilespmem:$0x4BB0];
	_ =	sdelay $0x4  }
0x3ac: {  	[tilespmem:v2+s18+$0x0] =	vst.idx.msk $0xffff, v1;
	v2 =	vld [tilespmem:$0x1F7A0];
	_ =	sdelay $0x2  }
0x3ad: {  	v1 =	vld [tilespmem:$0x4BC0];
	_ =	sdelay $0x4  }
0x3ae: {  	[tilespmem:v2+s18+$0x0] =	vst.idx.msk $0xffff, v1;
	v2 =	vld [tilespmem:$0x1F7B0];
	_ =	sdelay $0x2  }
0x3af: {  	v1 =	vld [tilespmem:$0x4BD0];
	_ =	sdelay $0x4  }
0x3b0: {  	[tilespmem:v2+s18+$0x0] =	vst.idx.msk $0xffff, v1;
	v2 =	vld [tilespmem:$0x1F7C0];
	_ =	sdelay $0x2  }
0x3b1: {  	v1 =	vld [tilespmem:$0x4BE0];
	_ =	sdelay $0x4  }
0x3b2: {  	[tilespmem:v2+s18+$0x0] =	vst.idx.msk $0xffff, v1;
	v2 =	vld [tilespmem:$0x1F7D0];
	_ =	sdelay $0x2  }
0x3b3: {  	v1 =	vld [tilespmem:$0x4BF0];
	_ =	sdelay $0x4  }
0x3b4: {  	[tilespmem:v2+s18+$0x0] =	vst.idx.msk $0xffff, v1;
	v2 =	vld [tilespmem:$0x1F7E0];
	_ =	sdelay $0x2  }
0x3b5: {  	v1 =	vld [tilespmem:$0x4C00];
	_ =	sdelay $0x4  }
0x3b6: {  	[tilespmem:v2+s18+$0x0] =	vst.idx.msk $0xffff, v1;
	v2 =	vld [tilespmem:$0x1F7F0];
	_ =	sdelay $0x2  }
0x3b7: {  	v1 =	vld [tilespmem:$0x4C10];
	_ =	sdelay $0x4  }
0x3b8: {  	[tilespmem:v2+s18+$0x0] =	vst.idx.msk $0xffff, v1;
	v2 =	vld [tilespmem:$0x1F800];
	_ =	sdelay $0x2  }
0x3b9: {  	v1 =	vld [tilespmem:$0x4C20];
	_ =	sdelay $0x4  }
0x3ba: {  	[tilespmem:v2+s18+$0x0] =	vst.idx.msk $0xffff, v1;
	v2 =	vld [tilespmem:$0x1F810];
	_ =	sdelay $0x2  }
0x3bb: {  	v1 =	vld [tilespmem:$0x4C30];
	_ =	sdelay $0x4  }
0x3bc: {  	[tilespmem:v2+s18+$0x0] =	vst.idx.msk $0xffff, v1;
	v2 =	vld [tilespmem:$0x1F820];
	_ =	sdelay $0x2  }
0x3bd: {  	v1 =	vld [tilespmem:$0x4C40];
	_ =	sdelay $0x4  }
0x3be: {  	[tilespmem:v2+s18+$0x0] =	vst.idx.msk $0xffff, v1;
	v2 =	vld [tilespmem:$0x1F830];
	_ =	sdelay $0x2  }
0x3bf: {  	v1 =	vld [tilespmem:$0x4C50];
	_ =	sdelay $0x4  }
0x3c0: {  	[tilespmem:v2+s18+$0x0] =	vst.idx.msk $0xffff, v1;
	v2 =	vld [tilespmem:$0x1F840];
	_ =	sdelay $0x2  }
0x3c1: {  	v1 =	vld [tilespmem:$0x4C60];
	_ =	sdelay $0x4  }
0x3c2: {  	[tilespmem:v2+s18+$0x0] =	vst.idx.msk $0xffff, v1;
	v2 =	vld [tilespmem:$0x1F850];
	_ =	sdelay $0x2  }
0x3c3: {  	v1 =	vld [tilespmem:$0x4C70];
	_ =	sdelay $0x4  }
0x3c4: {  	[tilespmem:v2+s18+$0x0] =	vst.idx.msk $0xffff, v1;
	v2 =	vld [tilespmem:$0x1F860];
	_ =	sdelay $0x2  }
0x3c5: {  	v1 =	vld [tilespmem:$0x4C80];
	_ =	sdelay $0x4  }
0x3c6: {  	[tilespmem:v2+s18+$0x0] =	vst.idx.msk $0xffff, v1;
	v2 =	vld [tilespmem:$0x1F870];
	_ =	sdelay $0x2  }
0x3c7: {  	v1 =	vld [tilespmem:$0x4C90];
	_ =	sdelay $0x4  }
0x3c8: {  	[tilespmem:v2+s18+$0x0] =	vst.idx.msk $0xffff, v1;
	v2 =	vld [tilespmem:$0x1F880];
	_ =	sdelay $0x2  }
0x3c9: {  	v1 =	vld [tilespmem:$0x4CA0];
	_ =	sdelay $0x4  }
0x3ca: {  	[tilespmem:v2+s18+$0x0] =	vst.idx.msk $0xffff, v1;
	v2 =	vld [tilespmem:$0x1F890];
	_ =	sdelay $0x2  }
0x3cb: {  	v1 =	vld [tilespmem:$0x4CB0];
	_ =	sdelay $0x4  }
0x3cc: {  	[tilespmem:v2+s18+$0x0] =	vst.idx.msk $0xffff, v1;
	v2 =	vld [tilespmem:$0x1F8A0];
	_ =	sdelay $0x2  }
0x3cd: {  	v1 =	vld [tilespmem:$0x4CC0];
	_ =	sdelay $0x4  }
0x3ce: {  	[tilespmem:v2+s18+$0x0] =	vst.idx.msk $0xffff, v1;
	v2 =	vld [tilespmem:$0x1F8B0];
	_ =	sdelay $0x2  }
0x3cf: {  	v1 =	vld [tilespmem:$0x4CD0];
	_ =	sdelay $0x4  }
0x3d0: {  	[tilespmem:v2+s18+$0x0] =	vst.idx.msk $0xffff, v1;
	v2 =	vld [tilespmem:$0x1F8C0];
	_ =	sdelay $0x2  }
0x3d1: {  	v1 =	vld [tilespmem:$0x4CE0];
	_ =	sdelay $0x4  }
0x3d2: {  	[tilespmem:v2+s18+$0x0] =	vst.idx.msk $0xffff, v1;
	v2 =	vld [tilespmem:$0x1F8D0];
	_ =	sdelay $0x2  }
0x3d3: {  	v1 =	vld [tilespmem:$0x4CF0];
	_ =	sdelay $0x4  }
0x3d4: {  	[tilespmem:v2+s18+$0x0] =	vst.idx.msk $0xffff, v1;
	v2 =	vld [tilespmem:$0x1F8E0];
	_ =	sdelay $0x2  }
0x3d5: {  	v1 =	vld [tilespmem:$0x4D00];
	_ =	sdelay $0x4  }
0x3d6: {  	[tilespmem:v2+s18+$0x0] =	vst.idx.msk $0xffff, v1;
	v2 =	vld [tilespmem:$0x1F8F0];
	_ =	sdelay $0x2  }
0x3d7: {  	v1 =	vld [tilespmem:$0x4D10];
	_ =	sdelay $0x4  }
0x3d8: {  	[tilespmem:v2+s18+$0x0] =	vst.idx.msk $0xffff, v1;
	v2 =	vld [tilespmem:$0x1F900];
	_ =	sdelay $0x2  }
0x3d9: {  	v1 =	vld [tilespmem:$0x4D20];
	_ =	sdelay $0x4  }
0x3da: {  	[tilespmem:v2+s18+$0x0] =	vst.idx.msk $0xffff, v1;
	v2 =	vld [tilespmem:$0x1F910];
	_ =	sdelay $0x2  }
0x3db: {  	v1 =	vld [tilespmem:$0x4D30];
	_ =	sdelay $0x4  }
0x3dc: {  	[tilespmem:v2+s18+$0x0] =	vst.idx.msk $0xffff, v1;
	v2 =	vld [tilespmem:$0x1F920];
	_ =	sdelay $0x2  }
0x3dd: {  	v1 =	vld [tilespmem:$0x4D40];
	_ =	sdelay $0x4  }
0x3de: {  	[tilespmem:v2+s18+$0x0] =	vst.idx.msk $0xffff, v1;
	v2 =	vld [tilespmem:$0x1F930];
	_ =	sdelay $0x2  }
0x3df: {  	v1 =	vld [tilespmem:$0x4D50];
	_ =	sdelay $0x4  }
0x3e0: {  	[tilespmem:v2+s18+$0x0] =	vst.idx.msk $0xffff, v1;
	v2 =	vld [tilespmem:$0x1F940];
	_ =	sdelay $0x2  }
0x3e1: {  	v1 =	vld [tilespmem:$0x4D60];
	_ =	sdelay $0x4  }
0x3e2: {  	[tilespmem:v2+s18+$0x0] =	vst.idx.msk $0xffff, v1;
	v2 =	vld [tilespmem:$0x1F950];
	_ =	sdelay $0x2  }
0x3e3: {  	v1 =	vld [tilespmem:$0x4D70];
	_ =	sdelay $0x4  }
0x3e4: {  	[tilespmem:v2+s18+$0x0] =	vst.idx.msk $0xffff, v1;
	v2 =	vld [tilespmem:$0x1F960];
	_ =	sdelay $0x2  }
0x3e5: {  	v1 =	vld [tilespmem:$0x4D80];
	_ =	sdelay $0x4  }
0x3e6: {  	[tilespmem:v2+s18+$0x0] =	vst.idx.msk $0xffff, v1;
	v2 =	vld [tilespmem:$0x1F970];
	_ =	sdelay $0x2  }
0x3e7: {  	v1 =	vld [tilespmem:$0x4D90];
	_ =	sdelay $0x4  }
0x3e8: {  	[tilespmem:v2+s18+$0x0] =	vst.idx.msk $0xffff, v1;
	v2 =	vld [tilespmem:$0x1F980];
	_ =	sdelay $0x2  }
0x3e9: {  	v1 =	vld [tilespmem:$0x4DA0];
	_ =	sdelay $0x4  }
0x3ea: {  	[tilespmem:v2+s18+$0x0] =	vst.idx.msk $0xffff, v1;
	v2 =	vld [tilespmem:$0x1F990];
	_ =	sdelay $0x2  }
0x3eb: {  	v1 =	vld [tilespmem:$0x4DB0];
	_ =	sdelay $0x4  }
0x3ec: {  	[tilespmem:v2+s18+$0x0] =	vst.idx.msk $0xffff, v1;
	v2 =	vld [tilespmem:$0x1F9A0];
	_ =	sdelay $0x2  }
0x3ed: {  	v1 =	vld [tilespmem:$0x4DC0];
	_ =	sdelay $0x4  }
0x3ee: {  	[tilespmem:v2+s18+$0x0] =	vst.idx.msk $0xffff, v1;
	v2 =	vld [tilespmem:$0x1F9B0];
	_ =	sdelay $0x2  }
0x3ef: {  	v1 =	vld [tilespmem:$0x4DD0];
	_ =	sdelay $0x4  }
0x3f0: {  	[tilespmem:v2+s18+$0x0] =	vst.idx.msk $0xffff, v1;
	v2 =	vld [tilespmem:$0x1F9C0];
	_ =	sdelay $0x2  }
0x3f1: {  	v1 =	vld [tilespmem:$0x4DE0];
	_ =	sdelay $0x4  }
0x3f2: {  	[tilespmem:v2+s18+$0x0] =	vst.idx.msk $0xffff, v1;
	v2 =	vld [tilespmem:$0x1F9D0];
	_ =	sdelay $0x2  }
0x3f3: {  	v1 =	vld [tilespmem:$0x4DF0];
	_ =	sdelay $0x4  }
0x3f4: {  	[tilespmem:v2+s18+$0x0] =	vst.idx.msk $0xffff, v1;
	v2 =	vld [tilespmem:$0x1F9E0];
	_ =	sdelay $0x2  }
0x3f5: {  	v1 =	vld [tilespmem:$0x4E00];
	_ =	sdelay $0x4  }
0x3f6: {  	[tilespmem:v2+s18+$0x0] =	vst.idx.msk $0xffff, v1;
	v2 =	vld [tilespmem:$0x1F9F0];
	_ =	sdelay $0x2  }
0x3f7: {  	v1 =	vld [tilespmem:$0x4E10];
	_ =	sdelay $0x4  }
0x3f8: {  	[tilespmem:v2+s18+$0x0] =	vst.idx.msk $0xffff, v1;
	v2 =	vld [tilespmem:$0x1FA00];
	_ =	sdelay $0x2  }
0x3f9: {  	v1 =	vld [tilespmem:$0x4E20];
	_ =	sdelay $0x4  }
0x3fa: {  	[tilespmem:v2+s18+$0x0] =	vst.idx.msk $0xffff, v1;
	v2 =	vld [tilespmem:$0x1FA10];
	_ =	sdelay $0x2  }
0x3fb: {  	v1 =	vld [tilespmem:$0x4E30];
	_ =	sdelay $0x4  }
0x3fc: {  	[tilespmem:v2+s18+$0x0] =	vst.idx.msk $0xffff, v1;
	v2 =	vld [tilespmem:$0x1FA20];
	_ =	sdelay $0x2  }
0x3fd: {  	v1 =	vld [tilespmem:$0x4E40];
	_ =	sdelay $0x4  }
0x3fe: {  	[tilespmem:v2+s18+$0x0] =	vst.idx.msk $0xffff, v1;
	v2 =	vld [tilespmem:$0x1FA30];
	_ =	sdelay $0x2  }
0x3ff: {  	v1 =	vld [tilespmem:$0x4E50];
	_ =	sdelay $0x4  }
0x400: {  	[tilespmem:v2+s18+$0x0] =	vst.idx.msk $0xffff, v1;
	v2 =	vld [tilespmem:$0x1FA40];
	_ =	sdelay $0x2  }
0x401: {  	v1 =	vld [tilespmem:$0x4E60];
	_ =	sdelay $0x4  }
0x402: {  	[tilespmem:v2+s18+$0x0] =	vst.idx.msk $0xffff, v1;
	v2 =	vld [tilespmem:$0x1FA50];
	_ =	sdelay $0x2  }
0x403: {  	v1 =	vld [tilespmem:$0x4E70];
	_ =	sdelay $0x4  }
0x404: {  	[tilespmem:v2+s18+$0x0] =	vst.idx.msk $0xffff, v1;
	v2 =	vld [tilespmem:$0x1FA60];
	_ =	sdelay $0x2  }
0x405: {  	v1 =	vld [tilespmem:$0x4E80];
	_ =	sdelay $0x4  }
0x406: {  	[tilespmem:v2+s18+$0x0] =	vst.idx.msk $0xffff, v1;
	v2 =	vld [tilespmem:$0x1FA70];
	_ =	sdelay $0x2  }
0x407: {  	v1 =	vld [tilespmem:$0x4E90];
	_ =	sdelay $0x4  }
0x408: {  	[tilespmem:v2+s18+$0x0] =	vst.idx.msk $0xffff, v1;
	v2 =	vld [tilespmem:$0x1FA80];
	_ =	sdelay $0x2  }
0x409: {  	v1 =	vld [tilespmem:$0x4EA0];
	_ =	sdelay $0x4  }
0x40a: {  	[tilespmem:v2+s18+$0x0] =	vst.idx.msk $0xffff, v1;
	v2 =	vld [tilespmem:$0x1FA90];
	_ =	sdelay $0x2  }
0x40b: {  	v1 =	vld [tilespmem:$0x4EB0];
	_ =	sdelay $0x4  }
0x40c: {  	[tilespmem:v2+s18+$0x0] =	vst.idx.msk $0xffff, v1;
	v2 =	vld [tilespmem:$0x1FAA0];
	_ =	sdelay $0x2  }
0x40d: {  	v1 =	vld [tilespmem:$0x4EC0];
	_ =	sdelay $0x4  }
0x40e: {  	[tilespmem:v2+s18+$0x0] =	vst.idx.msk $0xffff, v1;
	v2 =	vld [tilespmem:$0x1FAB0];
	_ =	sdelay $0x2  }
0x40f: {  	v1 =	vld [tilespmem:$0x4ED0];
	_ =	sdelay $0x4  }
0x410: {  	[tilespmem:v2+s18+$0x0] =	vst.idx.msk $0xffff, v1;
	v2 =	vld [tilespmem:$0x1FAC0];
	_ =	sdelay $0x2  }
0x411: {  	v1 =	vld [tilespmem:$0x4EE0];
	_ =	sdelay $0x4  }
0x412: {  	[tilespmem:v2+s18+$0x0] =	vst.idx.msk $0xffff, v1;
	v2 =	vld [tilespmem:$0x1FAD0];
	_ =	sdelay $0x2  }
0x413: {  	v1 =	vld [tilespmem:$0x4EF0];
	_ =	sdelay $0x4  }
0x414: {  	[tilespmem:v2+s18+$0x0] =	vst.idx.msk $0xffff, v1;
	v2 =	vld [tilespmem:$0x1FAE0];
	_ =	sdelay $0x2  }
0x415: {  	v1 =	vld [tilespmem:$0x4F00];
	_ =	sdelay $0x4  }
0x416: {  	[tilespmem:v2+s18+$0x0] =	vst.idx.msk $0xffff, v1;
	v2 =	vld [tilespmem:$0x1FAF0];
	_ =	sdelay $0x2  }
0x417: {  	v1 =	vld [tilespmem:$0x4F10];
	_ =	sdelay $0x4  }
0x418: {  	[tilespmem:v2+s18+$0x0] =	vst.idx.msk $0xffff, v1;
	v2 =	vld [tilespmem:$0x1FB00];
	_ =	sdelay $0x2  }
0x419: {  	v1 =	vld [tilespmem:$0x4F20];
	_ =	sdelay $0x4  }
0x41a: {  	[tilespmem:v2+s18+$0x0] =	vst.idx.msk $0xffff, v1;
	v2 =	vld [tilespmem:$0x1FB10];
	_ =	sdelay $0x2  }
0x41b: {  	v1 =	vld [tilespmem:$0x4F30];
	_ =	sdelay $0x4  }
0x41c: {  	[tilespmem:v2+s18+$0x0] =	vst.idx.msk $0xffff, v1;
	v2 =	vld [tilespmem:$0x1FB20];
	_ =	sdelay $0x2  }
0x41d: {  	v1 =	vld [tilespmem:$0x4F40];
	_ =	sdelay $0x4  }
0x41e: {  	[tilespmem:v2+s18+$0x0] =	vst.idx.msk $0xffff, v1;
	v2 =	vld [tilespmem:$0x1FB30];
	_ =	sdelay $0x2  }
0x41f: {  	v1 =	vld [tilespmem:$0x4F50];
	_ =	sdelay $0x4  }
0x420: {  	[tilespmem:v2+s18+$0x0] =	vst.idx.msk $0xffff, v1;
	v2 =	vld [tilespmem:$0x1FB40];
	_ =	sdelay $0x2  }
0x421: {  	v1 =	vld [tilespmem:$0x4F60];
	_ =	sdelay $0x4  }
0x422: {  	[tilespmem:v2+s18+$0x0] =	vst.idx.msk $0xffff, v1;
	v2 =	vld [tilespmem:$0x1FB50];
	_ =	sdelay $0x2  }
0x423: {  	v1 =	vld [tilespmem:$0x4F70];
	_ =	sdelay $0x4  }
0x424: {  	[tilespmem:v2+s18+$0x0] =	vst.idx.msk $0xffff, v1;
	v2 =	vld [tilespmem:$0x1FB60];
	_ =	sdelay $0x2  }
0x425: {  	v1 =	vld [tilespmem:$0x4F80];
	_ =	sdelay $0x4  }
0x426: {  	[tilespmem:v2+s18+$0x0] =	vst.idx.msk $0xffff, v1;
	v2 =	vld [tilespmem:$0x1FB70];
	_ =	sdelay $0x2  }
0x427: {  	v1 =	vld [tilespmem:$0x4F90];
	_ =	sdelay $0x4  }
0x428: {  	[tilespmem:v2+s18+$0x0] =	vst.idx.msk $0xffff, v1;
	v2 =	vld [tilespmem:$0x1FB80];
	_ =	sdelay $0x2  }
0x429: {  	v1 =	vld [tilespmem:$0x4FA0];
	_ =	sdelay $0x4  }
0x42a: {  	[tilespmem:v2+s18+$0x0] =	vst.idx.msk $0xffff, v1;
	v2 =	vld [tilespmem:$0x1FB90];
	_ =	sdelay $0x2  }
0x42b: {  	v1 =	vld [tilespmem:$0x4FB0];
	_ =	sdelay $0x4  }
0x42c: {  	[tilespmem:v2+s18+$0x0] =	vst.idx.msk $0xffff, v1;
	v2 =	vld [tilespmem:$0x1FBA0];
	_ =	sdelay $0x2  }
0x42d: {  	v1 =	vld [tilespmem:$0x4FC0];
	_ =	sdelay $0x4  }
0x42e: {  	[tilespmem:v2+s18+$0x0] =	vst.idx.msk $0xffff, v1;
	v2 =	vld [tilespmem:$0x1FBB0];
	_ =	sdelay $0x2  }
0x42f: {  	v1 =	vld [tilespmem:$0x4FD0];
	_ =	sdelay $0x4  }
0x430: {  	[tilespmem:v2+s18+$0x0] =	vst.idx.msk $0xffff, v1;
	v2 =	vld [tilespmem:$0x1FBC0];
	_ =	sdelay $0x2  }
0x431: {  	v1 =	vld [tilespmem:$0x4FE0];
	_ =	sdelay $0x4  }
0x432: {  	[tilespmem:v2+s18+$0x0] =	vst.idx.msk $0xffff, v1;
	v2 =	vld [tilespmem:$0x1FBD0];
	_ =	sdelay $0x2  }
0x433: {  	v1 =	vld [tilespmem:$0x4FF0];
	_ =	sdelay $0x4  }
0x434: {  	[tilespmem:v2+s18+$0x0] =	vst.idx.msk $0xffff, v1;
	v2 =	vld [tilespmem:$0x1FBE0];
	_ =	sdelay $0x2  }
0x435: {  	v1 =	vld [tilespmem:$0x5000];
	_ =	sdelay $0x4  }
0x436: {  	[tilespmem:v2+s18+$0x0] =	vst.idx.msk $0xffff, v1;
	v2 =	vld [tilespmem:$0x1FBF0];
	_ =	sdelay $0x2  }
0x437: {  	v1 =	vld [tilespmem:$0x5010];
	_ =	sdelay $0x4  }
0x438: {  	[tilespmem:v2+s18+$0x0] =	vst.idx.msk $0xffff, v1;
	v2 =	vld [tilespmem:$0x1FC00];
	_ =	sdelay $0x2  }
0x439: {  	v1 =	vld [tilespmem:$0x5020];
	_ =	sdelay $0x4  }
0x43a: {  	[tilespmem:v2+s18+$0x0] =	vst.idx.msk $0xffff, v1;
	v2 =	vld [tilespmem:$0x1FC10];
	_ =	sdelay $0x2  }
0x43b: {  	v1 =	vld [tilespmem:$0x5030];
	_ =	sdelay $0x4  }
0x43c: {  	[tilespmem:v2+s18+$0x0] =	vst.idx.msk $0xffff, v1;
	v2 =	vld [tilespmem:$0x1FC20];
	_ =	sdelay $0x2  }
0x43d: {  	v1 =	vld [tilespmem:$0x5040];
	_ =	sdelay $0x4  }
0x43e: {  	[tilespmem:v2+s18+$0x0] =	vst.idx.msk $0xffff, v1;
	v2 =	vld [tilespmem:$0x1FC30];
	_ =	sdelay $0x2  }
0x43f: {  	v1 =	vld [tilespmem:$0x5050];
	_ =	sdelay $0x4  }
0x440: {  	[tilespmem:v2+s18+$0x0] =	vst.idx.msk $0xffff, v1;
	v2 =	vld [tilespmem:$0x1FC40];
	_ =	sdelay $0x2  }
0x441: {  	v1 =	vld [tilespmem:$0x5060];
	_ =	sdelay $0x4  }
0x442: {  	[tilespmem:v2+s18+$0x0] =	vst.idx.msk $0xffff, v1;
	v2 =	vld [tilespmem:$0x1FC50];
	_ =	sdelay $0x2  }
0x443: {  	v1 =	vld [tilespmem:$0x5070];
	_ =	sdelay $0x4  }
0x444: {  	[tilespmem:v2+s18+$0x0] =	vst.idx.msk $0xffff, v1;
	v2 =	vld [tilespmem:$0x1FC60];
	_ =	sdelay $0x2  }
0x445: {  	v1 =	vld [tilespmem:$0x5080];
	_ =	sdelay $0x4  }
0x446: {  	[tilespmem:v2+s18+$0x0] =	vst.idx.msk $0xffff, v1;
	v2 =	vld [tilespmem:$0x1FC70];
	_ =	sdelay $0x2  }
0x447: {  	v1 =	vld [tilespmem:$0x5090];
	_ =	sdelay $0x4  }
0x448: {  	[tilespmem:v2+s18+$0x0] =	vst.idx.msk $0xffff, v1;
	v2 =	vld [tilespmem:$0x1FC80];
	_ =	sdelay $0x2  }
0x449: {  	v1 =	vld [tilespmem:$0x50A0];
	_ =	sdelay $0x4  }
0x44a: {  	[tilespmem:v2+s18+$0x0] =	vst.idx.msk $0xffff, v1;
	v2 =	vld [tilespmem:$0x1FC90];
	_ =	sdelay $0x2  }
0x44b: {  	v1 =	vld [tilespmem:$0x50B0];
	_ =	sdelay $0x4  }
0x44c: {  	[tilespmem:v2+s18+$0x0] =	vst.idx.msk $0xffff, v1;
	v2 =	vld [tilespmem:$0x1FCA0];
	_ =	sdelay $0x2  }
0x44d: {  	v1 =	vld [tilespmem:$0x50C0];
	_ =	sdelay $0x4  }
0x44e: {  	[tilespmem:v2+s18+$0x0] =	vst.idx.msk $0xffff, v1;
	v2 =	vld [tilespmem:$0x1FCB0];
	_ =	sdelay $0x2  }
0x44f: {  	v1 =	vld [tilespmem:$0x50D0];
	_ =	sdelay $0x4  }
0x450: {  	[tilespmem:v2+s18+$0x0] =	vst.idx.msk $0xffff, v1;
	v2 =	vld [tilespmem:$0x1FCC0];
	_ =	sdelay $0x2  }
0x451: {  	v1 =	vld [tilespmem:$0x50E0];
	_ =	sdelay $0x4  }
0x452: {  	[tilespmem:v2+s18+$0x0] =	vst.idx.msk $0xffff, v1;
	v2 =	vld [tilespmem:$0x1FCD0];
	_ =	sdelay $0x2  }
0x453: {  	v1 =	vld [tilespmem:$0x50F0];
	_ =	sdelay $0x4  }
0x454: {  	[tilespmem:v2+s18+$0x0] =	vst.idx.msk $0xffff, v1;
	v2 =	vld [tilespmem:$0x1FCE0];
	_ =	sdelay $0x2  }
0x455: {  	v1 =	vld [tilespmem:$0x5100];
	_ =	sdelay $0x4  }
0x456: {  	[tilespmem:v2+s18+$0x0] =	vst.idx.msk $0xffff, v1;
	v2 =	vld [tilespmem:$0x1FCF0];
	_ =	sdelay $0x2  }
0x457: {  	v1 =	vld [tilespmem:$0x5110];
	_ =	sdelay $0x4  }
0x458: {  	[tilespmem:v2+s18+$0x0] =	vst.idx.msk $0xffff, v1;
	v2 =	vld [tilespmem:$0x1FD00];
	_ =	sdelay $0x2  }
0x459: {  	v1 =	vld [tilespmem:$0x5120];
	_ =	sdelay $0x4  }
0x45a: {  	[tilespmem:v2+s18+$0x0] =	vst.idx.msk $0xffff, v1;
	v2 =	vld [tilespmem:$0x1FD10];
	_ =	sdelay $0x2  }
0x45b: {  	v1 =	vld [tilespmem:$0x5130];
	_ =	sdelay $0x4  }
0x45c: {  	[tilespmem:v2+s18+$0x0] =	vst.idx.msk $0xffff, v1;
	v2 =	vld [tilespmem:$0x1FD20];
	_ =	sdelay $0x2  }
0x45d: {  	v1 =	vld [tilespmem:$0x5140];
	_ =	sdelay $0x4  }
0x45e: {  	[tilespmem:v2+s18+$0x0] =	vst.idx.msk $0xffff, v1;
	v2 =	vld [tilespmem:$0x1FD30];
	_ =	sdelay $0x2  }
0x45f: {  	v1 =	vld [tilespmem:$0x5150];
	_ =	sdelay $0x4  }
0x460: {  	[tilespmem:v2+s18+$0x0] =	vst.idx.msk $0xffff, v1;
	v2 =	vld [tilespmem:$0x1FD40];
	_ =	sdelay $0x2  }
0x461: {  	v1 =	vld [tilespmem:$0x5160];
	_ =	sdelay $0x4  }
0x462: {  	[tilespmem:v2+s18+$0x0] =	vst.idx.msk $0xffff, v1;
	v2 =	vld [tilespmem:$0x1FD50];
	_ =	sdelay $0x2  }
0x463: {  	v1 =	vld [tilespmem:$0x5170];
	_ =	sdelay $0x4  }
0x464: {  	[tilespmem:v2+s18+$0x0] =	vst.idx.msk $0xffff, v1;
	v2 =	vld [tilespmem:$0x1FD60];
	_ =	sdelay $0x2  }
0x465: {  	v1 =	vld [tilespmem:$0x5180];
	_ =	sdelay $0x4  }
0x466: {  	[tilespmem:v2+s18+$0x0] =	vst.idx.msk $0xffff, v1;
	v2 =	vld [tilespmem:$0x1FD70];
	_ =	sdelay $0x2  }
0x467: {  	v1 =	vld [tilespmem:$0x5190];
	_ =	sdelay $0x4  }
0x468: {  	[tilespmem:v2+s18+$0x0] =	vst.idx.msk $0xffff, v1;
	v2 =	vld [tilespmem:$0x1FD80];
	_ =	sdelay $0x2  }
0x469: {  	v1 =	vld [tilespmem:$0x51A0];
	_ =	sdelay $0x4  }
0x46a: {  	[tilespmem:v2+s18+$0x0] =	vst.idx.msk $0xffff, v1;
	v2 =	vld [tilespmem:$0x1FD90];
	_ =	sdelay $0x2  }
0x46b: {  	v1 =	vld [tilespmem:$0x51B0];
	_ =	sdelay $0x4  }
0x46c: {  	[tilespmem:v2+s18+$0x0] =	vst.idx.msk $0xffff, v1;
	v2 =	vld [tilespmem:$0x1FDA0];
	_ =	sdelay $0x2  }
0x46d: {  	v1 =	vld [tilespmem:$0x51C0];
	_ =	sdelay $0x4  }
0x46e: {  	[tilespmem:v2+s18+$0x0] =	vst.idx.msk $0xffff, v1;
	v2 =	vld [tilespmem:$0x1FDB0];
	_ =	sdelay $0x2  }
0x46f: {  	v1 =	vld [tilespmem:$0x51D0];
	_ =	sdelay $0x4  }
0x470: {  	[tilespmem:v2+s18+$0x0] =	vst.idx.msk $0xffff, v1;
	v2 =	vld [tilespmem:$0x1FDC0];
	_ =	sdelay $0x2  }
0x471: {  	v1 =	vld [tilespmem:$0x51E0];
	_ =	sdelay $0x4  }
0x472: {  	[tilespmem:v2+s18+$0x0] =	vst.idx.msk $0xffff, v1;
	v2 =	vld [tilespmem:$0x1FDD0];
	_ =	sdelay $0x2  }
0x473: {  	v1 =	vld [tilespmem:$0x51F0];
	_ =	sdelay $0x4  }
0x474: {  	[tilespmem:v2+s18+$0x0] =	vst.idx.msk $0xffff, v1;
	v2 =	vld [tilespmem:$0x1FDE0];
	_ =	sdelay $0x2  }
0x475: {  	v1 =	vld [tilespmem:$0x5200];
	_ =	sdelay $0x4  }
0x476: {  	[tilespmem:v2+s18+$0x0] =	vst.idx.msk $0xffff, v1;
	v2 =	vld [tilespmem:$0x1FDF0];
	_ =	sdelay $0x2  }
0x477: {  	v1 =	vld [tilespmem:$0x5210];
	_ =	sdelay $0x4  }
0x478: {  	[tilespmem:v2+s18+$0x0] =	vst.idx.msk $0xffff, v1;
	v2 =	vld [tilespmem:$0x1FE00];
	_ =	sdelay $0x2  }
0x479: {  	v1 =	vld [tilespmem:$0x5220];
	_ =	sdelay $0x4  }
0x47a: {  	[tilespmem:v2+s18+$0x0] =	vst.idx.msk $0xffff, v1;
	v2 =	vld [tilespmem:$0x1FE10];
	_ =	sdelay $0x2  }
0x47b: {  	v1 =	vld [tilespmem:$0x5230];
	_ =	sdelay $0x4  }
0x47c: {  	[tilespmem:v2+s18+$0x0] =	vst.idx.msk $0xffff, v1;
	v2 =	vld [tilespmem:$0x1FE20];
	_ =	sdelay $0x2  }
0x47d: {  	v1 =	vld [tilespmem:$0x5240];
	_ =	sdelay $0x4  }
0x47e: {  	[tilespmem:v2+s18+$0x0] =	vst.idx.msk $0xffff, v1;
	v2 =	vld [tilespmem:$0x1FE30];
	_ =	sdelay $0x2  }
0x47f: {  	v1 =	vld [tilespmem:$0x5250];
	_ =	sdelay $0x4  }
0x480: {  	[tilespmem:v2+s18+$0x0] =	vst.idx.msk $0xffff, v1;
	v2 =	vld [tilespmem:$0x1FE40];
	_ =	sdelay $0x2  }
0x481: {  	v1 =	vld [tilespmem:$0x5260];
	_ =	sdelay $0x4  }
0x482: {  	[tilespmem:v2+s18+$0x0] =	vst.idx.msk $0xffff, v1;
	v2 =	vld [tilespmem:$0x1FE50];
	_ =	sdelay $0x2  }
0x483: {  	v1 =	vld [tilespmem:$0x5270];
	_ =	sdelay $0x4  }
0x484: {  	[tilespmem:v2+s18+$0x0] =	vst.idx.msk $0xffff, v1;
	v2 =	vld [tilespmem:$0x1FE60];
	_ =	sdelay $0x2  }
0x485: {  	v1 =	vld [tilespmem:$0x5280];
	_ =	sdelay $0x4  }
0x486: {  	[tilespmem:v2+s18+$0x0] =	vst.idx.msk $0xffff, v1;
	v2 =	vld [tilespmem:$0x1FE70];
	_ =	sdelay $0x2  }
0x487: {  	v1 =	vld [tilespmem:$0x5290];
	_ =	sdelay $0x4  }
0x488: {  	[tilespmem:v2+s18+$0x0] =	vst.idx.msk $0xffff, v1;
	v2 =	vld [tilespmem:$0x1FE80];
	_ =	sdelay $0x2  }
0x489: {  	v1 =	vld [tilespmem:$0x52A0];
	_ =	sdelay $0x4  }
0x48a: {  	[tilespmem:v2+s18+$0x0] =	vst.idx.msk $0xffff, v1;
	v2 =	vld [tilespmem:$0x1FE90];
	_ =	sdelay $0x2  }
0x48b: {  	v1 =	vld [tilespmem:$0x52B0];
	_ =	sdelay $0x4  }
0x48c: {  	[tilespmem:v2+s18+$0x0] =	vst.idx.msk $0xffff, v1;
	v2 =	vld [tilespmem:$0x1FEA0];
	_ =	sdelay $0x2  }
0x48d: {  	v1 =	vld [tilespmem:$0x52C0];
	_ =	sdelay $0x4  }
0x48e: {  	[tilespmem:v2+s18+$0x0] =	vst.idx.msk $0xffff, v1;
	v2 =	vld [tilespmem:$0x1FEB0];
	_ =	sdelay $0x2  }
0x48f: {  	v1 =	vld [tilespmem:$0x52D0];
	_ =	sdelay $0x4  }
0x490: {  	[tilespmem:v2+s18+$0x0] =	vst.idx.msk $0xffff, v1;
	v2 =	vld [tilespmem:$0x1FEC0];
	_ =	sdelay $0x2  }
0x491: {  	v1 =	vld [tilespmem:$0x52E0];
	_ =	sdelay $0x4  }
0x492: {  	[tilespmem:v2+s18+$0x0] =	vst.idx.msk $0xffff, v1;
	v2 =	vld [tilespmem:$0x1FED0];
	_ =	sdelay $0x2  }
0x493: {  	v1 =	vld [tilespmem:$0x52F0];
	_ =	sdelay $0x4  }
0x494: {  	[tilespmem:v2+s18+$0x0] =	vst.idx.msk $0xffff, v1;
	v2 =	vld [tilespmem:$0x1FEE0];
	_ =	sdelay $0x2  }
0x495: {  	v1 =	vld [tilespmem:$0x5300];
	_ =	sdelay $0x4  }
0x496: {  	[tilespmem:v2+s18+$0x0] =	vst.idx.msk $0xffff, v1;
	v2 =	vld [tilespmem:$0x1FEF0];
	_ =	sdelay $0x2  }
0x497: {  	v1 =	vld [tilespmem:$0x5310];
	_ =	sdelay $0x4  }
0x498: {  	[tilespmem:v2+s18+$0x0] =	vst.idx.msk $0xffff, v1;
	v2 =	vld [tilespmem:$0x1FF00];
	_ =	sdelay $0x2  }
0x499: {  	v1 =	vld [tilespmem:$0x5320];
	_ =	sdelay $0x4  }
0x49a: {  	[tilespmem:v2+s18+$0x0] =	vst.idx.msk $0xffff, v1;
	v2 =	vld [tilespmem:$0x1FF10];
	_ =	sdelay $0x2  }
0x49b: {  	v1 =	vld [tilespmem:$0x5330];
	_ =	sdelay $0x4  }
0x49c: {  	[tilespmem:v2+s18+$0x0] =	vst.idx.msk $0xffff, v1;
	v2 =	vld [tilespmem:$0x1FF20];
	_ =	sdelay $0x2  }
0x49d: {  	v1 =	vld [tilespmem:$0x5340];
	_ =	sdelay $0x4  }
0x49e: {  	[tilespmem:v2+s18+$0x0] =	vst.idx.msk $0xffff, v1;
	v2 =	vld [tilespmem:$0x1FF30];
	_ =	sdelay $0x2  }
0x49f: {  	v1 =	vld [tilespmem:$0x5350];
	_ =	sdelay $0x4  }
0x4a0: {  	[tilespmem:v2+s18+$0x0] =	vst.idx.msk $0xffff, v1;
	v2 =	vld [tilespmem:$0x1FF40];
	_ =	sdelay $0x2  }
0x4a1: {  	v1 =	vld [tilespmem:$0x5360];
	_ =	sdelay $0x4  }
0x4a2: {  	[tilespmem:v2+s18+$0x0] =	vst.idx.msk $0xffff, v1;
	v2 =	vld [tilespmem:$0x1FF50];
	_ =	sdelay $0x2  }
0x4a3: {  	v1 =	vld [tilespmem:$0x5370];
	_ =	sdelay $0x4  }
0x4a4: {  	[tilespmem:v2+s18+$0x0] =	vst.idx.msk $0xffff, v1;
	v2 =	vld [tilespmem:$0x1FF60];
	_ =	sdelay $0x2  }
0x4a5: {  	v1 =	vld [tilespmem:$0x5380];
	_ =	sdelay $0x4  }
0x4a6: {  	[tilespmem:v2+s18+$0x0] =	vst.idx.msk $0xffff, v1;
	v2 =	vld [tilespmem:$0x1FF70];
	_ =	sdelay $0x2  }
0x4a7: {  	v1 =	vld [tilespmem:$0x5390];
	_ =	sdelay $0x4  }
0x4a8: {  	[tilespmem:v2+s18+$0x0] =	vst.idx.msk $0xffff, v1;
	v2 =	vld [tilespmem:$0x1FF80];
	_ =	sdelay $0x2  }
0x4a9: {  	v1 =	vld [tilespmem:$0x53A0];
	_ =	sdelay $0x4  }
0x4aa: {  	[tilespmem:v2+s18+$0x0] =	vst.idx.msk $0xffff, v1;
	v2 =	vld [tilespmem:$0x1FF90];
	_ =	sdelay $0x2  }
0x4ab: {  	v1 =	vld [tilespmem:$0x53B0];
	_ =	sdelay $0x4  }
0x4ac: {  	[tilespmem:v2+s18+$0x0] =	vst.idx.msk $0xffff, v1;
	v2 =	vld [tilespmem:$0x1FFA0];
	_ =	sdelay $0x2  }
0x4ad: {  	v1 =	vld [tilespmem:$0x53C0];
	_ =	sdelay $0x4  }
0x4ae: {  	[tilespmem:v2+s18+$0x0] =	vst.idx.msk $0xffff, v1;
	v2 =	vld [tilespmem:$0x1FFB0];
	_ =	sdelay $0x2  }
0x4af: {  	v1 =	vld [tilespmem:$0x53D0];
	_ =	sdelay $0x4  }
0x4b0: {  	[tilespmem:v2+s18+$0x0] =	vst.idx.msk $0xffff, v1;
	v2 =	vld [tilespmem:$0x1FFC0];
	_ =	sdelay $0x2  }
0x4b1: {  	v1 =	vld [tilespmem:$0x53E0];
	_ =	sdelay $0x4  }
0x4b2: {  	[tilespmem:v2+s18+$0x0] =	vst.idx.msk $0xffff, v1;
	v2 =	vld [tilespmem:$0x1FFD0];
	_ =	sdelay $0x2  }
0x4b3: {  	v1 =	vld [tilespmem:$0x53F0];
	_ =	sdelay $0x3  }
0x4b4: {  	s26 =	sadd.s32 $0x200, s26  }
0x4b5: {  	s28 =	sadd.s32 $0x80, s22;
	s1 =	sadd.s32 @!p1 $0x180, s24;
	s24 =	simm.s32 @!p1 $0x4400;
	[tilespmem:v2+s18+$0x0] =	vst.idx.msk $0xffff, v1  }
0x4b6: {  	[tilespmem:s24], [sflag:$0x2] =	stream.indirect.gather @!p1 [hbm4b:s4+s25], $0x20, s1, s25, $0xb8;
	[tilespmem:$0x7600] =	vst v63  }
0x4b7: {  	s1 =	sand.u32 $0xFFF0000, s26;
	s24 =	sand.u32 $0x3F80, s28  }
0x4b8: {  	s24 =	sor.u32 s24, s1  }
0x4b9: {  	s29 =	sld [smem:$0x7DF];
	s1 =	sadd.s32 s2, s24  }
0x4ba: {  	[hbm4b:s1+s3] =	stream.linear.scatter [tilespmem:s18], [sflag:$0x4], $0x80, $0x38;
	[tilespmem:$0x7600] =	vst v63  }
0x4bb: {  	s31 =	sld [smem:$0x7E0];
	s30 =	sadd.s32 $0x10, s1  }
0x4bc: {  	[hbm4b:s30+s3] =	stream.linear.scatter [tilespmem:s29], [sflag:$0x4], $0x80, $0x38;
	[tilespmem:$0x7600] =	vst v63  }
0x4bd: {  	s26 =	sadd.s32 $0x20, s1;
	s29 =	sld [smem:$0x7E1]  }
0x4be: {  	[hbm4b:s26+s3] =	stream.linear.scatter [tilespmem:s31], [sflag:$0x4], $0x80, $0x38;
	[tilespmem:$0x7600] =	vst v63  }
0x4bf: {  	s30 =	sadd.s32 $0x30, s1;
	s31 =	sld [smem:$0x7E2]  }
0x4c0: {  	[hbm4b:s30+s3] =	stream.linear.scatter [tilespmem:s29], [sflag:$0x4], $0x80, $0x38;
	[tilespmem:$0x7600] =	vst v63  }
0x4c1: {  	s29 =	sadd.s32 $0x40, s1;
	s30 =	sld [smem:$0x7E3]  }
0x4c2: {  	[hbm4b:s29+s3] =	stream.linear.scatter [tilespmem:s31], [sflag:$0x4], $0x80, $0x38;
	[tilespmem:$0x7600] =	vst v63  }
0x4c3: {  	s31 =	sadd.s32 $0x50, s1;
	s29 =	sld [smem:$0x7E4]  }
0x4c4: {  	[hbm4b:s31+s3] =	stream.linear.scatter [tilespmem:s30], [sflag:$0x4], $0x80, $0x38;
	[tilespmem:$0x7600] =	vst v63  }
0x4c5: {  	s30 =	sadd.s32 $0x60, s1;
	s31 =	sld [smem:$0x7E5]  }
0x4c6: {  	[hbm4b:s30+s3] =	stream.linear.scatter [tilespmem:s29], [sflag:$0x4], $0x80, $0x38;
	[tilespmem:$0x7600] =	vst v63  }
0x4c7: {  	s28 =	sld [smem:$0x7E6];
	s1 =	sadd.s32 $0x70, s1  }
0x4c8: {  	[hbm4b:s1+s3] =	stream.linear.scatter [tilespmem:s31], [sflag:$0x4], $0x80, $0x38;
	[tilespmem:$0x7600] =	vst v63  }
0x4c9: {  	s29 =	sld [smem:$0x7E7];
	s1 =	sadd.s32 s24, s6  }
0x4ca: {  	[hbm4b:s1+s3] =	stream.linear.scatter [tilespmem:s28], [sflag:$0x4], $0x80, $0x38;
	[tilespmem:$0x7600] =	vst v63  }
0x4cb: {  	s31 =	sld [smem:$0x7E8];
	s30 =	sadd.s32 $0x10, s1  }
0x4cc: {  	[hbm4b:s30+s3] =	stream.linear.scatter [tilespmem:s29], [sflag:$0x4], $0x80, $0x38;
	[tilespmem:$0x7600] =	vst v63  }
0x4cd: {  	s26 =	sadd.s32 $0x20, s1;
	s29 =	sld [smem:$0x7E9]  }
0x4ce: {  	[hbm4b:s26+s3] =	stream.linear.scatter [tilespmem:s31], [sflag:$0x4], $0x80, $0x38;
	[tilespmem:$0x7600] =	vst v63  }
0x4cf: {  	s30 =	sadd.s32 $0x30, s1;
	s31 =	sld [smem:$0x7EA]  }
0x4d0: {  	[hbm4b:s30+s3] =	stream.linear.scatter [tilespmem:s29], [sflag:$0x4], $0x80, $0x38;
	[tilespmem:$0x7600] =	vst v63  }
0x4d1: {  	s29 =	sadd.s32 $0x40, s1;
	s30 =	sld [smem:$0x7EB]  }
0x4d2: {  	[hbm4b:s29+s3] =	stream.linear.scatter [tilespmem:s31], [sflag:$0x4], $0x80, $0x38;
	[tilespmem:$0x7600] =	vst v63  }
0x4d3: {  	s31 =	sadd.s32 $0x50, s1;
	s29 =	sld [smem:$0x7EC]  }
0x4d4: {  	[hbm4b:s31+s3] =	stream.linear.scatter [tilespmem:s30], [sflag:$0x4], $0x80, $0x38;
	[tilespmem:$0x7600] =	vst v63  }
0x4d5: {  	s30 =	sadd.s32 $0x60, s1;
	s31 =	sld [smem:$0x7ED]  }
0x4d6: {  	[hbm4b:s30+s3] =	stream.linear.scatter [tilespmem:s29], [sflag:$0x4], $0x80, $0x38;
	[tilespmem:$0x7600] =	vst v63  }
0x4d7: {  	s28 =	sld [smem:$0x7EE];
	s1 =	sadd.s32 $0x70, s1  }
0x4d8: {  	[hbm4b:s1+s3] =	stream.linear.scatter [tilespmem:s31], [sflag:$0x4], $0x80, $0x38;
	[tilespmem:$0x7600] =	vst v63  }
0x4d9: {  	s29 =	sld [smem:$0x7EF];
	s1 =	sadd.s32 s24, s7  }
0x4da: {  	[hbm4b:s1+s3] =	stream.linear.scatter [tilespmem:s28], [sflag:$0x4], $0x80, $0x38;
	[tilespmem:$0x7600] =	vst v63  }
0x4db: {  	s31 =	sld [smem:$0x7F0];
	s30 =	sadd.s32 $0x10, s1  }
0x4dc: {  	[hbm4b:s30+s3] =	stream.linear.scatter [tilespmem:s29], [sflag:$0x4], $0x80, $0x38;
	[tilespmem:$0x7600] =	vst v63  }
0x4dd: {  	s26 =	sadd.s32 $0x20, s1;
	s29 =	sld [smem:$0x7F1]  }
0x4de: {  	[hbm4b:s26+s3] =	stream.linear.scatter [tilespmem:s31], [sflag:$0x4], $0x80, $0x38;
	[tilespmem:$0x7600] =	vst v63  }
0x4df: {  	s30 =	sadd.s32 $0x30, s1;
	s31 =	sld [smem:$0x7F2]  }
0x4e0: {  	[hbm4b:s30+s3] =	stream.linear.scatter [tilespmem:s29], [sflag:$0x4], $0x80, $0x38;
	[tilespmem:$0x7600] =	vst v63  }
0x4e1: {  	s26 =	sadd.s32 $0x40, s1;
	s29 =	sld [smem:$0x7F3]  }
0x4e2: {  	[hbm4b:s26+s3] =	stream.linear.scatter [tilespmem:s31], [sflag:$0x4], $0x80, $0x38;
	[tilespmem:$0x7600] =	vst v63  }
0x4e3: {  	s30 =	sadd.s32 $0x50, s1;
	s31 =	sld [smem:$0x7F4]  }
0x4e4: {  	[hbm4b:s30+s3] =	stream.linear.scatter [tilespmem:s29], [sflag:$0x4], $0x80, $0x38;
	[tilespmem:$0x7600] =	vst v63  }
0x4e5: {  	s29 =	sadd.s32 $0x60, s1;
	s30 =	sld [smem:$0x7F5]  }
0x4e6: {  	[hbm4b:s29+s3] =	stream.linear.scatter [tilespmem:s31], [sflag:$0x4], $0x80, $0x38;
	[tilespmem:$0x7600] =	vst v63  }
0x4e7: {  	s1 =	sadd.s32 $0x70, s1;
	s31 =	sld [smem:$0x7F6]  }
0x4e8: {  	[hbm4b:s1+s3] =	stream.linear.scatter [tilespmem:s30], [sflag:$0x4], $0x80, $0x38;
	[tilespmem:$0x7600] =	vst v63  }
0x4e9: {  	s26 =	sld [smem:$0x7F7];
	s1 =	sadd.s32 s24, s8  }
0x4ea: {  	[hbm4b:s1+s3] =	stream.linear.scatter [tilespmem:s31], [sflag:$0x4], $0x80, $0x38;
	[tilespmem:$0x7600] =	vst v63  }
0x4eb: {  	s29 =	sld [smem:$0x7F8];
	s28 =	sadd.s32 $0x10, s1  }
0x4ec: {  	[hbm4b:s28+s3] =	stream.linear.scatter [tilespmem:s26], [sflag:$0x4], $0x80, $0x38;
	[tilespmem:$0x7600] =	vst v63  }
0x4ed: {  	s30 =	sadd.s32 $0x20, s1;
	s31 =	sld [smem:$0x7F9]  }
0x4ee: {  	[hbm4b:s30+s3] =	stream.linear.scatter [tilespmem:s29], [sflag:$0x4], $0x80, $0x38;
	[tilespmem:$0x7600] =	vst v63  }
0x4ef: {  	s28 =	sadd.s32 $0x30, s1;
	s29 =	sld [smem:$0x7FA]  }
0x4f0: {  	[hbm4b:s28+s3] =	stream.linear.scatter [tilespmem:s31], [sflag:$0x4], $0x80, $0x38;
	[tilespmem:$0x7600] =	vst v63  }
0x4f1: {  	s23 =	sadd.s32 $0x400, s23;
	s30 =	sadd.s32 $0x40, s1;
	s31 =	sld [smem:$0x7FB]  }
0x4f2: {  	[hbm4b:s30+s3] =	stream.linear.scatter [tilespmem:s29], [sflag:$0x4], $0x80, $0x38;
	[tilespmem:$0x7600] =	vst v63  }
0x4f3: {  	p0 =	sne.s32 s23, $0xD000;
	s28 =	sadd.s32 $0x50, s1;
	s29 =	sld [smem:$0x7FC]  }
0x4f4: {  	[hbm4b:s28+s3] =	stream.linear.scatter [tilespmem:s31], [sflag:$0x4], $0x80, $0x38;
	[tilespmem:$0x7600] =	vst v63  }
.Ltmp0:
0x4f5: {  	_ = 	snop;
	(pc) =	sbr.rel @p0 .LBB2_2-.Ltmp0, $4  }
0x4f6: {  	s30 =	sadd.s32 $0x60, s1;
	s31 =	sld [smem:$0x7FD]  }
0x4f7: {  	[hbm4b:s30+s3] =	stream.linear.scatter [tilespmem:s29], [sflag:$0x4], $0x80, $0x38;
	[tilespmem:$0x7600] =	vst v63  }
0x4f8: {  	s22 =	sadd.s32 $0x100, s22;
	s1 =	sadd.s32 $0x70, s1  }
0x4f9: {  	v2 =	vld [tilespmem:$0x1FFF0];
	[hbm4b:s1+s3] =	stream.linear.scatter [tilespmem:s31], [sflag:$0x4], $0x80, $0x38  }
0x4fa: {  	_ =	swait.ge [sflag:s19], $0x400  }
0x4fb: {  	[sflag:s19] =	ssyncset.done $0x0  }
0x4fc: {  	[sflag:s19] =	ssyncadd.s32 $0xFFFFFC00  }
0x4fd: {  	_ =	swait.ge [sflag:s19], $0x400  }
0x4fe: {  	[sflag:s19] =	ssyncset.done $0x0  }
0x4ff: {  	[sflag:s19] =	ssyncadd.s32 $0xFFFFFC00  }
0x500: {  	_ =	swait.ge [sflag:s19], $0x400  }
0x501: {  	[sflag:s19] =	ssyncset.done $0x0  }
0x502: {  	[sflag:s19] =	ssyncadd.s32 $0xFFFFFC00  }
0x503: {  	_ =	swait.ge [sflag:s19], $0x400  }
0x504: {  	[sflag:s19] =	ssyncset.done $0x0  }
0x505: {  	[sflag:s19] =	ssyncadd.s32 $0xFFFFFC00  }
0x506: {  	_ =	swait.ge [sflag:s20], $0x400  }
0x507: {  	[sflag:s20] =	ssyncset.done $0x0  }
0x508: {  	[sflag:s20] =	ssyncadd.s32 $0xFFFFFC00  }
0x509: {  	_ =	swait.ge [sflag:s20], $0x400  }
0x50a: {  	[sflag:s20] =	ssyncset.done $0x0  }
0x50b: {  	s21 =	sadd.s32 $0x1, s21;
	[sflag:s20] =	ssyncadd.s32 $0xFFFFFC00  }
0x50c: {  	p0 =	sne.s32 s21, s9;
	_ =	swait.ge [sflag:s20], $0x400  }
.Ltmp1:
0x50d: {  	[sflag:s20] =	ssyncset.done $0x0;
	(pc) =	sbr.rel @p0 .LBB2_1-.Ltmp1, $4  }
0x50e: {  	[sflag:s20] =	ssyncadd.s32 $0xFFFFFC00  }
0x50f: {  	_ =	swait.ge [sflag:s20], $0x400  }
0x510: {  	[sflag:s20] =	ssyncset.done $0x0  }
0x511: {  	[sflag:s20] =	ssyncadd.s32 $0xFFFFFC00  }
0x512: {  	_ =	sfence.sel $0x180000  }
0x513: {  	[bflag:$0x0] =	sbarrier.arrive $0xFFFF  }
0x514: {  	_ =	strace $0x90000047  }
0x515: {  	[bflag:$0x2] =	sbarrier.arrive $0xFFFF  }
0x516: {  	p0 =	sne.s32 s0, $0x0;
	s0 =	rddreg [dreg:$0x2]  }
0x517: {  	s0 =	sadd.s32 @!p0 $0x100000, s0  }
0x518: {  	[sflag:s0] =	ssyncadd.tile.s32 @!p0 $0x1;
	_ =	shalt  }
.Lfunc_end2:
_tile_overlayer_lowered:
.L_overlay_start_2:
0x519: {  	(tag) =	ssettag $0x2  }
0x51a: {  	s0 =	rddreg [dreg:$0x0];
	s2 =	stileid.u32  }
0x51b: {  	s1 =	rddreg [dreg:$0x1];
	p0 =	sne.s32 s2, $0x0  }
0x51c: {  	s3 =	rddreg [dreg:$0x2];
	[bflag:$0x3] =	sbarrier.arrive $0xFFFF;
	s2 =	simm.s32 @!p0 $0x1C05  }
0x51d: {  	[timem:s3], [sflag:s2] =	dma.local @!p0 [hbm:s0], s1  }
0x51e: {  	s0 =	simm.s32 @!p0 $0x5  }
0x51f: {  	_ =	swait.ge @!p0 [sflag:s0], s1  }
0x520: {  	s1 =	ssub.s32 @!p0 $0x0, s1;
	[sflag:s0] =	ssyncset.done @!p0 $0x0  }
0x521: {  	[sflag:s0] =	ssyncadd.s32 @!p0 s1  }
0x522: {  	[bflag:$0x3] =	sbarrier.arrive $0xFFFF  }
0x523: {  	_ =	shalt  }

</sc_bundles>
